<compile_context>
chip_gen: v7x
topology: tpu7x:2x2x1
jax: 0.10.2.dev20260603
libtpu: 0.0.44.dev20260713+nightly
codegen_flags: <defaults>
</compile_context>

<pallas_src>
import functools

import jax
import jax.numpy as jnp
from jax import lax
from jax.experimental import pallas as pl
from jax.experimental.pallas import tpu as pltpu
from jax.experimental.pallas import tpu_sc as plsc

N = 10000
E = 320000
D_IN = 128
D_HID = 256
NC = 2
NS = 16
LANES = 16
CHUNK = 80
ROWS_PER_TILE = N // NS
NCHUNKS_TOT = E // CHUNK
PAD_CHUNKS = 4002


RING1 = 3
GDEPTH1 = 2
U1 = 9
UNROLL1 = 2 * U1


def _make_sc_agg_l1():
    chunks_per_tile = NCHUNKS_TOT // (NC * NS)
    K = chunks_per_tile
    mesh = plsc.VectorSubcoreMesh(core_axis_name="c", subcore_axis_name="s")

    scratch = [pltpu.VMEM((2, U1, 2, CHUNK), jnp.int32)]
    scratch += [pltpu.VMEM((CHUNK, D_IN), jnp.float32) for _ in range(RING1)]
    scratch += [
        pltpu.VMEM((CHUNK, LANES), jnp.float32),
        pltpu.VMEM_SHARED((N, D_IN), jnp.float32),
        pltpu.VMEM_SHARED((N, LANES), jnp.float32),
    ]
    scratch += [pltpu.SemaphoreType.DMA for _ in range(3 * RING1 + 2)]

    @functools.partial(
        pl.kernel,
        out_type=(jax.ShapeDtypeStruct((NC * N, D_IN), jnp.float32),
                  jax.ShapeDtypeStruct((NC * N, LANES), jnp.float32)),
        mesh=mesh,
        scratch_types=scratch,
        compiler_params=pltpu.CompilerParams(use_tc_tiling_on_sc=False),
    )
    def agg(table_hbm, edges_hbm, z_hbm, z16_hbm, out_hbm, outc_hbm,
            ebuf, *rest):
        rows = list(rest[:RING1])
        ones = rest[RING1]
        acc = rest[RING1 + 1]
        accc = rest[RING1 + 2]
        gsems = list(rest[RING1 + 3:RING1 + 3 + RING1])
        ssems = list(rest[RING1 + 3 + RING1:RING1 + 3 + 2 * RING1])
        csems = list(rest[RING1 + 3 + 2 * RING1:RING1 + 3 + 3 * RING1])
        isems = list(rest[RING1 + 3 + 3 * RING1:])

        c = lax.axis_index("c")
        s = lax.axis_index("s")
        rbase = s * ROWS_PER_TILE
        cbase = (c * NS + s) * chunks_per_tile

        def load_group(gi, p):
            pltpu.async_copy(edges_hbm.at[pl.ds(cbase + gi * U1, U1)],
                             ebuf.at[p], isems[p])

        def wait_group(p):
            pltpu.make_async_copy(edges_hbm.at[pl.ds(0, U1)],
                                  ebuf.at[p], isems[p]).wait()

        def drain_gather(b):
            pltpu.make_async_copy(table_hbm.at[pl.ds(0, CHUNK)],
                                  rows[b], gsems[b]).wait()

        def drain_scatters(b):
            pltpu.make_async_copy(z_hbm.at[pl.ds(0, CHUNK)],
                                  rows[b], ssems[b]).wait()
            pltpu.make_async_copy(z16_hbm.at[pl.ds(0, CHUNK)],
                                  ones, csems[b]).wait()

        pltpu.sync_copy(edges_hbm.at[pl.ds(cbase, U1)], ebuf.at[0])
        for j0 in range(GDEPTH1):
            pltpu.async_copy(table_hbm.at[ebuf.at[0, j0, 0]],
                             rows[j0], gsems[j0])

        def fill(i, carry):
            ones[i] = jnp.full((LANES,), 1.0, jnp.float32)
            return carry
        lax.fori_loop(0, CHUNK, fill, 0)
        pltpu.sync_copy(z16_hbm.at[pl.ds(rbase, ROWS_PER_TILE)],
                        accc.at[pl.ds(rbase, ROWS_PER_TILE)])
        pltpu.sync_copy(z_hbm.at[pl.ds(rbase, ROWS_PER_TILE)],
                        acc.at[pl.ds(rbase, ROWS_PER_TILE)])
        plsc.subcore_barrier()

        def body(g, carry):
            base = g * UNROLL1
            for u in range(UNROLL1):
                j = base + u
                rs = u % RING1
                p = u // U1
                ei = u % U1

                if u == 1:
                    @pl.when((2 * g + 1) * U1 < K)
                    def _load_b():
                        load_group(2 * g + 1, 1)
                if u == U1 + 1:
                    @pl.when((2 * g + 2) * U1 < K)
                    def _load_a():
                        load_group(2 * g + 2, 0)
                if u == U1 - GDEPTH1:
                    @pl.when((2 * g + 1) * U1 < K)
                    def _wait_b():
                        wait_group(1)
                if u == UNROLL1 - GDEPTH1:
                    @pl.when((2 * g + 2) * U1 < K)
                    def _wait_a():
                        wait_group(0)

                @pl.when(j < K)
                def _process():
                    drain_gather(rs)
                    pltpu.async_copy(rows[rs], acc.at[ebuf.at[p, ei, 1]],
                                     ssems[rs], add=True)
                    pltpu.async_copy(ones, accc.at[ebuf.at[p, ei, 1]],
                                     csems[rs], add=True)
                    jj = j + GDEPTH1
                    pj = ((u + GDEPTH1) // U1) % 2
                    ej = (u + GDEPTH1) % U1
                    bg = (u + GDEPTH1) % RING1

                    @pl.when(jj < K)
                    def _prefetch():
                        @pl.when(jj >= RING1)
                        def _drain_prev():
                            drain_scatters(bg)
                        pltpu.async_copy(table_hbm.at[ebuf.at[pj, ej, 0]],
                                         rows[bg], gsems[bg])
            return carry

        lax.fori_loop(0, (K + UNROLL1 - 1) // UNROLL1, body, 0)
        for b in range(RING1):
            drain_scatters(b)
        plsc.subcore_barrier()
        pltpu.sync_copy(acc.at[pl.ds(rbase, ROWS_PER_TILE)],
                        out_hbm.at[pl.ds(c * N + rbase, ROWS_PER_TILE)])
        pltpu.sync_copy(accc.at[pl.ds(rbase, ROWS_PER_TILE)],
                        outc_hbm.at[pl.ds(c * N + rbase, ROWS_PER_TILE)])

    return agg


RING = 4
GDEPTH = 2
U2 = 12
UNROLL2 = 2 * U2


def _make_sc_agg_l2():
    chunks_per_tile = NCHUNKS_TOT // NS
    mesh = plsc.VectorSubcoreMesh(core_axis_name="c", subcore_axis_name="s")
    K = chunks_per_tile

    scratch = [pltpu.VMEM((2, U2, 2, CHUNK), jnp.int32)]
    scratch += [pltpu.VMEM((CHUNK, D_IN), jnp.float32) for _ in range(RING)]
    scratch += [pltpu.VMEM_SHARED((N, D_IN), jnp.float32)]
    scratch += [pltpu.SemaphoreType.DMA for _ in range(2 * RING + 2)]

    @functools.partial(
        pl.kernel,
        out_type=jax.ShapeDtypeStruct((NC * N, D_IN), jnp.float32),
        mesh=mesh,
        scratch_types=scratch,
        compiler_params=pltpu.CompilerParams(use_tc_tiling_on_sc=False),
    )
    def agg(table_hbm, edges_hbm, edgesN_hbm, z_hbm, out_hbm, ebuf, *rest):
        rows = list(rest[:RING])
        acc = rest[RING]
        gsems = list(rest[RING + 1:RING + 1 + RING])
        ssems = list(rest[RING + 1 + RING:RING + 1 + 2 * RING])
        isems = list(rest[RING + 1 + 2 * RING:])

        c = lax.axis_index("c")
        s = lax.axis_index("s")
        rbase = s * ROWS_PER_TILE
        cbase = s * chunks_per_tile

        def load_group(gi, p):
            @pl.when(c == 0)
            def _load0():
                pltpu.async_copy(edges_hbm.at[pl.ds(cbase + gi * U2, U2)],
                                 ebuf.at[p], isems[p])

            @pl.when(c == 1)
            def _load1():
                pltpu.async_copy(edgesN_hbm.at[pl.ds(cbase + gi * U2, U2)],
                                 ebuf.at[p], isems[p])

        def wait_group(p):
            pltpu.make_async_copy(edges_hbm.at[pl.ds(0, U2)],
                                  ebuf.at[p], isems[p]).wait()

        def drain_gather(b):
            pltpu.make_async_copy(table_hbm.at[pl.ds(0, CHUNK)],
                                  rows[b], gsems[b]).wait()

        def drain_scatter(b):
            pltpu.make_async_copy(z_hbm.at[pl.ds(0, CHUNK)],
                                  rows[b], ssems[b]).wait()

        load_group(0, 0)
        wait_group(0)
        for j0 in range(GDEPTH):
            pltpu.async_copy(table_hbm.at[ebuf.at[0, j0, 0]],
                             rows[j0], gsems[j0])
        pltpu.sync_copy(z_hbm.at[pl.ds(rbase, ROWS_PER_TILE)],
                        acc.at[pl.ds(rbase, ROWS_PER_TILE)])
        plsc.subcore_barrier()

        def body(g, carry):
            base = g * UNROLL2
            for u in range(UNROLL2):
                j = base + u
                rs = u % RING
                p = u // U2
                ei = u % U2

                if u == 2:
                    @pl.when((2 * g + 1) * U2 < K)
                    def _load_b():
                        load_group(2 * g + 1, 1)
                if u == U2 + 2:
                    @pl.when((2 * g + 2) * U2 < K)
                    def _load_a():
                        load_group(2 * g + 2, 0)
                if u == U2 - GDEPTH:
                    @pl.when((2 * g + 1) * U2 < K)
                    def _wait_b():
                        wait_group(1)
                if u == UNROLL2 - GDEPTH:
                    @pl.when((2 * g + 2) * U2 < K)
                    def _wait_a():
                        wait_group(0)

                @pl.when(j < K)
                def _process():
                    drain_gather(rs)
                    pltpu.async_copy(rows[rs], acc.at[ebuf.at[p, ei, 1]],
                                     ssems[rs], add=True)
                    jj = j + GDEPTH
                    pj = ((u + GDEPTH) // U2) % 2
                    ej = (u + GDEPTH) % U2
                    bg = (u + GDEPTH) % RING

                    @pl.when(jj < K)
                    def _prefetch():
                        @pl.when(jj >= RING)
                        def _drain_prev():
                            drain_scatter(bg)
                        pltpu.async_copy(table_hbm.at[ebuf.at[pj, ej, 0]],
                                         rows[bg], gsems[bg])
            return carry

        lax.fori_loop(0, (K + UNROLL2 - 1) // UNROLL2, body, 0)
        for b in range(RING):
            drain_scatter(b)
        plsc.subcore_barrier()
        pltpu.sync_copy(acc.at[pl.ds(rbase, ROWS_PER_TILE)],
                        out_hbm.at[pl.ds(c * N + rbase, ROWS_PER_TILE)])

    return agg


_sc_agg_l1 = _make_sc_agg_l1()
_sc_agg_l2 = _make_sc_agg_l2()


ROW_BLK = 2000


def _tc1_body(aggp_ref, cntp_ref, x_ref, wl_ref, wr_ref, b_ref, h_ref):
    agg = aggp_ref[0] + aggp_ref[1]
    cnt = cntp_ref[0, :, 0:1] + cntp_ref[1, :, 0:1]
    mean = agg / jnp.maximum(cnt, 1.0)
    h = (jnp.dot(mean, wl_ref[...], preferred_element_type=jnp.float32)
         + jnp.dot(x_ref[...], wr_ref[...], preferred_element_type=jnp.float32)
         + b_ref[...])
    h = jnp.maximum(h, 0.0)
    h_ref[0] = h[:, :D_IN]
    h_ref[1] = h[:, D_IN:]


def _tc2_body(agg2_ref, cntp_ref, h2_ref, wl_ref, wr_ref, b_ref, o_ref):
    cnt = cntp_ref[0, :, 0:1] + cntp_ref[1, :, 0:1]
    inv = 1.0 / jnp.maximum(cnt, 1.0)
    o = (jnp.dot(agg2_ref[0] * inv, wl_ref[:D_IN, :],
                 preferred_element_type=jnp.float32)
         + jnp.dot(agg2_ref[1] * inv, wl_ref[D_IN:, :],
                   preferred_element_type=jnp.float32)
         + jnp.dot(h2_ref[0], wr_ref[:D_IN, :],
                   preferred_element_type=jnp.float32)
         + jnp.dot(h2_ref[1], wr_ref[D_IN:, :],
                   preferred_element_type=jnp.float32)
         + b_ref[...])
    o_ref[...] = o


def _tc1_call(agg1, cntp, x, W1_l, W1_r, b1):
    grid = N // ROW_BLK
    return pl.pallas_call(
        _tc1_body,
        grid=(grid,),
        in_specs=[
            pl.BlockSpec((NC, ROW_BLK, D_IN), lambda i: (0, i, 0)),
            pl.BlockSpec((NC, ROW_BLK, LANES), lambda i: (0, i, 0)),
            pl.BlockSpec((ROW_BLK, D_IN), lambda i: (i, 0)),
            pl.BlockSpec((D_IN, D_HID), lambda i: (0, 0)),
            pl.BlockSpec((D_IN, D_HID), lambda i: (0, 0)),
            pl.BlockSpec((1, D_HID), lambda i: (0, 0)),
        ],
        out_specs=pl.BlockSpec((NC, ROW_BLK, D_IN), lambda i: (0, i, 0)),
        out_shape=jax.ShapeDtypeStruct((NC, N, D_IN), jnp.float32),
    )(agg1, cntp, x, W1_l, W1_r, b1)


def _tc2_call(agg2, cntp, h2, W2_l, W2_r, b2):
    grid = N // ROW_BLK
    return pl.pallas_call(
        _tc2_body,
        grid=(grid,),
        in_specs=[
            pl.BlockSpec((NC, ROW_BLK, D_IN), lambda i: (0, i, 0)),
            pl.BlockSpec((NC, ROW_BLK, LANES), lambda i: (0, i, 0)),
            pl.BlockSpec((NC, ROW_BLK, D_IN), lambda i: (0, i, 0)),
            pl.BlockSpec((D_HID, D_HID), lambda i: (0, 0)),
            pl.BlockSpec((D_HID, D_HID), lambda i: (0, 0)),
            pl.BlockSpec((1, D_HID), lambda i: (0, 0)),
        ],
        out_specs=pl.BlockSpec((ROW_BLK, D_HID), lambda i: (i, 0)),
        out_shape=jax.ShapeDtypeStruct((N, D_HID), jnp.float32),
    )(agg2, cntp, h2, W2_l, W2_r, b2)


def kernel(x, edge_index, W1_l, W1_r, b1, W2_l, W2_r, b2):
    ei = edge_index.astype(jnp.int32)
    pad = PAD_CHUNKS * CHUNK - E
    src = jnp.pad(ei[0], (0, pad))
    src2d = src.reshape(PAD_CHUNKS, CHUNK)
    srcN2d = (src + N).reshape(PAD_CHUNKS, CHUNK)
    dst2d = jnp.pad(ei[1], (0, pad)).reshape(PAD_CHUNKS, CHUNK)
    e2 = jnp.stack([src2d, dst2d], axis=1)
    e2N = jnp.stack([srcN2d, dst2d], axis=1)
    z128 = jnp.zeros((N, D_IN), jnp.float32)
    z16 = jnp.zeros((N, LANES), jnp.float32)

    agg1, cnt1 = _sc_agg_l1(x, e2, z128, z16)
    agg1 = agg1.reshape(NC, N, D_IN)
    cntp = cnt1.reshape(NC, N, LANES)
    h2 = _tc1_call(agg1, cntp, x, W1_l, W1_r, b1.reshape(1, D_HID))
    agg2 = _sc_agg_l2(h2.reshape(NC * N, D_IN), e2, e2N, z128)
    agg2 = agg2.reshape(NC, N, D_IN)
    return _tc2_call(agg2, cntp, h2, W2_l, W2_r, b2.reshape(1, D_HID))

# --- scband reference (transcript-rebuilt; emitter-appended) ---
"""Pipeline reference for scband-gnnencoder-7172595384373 (READ-ONLY COPY).

The authoritative reference and input builder live on the scoring server;
editing this copy changes nothing except your own understanding.
"""

import jax, jax.numpy as jnp
import numpy as np

N_NODES = 10000


def sage_conv(x, src, dst, W_l, W_r, b, num_nodes):
    # PyG SAGEConv with mean aggregation:
    # out_i = W_l @ mean_{j in N(i)} x_j + W_r @ x_i + b
    msg = jnp.take(x, src, axis=0)
    agg = jax.ops.segment_sum(msg, dst, num_segments=num_nodes)
    cnt = jax.ops.segment_sum(jnp.ones((src.shape[0],), dtype=x.dtype), dst, num_segments=num_nodes)
    mean = agg / jnp.clip(cnt, 1.0)[:, None]
    return mean @ W_l + x @ W_r + b


def setup_inputs(seed: int = 0) -> dict:
    key = jax.random.key(seed)
    k_x, k_e, k1, k2, k3, k4 = jax.random.split(key, 6)
    d_feat = 128
    hidden = 256
    out_ch = 256
    x = jax.random.normal(k_x, (N_NODES, d_feat), dtype=jnp.float32)
    edge_index = jax.random.randint(k_e, (2, 320000), 0, N_NODES, dtype=jnp.int64)
    def glorot(k, shape):
        fan_in, fan_out = shape
        lim = np.sqrt(6.0 / (fan_in + fan_out))
        return jax.random.uniform(k, shape, dtype=jnp.float32, minval=-lim, maxval=lim)
    W1_l = glorot(k1, (d_feat, hidden))
    W1_r = glorot(k2, (d_feat, hidden))
    b1 = jnp.zeros((hidden,), dtype=jnp.float32)
    W2_l = glorot(k3, (hidden, out_ch))
    W2_r = glorot(k4, (hidden, out_ch))
    b2 = jnp.zeros((out_ch,), dtype=jnp.float32)
    return {"x": x, "edge_index": edge_index, "W1_l": W1_l, "W1_r": W1_r, "b1": b1,
            "W2_l": W2_l, "W2_r": W2_r, "b2": b2}


def reference(x, edge_index, W1_l, W1_r, b1, W2_l, W2_r, b2):
    src = edge_index[0]
    dst = edge_index[1]
    h = sage_conv(x, src, dst, W1_l, W1_r, b1, N_NODES)
    h = jax.nn.relu(h)
    out = sage_conv(h, src, dst, W2_l, W2_r, b2, N_NODES)
    return out

if __name__ == "__main__":
    import jax
    _d = setup_inputs()
    print(jax.jit(kernel)(*tuple(_d.values())))

</pallas_src>

<mosaic_0001>
#map = affine_map<(d0, d1) -> (0, 0)>
#map1 = affine_map<(d0, d1) -> (0, 0, 0)>
module attributes {stable_mosaic.version = 14 : i64} {
  func.func @agg(%arg0: i32, %arg1: i32, %arg2: memref<20000x128xf32, #tpu.memory_space<hbm>>, %arg3: memref<4002x2x80xi32, #tpu.memory_space<hbm>>, %arg4: memref<4002x2x80xi32, #tpu.memory_space<hbm>>, %arg5: memref<10000x128xf32, #tpu.memory_space<hbm>>, %arg6: memref<20000x128xf32, #tpu.memory_space<hbm>>, %arg7: memref<2x12x2x80xi32, #tpu.memory_space<vmem>>, %arg8: memref<80x128xf32, #tpu.memory_space<vmem>>, %arg9: memref<80x128xf32, #tpu.memory_space<vmem>>, %arg10: memref<80x128xf32, #tpu.memory_space<vmem>>, %arg11: memref<80x128xf32, #tpu.memory_space<vmem>>, %arg12: memref<10000x128xf32, #tpu.memory_space<vmem_shared>>, %arg13: memref<!tpu.dma_semaphore, #tpu.memory_space<semaphore_mem>>, %arg14: memref<!tpu.dma_semaphore, #tpu.memory_space<semaphore_mem>>, %arg15: memref<!tpu.dma_semaphore, #tpu.memory_space<semaphore_mem>>, %arg16: memref<!tpu.dma_semaphore, #tpu.memory_space<semaphore_mem>>, %arg17: memref<!tpu.dma_semaphore, #tpu.memory_space<semaphore_mem>>, %arg18: memref<!tpu.dma_semaphore, #tpu.memory_space<semaphore_mem>>, %arg19: memref<!tpu.dma_semaphore, #tpu.memory_space<semaphore_mem>>, %arg20: memref<!tpu.dma_semaphore, #tpu.memory_space<semaphore_mem>>, %arg21: memref<!tpu.dma_semaphore, #tpu.memory_space<semaphore_mem>>, %arg22: memref<!tpu.dma_semaphore, #tpu.memory_space<semaphore_mem>>) attributes {dimension_semantics = [#tpu.dimension_semantics<core_parallel>, #tpu.dimension_semantics<subcore_parallel>], iteration_bounds = array<i64: 2, 16>, scalar_prefetch = 0 : i64, scratch_operands = 16 : i64, tpu.core_type = #tpu.core_type<sc_vector_subcore>, window_params = [{transform_indices = #map}, {transform_indices = #map1}, {transform_indices = #map1}, {transform_indices = #map}, {transform_indices = #map}]} {
    %mul3A = arith.constant 625 : i32
    %mul3A_0 = arith.muli %arg1, %mul3A : i32
    %mul3A_1 = arith.constant 250 : i32
    %mul3A_2 = arith.muli %arg1, %mul3A_1 : i32
    %eq3A = arith.constant 0 : i32
    %eq3A_3 = arith.cmpi eq, %arg0, %eq3A : i32
    %convert_element_type3A = arith.extui %eq3A_3 : i1 to i32
    %cond3A = arith.constant 0 : i32
    %cond3A_4 = arith.cmpi ne, %convert_element_type3A, %cond3A : i32
    scf.if %cond3A_4 {
      %add3A_77 = arith.constant 0 : i32
      %add3A_78 = arith.addi %mul3A_2, %add3A_77 : i32
      %dma_start3A_79 = arith.constant 0 : i32
      %dma_start3A_80 = arith.constant 0 : i32
      %dma_start3A_81 = arith.constant 0 : i32
      %dma_start3A_82 = arith.constant 0 : i32
      %dma_start3A_83 = tpu.memref_slice %arg7[%dma_start3A_79, %dma_start3A_80, %dma_start3A_81, %dma_start3A_82] : memref<2x12x2x80xi32, #tpu.memory_space<vmem>> -> memref<1x12x2x80xi32, #tpu.memory_space<vmem>>
      %dma_start3A_84 = tpu.memref_squeeze %dma_start3A_83 : memref<1x12x2x80xi32, #tpu.memory_space<vmem>> -> memref<12x2x80xi32, #tpu.memory_space<vmem>>
      %dma_start3A_85 = arith.constant 0 : i32
      %dma_start3A_86 = arith.constant 0 : i32
      %dma_start3A_87 = tpu.memref_slice %arg3[%add3A_78, %dma_start3A_85, %dma_start3A_86] : memref<4002x2x80xi32, #tpu.memory_space<hbm>> -> memref<12x2x80xi32, #tpu.memory_space<hbm>>
      %dma_start3A_88 = arith.constant 0 : i32
      %dma_start3A_89 = arith.constant 0 : i32
      %dma_start3A_90 = arith.constant 0 : i32
      %dma_start3A_91 = tpu.memref_slice %arg7[%dma_start3A_79, %dma_start3A_88, %dma_start3A_89, %dma_start3A_90] : memref<2x12x2x80xi32, #tpu.memory_space<vmem>> -> memref<1x12x2x80xi32, #tpu.memory_space<vmem>>
      %dma_start3A_92 = tpu.memref_squeeze %dma_start3A_91 : memref<1x12x2x80xi32, #tpu.memory_space<vmem>> -> memref<12x2x80xi32, #tpu.memory_space<vmem>>
      %dma_start3A_93 = arith.constant 0 : i32
      %dma_start3A_94 = arith.constant 0 : i32
      %dma_start3A_95 = tpu.memref_slice %arg3[%add3A_78, %dma_start3A_93, %dma_start3A_94] : memref<4002x2x80xi32, #tpu.memory_space<hbm>> -> memref<12x2x80xi32, #tpu.memory_space<hbm>>
      tpu.enqueue_dma source(%dma_start3A_95 : memref<12x2x80xi32, #tpu.memory_space<hbm>>) target(%dma_start3A_92 : memref<12x2x80xi32, #tpu.memory_space<vmem>>) target_semaphore(%arg21 : memref<!tpu.dma_semaphore, #tpu.memory_space<semaphore_mem>>)
    } else {
    }
    %eq3A_5 = arith.constant 1 : i32
    %eq3A_6 = arith.cmpi eq, %arg0, %eq3A_5 : i32
    %convert_element_type3A_7 = arith.extui %eq3A_6 : i1 to i32
    %cond3A_8 = arith.constant 0 : i32
    %cond3A_9 = arith.cmpi ne, %convert_element_type3A_7, %cond3A_8 : i32
    scf.if %cond3A_9 {
      %add3A_77 = arith.constant 0 : i32
      %add3A_78 = arith.addi %mul3A_2, %add3A_77 : i32
      %dma_start3A_79 = arith.constant 0 : i32
      %dma_start3A_80 = arith.constant 0 : i32
      %dma_start3A_81 = arith.constant 0 : i32
      %dma_start3A_82 = arith.constant 0 : i32
      %dma_start3A_83 = tpu.memref_slice %arg7[%dma_start3A_79, %dma_start3A_80, %dma_start3A_81, %dma_start3A_82] : memref<2x12x2x80xi32, #tpu.memory_space<vmem>> -> memref<1x12x2x80xi32, #tpu.memory_space<vmem>>
      %dma_start3A_84 = tpu.memref_squeeze %dma_start3A_83 : memref<1x12x2x80xi32, #tpu.memory_space<vmem>> -> memref<12x2x80xi32, #tpu.memory_space<vmem>>
      %dma_start3A_85 = arith.constant 0 : i32
      %dma_start3A_86 = arith.constant 0 : i32
      %dma_start3A_87 = tpu.memref_slice %arg4[%add3A_78, %dma_start3A_85, %dma_start3A_86] : memref<4002x2x80xi32, #tpu.memory_space<hbm>> -> memref<12x2x80xi32, #tpu.memory_space<hbm>>
      %dma_start3A_88 = arith.constant 0 : i32
      %dma_start3A_89 = arith.constant 0 : i32
      %dma_start3A_90 = arith.constant 0 : i32
      %dma_start3A_91 = tpu.memref_slice %arg7[%dma_start3A_79, %dma_start3A_88, %dma_start3A_89, %dma_start3A_90] : memref<2x12x2x80xi32, #tpu.memory_space<vmem>> -> memref<1x12x2x80xi32, #tpu.memory_space<vmem>>
      %dma_start3A_92 = tpu.memref_squeeze %dma_start3A_91 : memref<1x12x2x80xi32, #tpu.memory_space<vmem>> -> memref<12x2x80xi32, #tpu.memory_space<vmem>>
      %dma_start3A_93 = arith.constant 0 : i32
      %dma_start3A_94 = arith.constant 0 : i32
      %dma_start3A_95 = tpu.memref_slice %arg4[%add3A_78, %dma_start3A_93, %dma_start3A_94] : memref<4002x2x80xi32, #tpu.memory_space<hbm>> -> memref<12x2x80xi32, #tpu.memory_space<hbm>>
      tpu.enqueue_dma source(%dma_start3A_95 : memref<12x2x80xi32, #tpu.memory_space<hbm>>) target(%dma_start3A_92 : memref<12x2x80xi32, #tpu.memory_space<vmem>>) target_semaphore(%arg21 : memref<!tpu.dma_semaphore, #tpu.memory_space<semaphore_mem>>)
    } else {
    }
    %dma_wait3A = arith.constant 0 : i32
    %dma_wait3A_10 = arith.constant 0 : i32
    %dma_wait3A_11 = arith.constant 0 : i32
    %dma_wait3A_12 = arith.constant 0 : i32
    %dma_wait3A_13 = tpu.memref_slice %arg7[%dma_wait3A, %dma_wait3A_10, %dma_wait3A_11, %dma_wait3A_12] : memref<2x12x2x80xi32, #tpu.memory_space<vmem>> -> memref<1x12x2x80xi32, #tpu.memory_space<vmem>>
    %dma_wait3A_14 = tpu.memref_squeeze %dma_wait3A_13 : memref<1x12x2x80xi32, #tpu.memory_space<vmem>> -> memref<12x2x80xi32, #tpu.memory_space<vmem>>
    %dma_wait3A_15 = arith.constant 0 : i32
    %dma_wait3A_16 = arith.constant 0 : i32
    %dma_wait3A_17 = arith.constant 0 : i32
    %dma_wait3A_18 = tpu.memref_slice %arg3[%dma_wait3A_15, %dma_wait3A_16, %dma_wait3A_17] : memref<4002x2x80xi32, #tpu.memory_space<hbm>> -> memref<12x2x80xi32, #tpu.memory_space<hbm>>
    %dma_wait3A_19 = arith.constant 0 : i32
    %dma_wait3A_20 = arith.constant 0 : i32
    %dma_wait3A_21 = arith.constant 0 : i32
    %dma_wait3A_22 = tpu.memref_slice %arg7[%dma_wait3A, %dma_wait3A_19, %dma_wait3A_20, %dma_wait3A_21] : memref<2x12x2x80xi32, #tpu.memory_space<vmem>> -> memref<1x12x2x80xi32, #tpu.memory_space<vmem>>
    %dma_wait3A_23 = tpu.memref_squeeze %dma_wait3A_22 : memref<1x12x2x80xi32, #tpu.memory_space<vmem>> -> memref<12x2x80xi32, #tpu.memory_space<vmem>>
    %dma_wait3A_24 = arith.constant 0 : i32
    %dma_wait3A_25 = arith.constant 0 : i32
    %dma_wait3A_26 = arith.constant 0 : i32
    %dma_wait3A_27 = tpu.memref_slice %arg3[%dma_wait3A_24, %dma_wait3A_25, %dma_wait3A_26] : memref<4002x2x80xi32, #tpu.memory_space<hbm>> -> memref<12x2x80xi32, #tpu.memory_space<hbm>>
    tpu.wait_dma2 semaphore(%arg21 : memref<!tpu.dma_semaphore, #tpu.memory_space<semaphore_mem>>) src(%dma_wait3A_27 : memref<12x2x80xi32, #tpu.memory_space<hbm>>) dst(%dma_wait3A_23 : memref<12x2x80xi32, #tpu.memory_space<vmem>>)
    %dma_start3A = arith.constant 0 : i32
    %dma_start3A_28 = arith.constant 0 : i32
    %dma_start3A_29 = arith.constant 0 : i32
    %dma_start3A_30 = arith.constant 0 : i32
    %dma_start3A_31 = tpu.memref_slice %arg7[%dma_start3A, %dma_start3A_28, %dma_start3A_29, %dma_start3A_30] : memref<2x12x2x80xi32, #tpu.memory_space<vmem>> -> memref<1x1x1x80xi32, #tpu.memory_space<vmem>>
    %dma_start3A_32 = tpu.memref_squeeze %dma_start3A_31 : memref<1x1x1x80xi32, #tpu.memory_space<vmem>> -> memref<80xi32, #tpu.memory_space<vmem>>
    %dma_start3A_33 = arith.constant 0 : i32
    %dma_start3A_34 = arith.constant 0 : i32
    %dma_start3A_35 = tpu.memref_slice %arg2[%dma_start3A_33, %dma_start3A_34] : memref<20000x128xf32, #tpu.memory_space<hbm>> -> memref<20000x128xf32, #tpu.memory_space<hbm>>
    tpu.enqueue_indirect_dma source(%dma_start3A_35 : memref<20000x128xf32, #tpu.memory_space<hbm>>) target(%arg8 : memref<80x128xf32, #tpu.memory_space<vmem>>) offsets(%dma_start3A_32 : memref<80xi32, #tpu.memory_space<vmem>>) semaphore(%arg13 : memref<!tpu.dma_semaphore, #tpu.memory_space<semaphore_mem>>)
    %dma_start3A_36 = arith.constant 0 : i32
    %dma_start3A_37 = arith.constant 1 : i32
    %dma_start3A_38 = arith.constant 0 : i32
    %dma_start3A_39 = arith.constant 0 : i32
    %dma_start3A_40 = tpu.memref_slice %arg7[%dma_start3A_36, %dma_start3A_37, %dma_start3A_38, %dma_start3A_39] : memref<2x12x2x80xi32, #tpu.memory_space<vmem>> -> memref<1x1x1x80xi32, #tpu.memory_space<vmem>>
    %dma_start3A_41 = tpu.memref_squeeze %dma_start3A_40 : memref<1x1x1x80xi32, #tpu.memory_space<vmem>> -> memref<80xi32, #tpu.memory_space<vmem>>
    %dma_start3A_42 = arith.constant 0 : i32
    %dma_start3A_43 = arith.constant 0 : i32
    %dma_start3A_44 = tpu.memref_slice %arg2[%dma_start3A_42, %dma_start3A_43] : memref<20000x128xf32, #tpu.memory_space<hbm>> -> memref<20000x128xf32, #tpu.memory_space<hbm>>
    tpu.enqueue_indirect_dma source(%dma_start3A_44 : memref<20000x128xf32, #tpu.memory_space<hbm>>) target(%arg9 : memref<80x128xf32, #tpu.memory_space<vmem>>) offsets(%dma_start3A_41 : memref<80xi32, #tpu.memory_space<vmem>>) semaphore(%arg14 : memref<!tpu.dma_semaphore, #tpu.memory_space<semaphore_mem>>)
    "tpu.region"() ({
      %run_scoped3A = tpu.sem_alloc : memref<!tpu.dma_semaphore, #tpu.memory_space<semaphore_mem>>
      %dma_start3A_77 = arith.constant 0 : i32
      %dma_start3A_78 = tpu.memref_slice %arg12[%mul3A_0, %dma_start3A_77] : memref<10000x128xf32, #tpu.memory_space<vmem_shared>> -> memref<625x128xf32, #tpu.memory_space<vmem_shared>>
      %dma_start3A_79 = arith.constant 0 : i32
      %dma_start3A_80 = tpu.memref_slice %arg5[%mul3A_0, %dma_start3A_79] : memref<10000x128xf32, #tpu.memory_space<hbm>> -> memref<625x128xf32, #tpu.memory_space<hbm>>
      tpu.enqueue_dma source(%dma_start3A_80 : memref<625x128xf32, #tpu.memory_space<hbm>>) target(%dma_start3A_78 : memref<625x128xf32, #tpu.memory_space<vmem_shared>>) target_semaphore(%run_scoped3A : memref<!tpu.dma_semaphore, #tpu.memory_space<semaphore_mem>>)
      %dma_wait3A_81 = arith.constant 0 : i32
      %dma_wait3A_82 = tpu.memref_slice %arg12[%mul3A_0, %dma_wait3A_81] : memref<10000x128xf32, #tpu.memory_space<vmem_shared>> -> memref<625x128xf32, #tpu.memory_space<vmem_shared>>
      %dma_wait3A_83 = arith.constant 0 : i32
      %dma_wait3A_84 = tpu.memref_slice %arg5[%mul3A_0, %dma_wait3A_83] : memref<10000x128xf32, #tpu.memory_space<hbm>> -> memref<625x128xf32, #tpu.memory_space<hbm>>
      tpu.wait_dma2 semaphore(%run_scoped3A : memref<!tpu.dma_semaphore, #tpu.memory_space<semaphore_mem>>) src(%dma_wait3A_84 : memref<625x128xf32, #tpu.memory_space<hbm>>) dst(%dma_wait3A_82 : memref<625x128xf32, #tpu.memory_space<vmem_shared>>)
      tpu.yield
    }) : () -> ()
    %barrier3A = arith.constant 0 : index
    tpu.barrier barrier_id(%barrier3A)
    %scan3A = arith.constant 0 : i32
    %scan3A_45 = arith.constant 0 : i32
    %scan3A_46 = arith.constant 11 : i32
    %scan3A_47 = arith.addi %scan3A_45, %scan3A_46 : i32
    %scan3A_48 = arith.constant 1 : i32
    scf.for %scan3A_77 = %scan3A_45 to %scan3A_47 step %scan3A_48  : i32 {
      %mul3A_78 = arith.constant 24 : i32
      %mul3A_79 = arith.muli %scan3A_77, %mul3A_78 : i32
      %add3A_80 = arith.constant 0 : i32
      %add3A_81 = arith.addi %mul3A_79, %add3A_80 : i32
      %lt3A = arith.constant 250 : i32
      %lt3A_82 = arith.cmpi slt, %add3A_81, %lt3A : i32
      %convert_element_type3A_83 = arith.extui %lt3A_82 : i1 to i32
      %cond3A_84 = arith.constant 0 : i32
      %cond3A_85 = arith.cmpi ne, %convert_element_type3A_83, %cond3A_84 : i32
      scf.if %cond3A_85 {
        %dma_wait3A_291 = arith.constant 0 : i32
        %dma_wait3A_292 = arith.constant 0 : i32
        %dma_wait3A_293 = tpu.memref_slice %arg2[%dma_wait3A_291, %dma_wait3A_292] : memref<20000x128xf32, #tpu.memory_space<hbm>> -> memref<80x128xf32, #tpu.memory_space<hbm>>
        %dma_wait3A_294 = arith.constant 0 : i32
        %dma_wait3A_295 = arith.constant 0 : i32
        %dma_wait3A_296 = tpu.memref_slice %arg2[%dma_wait3A_294, %dma_wait3A_295] : memref<20000x128xf32, #tpu.memory_space<hbm>> -> memref<80x128xf32, #tpu.memory_space<hbm>>
        tpu.wait_dma2 semaphore(%arg13 : memref<!tpu.dma_semaphore, #tpu.memory_space<semaphore_mem>>) src(%dma_wait3A_296 : memref<80x128xf32, #tpu.memory_space<hbm>>) dst(%arg8 : memref<80x128xf32, #tpu.memory_space<vmem>>)
        %dma_start3A_297 = arith.constant 0 : i32
        %dma_start3A_298 = arith.constant 0 : i32
        %dma_start3A_299 = arith.constant 1 : i32
        %dma_start3A_300 = arith.constant 0 : i32
        %dma_start3A_301 = tpu.memref_slice %arg7[%dma_start3A_297, %dma_start3A_298, %dma_start3A_299, %dma_start3A_300] : memref<2x12x2x80xi32, #tpu.memory_space<vmem>> -> memref<1x1x1x80xi32, #tpu.memory_space<vmem>>
        %dma_start3A_302 = tpu.memref_squeeze %dma_start3A_301 : memref<1x1x1x80xi32, #tpu.memory_space<vmem>> -> memref<80xi32, #tpu.memory_space<vmem>>
        %dma_start3A_303 = arith.constant 0 : i32
        %dma_start3A_304 = arith.constant 0 : i32
        %dma_start3A_305 = tpu.memref_slice %arg12[%dma_start3A_303, %dma_start3A_304] : memref<10000x128xf32, #tpu.memory_space<vmem_shared>> -> memref<10000x128xf32, #tpu.memory_space<vmem_shared>>
        tpu.enqueue_indirect_dma source(%arg8 : memref<80x128xf32, #tpu.memory_space<vmem>>) target(%dma_start3A_305 : memref<10000x128xf32, #tpu.memory_space<vmem_shared>>) offsets(%dma_start3A_302 : memref<80xi32, #tpu.memory_space<vmem>>) semaphore(%arg17 : memref<!tpu.dma_semaphore, #tpu.memory_space<semaphore_mem>>) {add = true}
        %add3A_306 = arith.constant 2 : i32
        %add3A_307 = arith.addi %add3A_81, %add3A_306 : i32
        %lt3A_308 = arith.constant 250 : i32
        %lt3A_309 = arith.cmpi slt, %add3A_307, %lt3A_308 : i32
        %convert_element_type3A_310 = arith.extui %lt3A_309 : i1 to i32
        %cond3A_311 = arith.constant 0 : i32
        %cond3A_312 = arith.cmpi ne, %convert_element_type3A_310, %cond3A_311 : i32
        scf.if %cond3A_312 {
          %ge3A = arith.constant 4 : i32
          %ge3A_313 = arith.cmpi sge, %add3A_307, %ge3A : i32
          %convert_element_type3A_314 = arith.extui %ge3A_313 : i1 to i32
          %cond3A_315 = arith.constant 0 : i32
          %cond3A_316 = arith.cmpi ne, %convert_element_type3A_314, %cond3A_315 : i32
          scf.if %cond3A_316 {
            %dma_wait3A_326 = arith.constant 0 : i32
            %dma_wait3A_327 = arith.constant 0 : i32
            %dma_wait3A_328 = tpu.memref_slice %arg5[%dma_wait3A_326, %dma_wait3A_327] : memref<10000x128xf32, #tpu.memory_space<hbm>> -> memref<80x128xf32, #tpu.memory_space<hbm>>
            %dma_wait3A_329 = arith.constant 0 : i32
            %dma_wait3A_330 = arith.constant 0 : i32
            %dma_wait3A_331 = tpu.memref_slice %arg5[%dma_wait3A_329, %dma_wait3A_330] : memref<10000x128xf32, #tpu.memory_space<hbm>> -> memref<80x128xf32, #tpu.memory_space<hbm>>
            tpu.wait_dma2 semaphore(%arg19 : memref<!tpu.dma_semaphore, #tpu.memory_space<semaphore_mem>>) src(%dma_wait3A_331 : memref<80x128xf32, #tpu.memory_space<hbm>>) dst(%arg10 : memref<80x128xf32, #tpu.memory_space<vmem>>)
          } else {
          }
          %dma_start3A_317 = arith.constant 0 : i32
          %dma_start3A_318 = arith.constant 2 : i32
          %dma_start3A_319 = arith.constant 0 : i32
          %dma_start3A_320 = arith.constant 0 : i32
          %dma_start3A_321 = tpu.memref_slice %arg7[%dma_start3A_317, %dma_start3A_318, %dma_start3A_319, %dma_start3A_320] : memref<2x12x2x80xi32, #tpu.memory_space<vmem>> -> memref<1x1x1x80xi32, #tpu.memory_space<vmem>>
          %dma_start3A_322 = tpu.memref_squeeze %dma_start3A_321 : memref<1x1x1x80xi32, #tpu.memory_space<vmem>> -> memref<80xi32, #tpu.memory_space<vmem>>
          %dma_start3A_323 = arith.constant 0 : i32
          %dma_start3A_324 = arith.constant 0 : i32
          %dma_start3A_325 = tpu.memref_slice %arg2[%dma_start3A_323, %dma_start3A_324] : memref<20000x128xf32, #tpu.memory_space<hbm>> -> memref<20000x128xf32, #tpu.memory_space<hbm>>
          tpu.enqueue_indirect_dma source(%dma_start3A_325 : memref<20000x128xf32, #tpu.memory_space<hbm>>) target(%arg10 : memref<80x128xf32, #tpu.memory_space<vmem>>) offsets(%dma_start3A_322 : memref<80xi32, #tpu.memory_space<vmem>>) semaphore(%arg15 : memref<!tpu.dma_semaphore, #tpu.memory_space<semaphore_mem>>)
        } else {
        }
      } else {
      }
      %add3A_86 = arith.constant 1 : i32
      %add3A_87 = arith.addi %mul3A_79, %add3A_86 : i32
      %lt3A_88 = arith.constant 250 : i32
      %lt3A_89 = arith.cmpi slt, %add3A_87, %lt3A_88 : i32
      %convert_element_type3A_90 = arith.extui %lt3A_89 : i1 to i32
      %cond3A_91 = arith.constant 0 : i32
      %cond3A_92 = arith.cmpi ne, %convert_element_type3A_90, %cond3A_91 : i32
      scf.if %cond3A_92 {
        %dma_wait3A_291 = arith.constant 0 : i32
        %dma_wait3A_292 = arith.constant 0 : i32
        %dma_wait3A_293 = tpu.memref_slice %arg2[%dma_wait3A_291, %dma_wait3A_292] : memref<20000x128xf32, #tpu.memory_space<hbm>> -> memref<80x128xf32, #tpu.memory_space<hbm>>
        %dma_wait3A_294 = arith.constant 0 : i32
        %dma_wait3A_295 = arith.constant 0 : i32
        %dma_wait3A_296 = tpu.memref_slice %arg2[%dma_wait3A_294, %dma_wait3A_295] : memref<20000x128xf32, #tpu.memory_space<hbm>> -> memref<80x128xf32, #tpu.memory_space<hbm>>
        tpu.wait_dma2 semaphore(%arg14 : memref<!tpu.dma_semaphore, #tpu.memory_space<semaphore_mem>>) src(%dma_wait3A_296 : memref<80x128xf32, #tpu.memory_space<hbm>>) dst(%arg9 : memref<80x128xf32, #tpu.memory_space<vmem>>)
        %dma_start3A_297 = arith.constant 0 : i32
        %dma_start3A_298 = arith.constant 1 : i32
        %dma_start3A_299 = arith.constant 1 : i32
        %dma_start3A_300 = arith.constant 0 : i32
        %dma_start3A_301 = tpu.memref_slice %arg7[%dma_start3A_297, %dma_start3A_298, %dma_start3A_299, %dma_start3A_300] : memref<2x12x2x80xi32, #tpu.memory_space<vmem>> -> memref<1x1x1x80xi32, #tpu.memory_space<vmem>>
        %dma_start3A_302 = tpu.memref_squeeze %dma_start3A_301 : memref<1x1x1x80xi32, #tpu.memory_space<vmem>> -> memref<80xi32, #tpu.memory_space<vmem>>
        %dma_start3A_303 = arith.constant 0 : i32
        %dma_start3A_304 = arith.constant 0 : i32
        %dma_start3A_305 = tpu.memref_slice %arg12[%dma_start3A_303, %dma_start3A_304] : memref<10000x128xf32, #tpu.memory_space<vmem_shared>> -> memref<10000x128xf32, #tpu.memory_space<vmem_shared>>
        tpu.enqueue_indirect_dma source(%arg9 : memref<80x128xf32, #tpu.memory_space<vmem>>) target(%dma_start3A_305 : memref<10000x128xf32, #tpu.memory_space<vmem_shared>>) offsets(%dma_start3A_302 : memref<80xi32, #tpu.memory_space<vmem>>) semaphore(%arg18 : memref<!tpu.dma_semaphore, #tpu.memory_space<semaphore_mem>>) {add = true}
        %add3A_306 = arith.constant 2 : i32
        %add3A_307 = arith.addi %add3A_87, %add3A_306 : i32
        %lt3A_308 = arith.constant 250 : i32
        %lt3A_309 = arith.cmpi slt, %add3A_307, %lt3A_308 : i32
        %convert_element_type3A_310 = arith.extui %lt3A_309 : i1 to i32
        %cond3A_311 = arith.constant 0 : i32
        %cond3A_312 = arith.cmpi ne, %convert_element_type3A_310, %cond3A_311 : i32
        scf.if %cond3A_312 {
          %ge3A = arith.constant 4 : i32
          %ge3A_313 = arith.cmpi sge, %add3A_307, %ge3A : i32
          %convert_element_type3A_314 = arith.extui %ge3A_313 : i1 to i32
          %cond3A_315 = arith.constant 0 : i32
          %cond3A_316 = arith.cmpi ne, %convert_element_type3A_314, %cond3A_315 : i32
          scf.if %cond3A_316 {
            %dma_wait3A_326 = arith.constant 0 : i32
            %dma_wait3A_327 = arith.constant 0 : i32
            %dma_wait3A_328 = tpu.memref_slice %arg5[%dma_wait3A_326, %dma_wait3A_327] : memref<10000x128xf32, #tpu.memory_space<hbm>> -> memref<80x128xf32, #tpu.memory_space<hbm>>
            %dma_wait3A_329 = arith.constant 0 : i32
            %dma_wait3A_330 = arith.constant 0 : i32
            %dma_wait3A_331 = tpu.memref_slice %arg5[%dma_wait3A_329, %dma_wait3A_330] : memref<10000x128xf32, #tpu.memory_space<hbm>> -> memref<80x128xf32, #tpu.memory_space<hbm>>
            tpu.wait_dma2 semaphore(%arg20 : memref<!tpu.dma_semaphore, #tpu.memory_space<semaphore_mem>>) src(%dma_wait3A_331 : memref<80x128xf32, #tpu.memory_space<hbm>>) dst(%arg11 : memref<80x128xf32, #tpu.memory_space<vmem>>)
          } else {
          }
          %dma_start3A_317 = arith.constant 0 : i32
          %dma_start3A_318 = arith.constant 3 : i32
          %dma_start3A_319 = arith.constant 0 : i32
          %dma_start3A_320 = arith.constant 0 : i32
          %dma_start3A_321 = tpu.memref_slice %arg7[%dma_start3A_317, %dma_start3A_318, %dma_start3A_319, %dma_start3A_320] : memref<2x12x2x80xi32, #tpu.memory_space<vmem>> -> memref<1x1x1x80xi32, #tpu.memory_space<vmem>>
          %dma_start3A_322 = tpu.memref_squeeze %dma_start3A_321 : memref<1x1x1x80xi32, #tpu.memory_space<vmem>> -> memref<80xi32, #tpu.memory_space<vmem>>
          %dma_start3A_323 = arith.constant 0 : i32
          %dma_start3A_324 = arith.constant 0 : i32
          %dma_start3A_325 = tpu.memref_slice %arg2[%dma_start3A_323, %dma_start3A_324] : memref<20000x128xf32, #tpu.memory_space<hbm>> -> memref<20000x128xf32, #tpu.memory_space<hbm>>
          tpu.enqueue_indirect_dma source(%dma_start3A_325 : memref<20000x128xf32, #tpu.memory_space<hbm>>) target(%arg11 : memref<80x128xf32, #tpu.memory_space<vmem>>) offsets(%dma_start3A_322 : memref<80xi32, #tpu.memory_space<vmem>>) semaphore(%arg16 : memref<!tpu.dma_semaphore, #tpu.memory_space<semaphore_mem>>)
        } else {
        }
      } else {
      }
      %add3A_93 = arith.constant 2 : i32
      %add3A_94 = arith.addi %mul3A_79, %add3A_93 : i32
      %mul3A_95 = arith.constant 2 : i32
      %mul3A_96 = arith.muli %mul3A_95, %scan3A_77 : i32
      %add3A_97 = arith.constant 1 : i32
      %add3A_98 = arith.addi %mul3A_96, %add3A_97 : i32
      %mul3A_99 = arith.constant 12 : i32
      %mul3A_100 = arith.muli %add3A_98, %mul3A_99 : i32
      %lt3A_101 = arith.constant 250 : i32
      %lt3A_102 = arith.cmpi slt, %mul3A_100, %lt3A_101 : i32
      %convert_element_type3A_103 = arith.extui %lt3A_102 : i1 to i32
      %cond3A_104 = arith.constant 0 : i32
      %cond3A_105 = arith.cmpi ne, %convert_element_type3A_103, %cond3A_104 : i32
      scf.if %cond3A_105 {
        %mul3A_291 = arith.constant 2 : i32
        %mul3A_292 = arith.muli %mul3A_291, %scan3A_77 : i32
        %add3A_293 = arith.constant 1 : i32
        %add3A_294 = arith.addi %mul3A_292, %add3A_293 : i32
        %eq3A_295 = arith.constant 0 : i32
        %eq3A_296 = arith.cmpi eq, %arg0, %eq3A_295 : i32
        %convert_element_type3A_297 = arith.extui %eq3A_296 : i1 to i32
        %cond3A_298 = arith.constant 0 : i32
        %cond3A_299 = arith.cmpi ne, %convert_element_type3A_297, %cond3A_298 : i32
        scf.if %cond3A_299 {
          %mul3A_305 = arith.constant 12 : i32
          %mul3A_306 = arith.muli %add3A_294, %mul3A_305 : i32
          %add3A_307 = arith.addi %mul3A_2, %mul3A_306 : i32
          %dma_start3A_308 = arith.constant 1 : i32
          %dma_start3A_309 = arith.constant 0 : i32
          %dma_start3A_310 = arith.constant 0 : i32
          %dma_start3A_311 = arith.constant 0 : i32
          %dma_start3A_312 = tpu.memref_slice %arg7[%dma_start3A_308, %dma_start3A_309, %dma_start3A_310, %dma_start3A_311] : memref<2x12x2x80xi32, #tpu.memory_space<vmem>> -> memref<1x12x2x80xi32, #tpu.memory_space<vmem>>
          %dma_start3A_313 = tpu.memref_squeeze %dma_start3A_312 : memref<1x12x2x80xi32, #tpu.memory_space<vmem>> -> memref<12x2x80xi32, #tpu.memory_space<vmem>>
          %dma_start3A_314 = arith.constant 0 : i32
          %dma_start3A_315 = arith.constant 0 : i32
          %dma_start3A_316 = tpu.memref_slice %arg3[%add3A_307, %dma_start3A_314, %dma_start3A_315] : memref<4002x2x80xi32, #tpu.memory_space<hbm>> -> memref<12x2x80xi32, #tpu.memory_space<hbm>>
          %dma_start3A_317 = arith.constant 0 : i32
          %dma_start3A_318 = arith.constant 0 : i32
          %dma_start3A_319 = arith.constant 0 : i32
          %dma_start3A_320 = tpu.memref_slice %arg7[%dma_start3A_308, %dma_start3A_317, %dma_start3A_318, %dma_start3A_319] : memref<2x12x2x80xi32, #tpu.memory_space<vmem>> -> memref<1x12x2x80xi32, #tpu.memory_space<vmem>>
          %dma_start3A_321 = tpu.memref_squeeze %dma_start3A_320 : memref<1x12x2x80xi32, #tpu.memory_space<vmem>> -> memref<12x2x80xi32, #tpu.memory_space<vmem>>
          %dma_start3A_322 = arith.constant 0 : i32
          %dma_start3A_323 = arith.constant 0 : i32
          %dma_start3A_324 = tpu.memref_slice %arg3[%add3A_307, %dma_start3A_322, %dma_start3A_323] : memref<4002x2x80xi32, #tpu.memory_space<hbm>> -> memref<12x2x80xi32, #tpu.memory_space<hbm>>
          tpu.enqueue_dma source(%dma_start3A_324 : memref<12x2x80xi32, #tpu.memory_space<hbm>>) target(%dma_start3A_321 : memref<12x2x80xi32, #tpu.memory_space<vmem>>) target_semaphore(%arg22 : memref<!tpu.dma_semaphore, #tpu.memory_space<semaphore_mem>>)
        } else {
        }
        %eq3A_300 = arith.constant 1 : i32
        %eq3A_301 = arith.cmpi eq, %arg0, %eq3A_300 : i32
        %convert_element_type3A_302 = arith.extui %eq3A_301 : i1 to i32
        %cond3A_303 = arith.constant 0 : i32
        %cond3A_304 = arith.cmpi ne, %convert_element_type3A_302, %cond3A_303 : i32
        scf.if %cond3A_304 {
          %mul3A_305 = arith.constant 12 : i32
          %mul3A_306 = arith.muli %add3A_294, %mul3A_305 : i32
          %add3A_307 = arith.addi %mul3A_2, %mul3A_306 : i32
          %dma_start3A_308 = arith.constant 1 : i32
          %dma_start3A_309 = arith.constant 0 : i32
          %dma_start3A_310 = arith.constant 0 : i32
          %dma_start3A_311 = arith.constant 0 : i32
          %dma_start3A_312 = tpu.memref_slice %arg7[%dma_start3A_308, %dma_start3A_309, %dma_start3A_310, %dma_start3A_311] : memref<2x12x2x80xi32, #tpu.memory_space<vmem>> -> memref<1x12x2x80xi32, #tpu.memory_space<vmem>>
          %dma_start3A_313 = tpu.memref_squeeze %dma_start3A_312 : memref<1x12x2x80xi32, #tpu.memory_space<vmem>> -> memref<12x2x80xi32, #tpu.memory_space<vmem>>
          %dma_start3A_314 = arith.constant 0 : i32
          %dma_start3A_315 = arith.constant 0 : i32
          %dma_start3A_316 = tpu.memref_slice %arg4[%add3A_307, %dma_start3A_314, %dma_start3A_315] : memref<4002x2x80xi32, #tpu.memory_space<hbm>> -> memref<12x2x80xi32, #tpu.memory_space<hbm>>
          %dma_start3A_317 = arith.constant 0 : i32
          %dma_start3A_318 = arith.constant 0 : i32
          %dma_start3A_319 = arith.constant 0 : i32
          %dma_start3A_320 = tpu.memref_slice %arg7[%dma_start3A_308, %dma_start3A_317, %dma_start3A_318, %dma_start3A_319] : memref<2x12x2x80xi32, #tpu.memory_space<vmem>> -> memref<1x12x2x80xi32, #tpu.memory_space<vmem>>
          %dma_start3A_321 = tpu.memref_squeeze %dma_start3A_320 : memref<1x12x2x80xi32, #tpu.memory_space<vmem>> -> memref<12x2x80xi32, #tpu.memory_space<vmem>>
          %dma_start3A_322 = arith.constant 0 : i32
          %dma_start3A_323 = arith.constant 0 : i32
          %dma_start3A_324 = tpu.memref_slice %arg4[%add3A_307, %dma_start3A_322, %dma_start3A_323] : memref<4002x2x80xi32, #tpu.memory_space<hbm>> -> memref<12x2x80xi32, #tpu.memory_space<hbm>>
          tpu.enqueue_dma source(%dma_start3A_324 : memref<12x2x80xi32, #tpu.memory_space<hbm>>) target(%dma_start3A_321 : memref<12x2x80xi32, #tpu.memory_space<vmem>>) target_semaphore(%arg22 : memref<!tpu.dma_semaphore, #tpu.memory_space<semaphore_mem>>)
        } else {
        }
      } else {
      }
      %lt3A_106 = arith.constant 250 : i32
      %lt3A_107 = arith.cmpi slt, %add3A_94, %lt3A_106 : i32
      %convert_element_type3A_108 = arith.extui %lt3A_107 : i1 to i32
      %cond3A_109 = arith.constant 0 : i32
      %cond3A_110 = arith.cmpi ne, %convert_element_type3A_108, %cond3A_109 : i32
      scf.if %cond3A_110 {
        %dma_wait3A_291 = arith.constant 0 : i32
        %dma_wait3A_292 = arith.constant 0 : i32
        %dma_wait3A_293 = tpu.memref_slice %arg2[%dma_wait3A_291, %dma_wait3A_292] : memref<20000x128xf32, #tpu.memory_space<hbm>> -> memref<80x128xf32, #tpu.memory_space<hbm>>
        %dma_wait3A_294 = arith.constant 0 : i32
        %dma_wait3A_295 = arith.constant 0 : i32
        %dma_wait3A_296 = tpu.memref_slice %arg2[%dma_wait3A_294, %dma_wait3A_295] : memref<20000x128xf32, #tpu.memory_space<hbm>> -> memref<80x128xf32, #tpu.memory_space<hbm>>
        tpu.wait_dma2 semaphore(%arg15 : memref<!tpu.dma_semaphore, #tpu.memory_space<semaphore_mem>>) src(%dma_wait3A_296 : memref<80x128xf32, #tpu.memory_space<hbm>>) dst(%arg10 : memref<80x128xf32, #tpu.memory_space<vmem>>)
        %dma_start3A_297 = arith.constant 0 : i32
        %dma_start3A_298 = arith.constant 2 : i32
        %dma_start3A_299 = arith.constant 1 : i32
        %dma_start3A_300 = arith.constant 0 : i32
        %dma_start3A_301 = tpu.memref_slice %arg7[%dma_start3A_297, %dma_start3A_298, %dma_start3A_299, %dma_start3A_300] : memref<2x12x2x80xi32, #tpu.memory_space<vmem>> -> memref<1x1x1x80xi32, #tpu.memory_space<vmem>>
        %dma_start3A_302 = tpu.memref_squeeze %dma_start3A_301 : memref<1x1x1x80xi32, #tpu.memory_space<vmem>> -> memref<80xi32, #tpu.memory_space<vmem>>
        %dma_start3A_303 = arith.constant 0 : i32
        %dma_start3A_304 = arith.constant 0 : i32
        %dma_start3A_305 = tpu.memref_slice %arg12[%dma_start3A_303, %dma_start3A_304] : memref<10000x128xf32, #tpu.memory_space<vmem_shared>> -> memref<10000x128xf32, #tpu.memory_space<vmem_shared>>
        tpu.enqueue_indirect_dma source(%arg10 : memref<80x128xf32, #tpu.memory_space<vmem>>) target(%dma_start3A_305 : memref<10000x128xf32, #tpu.memory_space<vmem_shared>>) offsets(%dma_start3A_302 : memref<80xi32, #tpu.memory_space<vmem>>) semaphore(%arg19 : memref<!tpu.dma_semaphore, #tpu.memory_space<semaphore_mem>>) {add = true}
        %add3A_306 = arith.constant 2 : i32
        %add3A_307 = arith.addi %add3A_94, %add3A_306 : i32
        %lt3A_308 = arith.constant 250 : i32
        %lt3A_309 = arith.cmpi slt, %add3A_307, %lt3A_308 : i32
        %convert_element_type3A_310 = arith.extui %lt3A_309 : i1 to i32
        %cond3A_311 = arith.constant 0 : i32
        %cond3A_312 = arith.cmpi ne, %convert_element_type3A_310, %cond3A_311 : i32
        scf.if %cond3A_312 {
          %ge3A = arith.constant 4 : i32
          %ge3A_313 = arith.cmpi sge, %add3A_307, %ge3A : i32
          %convert_element_type3A_314 = arith.extui %ge3A_313 : i1 to i32
          %cond3A_315 = arith.constant 0 : i32
          %cond3A_316 = arith.cmpi ne, %convert_element_type3A_314, %cond3A_315 : i32
          scf.if %cond3A_316 {
            %dma_wait3A_326 = arith.constant 0 : i32
            %dma_wait3A_327 = arith.constant 0 : i32
            %dma_wait3A_328 = tpu.memref_slice %arg5[%dma_wait3A_326, %dma_wait3A_327] : memref<10000x128xf32, #tpu.memory_space<hbm>> -> memref<80x128xf32, #tpu.memory_space<hbm>>
            %dma_wait3A_329 = arith.constant 0 : i32
            %dma_wait3A_330 = arith.constant 0 : i32
            %dma_wait3A_331 = tpu.memref_slice %arg5[%dma_wait3A_329, %dma_wait3A_330] : memref<10000x128xf32, #tpu.memory_space<hbm>> -> memref<80x128xf32, #tpu.memory_space<hbm>>
            tpu.wait_dma2 semaphore(%arg17 : memref<!tpu.dma_semaphore, #tpu.memory_space<semaphore_mem>>) src(%dma_wait3A_331 : memref<80x128xf32, #tpu.memory_space<hbm>>) dst(%arg8 : memref<80x128xf32, #tpu.memory_space<vmem>>)
          } else {
          }
          %dma_start3A_317 = arith.constant 0 : i32
          %dma_start3A_318 = arith.constant 4 : i32
          %dma_start3A_319 = arith.constant 0 : i32
          %dma_start3A_320 = arith.constant 0 : i32
          %dma_start3A_321 = tpu.memref_slice %arg7[%dma_start3A_317, %dma_start3A_318, %dma_start3A_319, %dma_start3A_320] : memref<2x12x2x80xi32, #tpu.memory_space<vmem>> -> memref<1x1x1x80xi32, #tpu.memory_space<vmem>>
          %dma_start3A_322 = tpu.memref_squeeze %dma_start3A_321 : memref<1x1x1x80xi32, #tpu.memory_space<vmem>> -> memref<80xi32, #tpu.memory_space<vmem>>
          %dma_start3A_323 = arith.constant 0 : i32
          %dma_start3A_324 = arith.constant 0 : i32
          %dma_start3A_325 = tpu.memref_slice %arg2[%dma_start3A_323, %dma_start3A_324] : memref<20000x128xf32, #tpu.memory_space<hbm>> -> memref<20000x128xf32, #tpu.memory_space<hbm>>
          tpu.enqueue_indirect_dma source(%dma_start3A_325 : memref<20000x128xf32, #tpu.memory_space<hbm>>) target(%arg8 : memref<80x128xf32, #tpu.memory_space<vmem>>) offsets(%dma_start3A_322 : memref<80xi32, #tpu.memory_space<vmem>>) semaphore(%arg13 : memref<!tpu.dma_semaphore, #tpu.memory_space<semaphore_mem>>)
        } else {
        }
      } else {
      }
      %add3A_111 = arith.constant 3 : i32
      %add3A_112 = arith.addi %mul3A_79, %add3A_111 : i32
      %lt3A_113 = arith.constant 250 : i32
      %lt3A_114 = arith.cmpi slt, %add3A_112, %lt3A_113 : i32
      %convert_element_type3A_115 = arith.extui %lt3A_114 : i1 to i32
      %cond3A_116 = arith.constant 0 : i32
      %cond3A_117 = arith.cmpi ne, %convert_element_type3A_115, %cond3A_116 : i32
      scf.if %cond3A_117 {
        %dma_wait3A_291 = arith.constant 0 : i32
        %dma_wait3A_292 = arith.constant 0 : i32
        %dma_wait3A_293 = tpu.memref_slice %arg2[%dma_wait3A_291, %dma_wait3A_292] : memref<20000x128xf32, #tpu.memory_space<hbm>> -> memref<80x128xf32, #tpu.memory_space<hbm>>
        %dma_wait3A_294 = arith.constant 0 : i32
        %dma_wait3A_295 = arith.constant 0 : i32
        %dma_wait3A_296 = tpu.memref_slice %arg2[%dma_wait3A_294, %dma_wait3A_295] : memref<20000x128xf32, #tpu.memory_space<hbm>> -> memref<80x128xf32, #tpu.memory_space<hbm>>
        tpu.wait_dma2 semaphore(%arg16 : memref<!tpu.dma_semaphore, #tpu.memory_space<semaphore_mem>>) src(%dma_wait3A_296 : memref<80x128xf32, #tpu.memory_space<hbm>>) dst(%arg11 : memref<80x128xf32, #tpu.memory_space<vmem>>)
        %dma_start3A_297 = arith.constant 0 : i32
        %dma_start3A_298 = arith.constant 3 : i32
        %dma_start3A_299 = arith.constant 1 : i32
        %dma_start3A_300 = arith.constant 0 : i32
        %dma_start3A_301 = tpu.memref_slice %arg7[%dma_start3A_297, %dma_start3A_298, %dma_start3A_299, %dma_start3A_300] : memref<2x12x2x80xi32, #tpu.memory_space<vmem>> -> memref<1x1x1x80xi32, #tpu.memory_space<vmem>>
        %dma_start3A_302 = tpu.memref_squeeze %dma_start3A_301 : memref<1x1x1x80xi32, #tpu.memory_space<vmem>> -> memref<80xi32, #tpu.memory_space<vmem>>
        %dma_start3A_303 = arith.constant 0 : i32
        %dma_start3A_304 = arith.constant 0 : i32
        %dma_start3A_305 = tpu.memref_slice %arg12[%dma_start3A_303, %dma_start3A_304] : memref<10000x128xf32, #tpu.memory_space<vmem_shared>> -> memref<10000x128xf32, #tpu.memory_space<vmem_shared>>
        tpu.enqueue_indirect_dma source(%arg11 : memref<80x128xf32, #tpu.memory_space<vmem>>) target(%dma_start3A_305 : memref<10000x128xf32, #tpu.memory_space<vmem_shared>>) offsets(%dma_start3A_302 : memref<80xi32, #tpu.memory_space<vmem>>) semaphore(%arg20 : memref<!tpu.dma_semaphore, #tpu.memory_space<semaphore_mem>>) {add = true}
        %add3A_306 = arith.constant 2 : i32
        %add3A_307 = arith.addi %add3A_112, %add3A_306 : i32
        %lt3A_308 = arith.constant 250 : i32
        %lt3A_309 = arith.cmpi slt, %add3A_307, %lt3A_308 : i32
        %convert_element_type3A_310 = arith.extui %lt3A_309 : i1 to i32
        %cond3A_311 = arith.constant 0 : i32
        %cond3A_312 = arith.cmpi ne, %convert_element_type3A_310, %cond3A_311 : i32
        scf.if %cond3A_312 {
          %ge3A = arith.constant 4 : i32
          %ge3A_313 = arith.cmpi sge, %add3A_307, %ge3A : i32
          %convert_element_type3A_314 = arith.extui %ge3A_313 : i1 to i32
          %cond3A_315 = arith.constant 0 : i32
          %cond3A_316 = arith.cmpi ne, %convert_element_type3A_314, %cond3A_315 : i32
          scf.if %cond3A_316 {
            %dma_wait3A_326 = arith.constant 0 : i32
            %dma_wait3A_327 = arith.constant 0 : i32
            %dma_wait3A_328 = tpu.memref_slice %arg5[%dma_wait3A_326, %dma_wait3A_327] : memref<10000x128xf32, #tpu.memory_space<hbm>> -> memref<80x128xf32, #tpu.memory_space<hbm>>
            %dma_wait3A_329 = arith.constant 0 : i32
            %dma_wait3A_330 = arith.constant 0 : i32
            %dma_wait3A_331 = tpu.memref_slice %arg5[%dma_wait3A_329, %dma_wait3A_330] : memref<10000x128xf32, #tpu.memory_space<hbm>> -> memref<80x128xf32, #tpu.memory_space<hbm>>
            tpu.wait_dma2 semaphore(%arg18 : memref<!tpu.dma_semaphore, #tpu.memory_space<semaphore_mem>>) src(%dma_wait3A_331 : memref<80x128xf32, #tpu.memory_space<hbm>>) dst(%arg9 : memref<80x128xf32, #tpu.memory_space<vmem>>)
          } else {
          }
          %dma_start3A_317 = arith.constant 0 : i32
          %dma_start3A_318 = arith.constant 5 : i32
          %dma_start3A_319 = arith.constant 0 : i32
          %dma_start3A_320 = arith.constant 0 : i32
          %dma_start3A_321 = tpu.memref_slice %arg7[%dma_start3A_317, %dma_start3A_318, %dma_start3A_319, %dma_start3A_320] : memref<2x12x2x80xi32, #tpu.memory_space<vmem>> -> memref<1x1x1x80xi32, #tpu.memory_space<vmem>>
          %dma_start3A_322 = tpu.memref_squeeze %dma_start3A_321 : memref<1x1x1x80xi32, #tpu.memory_space<vmem>> -> memref<80xi32, #tpu.memory_space<vmem>>
          %dma_start3A_323 = arith.constant 0 : i32
          %dma_start3A_324 = arith.constant 0 : i32
          %dma_start3A_325 = tpu.memref_slice %arg2[%dma_start3A_323, %dma_start3A_324] : memref<20000x128xf32, #tpu.memory_space<hbm>> -> memref<20000x128xf32, #tpu.memory_space<hbm>>
          tpu.enqueue_indirect_dma source(%dma_start3A_325 : memref<20000x128xf32, #tpu.memory_space<hbm>>) target(%arg9 : memref<80x128xf32, #tpu.memory_space<vmem>>) offsets(%dma_start3A_322 : memref<80xi32, #tpu.memory_space<vmem>>) semaphore(%arg14 : memref<!tpu.dma_semaphore, #tpu.memory_space<semaphore_mem>>)
        } else {
        }
      } else {
      }
      %add3A_118 = arith.constant 4 : i32
      %add3A_119 = arith.addi %mul3A_79, %add3A_118 : i32
      %lt3A_120 = arith.constant 250 : i32
      %lt3A_121 = arith.cmpi slt, %add3A_119, %lt3A_120 : i32
      %convert_element_type3A_122 = arith.extui %lt3A_121 : i1 to i32
      %cond3A_123 = arith.constant 0 : i32
      %cond3A_124 = arith.cmpi ne, %convert_element_type3A_122, %cond3A_123 : i32
      scf.if %cond3A_124 {
        %dma_wait3A_291 = arith.constant 0 : i32
        %dma_wait3A_292 = arith.constant 0 : i32
        %dma_wait3A_293 = tpu.memref_slice %arg2[%dma_wait3A_291, %dma_wait3A_292] : memref<20000x128xf32, #tpu.memory_space<hbm>> -> memref<80x128xf32, #tpu.memory_space<hbm>>
        %dma_wait3A_294 = arith.constant 0 : i32
        %dma_wait3A_295 = arith.constant 0 : i32
        %dma_wait3A_296 = tpu.memref_slice %arg2[%dma_wait3A_294, %dma_wait3A_295] : memref<20000x128xf32, #tpu.memory_space<hbm>> -> memref<80x128xf32, #tpu.memory_space<hbm>>
        tpu.wait_dma2 semaphore(%arg13 : memref<!tpu.dma_semaphore, #tpu.memory_space<semaphore_mem>>) src(%dma_wait3A_296 : memref<80x128xf32, #tpu.memory_space<hbm>>) dst(%arg8 : memref<80x128xf32, #tpu.memory_space<vmem>>)
        %dma_start3A_297 = arith.constant 0 : i32
        %dma_start3A_298 = arith.constant 4 : i32
        %dma_start3A_299 = arith.constant 1 : i32
        %dma_start3A_300 = arith.constant 0 : i32
        %dma_start3A_301 = tpu.memref_slice %arg7[%dma_start3A_297, %dma_start3A_298, %dma_start3A_299, %dma_start3A_300] : memref<2x12x2x80xi32, #tpu.memory_space<vmem>> -> memref<1x1x1x80xi32, #tpu.memory_space<vmem>>
        %dma_start3A_302 = tpu.memref_squeeze %dma_start3A_301 : memref<1x1x1x80xi32, #tpu.memory_space<vmem>> -> memref<80xi32, #tpu.memory_space<vmem>>
        %dma_start3A_303 = arith.constant 0 : i32
        %dma_start3A_304 = arith.constant 0 : i32
        %dma_start3A_305 = tpu.memref_slice %arg12[%dma_start3A_303, %dma_start3A_304] : memref<10000x128xf32, #tpu.memory_space<vmem_shared>> -> memref<10000x128xf32, #tpu.memory_space<vmem_shared>>
        tpu.enqueue_indirect_dma source(%arg8 : memref<80x128xf32, #tpu.memory_space<vmem>>) target(%dma_start3A_305 : memref<10000x128xf32, #tpu.memory_space<vmem_shared>>) offsets(%dma_start3A_302 : memref<80xi32, #tpu.memory_space<vmem>>) semaphore(%arg17 : memref<!tpu.dma_semaphore, #tpu.memory_space<semaphore_mem>>) {add = true}
        %add3A_306 = arith.constant 2 : i32
        %add3A_307 = arith.addi %add3A_119, %add3A_306 : i32
        %lt3A_308 = arith.constant 250 : i32
        %lt3A_309 = arith.cmpi slt, %add3A_307, %lt3A_308 : i32
        %convert_element_type3A_310 = arith.extui %lt3A_309 : i1 to i32
        %cond3A_311 = arith.constant 0 : i32
        %cond3A_312 = arith.cmpi ne, %convert_element_type3A_310, %cond3A_311 : i32
        scf.if %cond3A_312 {
          %ge3A = arith.constant 4 : i32
          %ge3A_313 = arith.cmpi sge, %add3A_307, %ge3A : i32
          %convert_element_type3A_314 = arith.extui %ge3A_313 : i1 to i32
          %cond3A_315 = arith.constant 0 : i32
          %cond3A_316 = arith.cmpi ne, %convert_element_type3A_314, %cond3A_315 : i32
          scf.if %cond3A_316 {
            %dma_wait3A_326 = arith.constant 0 : i32
            %dma_wait3A_327 = arith.constant 0 : i32
            %dma_wait3A_328 = tpu.memref_slice %arg5[%dma_wait3A_326, %dma_wait3A_327] : memref<10000x128xf32, #tpu.memory_space<hbm>> -> memref<80x128xf32, #tpu.memory_space<hbm>>
            %dma_wait3A_329 = arith.constant 0 : i32
            %dma_wait3A_330 = arith.constant 0 : i32
            %dma_wait3A_331 = tpu.memref_slice %arg5[%dma_wait3A_329, %dma_wait3A_330] : memref<10000x128xf32, #tpu.memory_space<hbm>> -> memref<80x128xf32, #tpu.memory_space<hbm>>
            tpu.wait_dma2 semaphore(%arg19 : memref<!tpu.dma_semaphore, #tpu.memory_space<semaphore_mem>>) src(%dma_wait3A_331 : memref<80x128xf32, #tpu.memory_space<hbm>>) dst(%arg10 : memref<80x128xf32, #tpu.memory_space<vmem>>)
          } else {
          }
          %dma_start3A_317 = arith.constant 0 : i32
          %dma_start3A_318 = arith.constant 6 : i32
          %dma_start3A_319 = arith.constant 0 : i32
          %dma_start3A_320 = arith.constant 0 : i32
          %dma_start3A_321 = tpu.memref_slice %arg7[%dma_start3A_317, %dma_start3A_318, %dma_start3A_319, %dma_start3A_320] : memref<2x12x2x80xi32, #tpu.memory_space<vmem>> -> memref<1x1x1x80xi32, #tpu.memory_space<vmem>>
          %dma_start3A_322 = tpu.memref_squeeze %dma_start3A_321 : memref<1x1x1x80xi32, #tpu.memory_space<vmem>> -> memref<80xi32, #tpu.memory_space<vmem>>
          %dma_start3A_323 = arith.constant 0 : i32
          %dma_start3A_324 = arith.constant 0 : i32
          %dma_start3A_325 = tpu.memref_slice %arg2[%dma_start3A_323, %dma_start3A_324] : memref<20000x128xf32, #tpu.memory_space<hbm>> -> memref<20000x128xf32, #tpu.memory_space<hbm>>
          tpu.enqueue_indirect_dma source(%dma_start3A_325 : memref<20000x128xf32, #tpu.memory_space<hbm>>) target(%arg10 : memref<80x128xf32, #tpu.memory_space<vmem>>) offsets(%dma_start3A_322 : memref<80xi32, #tpu.memory_space<vmem>>) semaphore(%arg15 : memref<!tpu.dma_semaphore, #tpu.memory_space<semaphore_mem>>)
        } else {
        }
      } else {
      }
      %add3A_125 = arith.constant 5 : i32
      %add3A_126 = arith.addi %mul3A_79, %add3A_125 : i32
      %lt3A_127 = arith.constant 250 : i32
      %lt3A_128 = arith.cmpi slt, %add3A_126, %lt3A_127 : i32
      %convert_element_type3A_129 = arith.extui %lt3A_128 : i1 to i32
      %cond3A_130 = arith.constant 0 : i32
      %cond3A_131 = arith.cmpi ne, %convert_element_type3A_129, %cond3A_130 : i32
      scf.if %cond3A_131 {
        %dma_wait3A_291 = arith.constant 0 : i32
        %dma_wait3A_292 = arith.constant 0 : i32
        %dma_wait3A_293 = tpu.memref_slice %arg2[%dma_wait3A_291, %dma_wait3A_292] : memref<20000x128xf32, #tpu.memory_space<hbm>> -> memref<80x128xf32, #tpu.memory_space<hbm>>
        %dma_wait3A_294 = arith.constant 0 : i32
        %dma_wait3A_295 = arith.constant 0 : i32
        %dma_wait3A_296 = tpu.memref_slice %arg2[%dma_wait3A_294, %dma_wait3A_295] : memref<20000x128xf32, #tpu.memory_space<hbm>> -> memref<80x128xf32, #tpu.memory_space<hbm>>
        tpu.wait_dma2 semaphore(%arg14 : memref<!tpu.dma_semaphore, #tpu.memory_space<semaphore_mem>>) src(%dma_wait3A_296 : memref<80x128xf32, #tpu.memory_space<hbm>>) dst(%arg9 : memref<80x128xf32, #tpu.memory_space<vmem>>)
        %dma_start3A_297 = arith.constant 0 : i32
        %dma_start3A_298 = arith.constant 5 : i32
        %dma_start3A_299 = arith.constant 1 : i32
        %dma_start3A_300 = arith.constant 0 : i32
        %dma_start3A_301 = tpu.memref_slice %arg7[%dma_start3A_297, %dma_start3A_298, %dma_start3A_299, %dma_start3A_300] : memref<2x12x2x80xi32, #tpu.memory_space<vmem>> -> memref<1x1x1x80xi32, #tpu.memory_space<vmem>>
        %dma_start3A_302 = tpu.memref_squeeze %dma_start3A_301 : memref<1x1x1x80xi32, #tpu.memory_space<vmem>> -> memref<80xi32, #tpu.memory_space<vmem>>
        %dma_start3A_303 = arith.constant 0 : i32
        %dma_start3A_304 = arith.constant 0 : i32
        %dma_start3A_305 = tpu.memref_slice %arg12[%dma_start3A_303, %dma_start3A_304] : memref<10000x128xf32, #tpu.memory_space<vmem_shared>> -> memref<10000x128xf32, #tpu.memory_space<vmem_shared>>
        tpu.enqueue_indirect_dma source(%arg9 : memref<80x128xf32, #tpu.memory_space<vmem>>) target(%dma_start3A_305 : memref<10000x128xf32, #tpu.memory_space<vmem_shared>>) offsets(%dma_start3A_302 : memref<80xi32, #tpu.memory_space<vmem>>) semaphore(%arg18 : memref<!tpu.dma_semaphore, #tpu.memory_space<semaphore_mem>>) {add = true}
        %add3A_306 = arith.constant 2 : i32
        %add3A_307 = arith.addi %add3A_126, %add3A_306 : i32
        %lt3A_308 = arith.constant 250 : i32
        %lt3A_309 = arith.cmpi slt, %add3A_307, %lt3A_308 : i32
        %convert_element_type3A_310 = arith.extui %lt3A_309 : i1 to i32
        %cond3A_311 = arith.constant 0 : i32
        %cond3A_312 = arith.cmpi ne, %convert_element_type3A_310, %cond3A_311 : i32
        scf.if %cond3A_312 {
          %ge3A = arith.constant 4 : i32
          %ge3A_313 = arith.cmpi sge, %add3A_307, %ge3A : i32
          %convert_element_type3A_314 = arith.extui %ge3A_313 : i1 to i32
          %cond3A_315 = arith.constant 0 : i32
          %cond3A_316 = arith.cmpi ne, %convert_element_type3A_314, %cond3A_315 : i32
          scf.if %cond3A_316 {
            %dma_wait3A_326 = arith.constant 0 : i32
            %dma_wait3A_327 = arith.constant 0 : i32
            %dma_wait3A_328 = tpu.memref_slice %arg5[%dma_wait3A_326, %dma_wait3A_327] : memref<10000x128xf32, #tpu.memory_space<hbm>> -> memref<80x128xf32, #tpu.memory_space<hbm>>
            %dma_wait3A_329 = arith.constant 0 : i32
            %dma_wait3A_330 = arith.constant 0 : i32
            %dma_wait3A_331 = tpu.memref_slice %arg5[%dma_wait3A_329, %dma_wait3A_330] : memref<10000x128xf32, #tpu.memory_space<hbm>> -> memref<80x128xf32, #tpu.memory_space<hbm>>
            tpu.wait_dma2 semaphore(%arg20 : memref<!tpu.dma_semaphore, #tpu.memory_space<semaphore_mem>>) src(%dma_wait3A_331 : memref<80x128xf32, #tpu.memory_space<hbm>>) dst(%arg11 : memref<80x128xf32, #tpu.memory_space<vmem>>)
          } else {
          }
          %dma_start3A_317 = arith.constant 0 : i32
          %dma_start3A_318 = arith.constant 7 : i32
          %dma_start3A_319 = arith.constant 0 : i32
          %dma_start3A_320 = arith.constant 0 : i32
          %dma_start3A_321 = tpu.memref_slice %arg7[%dma_start3A_317, %dma_start3A_318, %dma_start3A_319, %dma_start3A_320] : memref<2x12x2x80xi32, #tpu.memory_space<vmem>> -> memref<1x1x1x80xi32, #tpu.memory_space<vmem>>
          %dma_start3A_322 = tpu.memref_squeeze %dma_start3A_321 : memref<1x1x1x80xi32, #tpu.memory_space<vmem>> -> memref<80xi32, #tpu.memory_space<vmem>>
          %dma_start3A_323 = arith.constant 0 : i32
          %dma_start3A_324 = arith.constant 0 : i32
          %dma_start3A_325 = tpu.memref_slice %arg2[%dma_start3A_323, %dma_start3A_324] : memref<20000x128xf32, #tpu.memory_space<hbm>> -> memref<20000x128xf32, #tpu.memory_space<hbm>>
          tpu.enqueue_indirect_dma source(%dma_start3A_325 : memref<20000x128xf32, #tpu.memory_space<hbm>>) target(%arg11 : memref<80x128xf32, #tpu.memory_space<vmem>>) offsets(%dma_start3A_322 : memref<80xi32, #tpu.memory_space<vmem>>) semaphore(%arg16 : memref<!tpu.dma_semaphore, #tpu.memory_space<semaphore_mem>>)
        } else {
        }
      } else {
      }
      %add3A_132 = arith.constant 6 : i32
      %add3A_133 = arith.addi %mul3A_79, %add3A_132 : i32
      %lt3A_134 = arith.constant 250 : i32
      %lt3A_135 = arith.cmpi slt, %add3A_133, %lt3A_134 : i32
      %convert_element_type3A_136 = arith.extui %lt3A_135 : i1 to i32
      %cond3A_137 = arith.constant 0 : i32
      %cond3A_138 = arith.cmpi ne, %convert_element_type3A_136, %cond3A_137 : i32
      scf.if %cond3A_138 {
        %dma_wait3A_291 = arith.constant 0 : i32
        %dma_wait3A_292 = arith.constant 0 : i32
        %dma_wait3A_293 = tpu.memref_slice %arg2[%dma_wait3A_291, %dma_wait3A_292] : memref<20000x128xf32, #tpu.memory_space<hbm>> -> memref<80x128xf32, #tpu.memory_space<hbm>>
        %dma_wait3A_294 = arith.constant 0 : i32
        %dma_wait3A_295 = arith.constant 0 : i32
        %dma_wait3A_296 = tpu.memref_slice %arg2[%dma_wait3A_294, %dma_wait3A_295] : memref<20000x128xf32, #tpu.memory_space<hbm>> -> memref<80x128xf32, #tpu.memory_space<hbm>>
        tpu.wait_dma2 semaphore(%arg15 : memref<!tpu.dma_semaphore, #tpu.memory_space<semaphore_mem>>) src(%dma_wait3A_296 : memref<80x128xf32, #tpu.memory_space<hbm>>) dst(%arg10 : memref<80x128xf32, #tpu.memory_space<vmem>>)
        %dma_start3A_297 = arith.constant 0 : i32
        %dma_start3A_298 = arith.constant 6 : i32
        %dma_start3A_299 = arith.constant 1 : i32
        %dma_start3A_300 = arith.constant 0 : i32
        %dma_start3A_301 = tpu.memref_slice %arg7[%dma_start3A_297, %dma_start3A_298, %dma_start3A_299, %dma_start3A_300] : memref<2x12x2x80xi32, #tpu.memory_space<vmem>> -> memref<1x1x1x80xi32, #tpu.memory_space<vmem>>
        %dma_start3A_302 = tpu.memref_squeeze %dma_start3A_301 : memref<1x1x1x80xi32, #tpu.memory_space<vmem>> -> memref<80xi32, #tpu.memory_space<vmem>>
        %dma_start3A_303 = arith.constant 0 : i32
        %dma_start3A_304 = arith.constant 0 : i32
        %dma_start3A_305 = tpu.memref_slice %arg12[%dma_start3A_303, %dma_start3A_304] : memref<10000x128xf32, #tpu.memory_space<vmem_shared>> -> memref<10000x128xf32, #tpu.memory_space<vmem_shared>>
        tpu.enqueue_indirect_dma source(%arg10 : memref<80x128xf32, #tpu.memory_space<vmem>>) target(%dma_start3A_305 : memref<10000x128xf32, #tpu.memory_space<vmem_shared>>) offsets(%dma_start3A_302 : memref<80xi32, #tpu.memory_space<vmem>>) semaphore(%arg19 : memref<!tpu.dma_semaphore, #tpu.memory_space<semaphore_mem>>) {add = true}
        %add3A_306 = arith.constant 2 : i32
        %add3A_307 = arith.addi %add3A_133, %add3A_306 : i32
        %lt3A_308 = arith.constant 250 : i32
        %lt3A_309 = arith.cmpi slt, %add3A_307, %lt3A_308 : i32
        %convert_element_type3A_310 = arith.extui %lt3A_309 : i1 to i32
        %cond3A_311 = arith.constant 0 : i32
        %cond3A_312 = arith.cmpi ne, %convert_element_type3A_310, %cond3A_311 : i32
        scf.if %cond3A_312 {
          %ge3A = arith.constant 4 : i32
          %ge3A_313 = arith.cmpi sge, %add3A_307, %ge3A : i32
          %convert_element_type3A_314 = arith.extui %ge3A_313 : i1 to i32
          %cond3A_315 = arith.constant 0 : i32
          %cond3A_316 = arith.cmpi ne, %convert_element_type3A_314, %cond3A_315 : i32
          scf.if %cond3A_316 {
            %dma_wait3A_326 = arith.constant 0 : i32
            %dma_wait3A_327 = arith.constant 0 : i32
            %dma_wait3A_328 = tpu.memref_slice %arg5[%dma_wait3A_326, %dma_wait3A_327] : memref<10000x128xf32, #tpu.memory_space<hbm>> -> memref<80x128xf32, #tpu.memory_space<hbm>>
            %dma_wait3A_329 = arith.constant 0 : i32
            %dma_wait3A_330 = arith.constant 0 : i32
            %dma_wait3A_331 = tpu.memref_slice %arg5[%dma_wait3A_329, %dma_wait3A_330] : memref<10000x128xf32, #tpu.memory_space<hbm>> -> memref<80x128xf32, #tpu.memory_space<hbm>>
            tpu.wait_dma2 semaphore(%arg17 : memref<!tpu.dma_semaphore, #tpu.memory_space<semaphore_mem>>) src(%dma_wait3A_331 : memref<80x128xf32, #tpu.memory_space<hbm>>) dst(%arg8 : memref<80x128xf32, #tpu.memory_space<vmem>>)
          } else {
          }
          %dma_start3A_317 = arith.constant 0 : i32
          %dma_start3A_318 = arith.constant 8 : i32
          %dma_start3A_319 = arith.constant 0 : i32
          %dma_start3A_320 = arith.constant 0 : i32
          %dma_start3A_321 = tpu.memref_slice %arg7[%dma_start3A_317, %dma_start3A_318, %dma_start3A_319, %dma_start3A_320] : memref<2x12x2x80xi32, #tpu.memory_space<vmem>> -> memref<1x1x1x80xi32, #tpu.memory_space<vmem>>
          %dma_start3A_322 = tpu.memref_squeeze %dma_start3A_321 : memref<1x1x1x80xi32, #tpu.memory_space<vmem>> -> memref<80xi32, #tpu.memory_space<vmem>>
          %dma_start3A_323 = arith.constant 0 : i32
          %dma_start3A_324 = arith.constant 0 : i32
          %dma_start3A_325 = tpu.memref_slice %arg2[%dma_start3A_323, %dma_start3A_324] : memref<20000x128xf32, #tpu.memory_space<hbm>> -> memref<20000x128xf32, #tpu.memory_space<hbm>>
          tpu.enqueue_indirect_dma source(%dma_start3A_325 : memref<20000x128xf32, #tpu.memory_space<hbm>>) target(%arg8 : memref<80x128xf32, #tpu.memory_space<vmem>>) offsets(%dma_start3A_322 : memref<80xi32, #tpu.memory_space<vmem>>) semaphore(%arg13 : memref<!tpu.dma_semaphore, #tpu.memory_space<semaphore_mem>>)
        } else {
        }
      } else {
      }
      %add3A_139 = arith.constant 7 : i32
      %add3A_140 = arith.addi %mul3A_79, %add3A_139 : i32
      %lt3A_141 = arith.constant 250 : i32
      %lt3A_142 = arith.cmpi slt, %add3A_140, %lt3A_141 : i32
      %convert_element_type3A_143 = arith.extui %lt3A_142 : i1 to i32
      %cond3A_144 = arith.constant 0 : i32
      %cond3A_145 = arith.cmpi ne, %convert_element_type3A_143, %cond3A_144 : i32
      scf.if %cond3A_145 {
        %dma_wait3A_291 = arith.constant 0 : i32
        %dma_wait3A_292 = arith.constant 0 : i32
        %dma_wait3A_293 = tpu.memref_slice %arg2[%dma_wait3A_291, %dma_wait3A_292] : memref<20000x128xf32, #tpu.memory_space<hbm>> -> memref<80x128xf32, #tpu.memory_space<hbm>>
        %dma_wait3A_294 = arith.constant 0 : i32
        %dma_wait3A_295 = arith.constant 0 : i32
        %dma_wait3A_296 = tpu.memref_slice %arg2[%dma_wait3A_294, %dma_wait3A_295] : memref<20000x128xf32, #tpu.memory_space<hbm>> -> memref<80x128xf32, #tpu.memory_space<hbm>>
        tpu.wait_dma2 semaphore(%arg16 : memref<!tpu.dma_semaphore, #tpu.memory_space<semaphore_mem>>) src(%dma_wait3A_296 : memref<80x128xf32, #tpu.memory_space<hbm>>) dst(%arg11 : memref<80x128xf32, #tpu.memory_space<vmem>>)
        %dma_start3A_297 = arith.constant 0 : i32
        %dma_start3A_298 = arith.constant 7 : i32
        %dma_start3A_299 = arith.constant 1 : i32
        %dma_start3A_300 = arith.constant 0 : i32
        %dma_start3A_301 = tpu.memref_slice %arg7[%dma_start3A_297, %dma_start3A_298, %dma_start3A_299, %dma_start3A_300] : memref<2x12x2x80xi32, #tpu.memory_space<vmem>> -> memref<1x1x1x80xi32, #tpu.memory_space<vmem>>
        %dma_start3A_302 = tpu.memref_squeeze %dma_start3A_301 : memref<1x1x1x80xi32, #tpu.memory_space<vmem>> -> memref<80xi32, #tpu.memory_space<vmem>>
        %dma_start3A_303 = arith.constant 0 : i32
        %dma_start3A_304 = arith.constant 0 : i32
        %dma_start3A_305 = tpu.memref_slice %arg12[%dma_start3A_303, %dma_start3A_304] : memref<10000x128xf32, #tpu.memory_space<vmem_shared>> -> memref<10000x128xf32, #tpu.memory_space<vmem_shared>>
        tpu.enqueue_indirect_dma source(%arg11 : memref<80x128xf32, #tpu.memory_space<vmem>>) target(%dma_start3A_305 : memref<10000x128xf32, #tpu.memory_space<vmem_shared>>) offsets(%dma_start3A_302 : memref<80xi32, #tpu.memory_space<vmem>>) semaphore(%arg20 : memref<!tpu.dma_semaphore, #tpu.memory_space<semaphore_mem>>) {add = true}
        %add3A_306 = arith.constant 2 : i32
        %add3A_307 = arith.addi %add3A_140, %add3A_306 : i32
        %lt3A_308 = arith.constant 250 : i32
        %lt3A_309 = arith.cmpi slt, %add3A_307, %lt3A_308 : i32
        %convert_element_type3A_310 = arith.extui %lt3A_309 : i1 to i32
        %cond3A_311 = arith.constant 0 : i32
        %cond3A_312 = arith.cmpi ne, %convert_element_type3A_310, %cond3A_311 : i32
        scf.if %cond3A_312 {
          %ge3A = arith.constant 4 : i32
          %ge3A_313 = arith.cmpi sge, %add3A_307, %ge3A : i32
          %convert_element_type3A_314 = arith.extui %ge3A_313 : i1 to i32
          %cond3A_315 = arith.constant 0 : i32
          %cond3A_316 = arith.cmpi ne, %convert_element_type3A_314, %cond3A_315 : i32
          scf.if %cond3A_316 {
            %dma_wait3A_326 = arith.constant 0 : i32
            %dma_wait3A_327 = arith.constant 0 : i32
            %dma_wait3A_328 = tpu.memref_slice %arg5[%dma_wait3A_326, %dma_wait3A_327] : memref<10000x128xf32, #tpu.memory_space<hbm>> -> memref<80x128xf32, #tpu.memory_space<hbm>>
            %dma_wait3A_329 = arith.constant 0 : i32
            %dma_wait3A_330 = arith.constant 0 : i32
            %dma_wait3A_331 = tpu.memref_slice %arg5[%dma_wait3A_329, %dma_wait3A_330] : memref<10000x128xf32, #tpu.memory_space<hbm>> -> memref<80x128xf32, #tpu.memory_space<hbm>>
            tpu.wait_dma2 semaphore(%arg18 : memref<!tpu.dma_semaphore, #tpu.memory_space<semaphore_mem>>) src(%dma_wait3A_331 : memref<80x128xf32, #tpu.memory_space<hbm>>) dst(%arg9 : memref<80x128xf32, #tpu.memory_space<vmem>>)
          } else {
          }
          %dma_start3A_317 = arith.constant 0 : i32
          %dma_start3A_318 = arith.constant 9 : i32
          %dma_start3A_319 = arith.constant 0 : i32
          %dma_start3A_320 = arith.constant 0 : i32
          %dma_start3A_321 = tpu.memref_slice %arg7[%dma_start3A_317, %dma_start3A_318, %dma_start3A_319, %dma_start3A_320] : memref<2x12x2x80xi32, #tpu.memory_space<vmem>> -> memref<1x1x1x80xi32, #tpu.memory_space<vmem>>
          %dma_start3A_322 = tpu.memref_squeeze %dma_start3A_321 : memref<1x1x1x80xi32, #tpu.memory_space<vmem>> -> memref<80xi32, #tpu.memory_space<vmem>>
          %dma_start3A_323 = arith.constant 0 : i32
          %dma_start3A_324 = arith.constant 0 : i32
          %dma_start3A_325 = tpu.memref_slice %arg2[%dma_start3A_323, %dma_start3A_324] : memref<20000x128xf32, #tpu.memory_space<hbm>> -> memref<20000x128xf32, #tpu.memory_space<hbm>>
          tpu.enqueue_indirect_dma source(%dma_start3A_325 : memref<20000x128xf32, #tpu.memory_space<hbm>>) target(%arg9 : memref<80x128xf32, #tpu.memory_space<vmem>>) offsets(%dma_start3A_322 : memref<80xi32, #tpu.memory_space<vmem>>) semaphore(%arg14 : memref<!tpu.dma_semaphore, #tpu.memory_space<semaphore_mem>>)
        } else {
        }
      } else {
      }
      %add3A_146 = arith.constant 8 : i32
      %add3A_147 = arith.addi %mul3A_79, %add3A_146 : i32
      %lt3A_148 = arith.constant 250 : i32
      %lt3A_149 = arith.cmpi slt, %add3A_147, %lt3A_148 : i32
      %convert_element_type3A_150 = arith.extui %lt3A_149 : i1 to i32
      %cond3A_151 = arith.constant 0 : i32
      %cond3A_152 = arith.cmpi ne, %convert_element_type3A_150, %cond3A_151 : i32
      scf.if %cond3A_152 {
        %dma_wait3A_291 = arith.constant 0 : i32
        %dma_wait3A_292 = arith.constant 0 : i32
        %dma_wait3A_293 = tpu.memref_slice %arg2[%dma_wait3A_291, %dma_wait3A_292] : memref<20000x128xf32, #tpu.memory_space<hbm>> -> memref<80x128xf32, #tpu.memory_space<hbm>>
        %dma_wait3A_294 = arith.constant 0 : i32
        %dma_wait3A_295 = arith.constant 0 : i32
        %dma_wait3A_296 = tpu.memref_slice %arg2[%dma_wait3A_294, %dma_wait3A_295] : memref<20000x128xf32, #tpu.memory_space<hbm>> -> memref<80x128xf32, #tpu.memory_space<hbm>>
        tpu.wait_dma2 semaphore(%arg13 : memref<!tpu.dma_semaphore, #tpu.memory_space<semaphore_mem>>) src(%dma_wait3A_296 : memref<80x128xf32, #tpu.memory_space<hbm>>) dst(%arg8 : memref<80x128xf32, #tpu.memory_space<vmem>>)
        %dma_start3A_297 = arith.constant 0 : i32
        %dma_start3A_298 = arith.constant 8 : i32
        %dma_start3A_299 = arith.constant 1 : i32
        %dma_start3A_300 = arith.constant 0 : i32
        %dma_start3A_301 = tpu.memref_slice %arg7[%dma_start3A_297, %dma_start3A_298, %dma_start3A_299, %dma_start3A_300] : memref<2x12x2x80xi32, #tpu.memory_space<vmem>> -> memref<1x1x1x80xi32, #tpu.memory_space<vmem>>
        %dma_start3A_302 = tpu.memref_squeeze %dma_start3A_301 : memref<1x1x1x80xi32, #tpu.memory_space<vmem>> -> memref<80xi32, #tpu.memory_space<vmem>>
        %dma_start3A_303 = arith.constant 0 : i32
        %dma_start3A_304 = arith.constant 0 : i32
        %dma_start3A_305 = tpu.memref_slice %arg12[%dma_start3A_303, %dma_start3A_304] : memref<10000x128xf32, #tpu.memory_space<vmem_shared>> -> memref<10000x128xf32, #tpu.memory_space<vmem_shared>>
        tpu.enqueue_indirect_dma source(%arg8 : memref<80x128xf32, #tpu.memory_space<vmem>>) target(%dma_start3A_305 : memref<10000x128xf32, #tpu.memory_space<vmem_shared>>) offsets(%dma_start3A_302 : memref<80xi32, #tpu.memory_space<vmem>>) semaphore(%arg17 : memref<!tpu.dma_semaphore, #tpu.memory_space<semaphore_mem>>) {add = true}
        %add3A_306 = arith.constant 2 : i32
        %add3A_307 = arith.addi %add3A_147, %add3A_306 : i32
        %lt3A_308 = arith.constant 250 : i32
        %lt3A_309 = arith.cmpi slt, %add3A_307, %lt3A_308 : i32
        %convert_element_type3A_310 = arith.extui %lt3A_309 : i1 to i32
        %cond3A_311 = arith.constant 0 : i32
        %cond3A_312 = arith.cmpi ne, %convert_element_type3A_310, %cond3A_311 : i32
        scf.if %cond3A_312 {
          %ge3A = arith.constant 4 : i32
          %ge3A_313 = arith.cmpi sge, %add3A_307, %ge3A : i32
          %convert_element_type3A_314 = arith.extui %ge3A_313 : i1 to i32
          %cond3A_315 = arith.constant 0 : i32
          %cond3A_316 = arith.cmpi ne, %convert_element_type3A_314, %cond3A_315 : i32
          scf.if %cond3A_316 {
            %dma_wait3A_326 = arith.constant 0 : i32
            %dma_wait3A_327 = arith.constant 0 : i32
            %dma_wait3A_328 = tpu.memref_slice %arg5[%dma_wait3A_326, %dma_wait3A_327] : memref<10000x128xf32, #tpu.memory_space<hbm>> -> memref<80x128xf32, #tpu.memory_space<hbm>>
            %dma_wait3A_329 = arith.constant 0 : i32
            %dma_wait3A_330 = arith.constant 0 : i32
            %dma_wait3A_331 = tpu.memref_slice %arg5[%dma_wait3A_329, %dma_wait3A_330] : memref<10000x128xf32, #tpu.memory_space<hbm>> -> memref<80x128xf32, #tpu.memory_space<hbm>>
            tpu.wait_dma2 semaphore(%arg19 : memref<!tpu.dma_semaphore, #tpu.memory_space<semaphore_mem>>) src(%dma_wait3A_331 : memref<80x128xf32, #tpu.memory_space<hbm>>) dst(%arg10 : memref<80x128xf32, #tpu.memory_space<vmem>>)
          } else {
          }
          %dma_start3A_317 = arith.constant 0 : i32
          %dma_start3A_318 = arith.constant 10 : i32
          %dma_start3A_319 = arith.constant 0 : i32
          %dma_start3A_320 = arith.constant 0 : i32
          %dma_start3A_321 = tpu.memref_slice %arg7[%dma_start3A_317, %dma_start3A_318, %dma_start3A_319, %dma_start3A_320] : memref<2x12x2x80xi32, #tpu.memory_space<vmem>> -> memref<1x1x1x80xi32, #tpu.memory_space<vmem>>
          %dma_start3A_322 = tpu.memref_squeeze %dma_start3A_321 : memref<1x1x1x80xi32, #tpu.memory_space<vmem>> -> memref<80xi32, #tpu.memory_space<vmem>>
          %dma_start3A_323 = arith.constant 0 : i32
          %dma_start3A_324 = arith.constant 0 : i32
          %dma_start3A_325 = tpu.memref_slice %arg2[%dma_start3A_323, %dma_start3A_324] : memref<20000x128xf32, #tpu.memory_space<hbm>> -> memref<20000x128xf32, #tpu.memory_space<hbm>>
          tpu.enqueue_indirect_dma source(%dma_start3A_325 : memref<20000x128xf32, #tpu.memory_space<hbm>>) target(%arg10 : memref<80x128xf32, #tpu.memory_space<vmem>>) offsets(%dma_start3A_322 : memref<80xi32, #tpu.memory_space<vmem>>) semaphore(%arg15 : memref<!tpu.dma_semaphore, #tpu.memory_space<semaphore_mem>>)
        } else {
        }
      } else {
      }
      %add3A_153 = arith.constant 9 : i32
      %add3A_154 = arith.addi %mul3A_79, %add3A_153 : i32
      %lt3A_155 = arith.constant 250 : i32
      %lt3A_156 = arith.cmpi slt, %add3A_154, %lt3A_155 : i32
      %convert_element_type3A_157 = arith.extui %lt3A_156 : i1 to i32
      %cond3A_158 = arith.constant 0 : i32
      %cond3A_159 = arith.cmpi ne, %convert_element_type3A_157, %cond3A_158 : i32
      scf.if %cond3A_159 {
        %dma_wait3A_291 = arith.constant 0 : i32
        %dma_wait3A_292 = arith.constant 0 : i32
        %dma_wait3A_293 = tpu.memref_slice %arg2[%dma_wait3A_291, %dma_wait3A_292] : memref<20000x128xf32, #tpu.memory_space<hbm>> -> memref<80x128xf32, #tpu.memory_space<hbm>>
        %dma_wait3A_294 = arith.constant 0 : i32
        %dma_wait3A_295 = arith.constant 0 : i32
        %dma_wait3A_296 = tpu.memref_slice %arg2[%dma_wait3A_294, %dma_wait3A_295] : memref<20000x128xf32, #tpu.memory_space<hbm>> -> memref<80x128xf32, #tpu.memory_space<hbm>>
        tpu.wait_dma2 semaphore(%arg14 : memref<!tpu.dma_semaphore, #tpu.memory_space<semaphore_mem>>) src(%dma_wait3A_296 : memref<80x128xf32, #tpu.memory_space<hbm>>) dst(%arg9 : memref<80x128xf32, #tpu.memory_space<vmem>>)
        %dma_start3A_297 = arith.constant 0 : i32
        %dma_start3A_298 = arith.constant 9 : i32
        %dma_start3A_299 = arith.constant 1 : i32
        %dma_start3A_300 = arith.constant 0 : i32
        %dma_start3A_301 = tpu.memref_slice %arg7[%dma_start3A_297, %dma_start3A_298, %dma_start3A_299, %dma_start3A_300] : memref<2x12x2x80xi32, #tpu.memory_space<vmem>> -> memref<1x1x1x80xi32, #tpu.memory_space<vmem>>
        %dma_start3A_302 = tpu.memref_squeeze %dma_start3A_301 : memref<1x1x1x80xi32, #tpu.memory_space<vmem>> -> memref<80xi32, #tpu.memory_space<vmem>>
        %dma_start3A_303 = arith.constant 0 : i32
        %dma_start3A_304 = arith.constant 0 : i32
        %dma_start3A_305 = tpu.memref_slice %arg12[%dma_start3A_303, %dma_start3A_304] : memref<10000x128xf32, #tpu.memory_space<vmem_shared>> -> memref<10000x128xf32, #tpu.memory_space<vmem_shared>>
        tpu.enqueue_indirect_dma source(%arg9 : memref<80x128xf32, #tpu.memory_space<vmem>>) target(%dma_start3A_305 : memref<10000x128xf32, #tpu.memory_space<vmem_shared>>) offsets(%dma_start3A_302 : memref<80xi32, #tpu.memory_space<vmem>>) semaphore(%arg18 : memref<!tpu.dma_semaphore, #tpu.memory_space<semaphore_mem>>) {add = true}
        %add3A_306 = arith.constant 2 : i32
        %add3A_307 = arith.addi %add3A_154, %add3A_306 : i32
        %lt3A_308 = arith.constant 250 : i32
        %lt3A_309 = arith.cmpi slt, %add3A_307, %lt3A_308 : i32
        %convert_element_type3A_310 = arith.extui %lt3A_309 : i1 to i32
        %cond3A_311 = arith.constant 0 : i32
        %cond3A_312 = arith.cmpi ne, %convert_element_type3A_310, %cond3A_311 : i32
        scf.if %cond3A_312 {
          %ge3A = arith.constant 4 : i32
          %ge3A_313 = arith.cmpi sge, %add3A_307, %ge3A : i32
          %convert_element_type3A_314 = arith.extui %ge3A_313 : i1 to i32
          %cond3A_315 = arith.constant 0 : i32
          %cond3A_316 = arith.cmpi ne, %convert_element_type3A_314, %cond3A_315 : i32
          scf.if %cond3A_316 {
            %dma_wait3A_326 = arith.constant 0 : i32
            %dma_wait3A_327 = arith.constant 0 : i32
            %dma_wait3A_328 = tpu.memref_slice %arg5[%dma_wait3A_326, %dma_wait3A_327] : memref<10000x128xf32, #tpu.memory_space<hbm>> -> memref<80x128xf32, #tpu.memory_space<hbm>>
            %dma_wait3A_329 = arith.constant 0 : i32
            %dma_wait3A_330 = arith.constant 0 : i32
            %dma_wait3A_331 = tpu.memref_slice %arg5[%dma_wait3A_329, %dma_wait3A_330] : memref<10000x128xf32, #tpu.memory_space<hbm>> -> memref<80x128xf32, #tpu.memory_space<hbm>>
            tpu.wait_dma2 semaphore(%arg20 : memref<!tpu.dma_semaphore, #tpu.memory_space<semaphore_mem>>) src(%dma_wait3A_331 : memref<80x128xf32, #tpu.memory_space<hbm>>) dst(%arg11 : memref<80x128xf32, #tpu.memory_space<vmem>>)
          } else {
          }
          %dma_start3A_317 = arith.constant 0 : i32
          %dma_start3A_318 = arith.constant 11 : i32
          %dma_start3A_319 = arith.constant 0 : i32
          %dma_start3A_320 = arith.constant 0 : i32
          %dma_start3A_321 = tpu.memref_slice %arg7[%dma_start3A_317, %dma_start3A_318, %dma_start3A_319, %dma_start3A_320] : memref<2x12x2x80xi32, #tpu.memory_space<vmem>> -> memref<1x1x1x80xi32, #tpu.memory_space<vmem>>
          %dma_start3A_322 = tpu.memref_squeeze %dma_start3A_321 : memref<1x1x1x80xi32, #tpu.memory_space<vmem>> -> memref<80xi32, #tpu.memory_space<vmem>>
          %dma_start3A_323 = arith.constant 0 : i32
          %dma_start3A_324 = arith.constant 0 : i32
          %dma_start3A_325 = tpu.memref_slice %arg2[%dma_start3A_323, %dma_start3A_324] : memref<20000x128xf32, #tpu.memory_space<hbm>> -> memref<20000x128xf32, #tpu.memory_space<hbm>>
          tpu.enqueue_indirect_dma source(%dma_start3A_325 : memref<20000x128xf32, #tpu.memory_space<hbm>>) target(%arg11 : memref<80x128xf32, #tpu.memory_space<vmem>>) offsets(%dma_start3A_322 : memref<80xi32, #tpu.memory_space<vmem>>) semaphore(%arg16 : memref<!tpu.dma_semaphore, #tpu.memory_space<semaphore_mem>>)
        } else {
        }
      } else {
      }
      %add3A_160 = arith.constant 10 : i32
      %add3A_161 = arith.addi %mul3A_79, %add3A_160 : i32
      %mul3A_162 = arith.constant 2 : i32
      %mul3A_163 = arith.muli %mul3A_162, %scan3A_77 : i32
      %add3A_164 = arith.constant 1 : i32
      %add3A_165 = arith.addi %mul3A_163, %add3A_164 : i32
      %mul3A_166 = arith.constant 12 : i32
      %mul3A_167 = arith.muli %add3A_165, %mul3A_166 : i32
      %lt3A_168 = arith.constant 250 : i32
      %lt3A_169 = arith.cmpi slt, %mul3A_167, %lt3A_168 : i32
      %convert_element_type3A_170 = arith.extui %lt3A_169 : i1 to i32
      %cond3A_171 = arith.constant 0 : i32
      %cond3A_172 = arith.cmpi ne, %convert_element_type3A_170, %cond3A_171 : i32
      scf.if %cond3A_172 {
        %dma_wait3A_291 = arith.constant 1 : i32
        %dma_wait3A_292 = arith.constant 0 : i32
        %dma_wait3A_293 = arith.constant 0 : i32
        %dma_wait3A_294 = arith.constant 0 : i32
        %dma_wait3A_295 = tpu.memref_slice %arg7[%dma_wait3A_291, %dma_wait3A_292, %dma_wait3A_293, %dma_wait3A_294] : memref<2x12x2x80xi32, #tpu.memory_space<vmem>> -> memref<1x12x2x80xi32, #tpu.memory_space<vmem>>
        %dma_wait3A_296 = tpu.memref_squeeze %dma_wait3A_295 : memref<1x12x2x80xi32, #tpu.memory_space<vmem>> -> memref<12x2x80xi32, #tpu.memory_space<vmem>>
        %dma_wait3A_297 = arith.constant 0 : i32
        %dma_wait3A_298 = arith.constant 0 : i32
        %dma_wait3A_299 = arith.constant 0 : i32
        %dma_wait3A_300 = tpu.memref_slice %arg3[%dma_wait3A_297, %dma_wait3A_298, %dma_wait3A_299] : memref<4002x2x80xi32, #tpu.memory_space<hbm>> -> memref<12x2x80xi32, #tpu.memory_space<hbm>>
        %dma_wait3A_301 = arith.constant 0 : i32
        %dma_wait3A_302 = arith.constant 0 : i32
        %dma_wait3A_303 = arith.constant 0 : i32
        %dma_wait3A_304 = tpu.memref_slice %arg7[%dma_wait3A_291, %dma_wait3A_301, %dma_wait3A_302, %dma_wait3A_303] : memref<2x12x2x80xi32, #tpu.memory_space<vmem>> -> memref<1x12x2x80xi32, #tpu.memory_space<vmem>>
        %dma_wait3A_305 = tpu.memref_squeeze %dma_wait3A_304 : memref<1x12x2x80xi32, #tpu.memory_space<vmem>> -> memref<12x2x80xi32, #tpu.memory_space<vmem>>
        %dma_wait3A_306 = arith.constant 0 : i32
        %dma_wait3A_307 = arith.constant 0 : i32
        %dma_wait3A_308 = arith.constant 0 : i32
        %dma_wait3A_309 = tpu.memref_slice %arg3[%dma_wait3A_306, %dma_wait3A_307, %dma_wait3A_308] : memref<4002x2x80xi32, #tpu.memory_space<hbm>> -> memref<12x2x80xi32, #tpu.memory_space<hbm>>
        tpu.wait_dma2 semaphore(%arg22 : memref<!tpu.dma_semaphore, #tpu.memory_space<semaphore_mem>>) src(%dma_wait3A_309 : memref<12x2x80xi32, #tpu.memory_space<hbm>>) dst(%dma_wait3A_305 : memref<12x2x80xi32, #tpu.memory_space<vmem>>)
      } else {
      }
      %lt3A_173 = arith.constant 250 : i32
      %lt3A_174 = arith.cmpi slt, %add3A_161, %lt3A_173 : i32
      %convert_element_type3A_175 = arith.extui %lt3A_174 : i1 to i32
      %cond3A_176 = arith.constant 0 : i32
      %cond3A_177 = arith.cmpi ne, %convert_element_type3A_175, %cond3A_176 : i32
      scf.if %cond3A_177 {
        %dma_wait3A_291 = arith.constant 0 : i32
        %dma_wait3A_292 = arith.constant 0 : i32
        %dma_wait3A_293 = tpu.memref_slice %arg2[%dma_wait3A_291, %dma_wait3A_292] : memref<20000x128xf32, #tpu.memory_space<hbm>> -> memref<80x128xf32, #tpu.memory_space<hbm>>
        %dma_wait3A_294 = arith.constant 0 : i32
        %dma_wait3A_295 = arith.constant 0 : i32
        %dma_wait3A_296 = tpu.memref_slice %arg2[%dma_wait3A_294, %dma_wait3A_295] : memref<20000x128xf32, #tpu.memory_space<hbm>> -> memref<80x128xf32, #tpu.memory_space<hbm>>
        tpu.wait_dma2 semaphore(%arg15 : memref<!tpu.dma_semaphore, #tpu.memory_space<semaphore_mem>>) src(%dma_wait3A_296 : memref<80x128xf32, #tpu.memory_space<hbm>>) dst(%arg10 : memref<80x128xf32, #tpu.memory_space<vmem>>)
        %dma_start3A_297 = arith.constant 0 : i32
        %dma_start3A_298 = arith.constant 10 : i32
        %dma_start3A_299 = arith.constant 1 : i32
        %dma_start3A_300 = arith.constant 0 : i32
        %dma_start3A_301 = tpu.memref_slice %arg7[%dma_start3A_297, %dma_start3A_298, %dma_start3A_299, %dma_start3A_300] : memref<2x12x2x80xi32, #tpu.memory_space<vmem>> -> memref<1x1x1x80xi32, #tpu.memory_space<vmem>>
        %dma_start3A_302 = tpu.memref_squeeze %dma_start3A_301 : memref<1x1x1x80xi32, #tpu.memory_space<vmem>> -> memref<80xi32, #tpu.memory_space<vmem>>
        %dma_start3A_303 = arith.constant 0 : i32
        %dma_start3A_304 = arith.constant 0 : i32
        %dma_start3A_305 = tpu.memref_slice %arg12[%dma_start3A_303, %dma_start3A_304] : memref<10000x128xf32, #tpu.memory_space<vmem_shared>> -> memref<10000x128xf32, #tpu.memory_space<vmem_shared>>
        tpu.enqueue_indirect_dma source(%arg10 : memref<80x128xf32, #tpu.memory_space<vmem>>) target(%dma_start3A_305 : memref<10000x128xf32, #tpu.memory_space<vmem_shared>>) offsets(%dma_start3A_302 : memref<80xi32, #tpu.memory_space<vmem>>) semaphore(%arg19 : memref<!tpu.dma_semaphore, #tpu.memory_space<semaphore_mem>>) {add = true}
        %add3A_306 = arith.constant 2 : i32
        %add3A_307 = arith.addi %add3A_161, %add3A_306 : i32
        %lt3A_308 = arith.constant 250 : i32
        %lt3A_309 = arith.cmpi slt, %add3A_307, %lt3A_308 : i32
        %convert_element_type3A_310 = arith.extui %lt3A_309 : i1 to i32
        %cond3A_311 = arith.constant 0 : i32
        %cond3A_312 = arith.cmpi ne, %convert_element_type3A_310, %cond3A_311 : i32
        scf.if %cond3A_312 {
          %ge3A = arith.constant 4 : i32
          %ge3A_313 = arith.cmpi sge, %add3A_307, %ge3A : i32
          %convert_element_type3A_314 = arith.extui %ge3A_313 : i1 to i32
          %cond3A_315 = arith.constant 0 : i32
          %cond3A_316 = arith.cmpi ne, %convert_element_type3A_314, %cond3A_315 : i32
          scf.if %cond3A_316 {
            %dma_wait3A_326 = arith.constant 0 : i32
            %dma_wait3A_327 = arith.constant 0 : i32
            %dma_wait3A_328 = tpu.memref_slice %arg5[%dma_wait3A_326, %dma_wait3A_327] : memref<10000x128xf32, #tpu.memory_space<hbm>> -> memref<80x128xf32, #tpu.memory_space<hbm>>
            %dma_wait3A_329 = arith.constant 0 : i32
            %dma_wait3A_330 = arith.constant 0 : i32
            %dma_wait3A_331 = tpu.memref_slice %arg5[%dma_wait3A_329, %dma_wait3A_330] : memref<10000x128xf32, #tpu.memory_space<hbm>> -> memref<80x128xf32, #tpu.memory_space<hbm>>
            tpu.wait_dma2 semaphore(%arg17 : memref<!tpu.dma_semaphore, #tpu.memory_space<semaphore_mem>>) src(%dma_wait3A_331 : memref<80x128xf32, #tpu.memory_space<hbm>>) dst(%arg8 : memref<80x128xf32, #tpu.memory_space<vmem>>)
          } else {
          }
          %dma_start3A_317 = arith.constant 1 : i32
          %dma_start3A_318 = arith.constant 0 : i32
          %dma_start3A_319 = arith.constant 0 : i32
          %dma_start3A_320 = arith.constant 0 : i32
          %dma_start3A_321 = tpu.memref_slice %arg7[%dma_start3A_317, %dma_start3A_318, %dma_start3A_319, %dma_start3A_320] : memref<2x12x2x80xi32, #tpu.memory_space<vmem>> -> memref<1x1x1x80xi32, #tpu.memory_space<vmem>>
          %dma_start3A_322 = tpu.memref_squeeze %dma_start3A_321 : memref<1x1x1x80xi32, #tpu.memory_space<vmem>> -> memref<80xi32, #tpu.memory_space<vmem>>
          %dma_start3A_323 = arith.constant 0 : i32
          %dma_start3A_324 = arith.constant 0 : i32
          %dma_start3A_325 = tpu.memref_slice %arg2[%dma_start3A_323, %dma_start3A_324] : memref<20000x128xf32, #tpu.memory_space<hbm>> -> memref<20000x128xf32, #tpu.memory_space<hbm>>
          tpu.enqueue_indirect_dma source(%dma_start3A_325 : memref<20000x128xf32, #tpu.memory_space<hbm>>) target(%arg8 : memref<80x128xf32, #tpu.memory_space<vmem>>) offsets(%dma_start3A_322 : memref<80xi32, #tpu.memory_space<vmem>>) semaphore(%arg13 : memref<!tpu.dma_semaphore, #tpu.memory_space<semaphore_mem>>)
        } else {
        }
      } else {
      }
      %add3A_178 = arith.constant 11 : i32
      %add3A_179 = arith.addi %mul3A_79, %add3A_178 : i32
      %lt3A_180 = arith.constant 250 : i32
      %lt3A_181 = arith.cmpi slt, %add3A_179, %lt3A_180 : i32
      %convert_element_type3A_182 = arith.extui %lt3A_181 : i1 to i32
      %cond3A_183 = arith.constant 0 : i32
      %cond3A_184 = arith.cmpi ne, %convert_element_type3A_182, %cond3A_183 : i32
      scf.if %cond3A_184 {
        %dma_wait3A_291 = arith.constant 0 : i32
        %dma_wait3A_292 = arith.constant 0 : i32
        %dma_wait3A_293 = tpu.memref_slice %arg2[%dma_wait3A_291, %dma_wait3A_292] : memref<20000x128xf32, #tpu.memory_space<hbm>> -> memref<80x128xf32, #tpu.memory_space<hbm>>
        %dma_wait3A_294 = arith.constant 0 : i32
        %dma_wait3A_295 = arith.constant 0 : i32
        %dma_wait3A_296 = tpu.memref_slice %arg2[%dma_wait3A_294, %dma_wait3A_295] : memref<20000x128xf32, #tpu.memory_space<hbm>> -> memref<80x128xf32, #tpu.memory_space<hbm>>
        tpu.wait_dma2 semaphore(%arg16 : memref<!tpu.dma_semaphore, #tpu.memory_space<semaphore_mem>>) src(%dma_wait3A_296 : memref<80x128xf32, #tpu.memory_space<hbm>>) dst(%arg11 : memref<80x128xf32, #tpu.memory_space<vmem>>)
        %dma_start3A_297 = arith.constant 0 : i32
        %dma_start3A_298 = arith.constant 11 : i32
        %dma_start3A_299 = arith.constant 1 : i32
        %dma_start3A_300 = arith.constant 0 : i32
        %dma_start3A_301 = tpu.memref_slice %arg7[%dma_start3A_297, %dma_start3A_298, %dma_start3A_299, %dma_start3A_300] : memref<2x12x2x80xi32, #tpu.memory_space<vmem>> -> memref<1x1x1x80xi32, #tpu.memory_space<vmem>>
        %dma_start3A_302 = tpu.memref_squeeze %dma_start3A_301 : memref<1x1x1x80xi32, #tpu.memory_space<vmem>> -> memref<80xi32, #tpu.memory_space<vmem>>
        %dma_start3A_303 = arith.constant 0 : i32
        %dma_start3A_304 = arith.constant 0 : i32
        %dma_start3A_305 = tpu.memref_slice %arg12[%dma_start3A_303, %dma_start3A_304] : memref<10000x128xf32, #tpu.memory_space<vmem_shared>> -> memref<10000x128xf32, #tpu.memory_space<vmem_shared>>
        tpu.enqueue_indirect_dma source(%arg11 : memref<80x128xf32, #tpu.memory_space<vmem>>) target(%dma_start3A_305 : memref<10000x128xf32, #tpu.memory_space<vmem_shared>>) offsets(%dma_start3A_302 : memref<80xi32, #tpu.memory_space<vmem>>) semaphore(%arg20 : memref<!tpu.dma_semaphore, #tpu.memory_space<semaphore_mem>>) {add = true}
        %add3A_306 = arith.constant 2 : i32
        %add3A_307 = arith.addi %add3A_179, %add3A_306 : i32
        %lt3A_308 = arith.constant 250 : i32
        %lt3A_309 = arith.cmpi slt, %add3A_307, %lt3A_308 : i32
        %convert_element_type3A_310 = arith.extui %lt3A_309 : i1 to i32
        %cond3A_311 = arith.constant 0 : i32
        %cond3A_312 = arith.cmpi ne, %convert_element_type3A_310, %cond3A_311 : i32
        scf.if %cond3A_312 {
          %ge3A = arith.constant 4 : i32
          %ge3A_313 = arith.cmpi sge, %add3A_307, %ge3A : i32
          %convert_element_type3A_314 = arith.extui %ge3A_313 : i1 to i32
          %cond3A_315 = arith.constant 0 : i32
          %cond3A_316 = arith.cmpi ne, %convert_element_type3A_314, %cond3A_315 : i32
          scf.if %cond3A_316 {
            %dma_wait3A_326 = arith.constant 0 : i32
            %dma_wait3A_327 = arith.constant 0 : i32
            %dma_wait3A_328 = tpu.memref_slice %arg5[%dma_wait3A_326, %dma_wait3A_327] : memref<10000x128xf32, #tpu.memory_space<hbm>> -> memref<80x128xf32, #tpu.memory_space<hbm>>
            %dma_wait3A_329 = arith.constant 0 : i32
            %dma_wait3A_330 = arith.constant 0 : i32
            %dma_wait3A_331 = tpu.memref_slice %arg5[%dma_wait3A_329, %dma_wait3A_330] : memref<10000x128xf32, #tpu.memory_space<hbm>> -> memref<80x128xf32, #tpu.memory_space<hbm>>
            tpu.wait_dma2 semaphore(%arg18 : memref<!tpu.dma_semaphore, #tpu.memory_space<semaphore_mem>>) src(%dma_wait3A_331 : memref<80x128xf32, #tpu.memory_space<hbm>>) dst(%arg9 : memref<80x128xf32, #tpu.memory_space<vmem>>)
          } else {
          }
          %dma_start3A_317 = arith.constant 1 : i32
          %dma_start3A_318 = arith.constant 1 : i32
          %dma_start3A_319 = arith.constant 0 : i32
          %dma_start3A_320 = arith.constant 0 : i32
          %dma_start3A_321 = tpu.memref_slice %arg7[%dma_start3A_317, %dma_start3A_318, %dma_start3A_319, %dma_start3A_320] : memref<2x12x2x80xi32, #tpu.memory_space<vmem>> -> memref<1x1x1x80xi32, #tpu.memory_space<vmem>>
          %dma_start3A_322 = tpu.memref_squeeze %dma_start3A_321 : memref<1x1x1x80xi32, #tpu.memory_space<vmem>> -> memref<80xi32, #tpu.memory_space<vmem>>
          %dma_start3A_323 = arith.constant 0 : i32
          %dma_start3A_324 = arith.constant 0 : i32
          %dma_start3A_325 = tpu.memref_slice %arg2[%dma_start3A_323, %dma_start3A_324] : memref<20000x128xf32, #tpu.memory_space<hbm>> -> memref<20000x128xf32, #tpu.memory_space<hbm>>
          tpu.enqueue_indirect_dma source(%dma_start3A_325 : memref<20000x128xf32, #tpu.memory_space<hbm>>) target(%arg9 : memref<80x128xf32, #tpu.memory_space<vmem>>) offsets(%dma_start3A_322 : memref<80xi32, #tpu.memory_space<vmem>>) semaphore(%arg14 : memref<!tpu.dma_semaphore, #tpu.memory_space<semaphore_mem>>)
        } else {
        }
      } else {
      }
      %add3A_185 = arith.constant 12 : i32
      %add3A_186 = arith.addi %mul3A_79, %add3A_185 : i32
      %lt3A_187 = arith.constant 250 : i32
      %lt3A_188 = arith.cmpi slt, %add3A_186, %lt3A_187 : i32
      %convert_element_type3A_189 = arith.extui %lt3A_188 : i1 to i32
      %cond3A_190 = arith.constant 0 : i32
      %cond3A_191 = arith.cmpi ne, %convert_element_type3A_189, %cond3A_190 : i32
      scf.if %cond3A_191 {
        %dma_wait3A_291 = arith.constant 0 : i32
        %dma_wait3A_292 = arith.constant 0 : i32
        %dma_wait3A_293 = tpu.memref_slice %arg2[%dma_wait3A_291, %dma_wait3A_292] : memref<20000x128xf32, #tpu.memory_space<hbm>> -> memref<80x128xf32, #tpu.memory_space<hbm>>
        %dma_wait3A_294 = arith.constant 0 : i32
        %dma_wait3A_295 = arith.constant 0 : i32
        %dma_wait3A_296 = tpu.memref_slice %arg2[%dma_wait3A_294, %dma_wait3A_295] : memref<20000x128xf32, #tpu.memory_space<hbm>> -> memref<80x128xf32, #tpu.memory_space<hbm>>
        tpu.wait_dma2 semaphore(%arg13 : memref<!tpu.dma_semaphore, #tpu.memory_space<semaphore_mem>>) src(%dma_wait3A_296 : memref<80x128xf32, #tpu.memory_space<hbm>>) dst(%arg8 : memref<80x128xf32, #tpu.memory_space<vmem>>)
        %dma_start3A_297 = arith.constant 1 : i32
        %dma_start3A_298 = arith.constant 0 : i32
        %dma_start3A_299 = arith.constant 1 : i32
        %dma_start3A_300 = arith.constant 0 : i32
        %dma_start3A_301 = tpu.memref_slice %arg7[%dma_start3A_297, %dma_start3A_298, %dma_start3A_299, %dma_start3A_300] : memref<2x12x2x80xi32, #tpu.memory_space<vmem>> -> memref<1x1x1x80xi32, #tpu.memory_space<vmem>>
        %dma_start3A_302 = tpu.memref_squeeze %dma_start3A_301 : memref<1x1x1x80xi32, #tpu.memory_space<vmem>> -> memref<80xi32, #tpu.memory_space<vmem>>
        %dma_start3A_303 = arith.constant 0 : i32
        %dma_start3A_304 = arith.constant 0 : i32
        %dma_start3A_305 = tpu.memref_slice %arg12[%dma_start3A_303, %dma_start3A_304] : memref<10000x128xf32, #tpu.memory_space<vmem_shared>> -> memref<10000x128xf32, #tpu.memory_space<vmem_shared>>
        tpu.enqueue_indirect_dma source(%arg8 : memref<80x128xf32, #tpu.memory_space<vmem>>) target(%dma_start3A_305 : memref<10000x128xf32, #tpu.memory_space<vmem_shared>>) offsets(%dma_start3A_302 : memref<80xi32, #tpu.memory_space<vmem>>) semaphore(%arg17 : memref<!tpu.dma_semaphore, #tpu.memory_space<semaphore_mem>>) {add = true}
        %add3A_306 = arith.constant 2 : i32
        %add3A_307 = arith.addi %add3A_186, %add3A_306 : i32
        %lt3A_308 = arith.constant 250 : i32
        %lt3A_309 = arith.cmpi slt, %add3A_307, %lt3A_308 : i32
        %convert_element_type3A_310 = arith.extui %lt3A_309 : i1 to i32
        %cond3A_311 = arith.constant 0 : i32
        %cond3A_312 = arith.cmpi ne, %convert_element_type3A_310, %cond3A_311 : i32
        scf.if %cond3A_312 {
          %ge3A = arith.constant 4 : i32
          %ge3A_313 = arith.cmpi sge, %add3A_307, %ge3A : i32
          %convert_element_type3A_314 = arith.extui %ge3A_313 : i1 to i32
          %cond3A_315 = arith.constant 0 : i32
          %cond3A_316 = arith.cmpi ne, %convert_element_type3A_314, %cond3A_315 : i32
          scf.if %cond3A_316 {
            %dma_wait3A_326 = arith.constant 0 : i32
            %dma_wait3A_327 = arith.constant 0 : i32
            %dma_wait3A_328 = tpu.memref_slice %arg5[%dma_wait3A_326, %dma_wait3A_327] : memref<10000x128xf32, #tpu.memory_space<hbm>> -> memref<80x128xf32, #tpu.memory_space<hbm>>
            %dma_wait3A_329 = arith.constant 0 : i32
            %dma_wait3A_330 = arith.constant 0 : i32
            %dma_wait3A_331 = tpu.memref_slice %arg5[%dma_wait3A_329, %dma_wait3A_330] : memref<10000x128xf32, #tpu.memory_space<hbm>> -> memref<80x128xf32, #tpu.memory_space<hbm>>
            tpu.wait_dma2 semaphore(%arg19 : memref<!tpu.dma_semaphore, #tpu.memory_space<semaphore_mem>>) src(%dma_wait3A_331 : memref<80x128xf32, #tpu.memory_space<hbm>>) dst(%arg10 : memref<80x128xf32, #tpu.memory_space<vmem>>)
          } else {
          }
          %dma_start3A_317 = arith.constant 1 : i32
          %dma_start3A_318 = arith.constant 2 : i32
          %dma_start3A_319 = arith.constant 0 : i32
          %dma_start3A_320 = arith.constant 0 : i32
          %dma_start3A_321 = tpu.memref_slice %arg7[%dma_start3A_317, %dma_start3A_318, %dma_start3A_319, %dma_start3A_320] : memref<2x12x2x80xi32, #tpu.memory_space<vmem>> -> memref<1x1x1x80xi32, #tpu.memory_space<vmem>>
          %dma_start3A_322 = tpu.memref_squeeze %dma_start3A_321 : memref<1x1x1x80xi32, #tpu.memory_space<vmem>> -> memref<80xi32, #tpu.memory_space<vmem>>
          %dma_start3A_323 = arith.constant 0 : i32
          %dma_start3A_324 = arith.constant 0 : i32
          %dma_start3A_325 = tpu.memref_slice %arg2[%dma_start3A_323, %dma_start3A_324] : memref<20000x128xf32, #tpu.memory_space<hbm>> -> memref<20000x128xf32, #tpu.memory_space<hbm>>
          tpu.enqueue_indirect_dma source(%dma_start3A_325 : memref<20000x128xf32, #tpu.memory_space<hbm>>) target(%arg10 : memref<80x128xf32, #tpu.memory_space<vmem>>) offsets(%dma_start3A_322 : memref<80xi32, #tpu.memory_space<vmem>>) semaphore(%arg15 : memref<!tpu.dma_semaphore, #tpu.memory_space<semaphore_mem>>)
        } else {
        }
      } else {
      }
      %add3A_192 = arith.constant 13 : i32
      %add3A_193 = arith.addi %mul3A_79, %add3A_192 : i32
      %lt3A_194 = arith.constant 250 : i32
      %lt3A_195 = arith.cmpi slt, %add3A_193, %lt3A_194 : i32
      %convert_element_type3A_196 = arith.extui %lt3A_195 : i1 to i32
      %cond3A_197 = arith.constant 0 : i32
      %cond3A_198 = arith.cmpi ne, %convert_element_type3A_196, %cond3A_197 : i32
      scf.if %cond3A_198 {
        %dma_wait3A_291 = arith.constant 0 : i32
        %dma_wait3A_292 = arith.constant 0 : i32
        %dma_wait3A_293 = tpu.memref_slice %arg2[%dma_wait3A_291, %dma_wait3A_292] : memref<20000x128xf32, #tpu.memory_space<hbm>> -> memref<80x128xf32, #tpu.memory_space<hbm>>
        %dma_wait3A_294 = arith.constant 0 : i32
        %dma_wait3A_295 = arith.constant 0 : i32
        %dma_wait3A_296 = tpu.memref_slice %arg2[%dma_wait3A_294, %dma_wait3A_295] : memref<20000x128xf32, #tpu.memory_space<hbm>> -> memref<80x128xf32, #tpu.memory_space<hbm>>
        tpu.wait_dma2 semaphore(%arg14 : memref<!tpu.dma_semaphore, #tpu.memory_space<semaphore_mem>>) src(%dma_wait3A_296 : memref<80x128xf32, #tpu.memory_space<hbm>>) dst(%arg9 : memref<80x128xf32, #tpu.memory_space<vmem>>)
        %dma_start3A_297 = arith.constant 1 : i32
        %dma_start3A_298 = arith.constant 1 : i32
        %dma_start3A_299 = arith.constant 1 : i32
        %dma_start3A_300 = arith.constant 0 : i32
        %dma_start3A_301 = tpu.memref_slice %arg7[%dma_start3A_297, %dma_start3A_298, %dma_start3A_299, %dma_start3A_300] : memref<2x12x2x80xi32, #tpu.memory_space<vmem>> -> memref<1x1x1x80xi32, #tpu.memory_space<vmem>>
        %dma_start3A_302 = tpu.memref_squeeze %dma_start3A_301 : memref<1x1x1x80xi32, #tpu.memory_space<vmem>> -> memref<80xi32, #tpu.memory_space<vmem>>
        %dma_start3A_303 = arith.constant 0 : i32
        %dma_start3A_304 = arith.constant 0 : i32
        %dma_start3A_305 = tpu.memref_slice %arg12[%dma_start3A_303, %dma_start3A_304] : memref<10000x128xf32, #tpu.memory_space<vmem_shared>> -> memref<10000x128xf32, #tpu.memory_space<vmem_shared>>
        tpu.enqueue_indirect_dma source(%arg9 : memref<80x128xf32, #tpu.memory_space<vmem>>) target(%dma_start3A_305 : memref<10000x128xf32, #tpu.memory_space<vmem_shared>>) offsets(%dma_start3A_302 : memref<80xi32, #tpu.memory_space<vmem>>) semaphore(%arg18 : memref<!tpu.dma_semaphore, #tpu.memory_space<semaphore_mem>>) {add = true}
        %add3A_306 = arith.constant 2 : i32
        %add3A_307 = arith.addi %add3A_193, %add3A_306 : i32
        %lt3A_308 = arith.constant 250 : i32
        %lt3A_309 = arith.cmpi slt, %add3A_307, %lt3A_308 : i32
        %convert_element_type3A_310 = arith.extui %lt3A_309 : i1 to i32
        %cond3A_311 = arith.constant 0 : i32
        %cond3A_312 = arith.cmpi ne, %convert_element_type3A_310, %cond3A_311 : i32
        scf.if %cond3A_312 {
          %ge3A = arith.constant 4 : i32
          %ge3A_313 = arith.cmpi sge, %add3A_307, %ge3A : i32
          %convert_element_type3A_314 = arith.extui %ge3A_313 : i1 to i32
          %cond3A_315 = arith.constant 0 : i32
          %cond3A_316 = arith.cmpi ne, %convert_element_type3A_314, %cond3A_315 : i32
          scf.if %cond3A_316 {
            %dma_wait3A_326 = arith.constant 0 : i32
            %dma_wait3A_327 = arith.constant 0 : i32
            %dma_wait3A_328 = tpu.memref_slice %arg5[%dma_wait3A_326, %dma_wait3A_327] : memref<10000x128xf32, #tpu.memory_space<hbm>> -> memref<80x128xf32, #tpu.memory_space<hbm>>
            %dma_wait3A_329 = arith.constant 0 : i32
            %dma_wait3A_330 = arith.constant 0 : i32
            %dma_wait3A_331 = tpu.memref_slice %arg5[%dma_wait3A_329, %dma_wait3A_330] : memref<10000x128xf32, #tpu.memory_space<hbm>> -> memref<80x128xf32, #tpu.memory_space<hbm>>
            tpu.wait_dma2 semaphore(%arg20 : memref<!tpu.dma_semaphore, #tpu.memory_space<semaphore_mem>>) src(%dma_wait3A_331 : memref<80x128xf32, #tpu.memory_space<hbm>>) dst(%arg11 : memref<80x128xf32, #tpu.memory_space<vmem>>)
          } else {
          }
          %dma_start3A_317 = arith.constant 1 : i32
          %dma_start3A_318 = arith.constant 3 : i32
          %dma_start3A_319 = arith.constant 0 : i32
          %dma_start3A_320 = arith.constant 0 : i32
          %dma_start3A_321 = tpu.memref_slice %arg7[%dma_start3A_317, %dma_start3A_318, %dma_start3A_319, %dma_start3A_320] : memref<2x12x2x80xi32, #tpu.memory_space<vmem>> -> memref<1x1x1x80xi32, #tpu.memory_space<vmem>>
          %dma_start3A_322 = tpu.memref_squeeze %dma_start3A_321 : memref<1x1x1x80xi32, #tpu.memory_space<vmem>> -> memref<80xi32, #tpu.memory_space<vmem>>
          %dma_start3A_323 = arith.constant 0 : i32
          %dma_start3A_324 = arith.constant 0 : i32
          %dma_start3A_325 = tpu.memref_slice %arg2[%dma_start3A_323, %dma_start3A_324] : memref<20000x128xf32, #tpu.memory_space<hbm>> -> memref<20000x128xf32, #tpu.memory_space<hbm>>
          tpu.enqueue_indirect_dma source(%dma_start3A_325 : memref<20000x128xf32, #tpu.memory_space<hbm>>) target(%arg11 : memref<80x128xf32, #tpu.memory_space<vmem>>) offsets(%dma_start3A_322 : memref<80xi32, #tpu.memory_space<vmem>>) semaphore(%arg16 : memref<!tpu.dma_semaphore, #tpu.memory_space<semaphore_mem>>)
        } else {
        }
      } else {
      }
      %add3A_199 = arith.constant 14 : i32
      %add3A_200 = arith.addi %mul3A_79, %add3A_199 : i32
      %mul3A_201 = arith.constant 2 : i32
      %mul3A_202 = arith.muli %mul3A_201, %scan3A_77 : i32
      %add3A_203 = arith.constant 2 : i32
      %add3A_204 = arith.addi %mul3A_202, %add3A_203 : i32
      %mul3A_205 = arith.constant 12 : i32
      %mul3A_206 = arith.muli %add3A_204, %mul3A_205 : i32
      %lt3A_207 = arith.constant 250 : i32
      %lt3A_208 = arith.cmpi slt, %mul3A_206, %lt3A_207 : i32
      %convert_element_type3A_209 = arith.extui %lt3A_208 : i1 to i32
      %cond3A_210 = arith.constant 0 : i32
      %cond3A_211 = arith.cmpi ne, %convert_element_type3A_209, %cond3A_210 : i32
      scf.if %cond3A_211 {
        %mul3A_291 = arith.constant 2 : i32
        %mul3A_292 = arith.muli %mul3A_291, %scan3A_77 : i32
        %add3A_293 = arith.constant 2 : i32
        %add3A_294 = arith.addi %mul3A_292, %add3A_293 : i32
        %eq3A_295 = arith.constant 0 : i32
        %eq3A_296 = arith.cmpi eq, %arg0, %eq3A_295 : i32
        %convert_element_type3A_297 = arith.extui %eq3A_296 : i1 to i32
        %cond3A_298 = arith.constant 0 : i32
        %cond3A_299 = arith.cmpi ne, %convert_element_type3A_297, %cond3A_298 : i32
        scf.if %cond3A_299 {
          %mul3A_305 = arith.constant 12 : i32
          %mul3A_306 = arith.muli %add3A_294, %mul3A_305 : i32
          %add3A_307 = arith.addi %mul3A_2, %mul3A_306 : i32
          %dma_start3A_308 = arith.constant 0 : i32
          %dma_start3A_309 = arith.constant 0 : i32
          %dma_start3A_310 = arith.constant 0 : i32
          %dma_start3A_311 = arith.constant 0 : i32
          %dma_start3A_312 = tpu.memref_slice %arg7[%dma_start3A_308, %dma_start3A_309, %dma_start3A_310, %dma_start3A_311] : memref<2x12x2x80xi32, #tpu.memory_space<vmem>> -> memref<1x12x2x80xi32, #tpu.memory_space<vmem>>
          %dma_start3A_313 = tpu.memref_squeeze %dma_start3A_312 : memref<1x12x2x80xi32, #tpu.memory_space<vmem>> -> memref<12x2x80xi32, #tpu.memory_space<vmem>>
          %dma_start3A_314 = arith.constant 0 : i32
          %dma_start3A_315 = arith.constant 0 : i32
          %dma_start3A_316 = tpu.memref_slice %arg3[%add3A_307, %dma_start3A_314, %dma_start3A_315] : memref<4002x2x80xi32, #tpu.memory_space<hbm>> -> memref<12x2x80xi32, #tpu.memory_space<hbm>>
          %dma_start3A_317 = arith.constant 0 : i32
          %dma_start3A_318 = arith.constant 0 : i32
          %dma_start3A_319 = arith.constant 0 : i32
          %dma_start3A_320 = tpu.memref_slice %arg7[%dma_start3A_308, %dma_start3A_317, %dma_start3A_318, %dma_start3A_319] : memref<2x12x2x80xi32, #tpu.memory_space<vmem>> -> memref<1x12x2x80xi32, #tpu.memory_space<vmem>>
          %dma_start3A_321 = tpu.memref_squeeze %dma_start3A_320 : memref<1x12x2x80xi32, #tpu.memory_space<vmem>> -> memref<12x2x80xi32, #tpu.memory_space<vmem>>
          %dma_start3A_322 = arith.constant 0 : i32
          %dma_start3A_323 = arith.constant 0 : i32
          %dma_start3A_324 = tpu.memref_slice %arg3[%add3A_307, %dma_start3A_322, %dma_start3A_323] : memref<4002x2x80xi32, #tpu.memory_space<hbm>> -> memref<12x2x80xi32, #tpu.memory_space<hbm>>
          tpu.enqueue_dma source(%dma_start3A_324 : memref<12x2x80xi32, #tpu.memory_space<hbm>>) target(%dma_start3A_321 : memref<12x2x80xi32, #tpu.memory_space<vmem>>) target_semaphore(%arg21 : memref<!tpu.dma_semaphore, #tpu.memory_space<semaphore_mem>>)
        } else {
        }
        %eq3A_300 = arith.constant 1 : i32
        %eq3A_301 = arith.cmpi eq, %arg0, %eq3A_300 : i32
        %convert_element_type3A_302 = arith.extui %eq3A_301 : i1 to i32
        %cond3A_303 = arith.constant 0 : i32
        %cond3A_304 = arith.cmpi ne, %convert_element_type3A_302, %cond3A_303 : i32
        scf.if %cond3A_304 {
          %mul3A_305 = arith.constant 12 : i32
          %mul3A_306 = arith.muli %add3A_294, %mul3A_305 : i32
          %add3A_307 = arith.addi %mul3A_2, %mul3A_306 : i32
          %dma_start3A_308 = arith.constant 0 : i32
          %dma_start3A_309 = arith.constant 0 : i32
          %dma_start3A_310 = arith.constant 0 : i32
          %dma_start3A_311 = arith.constant 0 : i32
          %dma_start3A_312 = tpu.memref_slice %arg7[%dma_start3A_308, %dma_start3A_309, %dma_start3A_310, %dma_start3A_311] : memref<2x12x2x80xi32, #tpu.memory_space<vmem>> -> memref<1x12x2x80xi32, #tpu.memory_space<vmem>>
          %dma_start3A_313 = tpu.memref_squeeze %dma_start3A_312 : memref<1x12x2x80xi32, #tpu.memory_space<vmem>> -> memref<12x2x80xi32, #tpu.memory_space<vmem>>
          %dma_start3A_314 = arith.constant 0 : i32
          %dma_start3A_315 = arith.constant 0 : i32
          %dma_start3A_316 = tpu.memref_slice %arg4[%add3A_307, %dma_start3A_314, %dma_start3A_315] : memref<4002x2x80xi32, #tpu.memory_space<hbm>> -> memref<12x2x80xi32, #tpu.memory_space<hbm>>
          %dma_start3A_317 = arith.constant 0 : i32
          %dma_start3A_318 = arith.constant 0 : i32
          %dma_start3A_319 = arith.constant 0 : i32
          %dma_start3A_320 = tpu.memref_slice %arg7[%dma_start3A_308, %dma_start3A_317, %dma_start3A_318, %dma_start3A_319] : memref<2x12x2x80xi32, #tpu.memory_space<vmem>> -> memref<1x12x2x80xi32, #tpu.memory_space<vmem>>
          %dma_start3A_321 = tpu.memref_squeeze %dma_start3A_320 : memref<1x12x2x80xi32, #tpu.memory_space<vmem>> -> memref<12x2x80xi32, #tpu.memory_space<vmem>>
          %dma_start3A_322 = arith.constant 0 : i32
          %dma_start3A_323 = arith.constant 0 : i32
          %dma_start3A_324 = tpu.memref_slice %arg4[%add3A_307, %dma_start3A_322, %dma_start3A_323] : memref<4002x2x80xi32, #tpu.memory_space<hbm>> -> memref<12x2x80xi32, #tpu.memory_space<hbm>>
          tpu.enqueue_dma source(%dma_start3A_324 : memref<12x2x80xi32, #tpu.memory_space<hbm>>) target(%dma_start3A_321 : memref<12x2x80xi32, #tpu.memory_space<vmem>>) target_semaphore(%arg21 : memref<!tpu.dma_semaphore, #tpu.memory_space<semaphore_mem>>)
        } else {
        }
      } else {
      }
      %lt3A_212 = arith.constant 250 : i32
      %lt3A_213 = arith.cmpi slt, %add3A_200, %lt3A_212 : i32
      %convert_element_type3A_214 = arith.extui %lt3A_213 : i1 to i32
      %cond3A_215 = arith.constant 0 : i32
      %cond3A_216 = arith.cmpi ne, %convert_element_type3A_214, %cond3A_215 : i32
      scf.if %cond3A_216 {
        %dma_wait3A_291 = arith.constant 0 : i32
        %dma_wait3A_292 = arith.constant 0 : i32
        %dma_wait3A_293 = tpu.memref_slice %arg2[%dma_wait3A_291, %dma_wait3A_292] : memref<20000x128xf32, #tpu.memory_space<hbm>> -> memref<80x128xf32, #tpu.memory_space<hbm>>
        %dma_wait3A_294 = arith.constant 0 : i32
        %dma_wait3A_295 = arith.constant 0 : i32
        %dma_wait3A_296 = tpu.memref_slice %arg2[%dma_wait3A_294, %dma_wait3A_295] : memref<20000x128xf32, #tpu.memory_space<hbm>> -> memref<80x128xf32, #tpu.memory_space<hbm>>
        tpu.wait_dma2 semaphore(%arg15 : memref<!tpu.dma_semaphore, #tpu.memory_space<semaphore_mem>>) src(%dma_wait3A_296 : memref<80x128xf32, #tpu.memory_space<hbm>>) dst(%arg10 : memref<80x128xf32, #tpu.memory_space<vmem>>)
        %dma_start3A_297 = arith.constant 1 : i32
        %dma_start3A_298 = arith.constant 2 : i32
        %dma_start3A_299 = arith.constant 1 : i32
        %dma_start3A_300 = arith.constant 0 : i32
        %dma_start3A_301 = tpu.memref_slice %arg7[%dma_start3A_297, %dma_start3A_298, %dma_start3A_299, %dma_start3A_300] : memref<2x12x2x80xi32, #tpu.memory_space<vmem>> -> memref<1x1x1x80xi32, #tpu.memory_space<vmem>>
        %dma_start3A_302 = tpu.memref_squeeze %dma_start3A_301 : memref<1x1x1x80xi32, #tpu.memory_space<vmem>> -> memref<80xi32, #tpu.memory_space<vmem>>
        %dma_start3A_303 = arith.constant 0 : i32
        %dma_start3A_304 = arith.constant 0 : i32
        %dma_start3A_305 = tpu.memref_slice %arg12[%dma_start3A_303, %dma_start3A_304] : memref<10000x128xf32, #tpu.memory_space<vmem_shared>> -> memref<10000x128xf32, #tpu.memory_space<vmem_shared>>
        tpu.enqueue_indirect_dma source(%arg10 : memref<80x128xf32, #tpu.memory_space<vmem>>) target(%dma_start3A_305 : memref<10000x128xf32, #tpu.memory_space<vmem_shared>>) offsets(%dma_start3A_302 : memref<80xi32, #tpu.memory_space<vmem>>) semaphore(%arg19 : memref<!tpu.dma_semaphore, #tpu.memory_space<semaphore_mem>>) {add = true}
        %add3A_306 = arith.constant 2 : i32
        %add3A_307 = arith.addi %add3A_200, %add3A_306 : i32
        %lt3A_308 = arith.constant 250 : i32
        %lt3A_309 = arith.cmpi slt, %add3A_307, %lt3A_308 : i32
        %convert_element_type3A_310 = arith.extui %lt3A_309 : i1 to i32
        %cond3A_311 = arith.constant 0 : i32
        %cond3A_312 = arith.cmpi ne, %convert_element_type3A_310, %cond3A_311 : i32
        scf.if %cond3A_312 {
          %ge3A = arith.constant 4 : i32
          %ge3A_313 = arith.cmpi sge, %add3A_307, %ge3A : i32
          %convert_element_type3A_314 = arith.extui %ge3A_313 : i1 to i32
          %cond3A_315 = arith.constant 0 : i32
          %cond3A_316 = arith.cmpi ne, %convert_element_type3A_314, %cond3A_315 : i32
          scf.if %cond3A_316 {
            %dma_wait3A_326 = arith.constant 0 : i32
            %dma_wait3A_327 = arith.constant 0 : i32
            %dma_wait3A_328 = tpu.memref_slice %arg5[%dma_wait3A_326, %dma_wait3A_327] : memref<10000x128xf32, #tpu.memory_space<hbm>> -> memref<80x128xf32, #tpu.memory_space<hbm>>
            %dma_wait3A_329 = arith.constant 0 : i32
            %dma_wait3A_330 = arith.constant 0 : i32
            %dma_wait3A_331 = tpu.memref_slice %arg5[%dma_wait3A_329, %dma_wait3A_330] : memref<10000x128xf32, #tpu.memory_space<hbm>> -> memref<80x128xf32, #tpu.memory_space<hbm>>
            tpu.wait_dma2 semaphore(%arg17 : memref<!tpu.dma_semaphore, #tpu.memory_space<semaphore_mem>>) src(%dma_wait3A_331 : memref<80x128xf32, #tpu.memory_space<hbm>>) dst(%arg8 : memref<80x128xf32, #tpu.memory_space<vmem>>)
          } else {
          }
          %dma_start3A_317 = arith.constant 1 : i32
          %dma_start3A_318 = arith.constant 4 : i32
          %dma_start3A_319 = arith.constant 0 : i32
          %dma_start3A_320 = arith.constant 0 : i32
          %dma_start3A_321 = tpu.memref_slice %arg7[%dma_start3A_317, %dma_start3A_318, %dma_start3A_319, %dma_start3A_320] : memref<2x12x2x80xi32, #tpu.memory_space<vmem>> -> memref<1x1x1x80xi32, #tpu.memory_space<vmem>>
          %dma_start3A_322 = tpu.memref_squeeze %dma_start3A_321 : memref<1x1x1x80xi32, #tpu.memory_space<vmem>> -> memref<80xi32, #tpu.memory_space<vmem>>
          %dma_start3A_323 = arith.constant 0 : i32
          %dma_start3A_324 = arith.constant 0 : i32
          %dma_start3A_325 = tpu.memref_slice %arg2[%dma_start3A_323, %dma_start3A_324] : memref<20000x128xf32, #tpu.memory_space<hbm>> -> memref<20000x128xf32, #tpu.memory_space<hbm>>
          tpu.enqueue_indirect_dma source(%dma_start3A_325 : memref<20000x128xf32, #tpu.memory_space<hbm>>) target(%arg8 : memref<80x128xf32, #tpu.memory_space<vmem>>) offsets(%dma_start3A_322 : memref<80xi32, #tpu.memory_space<vmem>>) semaphore(%arg13 : memref<!tpu.dma_semaphore, #tpu.memory_space<semaphore_mem>>)
        } else {
        }
      } else {
      }
      %add3A_217 = arith.constant 15 : i32
      %add3A_218 = arith.addi %mul3A_79, %add3A_217 : i32
      %lt3A_219 = arith.constant 250 : i32
      %lt3A_220 = arith.cmpi slt, %add3A_218, %lt3A_219 : i32
      %convert_element_type3A_221 = arith.extui %lt3A_220 : i1 to i32
      %cond3A_222 = arith.constant 0 : i32
      %cond3A_223 = arith.cmpi ne, %convert_element_type3A_221, %cond3A_222 : i32
      scf.if %cond3A_223 {
        %dma_wait3A_291 = arith.constant 0 : i32
        %dma_wait3A_292 = arith.constant 0 : i32
        %dma_wait3A_293 = tpu.memref_slice %arg2[%dma_wait3A_291, %dma_wait3A_292] : memref<20000x128xf32, #tpu.memory_space<hbm>> -> memref<80x128xf32, #tpu.memory_space<hbm>>
        %dma_wait3A_294 = arith.constant 0 : i32
        %dma_wait3A_295 = arith.constant 0 : i32
        %dma_wait3A_296 = tpu.memref_slice %arg2[%dma_wait3A_294, %dma_wait3A_295] : memref<20000x128xf32, #tpu.memory_space<hbm>> -> memref<80x128xf32, #tpu.memory_space<hbm>>
        tpu.wait_dma2 semaphore(%arg16 : memref<!tpu.dma_semaphore, #tpu.memory_space<semaphore_mem>>) src(%dma_wait3A_296 : memref<80x128xf32, #tpu.memory_space<hbm>>) dst(%arg11 : memref<80x128xf32, #tpu.memory_space<vmem>>)
        %dma_start3A_297 = arith.constant 1 : i32
        %dma_start3A_298 = arith.constant 3 : i32
        %dma_start3A_299 = arith.constant 1 : i32
        %dma_start3A_300 = arith.constant 0 : i32
        %dma_start3A_301 = tpu.memref_slice %arg7[%dma_start3A_297, %dma_start3A_298, %dma_start3A_299, %dma_start3A_300] : memref<2x12x2x80xi32, #tpu.memory_space<vmem>> -> memref<1x1x1x80xi32, #tpu.memory_space<vmem>>
        %dma_start3A_302 = tpu.memref_squeeze %dma_start3A_301 : memref<1x1x1x80xi32, #tpu.memory_space<vmem>> -> memref<80xi32, #tpu.memory_space<vmem>>
        %dma_start3A_303 = arith.constant 0 : i32
        %dma_start3A_304 = arith.constant 0 : i32
        %dma_start3A_305 = tpu.memref_slice %arg12[%dma_start3A_303, %dma_start3A_304] : memref<10000x128xf32, #tpu.memory_space<vmem_shared>> -> memref<10000x128xf32, #tpu.memory_space<vmem_shared>>
        tpu.enqueue_indirect_dma source(%arg11 : memref<80x128xf32, #tpu.memory_space<vmem>>) target(%dma_start3A_305 : memref<10000x128xf32, #tpu.memory_space<vmem_shared>>) offsets(%dma_start3A_302 : memref<80xi32, #tpu.memory_space<vmem>>) semaphore(%arg20 : memref<!tpu.dma_semaphore, #tpu.memory_space<semaphore_mem>>) {add = true}
        %add3A_306 = arith.constant 2 : i32
        %add3A_307 = arith.addi %add3A_218, %add3A_306 : i32
        %lt3A_308 = arith.constant 250 : i32
        %lt3A_309 = arith.cmpi slt, %add3A_307, %lt3A_308 : i32
        %convert_element_type3A_310 = arith.extui %lt3A_309 : i1 to i32
        %cond3A_311 = arith.constant 0 : i32
        %cond3A_312 = arith.cmpi ne, %convert_element_type3A_310, %cond3A_311 : i32
        scf.if %cond3A_312 {
          %ge3A = arith.constant 4 : i32
          %ge3A_313 = arith.cmpi sge, %add3A_307, %ge3A : i32
          %convert_element_type3A_314 = arith.extui %ge3A_313 : i1 to i32
          %cond3A_315 = arith.constant 0 : i32
          %cond3A_316 = arith.cmpi ne, %convert_element_type3A_314, %cond3A_315 : i32
          scf.if %cond3A_316 {
            %dma_wait3A_326 = arith.constant 0 : i32
            %dma_wait3A_327 = arith.constant 0 : i32
            %dma_wait3A_328 = tpu.memref_slice %arg5[%dma_wait3A_326, %dma_wait3A_327] : memref<10000x128xf32, #tpu.memory_space<hbm>> -> memref<80x128xf32, #tpu.memory_space<hbm>>
            %dma_wait3A_329 = arith.constant 0 : i32
            %dma_wait3A_330 = arith.constant 0 : i32
            %dma_wait3A_331 = tpu.memref_slice %arg5[%dma_wait3A_329, %dma_wait3A_330] : memref<10000x128xf32, #tpu.memory_space<hbm>> -> memref<80x128xf32, #tpu.memory_space<hbm>>
            tpu.wait_dma2 semaphore(%arg18 : memref<!tpu.dma_semaphore, #tpu.memory_space<semaphore_mem>>) src(%dma_wait3A_331 : memref<80x128xf32, #tpu.memory_space<hbm>>) dst(%arg9 : memref<80x128xf32, #tpu.memory_space<vmem>>)
          } else {
          }
          %dma_start3A_317 = arith.constant 1 : i32
          %dma_start3A_318 = arith.constant 5 : i32
          %dma_start3A_319 = arith.constant 0 : i32
          %dma_start3A_320 = arith.constant 0 : i32
          %dma_start3A_321 = tpu.memref_slice %arg7[%dma_start3A_317, %dma_start3A_318, %dma_start3A_319, %dma_start3A_320] : memref<2x12x2x80xi32, #tpu.memory_space<vmem>> -> memref<1x1x1x80xi32, #tpu.memory_space<vmem>>
          %dma_start3A_322 = tpu.memref_squeeze %dma_start3A_321 : memref<1x1x1x80xi32, #tpu.memory_space<vmem>> -> memref<80xi32, #tpu.memory_space<vmem>>
          %dma_start3A_323 = arith.constant 0 : i32
          %dma_start3A_324 = arith.constant 0 : i32
          %dma_start3A_325 = tpu.memref_slice %arg2[%dma_start3A_323, %dma_start3A_324] : memref<20000x128xf32, #tpu.memory_space<hbm>> -> memref<20000x128xf32, #tpu.memory_space<hbm>>
          tpu.enqueue_indirect_dma source(%dma_start3A_325 : memref<20000x128xf32, #tpu.memory_space<hbm>>) target(%arg9 : memref<80x128xf32, #tpu.memory_space<vmem>>) offsets(%dma_start3A_322 : memref<80xi32, #tpu.memory_space<vmem>>) semaphore(%arg14 : memref<!tpu.dma_semaphore, #tpu.memory_space<semaphore_mem>>)
        } else {
        }
      } else {
      }
      %add3A_224 = arith.constant 16 : i32
      %add3A_225 = arith.addi %mul3A_79, %add3A_224 : i32
      %lt3A_226 = arith.constant 250 : i32
      %lt3A_227 = arith.cmpi slt, %add3A_225, %lt3A_226 : i32
      %convert_element_type3A_228 = arith.extui %lt3A_227 : i1 to i32
      %cond3A_229 = arith.constant 0 : i32
      %cond3A_230 = arith.cmpi ne, %convert_element_type3A_228, %cond3A_229 : i32
      scf.if %cond3A_230 {
        %dma_wait3A_291 = arith.constant 0 : i32
        %dma_wait3A_292 = arith.constant 0 : i32
        %dma_wait3A_293 = tpu.memref_slice %arg2[%dma_wait3A_291, %dma_wait3A_292] : memref<20000x128xf32, #tpu.memory_space<hbm>> -> memref<80x128xf32, #tpu.memory_space<hbm>>
        %dma_wait3A_294 = arith.constant 0 : i32
        %dma_wait3A_295 = arith.constant 0 : i32
        %dma_wait3A_296 = tpu.memref_slice %arg2[%dma_wait3A_294, %dma_wait3A_295] : memref<20000x128xf32, #tpu.memory_space<hbm>> -> memref<80x128xf32, #tpu.memory_space<hbm>>
        tpu.wait_dma2 semaphore(%arg13 : memref<!tpu.dma_semaphore, #tpu.memory_space<semaphore_mem>>) src(%dma_wait3A_296 : memref<80x128xf32, #tpu.memory_space<hbm>>) dst(%arg8 : memref<80x128xf32, #tpu.memory_space<vmem>>)
        %dma_start3A_297 = arith.constant 1 : i32
        %dma_start3A_298 = arith.constant 4 : i32
        %dma_start3A_299 = arith.constant 1 : i32
        %dma_start3A_300 = arith.constant 0 : i32
        %dma_start3A_301 = tpu.memref_slice %arg7[%dma_start3A_297, %dma_start3A_298, %dma_start3A_299, %dma_start3A_300] : memref<2x12x2x80xi32, #tpu.memory_space<vmem>> -> memref<1x1x1x80xi32, #tpu.memory_space<vmem>>
        %dma_start3A_302 = tpu.memref_squeeze %dma_start3A_301 : memref<1x1x1x80xi32, #tpu.memory_space<vmem>> -> memref<80xi32, #tpu.memory_space<vmem>>
        %dma_start3A_303 = arith.constant 0 : i32
        %dma_start3A_304 = arith.constant 0 : i32
        %dma_start3A_305 = tpu.memref_slice %arg12[%dma_start3A_303, %dma_start3A_304] : memref<10000x128xf32, #tpu.memory_space<vmem_shared>> -> memref<10000x128xf32, #tpu.memory_space<vmem_shared>>
        tpu.enqueue_indirect_dma source(%arg8 : memref<80x128xf32, #tpu.memory_space<vmem>>) target(%dma_start3A_305 : memref<10000x128xf32, #tpu.memory_space<vmem_shared>>) offsets(%dma_start3A_302 : memref<80xi32, #tpu.memory_space<vmem>>) semaphore(%arg17 : memref<!tpu.dma_semaphore, #tpu.memory_space<semaphore_mem>>) {add = true}
        %add3A_306 = arith.constant 2 : i32
        %add3A_307 = arith.addi %add3A_225, %add3A_306 : i32
        %lt3A_308 = arith.constant 250 : i32
        %lt3A_309 = arith.cmpi slt, %add3A_307, %lt3A_308 : i32
        %convert_element_type3A_310 = arith.extui %lt3A_309 : i1 to i32
        %cond3A_311 = arith.constant 0 : i32
        %cond3A_312 = arith.cmpi ne, %convert_element_type3A_310, %cond3A_311 : i32
        scf.if %cond3A_312 {
          %ge3A = arith.constant 4 : i32
          %ge3A_313 = arith.cmpi sge, %add3A_307, %ge3A : i32
          %convert_element_type3A_314 = arith.extui %ge3A_313 : i1 to i32
          %cond3A_315 = arith.constant 0 : i32
          %cond3A_316 = arith.cmpi ne, %convert_element_type3A_314, %cond3A_315 : i32
          scf.if %cond3A_316 {
            %dma_wait3A_326 = arith.constant 0 : i32
            %dma_wait3A_327 = arith.constant 0 : i32
            %dma_wait3A_328 = tpu.memref_slice %arg5[%dma_wait3A_326, %dma_wait3A_327] : memref<10000x128xf32, #tpu.memory_space<hbm>> -> memref<80x128xf32, #tpu.memory_space<hbm>>
            %dma_wait3A_329 = arith.constant 0 : i32
            %dma_wait3A_330 = arith.constant 0 : i32
            %dma_wait3A_331 = tpu.memref_slice %arg5[%dma_wait3A_329, %dma_wait3A_330] : memref<10000x128xf32, #tpu.memory_space<hbm>> -> memref<80x128xf32, #tpu.memory_space<hbm>>
            tpu.wait_dma2 semaphore(%arg19 : memref<!tpu.dma_semaphore, #tpu.memory_space<semaphore_mem>>) src(%dma_wait3A_331 : memref<80x128xf32, #tpu.memory_space<hbm>>) dst(%arg10 : memref<80x128xf32, #tpu.memory_space<vmem>>)
          } else {
          }
          %dma_start3A_317 = arith.constant 1 : i32
          %dma_start3A_318 = arith.constant 6 : i32
          %dma_start3A_319 = arith.constant 0 : i32
          %dma_start3A_320 = arith.constant 0 : i32
          %dma_start3A_321 = tpu.memref_slice %arg7[%dma_start3A_317, %dma_start3A_318, %dma_start3A_319, %dma_start3A_320] : memref<2x12x2x80xi32, #tpu.memory_space<vmem>> -> memref<1x1x1x80xi32, #tpu.memory_space<vmem>>
          %dma_start3A_322 = tpu.memref_squeeze %dma_start3A_321 : memref<1x1x1x80xi32, #tpu.memory_space<vmem>> -> memref<80xi32, #tpu.memory_space<vmem>>
          %dma_start3A_323 = arith.constant 0 : i32
          %dma_start3A_324 = arith.constant 0 : i32
          %dma_start3A_325 = tpu.memref_slice %arg2[%dma_start3A_323, %dma_start3A_324] : memref<20000x128xf32, #tpu.memory_space<hbm>> -> memref<20000x128xf32, #tpu.memory_space<hbm>>
          tpu.enqueue_indirect_dma source(%dma_start3A_325 : memref<20000x128xf32, #tpu.memory_space<hbm>>) target(%arg10 : memref<80x128xf32, #tpu.memory_space<vmem>>) offsets(%dma_start3A_322 : memref<80xi32, #tpu.memory_space<vmem>>) semaphore(%arg15 : memref<!tpu.dma_semaphore, #tpu.memory_space<semaphore_mem>>)
        } else {
        }
      } else {
      }
      %add3A_231 = arith.constant 17 : i32
      %add3A_232 = arith.addi %mul3A_79, %add3A_231 : i32
      %lt3A_233 = arith.constant 250 : i32
      %lt3A_234 = arith.cmpi slt, %add3A_232, %lt3A_233 : i32
      %convert_element_type3A_235 = arith.extui %lt3A_234 : i1 to i32
      %cond3A_236 = arith.constant 0 : i32
      %cond3A_237 = arith.cmpi ne, %convert_element_type3A_235, %cond3A_236 : i32
      scf.if %cond3A_237 {
        %dma_wait3A_291 = arith.constant 0 : i32
        %dma_wait3A_292 = arith.constant 0 : i32
        %dma_wait3A_293 = tpu.memref_slice %arg2[%dma_wait3A_291, %dma_wait3A_292] : memref<20000x128xf32, #tpu.memory_space<hbm>> -> memref<80x128xf32, #tpu.memory_space<hbm>>
        %dma_wait3A_294 = arith.constant 0 : i32
        %dma_wait3A_295 = arith.constant 0 : i32
        %dma_wait3A_296 = tpu.memref_slice %arg2[%dma_wait3A_294, %dma_wait3A_295] : memref<20000x128xf32, #tpu.memory_space<hbm>> -> memref<80x128xf32, #tpu.memory_space<hbm>>
        tpu.wait_dma2 semaphore(%arg14 : memref<!tpu.dma_semaphore, #tpu.memory_space<semaphore_mem>>) src(%dma_wait3A_296 : memref<80x128xf32, #tpu.memory_space<hbm>>) dst(%arg9 : memref<80x128xf32, #tpu.memory_space<vmem>>)
        %dma_start3A_297 = arith.constant 1 : i32
        %dma_start3A_298 = arith.constant 5 : i32
        %dma_start3A_299 = arith.constant 1 : i32
        %dma_start3A_300 = arith.constant 0 : i32
        %dma_start3A_301 = tpu.memref_slice %arg7[%dma_start3A_297, %dma_start3A_298, %dma_start3A_299, %dma_start3A_300] : memref<2x12x2x80xi32, #tpu.memory_space<vmem>> -> memref<1x1x1x80xi32, #tpu.memory_space<vmem>>
        %dma_start3A_302 = tpu.memref_squeeze %dma_start3A_301 : memref<1x1x1x80xi32, #tpu.memory_space<vmem>> -> memref<80xi32, #tpu.memory_space<vmem>>
        %dma_start3A_303 = arith.constant 0 : i32
        %dma_start3A_304 = arith.constant 0 : i32
        %dma_start3A_305 = tpu.memref_slice %arg12[%dma_start3A_303, %dma_start3A_304] : memref<10000x128xf32, #tpu.memory_space<vmem_shared>> -> memref<10000x128xf32, #tpu.memory_space<vmem_shared>>
        tpu.enqueue_indirect_dma source(%arg9 : memref<80x128xf32, #tpu.memory_space<vmem>>) target(%dma_start3A_305 : memref<10000x128xf32, #tpu.memory_space<vmem_shared>>) offsets(%dma_start3A_302 : memref<80xi32, #tpu.memory_space<vmem>>) semaphore(%arg18 : memref<!tpu.dma_semaphore, #tpu.memory_space<semaphore_mem>>) {add = true}
        %add3A_306 = arith.constant 2 : i32
        %add3A_307 = arith.addi %add3A_232, %add3A_306 : i32
        %lt3A_308 = arith.constant 250 : i32
        %lt3A_309 = arith.cmpi slt, %add3A_307, %lt3A_308 : i32
        %convert_element_type3A_310 = arith.extui %lt3A_309 : i1 to i32
        %cond3A_311 = arith.constant 0 : i32
        %cond3A_312 = arith.cmpi ne, %convert_element_type3A_310, %cond3A_311 : i32
        scf.if %cond3A_312 {
          %ge3A = arith.constant 4 : i32
          %ge3A_313 = arith.cmpi sge, %add3A_307, %ge3A : i32
          %convert_element_type3A_314 = arith.extui %ge3A_313 : i1 to i32
          %cond3A_315 = arith.constant 0 : i32
          %cond3A_316 = arith.cmpi ne, %convert_element_type3A_314, %cond3A_315 : i32
          scf.if %cond3A_316 {
            %dma_wait3A_326 = arith.constant 0 : i32
            %dma_wait3A_327 = arith.constant 0 : i32
            %dma_wait3A_328 = tpu.memref_slice %arg5[%dma_wait3A_326, %dma_wait3A_327] : memref<10000x128xf32, #tpu.memory_space<hbm>> -> memref<80x128xf32, #tpu.memory_space<hbm>>
            %dma_wait3A_329 = arith.constant 0 : i32
            %dma_wait3A_330 = arith.constant 0 : i32
            %dma_wait3A_331 = tpu.memref_slice %arg5[%dma_wait3A_329, %dma_wait3A_330] : memref<10000x128xf32, #tpu.memory_space<hbm>> -> memref<80x128xf32, #tpu.memory_space<hbm>>
            tpu.wait_dma2 semaphore(%arg20 : memref<!tpu.dma_semaphore, #tpu.memory_space<semaphore_mem>>) src(%dma_wait3A_331 : memref<80x128xf32, #tpu.memory_space<hbm>>) dst(%arg11 : memref<80x128xf32, #tpu.memory_space<vmem>>)
          } else {
          }
          %dma_start3A_317 = arith.constant 1 : i32
          %dma_start3A_318 = arith.constant 7 : i32
          %dma_start3A_319 = arith.constant 0 : i32
          %dma_start3A_320 = arith.constant 0 : i32
          %dma_start3A_321 = tpu.memref_slice %arg7[%dma_start3A_317, %dma_start3A_318, %dma_start3A_319, %dma_start3A_320] : memref<2x12x2x80xi32, #tpu.memory_space<vmem>> -> memref<1x1x1x80xi32, #tpu.memory_space<vmem>>
          %dma_start3A_322 = tpu.memref_squeeze %dma_start3A_321 : memref<1x1x1x80xi32, #tpu.memory_space<vmem>> -> memref<80xi32, #tpu.memory_space<vmem>>
          %dma_start3A_323 = arith.constant 0 : i32
          %dma_start3A_324 = arith.constant 0 : i32
          %dma_start3A_325 = tpu.memref_slice %arg2[%dma_start3A_323, %dma_start3A_324] : memref<20000x128xf32, #tpu.memory_space<hbm>> -> memref<20000x128xf32, #tpu.memory_space<hbm>>
          tpu.enqueue_indirect_dma source(%dma_start3A_325 : memref<20000x128xf32, #tpu.memory_space<hbm>>) target(%arg11 : memref<80x128xf32, #tpu.memory_space<vmem>>) offsets(%dma_start3A_322 : memref<80xi32, #tpu.memory_space<vmem>>) semaphore(%arg16 : memref<!tpu.dma_semaphore, #tpu.memory_space<semaphore_mem>>)
        } else {
        }
      } else {
      }
      %add3A_238 = arith.constant 18 : i32
      %add3A_239 = arith.addi %mul3A_79, %add3A_238 : i32
      %lt3A_240 = arith.constant 250 : i32
      %lt3A_241 = arith.cmpi slt, %add3A_239, %lt3A_240 : i32
      %convert_element_type3A_242 = arith.extui %lt3A_241 : i1 to i32
      %cond3A_243 = arith.constant 0 : i32
      %cond3A_244 = arith.cmpi ne, %convert_element_type3A_242, %cond3A_243 : i32
      scf.if %cond3A_244 {
        %dma_wait3A_291 = arith.constant 0 : i32
        %dma_wait3A_292 = arith.constant 0 : i32
        %dma_wait3A_293 = tpu.memref_slice %arg2[%dma_wait3A_291, %dma_wait3A_292] : memref<20000x128xf32, #tpu.memory_space<hbm>> -> memref<80x128xf32, #tpu.memory_space<hbm>>
        %dma_wait3A_294 = arith.constant 0 : i32
        %dma_wait3A_295 = arith.constant 0 : i32
        %dma_wait3A_296 = tpu.memref_slice %arg2[%dma_wait3A_294, %dma_wait3A_295] : memref<20000x128xf32, #tpu.memory_space<hbm>> -> memref<80x128xf32, #tpu.memory_space<hbm>>
        tpu.wait_dma2 semaphore(%arg15 : memref<!tpu.dma_semaphore, #tpu.memory_space<semaphore_mem>>) src(%dma_wait3A_296 : memref<80x128xf32, #tpu.memory_space<hbm>>) dst(%arg10 : memref<80x128xf32, #tpu.memory_space<vmem>>)
        %dma_start3A_297 = arith.constant 1 : i32
        %dma_start3A_298 = arith.constant 6 : i32
        %dma_start3A_299 = arith.constant 1 : i32
        %dma_start3A_300 = arith.constant 0 : i32
        %dma_start3A_301 = tpu.memref_slice %arg7[%dma_start3A_297, %dma_start3A_298, %dma_start3A_299, %dma_start3A_300] : memref<2x12x2x80xi32, #tpu.memory_space<vmem>> -> memref<1x1x1x80xi32, #tpu.memory_space<vmem>>
        %dma_start3A_302 = tpu.memref_squeeze %dma_start3A_301 : memref<1x1x1x80xi32, #tpu.memory_space<vmem>> -> memref<80xi32, #tpu.memory_space<vmem>>
        %dma_start3A_303 = arith.constant 0 : i32
        %dma_start3A_304 = arith.constant 0 : i32
        %dma_start3A_305 = tpu.memref_slice %arg12[%dma_start3A_303, %dma_start3A_304] : memref<10000x128xf32, #tpu.memory_space<vmem_shared>> -> memref<10000x128xf32, #tpu.memory_space<vmem_shared>>
        tpu.enqueue_indirect_dma source(%arg10 : memref<80x128xf32, #tpu.memory_space<vmem>>) target(%dma_start3A_305 : memref<10000x128xf32, #tpu.memory_space<vmem_shared>>) offsets(%dma_start3A_302 : memref<80xi32, #tpu.memory_space<vmem>>) semaphore(%arg19 : memref<!tpu.dma_semaphore, #tpu.memory_space<semaphore_mem>>) {add = true}
        %add3A_306 = arith.constant 2 : i32
        %add3A_307 = arith.addi %add3A_239, %add3A_306 : i32
        %lt3A_308 = arith.constant 250 : i32
        %lt3A_309 = arith.cmpi slt, %add3A_307, %lt3A_308 : i32
        %convert_element_type3A_310 = arith.extui %lt3A_309 : i1 to i32
        %cond3A_311 = arith.constant 0 : i32
        %cond3A_312 = arith.cmpi ne, %convert_element_type3A_310, %cond3A_311 : i32
        scf.if %cond3A_312 {
          %ge3A = arith.constant 4 : i32
          %ge3A_313 = arith.cmpi sge, %add3A_307, %ge3A : i32
          %convert_element_type3A_314 = arith.extui %ge3A_313 : i1 to i32
          %cond3A_315 = arith.constant 0 : i32
          %cond3A_316 = arith.cmpi ne, %convert_element_type3A_314, %cond3A_315 : i32
          scf.if %cond3A_316 {
            %dma_wait3A_326 = arith.constant 0 : i32
            %dma_wait3A_327 = arith.constant 0 : i32
            %dma_wait3A_328 = tpu.memref_slice %arg5[%dma_wait3A_326, %dma_wait3A_327] : memref<10000x128xf32, #tpu.memory_space<hbm>> -> memref<80x128xf32, #tpu.memory_space<hbm>>
            %dma_wait3A_329 = arith.constant 0 : i32
            %dma_wait3A_330 = arith.constant 0 : i32
            %dma_wait3A_331 = tpu.memref_slice %arg5[%dma_wait3A_329, %dma_wait3A_330] : memref<10000x128xf32, #tpu.memory_space<hbm>> -> memref<80x128xf32, #tpu.memory_space<hbm>>
            tpu.wait_dma2 semaphore(%arg17 : memref<!tpu.dma_semaphore, #tpu.memory_space<semaphore_mem>>) src(%dma_wait3A_331 : memref<80x128xf32, #tpu.memory_space<hbm>>) dst(%arg8 : memref<80x128xf32, #tpu.memory_space<vmem>>)
          } else {
          }
          %dma_start3A_317 = arith.constant 1 : i32
          %dma_start3A_318 = arith.constant 8 : i32
          %dma_start3A_319 = arith.constant 0 : i32
          %dma_start3A_320 = arith.constant 0 : i32
          %dma_start3A_321 = tpu.memref_slice %arg7[%dma_start3A_317, %dma_start3A_318, %dma_start3A_319, %dma_start3A_320] : memref<2x12x2x80xi32, #tpu.memory_space<vmem>> -> memref<1x1x1x80xi32, #tpu.memory_space<vmem>>
          %dma_start3A_322 = tpu.memref_squeeze %dma_start3A_321 : memref<1x1x1x80xi32, #tpu.memory_space<vmem>> -> memref<80xi32, #tpu.memory_space<vmem>>
          %dma_start3A_323 = arith.constant 0 : i32
          %dma_start3A_324 = arith.constant 0 : i32
          %dma_start3A_325 = tpu.memref_slice %arg2[%dma_start3A_323, %dma_start3A_324] : memref<20000x128xf32, #tpu.memory_space<hbm>> -> memref<20000x128xf32, #tpu.memory_space<hbm>>
          tpu.enqueue_indirect_dma source(%dma_start3A_325 : memref<20000x128xf32, #tpu.memory_space<hbm>>) target(%arg8 : memref<80x128xf32, #tpu.memory_space<vmem>>) offsets(%dma_start3A_322 : memref<80xi32, #tpu.memory_space<vmem>>) semaphore(%arg13 : memref<!tpu.dma_semaphore, #tpu.memory_space<semaphore_mem>>)
        } else {
        }
      } else {
      }
      %add3A_245 = arith.constant 19 : i32
      %add3A_246 = arith.addi %mul3A_79, %add3A_245 : i32
      %lt3A_247 = arith.constant 250 : i32
      %lt3A_248 = arith.cmpi slt, %add3A_246, %lt3A_247 : i32
      %convert_element_type3A_249 = arith.extui %lt3A_248 : i1 to i32
      %cond3A_250 = arith.constant 0 : i32
      %cond3A_251 = arith.cmpi ne, %convert_element_type3A_249, %cond3A_250 : i32
      scf.if %cond3A_251 {
        %dma_wait3A_291 = arith.constant 0 : i32
        %dma_wait3A_292 = arith.constant 0 : i32
        %dma_wait3A_293 = tpu.memref_slice %arg2[%dma_wait3A_291, %dma_wait3A_292] : memref<20000x128xf32, #tpu.memory_space<hbm>> -> memref<80x128xf32, #tpu.memory_space<hbm>>
        %dma_wait3A_294 = arith.constant 0 : i32
        %dma_wait3A_295 = arith.constant 0 : i32
        %dma_wait3A_296 = tpu.memref_slice %arg2[%dma_wait3A_294, %dma_wait3A_295] : memref<20000x128xf32, #tpu.memory_space<hbm>> -> memref<80x128xf32, #tpu.memory_space<hbm>>
        tpu.wait_dma2 semaphore(%arg16 : memref<!tpu.dma_semaphore, #tpu.memory_space<semaphore_mem>>) src(%dma_wait3A_296 : memref<80x128xf32, #tpu.memory_space<hbm>>) dst(%arg11 : memref<80x128xf32, #tpu.memory_space<vmem>>)
        %dma_start3A_297 = arith.constant 1 : i32
        %dma_start3A_298 = arith.constant 7 : i32
        %dma_start3A_299 = arith.constant 1 : i32
        %dma_start3A_300 = arith.constant 0 : i32
        %dma_start3A_301 = tpu.memref_slice %arg7[%dma_start3A_297, %dma_start3A_298, %dma_start3A_299, %dma_start3A_300] : memref<2x12x2x80xi32, #tpu.memory_space<vmem>> -> memref<1x1x1x80xi32, #tpu.memory_space<vmem>>
        %dma_start3A_302 = tpu.memref_squeeze %dma_start3A_301 : memref<1x1x1x80xi32, #tpu.memory_space<vmem>> -> memref<80xi32, #tpu.memory_space<vmem>>
        %dma_start3A_303 = arith.constant 0 : i32
        %dma_start3A_304 = arith.constant 0 : i32
        %dma_start3A_305 = tpu.memref_slice %arg12[%dma_start3A_303, %dma_start3A_304] : memref<10000x128xf32, #tpu.memory_space<vmem_shared>> -> memref<10000x128xf32, #tpu.memory_space<vmem_shared>>
        tpu.enqueue_indirect_dma source(%arg11 : memref<80x128xf32, #tpu.memory_space<vmem>>) target(%dma_start3A_305 : memref<10000x128xf32, #tpu.memory_space<vmem_shared>>) offsets(%dma_start3A_302 : memref<80xi32, #tpu.memory_space<vmem>>) semaphore(%arg20 : memref<!tpu.dma_semaphore, #tpu.memory_space<semaphore_mem>>) {add = true}
        %add3A_306 = arith.constant 2 : i32
        %add3A_307 = arith.addi %add3A_246, %add3A_306 : i32
        %lt3A_308 = arith.constant 250 : i32
        %lt3A_309 = arith.cmpi slt, %add3A_307, %lt3A_308 : i32
        %convert_element_type3A_310 = arith.extui %lt3A_309 : i1 to i32
        %cond3A_311 = arith.constant 0 : i32
        %cond3A_312 = arith.cmpi ne, %convert_element_type3A_310, %cond3A_311 : i32
        scf.if %cond3A_312 {
          %ge3A = arith.constant 4 : i32
          %ge3A_313 = arith.cmpi sge, %add3A_307, %ge3A : i32
          %convert_element_type3A_314 = arith.extui %ge3A_313 : i1 to i32
          %cond3A_315 = arith.constant 0 : i32
          %cond3A_316 = arith.cmpi ne, %convert_element_type3A_314, %cond3A_315 : i32
          scf.if %cond3A_316 {
            %dma_wait3A_326 = arith.constant 0 : i32
            %dma_wait3A_327 = arith.constant 0 : i32
            %dma_wait3A_328 = tpu.memref_slice %arg5[%dma_wait3A_326, %dma_wait3A_327] : memref<10000x128xf32, #tpu.memory_space<hbm>> -> memref<80x128xf32, #tpu.memory_space<hbm>>
            %dma_wait3A_329 = arith.constant 0 : i32
            %dma_wait3A_330 = arith.constant 0 : i32
            %dma_wait3A_331 = tpu.memref_slice %arg5[%dma_wait3A_329, %dma_wait3A_330] : memref<10000x128xf32, #tpu.memory_space<hbm>> -> memref<80x128xf32, #tpu.memory_space<hbm>>
            tpu.wait_dma2 semaphore(%arg18 : memref<!tpu.dma_semaphore, #tpu.memory_space<semaphore_mem>>) src(%dma_wait3A_331 : memref<80x128xf32, #tpu.memory_space<hbm>>) dst(%arg9 : memref<80x128xf32, #tpu.memory_space<vmem>>)
          } else {
          }
          %dma_start3A_317 = arith.constant 1 : i32
          %dma_start3A_318 = arith.constant 9 : i32
          %dma_start3A_319 = arith.constant 0 : i32
          %dma_start3A_320 = arith.constant 0 : i32
          %dma_start3A_321 = tpu.memref_slice %arg7[%dma_start3A_317, %dma_start3A_318, %dma_start3A_319, %dma_start3A_320] : memref<2x12x2x80xi32, #tpu.memory_space<vmem>> -> memref<1x1x1x80xi32, #tpu.memory_space<vmem>>
          %dma_start3A_322 = tpu.memref_squeeze %dma_start3A_321 : memref<1x1x1x80xi32, #tpu.memory_space<vmem>> -> memref<80xi32, #tpu.memory_space<vmem>>
          %dma_start3A_323 = arith.constant 0 : i32
          %dma_start3A_324 = arith.constant 0 : i32
          %dma_start3A_325 = tpu.memref_slice %arg2[%dma_start3A_323, %dma_start3A_324] : memref<20000x128xf32, #tpu.memory_space<hbm>> -> memref<20000x128xf32, #tpu.memory_space<hbm>>
          tpu.enqueue_indirect_dma source(%dma_start3A_325 : memref<20000x128xf32, #tpu.memory_space<hbm>>) target(%arg9 : memref<80x128xf32, #tpu.memory_space<vmem>>) offsets(%dma_start3A_322 : memref<80xi32, #tpu.memory_space<vmem>>) semaphore(%arg14 : memref<!tpu.dma_semaphore, #tpu.memory_space<semaphore_mem>>)
        } else {
        }
      } else {
      }
      %add3A_252 = arith.constant 20 : i32
      %add3A_253 = arith.addi %mul3A_79, %add3A_252 : i32
      %lt3A_254 = arith.constant 250 : i32
      %lt3A_255 = arith.cmpi slt, %add3A_253, %lt3A_254 : i32
      %convert_element_type3A_256 = arith.extui %lt3A_255 : i1 to i32
      %cond3A_257 = arith.constant 0 : i32
      %cond3A_258 = arith.cmpi ne, %convert_element_type3A_256, %cond3A_257 : i32
      scf.if %cond3A_258 {
        %dma_wait3A_291 = arith.constant 0 : i32
        %dma_wait3A_292 = arith.constant 0 : i32
        %dma_wait3A_293 = tpu.memref_slice %arg2[%dma_wait3A_291, %dma_wait3A_292] : memref<20000x128xf32, #tpu.memory_space<hbm>> -> memref<80x128xf32, #tpu.memory_space<hbm>>
        %dma_wait3A_294 = arith.constant 0 : i32
        %dma_wait3A_295 = arith.constant 0 : i32
        %dma_wait3A_296 = tpu.memref_slice %arg2[%dma_wait3A_294, %dma_wait3A_295] : memref<20000x128xf32, #tpu.memory_space<hbm>> -> memref<80x128xf32, #tpu.memory_space<hbm>>
        tpu.wait_dma2 semaphore(%arg13 : memref<!tpu.dma_semaphore, #tpu.memory_space<semaphore_mem>>) src(%dma_wait3A_296 : memref<80x128xf32, #tpu.memory_space<hbm>>) dst(%arg8 : memref<80x128xf32, #tpu.memory_space<vmem>>)
        %dma_start3A_297 = arith.constant 1 : i32
        %dma_start3A_298 = arith.constant 8 : i32
        %dma_start3A_299 = arith.constant 1 : i32
        %dma_start3A_300 = arith.constant 0 : i32
        %dma_start3A_301 = tpu.memref_slice %arg7[%dma_start3A_297, %dma_start3A_298, %dma_start3A_299, %dma_start3A_300] : memref<2x12x2x80xi32, #tpu.memory_space<vmem>> -> memref<1x1x1x80xi32, #tpu.memory_space<vmem>>
        %dma_start3A_302 = tpu.memref_squeeze %dma_start3A_301 : memref<1x1x1x80xi32, #tpu.memory_space<vmem>> -> memref<80xi32, #tpu.memory_space<vmem>>
        %dma_start3A_303 = arith.constant 0 : i32
        %dma_start3A_304 = arith.constant 0 : i32
        %dma_start3A_305 = tpu.memref_slice %arg12[%dma_start3A_303, %dma_start3A_304] : memref<10000x128xf32, #tpu.memory_space<vmem_shared>> -> memref<10000x128xf32, #tpu.memory_space<vmem_shared>>
        tpu.enqueue_indirect_dma source(%arg8 : memref<80x128xf32, #tpu.memory_space<vmem>>) target(%dma_start3A_305 : memref<10000x128xf32, #tpu.memory_space<vmem_shared>>) offsets(%dma_start3A_302 : memref<80xi32, #tpu.memory_space<vmem>>) semaphore(%arg17 : memref<!tpu.dma_semaphore, #tpu.memory_space<semaphore_mem>>) {add = true}
        %add3A_306 = arith.constant 2 : i32
        %add3A_307 = arith.addi %add3A_253, %add3A_306 : i32
        %lt3A_308 = arith.constant 250 : i32
        %lt3A_309 = arith.cmpi slt, %add3A_307, %lt3A_308 : i32
        %convert_element_type3A_310 = arith.extui %lt3A_309 : i1 to i32
        %cond3A_311 = arith.constant 0 : i32
        %cond3A_312 = arith.cmpi ne, %convert_element_type3A_310, %cond3A_311 : i32
        scf.if %cond3A_312 {
          %ge3A = arith.constant 4 : i32
          %ge3A_313 = arith.cmpi sge, %add3A_307, %ge3A : i32
          %convert_element_type3A_314 = arith.extui %ge3A_313 : i1 to i32
          %cond3A_315 = arith.constant 0 : i32
          %cond3A_316 = arith.cmpi ne, %convert_element_type3A_314, %cond3A_315 : i32
          scf.if %cond3A_316 {
            %dma_wait3A_326 = arith.constant 0 : i32
            %dma_wait3A_327 = arith.constant 0 : i32
            %dma_wait3A_328 = tpu.memref_slice %arg5[%dma_wait3A_326, %dma_wait3A_327] : memref<10000x128xf32, #tpu.memory_space<hbm>> -> memref<80x128xf32, #tpu.memory_space<hbm>>
            %dma_wait3A_329 = arith.constant 0 : i32
            %dma_wait3A_330 = arith.constant 0 : i32
            %dma_wait3A_331 = tpu.memref_slice %arg5[%dma_wait3A_329, %dma_wait3A_330] : memref<10000x128xf32, #tpu.memory_space<hbm>> -> memref<80x128xf32, #tpu.memory_space<hbm>>
            tpu.wait_dma2 semaphore(%arg19 : memref<!tpu.dma_semaphore, #tpu.memory_space<semaphore_mem>>) src(%dma_wait3A_331 : memref<80x128xf32, #tpu.memory_space<hbm>>) dst(%arg10 : memref<80x128xf32, #tpu.memory_space<vmem>>)
          } else {
          }
          %dma_start3A_317 = arith.constant 1 : i32
          %dma_start3A_318 = arith.constant 10 : i32
          %dma_start3A_319 = arith.constant 0 : i32
          %dma_start3A_320 = arith.constant 0 : i32
          %dma_start3A_321 = tpu.memref_slice %arg7[%dma_start3A_317, %dma_start3A_318, %dma_start3A_319, %dma_start3A_320] : memref<2x12x2x80xi32, #tpu.memory_space<vmem>> -> memref<1x1x1x80xi32, #tpu.memory_space<vmem>>
          %dma_start3A_322 = tpu.memref_squeeze %dma_start3A_321 : memref<1x1x1x80xi32, #tpu.memory_space<vmem>> -> memref<80xi32, #tpu.memory_space<vmem>>
          %dma_start3A_323 = arith.constant 0 : i32
          %dma_start3A_324 = arith.constant 0 : i32
          %dma_start3A_325 = tpu.memref_slice %arg2[%dma_start3A_323, %dma_start3A_324] : memref<20000x128xf32, #tpu.memory_space<hbm>> -> memref<20000x128xf32, #tpu.memory_space<hbm>>
          tpu.enqueue_indirect_dma source(%dma_start3A_325 : memref<20000x128xf32, #tpu.memory_space<hbm>>) target(%arg10 : memref<80x128xf32, #tpu.memory_space<vmem>>) offsets(%dma_start3A_322 : memref<80xi32, #tpu.memory_space<vmem>>) semaphore(%arg15 : memref<!tpu.dma_semaphore, #tpu.memory_space<semaphore_mem>>)
        } else {
        }
      } else {
      }
      %add3A_259 = arith.constant 21 : i32
      %add3A_260 = arith.addi %mul3A_79, %add3A_259 : i32
      %lt3A_261 = arith.constant 250 : i32
      %lt3A_262 = arith.cmpi slt, %add3A_260, %lt3A_261 : i32
      %convert_element_type3A_263 = arith.extui %lt3A_262 : i1 to i32
      %cond3A_264 = arith.constant 0 : i32
      %cond3A_265 = arith.cmpi ne, %convert_element_type3A_263, %cond3A_264 : i32
      scf.if %cond3A_265 {
        %dma_wait3A_291 = arith.constant 0 : i32
        %dma_wait3A_292 = arith.constant 0 : i32
        %dma_wait3A_293 = tpu.memref_slice %arg2[%dma_wait3A_291, %dma_wait3A_292] : memref<20000x128xf32, #tpu.memory_space<hbm>> -> memref<80x128xf32, #tpu.memory_space<hbm>>
        %dma_wait3A_294 = arith.constant 0 : i32
        %dma_wait3A_295 = arith.constant 0 : i32
        %dma_wait3A_296 = tpu.memref_slice %arg2[%dma_wait3A_294, %dma_wait3A_295] : memref<20000x128xf32, #tpu.memory_space<hbm>> -> memref<80x128xf32, #tpu.memory_space<hbm>>
        tpu.wait_dma2 semaphore(%arg14 : memref<!tpu.dma_semaphore, #tpu.memory_space<semaphore_mem>>) src(%dma_wait3A_296 : memref<80x128xf32, #tpu.memory_space<hbm>>) dst(%arg9 : memref<80x128xf32, #tpu.memory_space<vmem>>)
        %dma_start3A_297 = arith.constant 1 : i32
        %dma_start3A_298 = arith.constant 9 : i32
        %dma_start3A_299 = arith.constant 1 : i32
        %dma_start3A_300 = arith.constant 0 : i32
        %dma_start3A_301 = tpu.memref_slice %arg7[%dma_start3A_297, %dma_start3A_298, %dma_start3A_299, %dma_start3A_300] : memref<2x12x2x80xi32, #tpu.memory_space<vmem>> -> memref<1x1x1x80xi32, #tpu.memory_space<vmem>>
        %dma_start3A_302 = tpu.memref_squeeze %dma_start3A_301 : memref<1x1x1x80xi32, #tpu.memory_space<vmem>> -> memref<80xi32, #tpu.memory_space<vmem>>
        %dma_start3A_303 = arith.constant 0 : i32
        %dma_start3A_304 = arith.constant 0 : i32
        %dma_start3A_305 = tpu.memref_slice %arg12[%dma_start3A_303, %dma_start3A_304] : memref<10000x128xf32, #tpu.memory_space<vmem_shared>> -> memref<10000x128xf32, #tpu.memory_space<vmem_shared>>
        tpu.enqueue_indirect_dma source(%arg9 : memref<80x128xf32, #tpu.memory_space<vmem>>) target(%dma_start3A_305 : memref<10000x128xf32, #tpu.memory_space<vmem_shared>>) offsets(%dma_start3A_302 : memref<80xi32, #tpu.memory_space<vmem>>) semaphore(%arg18 : memref<!tpu.dma_semaphore, #tpu.memory_space<semaphore_mem>>) {add = true}
        %add3A_306 = arith.constant 2 : i32
        %add3A_307 = arith.addi %add3A_260, %add3A_306 : i32
        %lt3A_308 = arith.constant 250 : i32
        %lt3A_309 = arith.cmpi slt, %add3A_307, %lt3A_308 : i32
        %convert_element_type3A_310 = arith.extui %lt3A_309 : i1 to i32
        %cond3A_311 = arith.constant 0 : i32
        %cond3A_312 = arith.cmpi ne, %convert_element_type3A_310, %cond3A_311 : i32
        scf.if %cond3A_312 {
          %ge3A = arith.constant 4 : i32
          %ge3A_313 = arith.cmpi sge, %add3A_307, %ge3A : i32
          %convert_element_type3A_314 = arith.extui %ge3A_313 : i1 to i32
          %cond3A_315 = arith.constant 0 : i32
          %cond3A_316 = arith.cmpi ne, %convert_element_type3A_314, %cond3A_315 : i32
          scf.if %cond3A_316 {
            %dma_wait3A_326 = arith.constant 0 : i32
            %dma_wait3A_327 = arith.constant 0 : i32
            %dma_wait3A_328 = tpu.memref_slice %arg5[%dma_wait3A_326, %dma_wait3A_327] : memref<10000x128xf32, #tpu.memory_space<hbm>> -> memref<80x128xf32, #tpu.memory_space<hbm>>
            %dma_wait3A_329 = arith.constant 0 : i32
            %dma_wait3A_330 = arith.constant 0 : i32
            %dma_wait3A_331 = tpu.memref_slice %arg5[%dma_wait3A_329, %dma_wait3A_330] : memref<10000x128xf32, #tpu.memory_space<hbm>> -> memref<80x128xf32, #tpu.memory_space<hbm>>
            tpu.wait_dma2 semaphore(%arg20 : memref<!tpu.dma_semaphore, #tpu.memory_space<semaphore_mem>>) src(%dma_wait3A_331 : memref<80x128xf32, #tpu.memory_space<hbm>>) dst(%arg11 : memref<80x128xf32, #tpu.memory_space<vmem>>)
          } else {
          }
          %dma_start3A_317 = arith.constant 1 : i32
          %dma_start3A_318 = arith.constant 11 : i32
          %dma_start3A_319 = arith.constant 0 : i32
          %dma_start3A_320 = arith.constant 0 : i32
          %dma_start3A_321 = tpu.memref_slice %arg7[%dma_start3A_317, %dma_start3A_318, %dma_start3A_319, %dma_start3A_320] : memref<2x12x2x80xi32, #tpu.memory_space<vmem>> -> memref<1x1x1x80xi32, #tpu.memory_space<vmem>>
          %dma_start3A_322 = tpu.memref_squeeze %dma_start3A_321 : memref<1x1x1x80xi32, #tpu.memory_space<vmem>> -> memref<80xi32, #tpu.memory_space<vmem>>
          %dma_start3A_323 = arith.constant 0 : i32
          %dma_start3A_324 = arith.constant 0 : i32
          %dma_start3A_325 = tpu.memref_slice %arg2[%dma_start3A_323, %dma_start3A_324] : memref<20000x128xf32, #tpu.memory_space<hbm>> -> memref<20000x128xf32, #tpu.memory_space<hbm>>
          tpu.enqueue_indirect_dma source(%dma_start3A_325 : memref<20000x128xf32, #tpu.memory_space<hbm>>) target(%arg11 : memref<80x128xf32, #tpu.memory_space<vmem>>) offsets(%dma_start3A_322 : memref<80xi32, #tpu.memory_space<vmem>>) semaphore(%arg16 : memref<!tpu.dma_semaphore, #tpu.memory_space<semaphore_mem>>)
        } else {
        }
      } else {
      }
      %add3A_266 = arith.constant 22 : i32
      %add3A_267 = arith.addi %mul3A_79, %add3A_266 : i32
      %mul3A_268 = arith.constant 2 : i32
      %mul3A_269 = arith.muli %mul3A_268, %scan3A_77 : i32
      %add3A_270 = arith.constant 2 : i32
      %add3A_271 = arith.addi %mul3A_269, %add3A_270 : i32
      %mul3A_272 = arith.constant 12 : i32
      %mul3A_273 = arith.muli %add3A_271, %mul3A_272 : i32
      %lt3A_274 = arith.constant 250 : i32
      %lt3A_275 = arith.cmpi slt, %mul3A_273, %lt3A_274 : i32
      %convert_element_type3A_276 = arith.extui %lt3A_275 : i1 to i32
      %cond3A_277 = arith.constant 0 : i32
      %cond3A_278 = arith.cmpi ne, %convert_element_type3A_276, %cond3A_277 : i32
      scf.if %cond3A_278 {
        %dma_wait3A_291 = arith.constant 0 : i32
        %dma_wait3A_292 = arith.constant 0 : i32
        %dma_wait3A_293 = arith.constant 0 : i32
        %dma_wait3A_294 = arith.constant 0 : i32
        %dma_wait3A_295 = tpu.memref_slice %arg7[%dma_wait3A_291, %dma_wait3A_292, %dma_wait3A_293, %dma_wait3A_294] : memref<2x12x2x80xi32, #tpu.memory_space<vmem>> -> memref<1x12x2x80xi32, #tpu.memory_space<vmem>>
        %dma_wait3A_296 = tpu.memref_squeeze %dma_wait3A_295 : memref<1x12x2x80xi32, #tpu.memory_space<vmem>> -> memref<12x2x80xi32, #tpu.memory_space<vmem>>
        %dma_wait3A_297 = arith.constant 0 : i32
        %dma_wait3A_298 = arith.constant 0 : i32
        %dma_wait3A_299 = arith.constant 0 : i32
        %dma_wait3A_300 = tpu.memref_slice %arg3[%dma_wait3A_297, %dma_wait3A_298, %dma_wait3A_299] : memref<4002x2x80xi32, #tpu.memory_space<hbm>> -> memref<12x2x80xi32, #tpu.memory_space<hbm>>
        %dma_wait3A_301 = arith.constant 0 : i32
        %dma_wait3A_302 = arith.constant 0 : i32
        %dma_wait3A_303 = arith.constant 0 : i32
        %dma_wait3A_304 = tpu.memref_slice %arg7[%dma_wait3A_291, %dma_wait3A_301, %dma_wait3A_302, %dma_wait3A_303] : memref<2x12x2x80xi32, #tpu.memory_space<vmem>> -> memref<1x12x2x80xi32, #tpu.memory_space<vmem>>
        %dma_wait3A_305 = tpu.memref_squeeze %dma_wait3A_304 : memref<1x12x2x80xi32, #tpu.memory_space<vmem>> -> memref<12x2x80xi32, #tpu.memory_space<vmem>>
        %dma_wait3A_306 = arith.constant 0 : i32
        %dma_wait3A_307 = arith.constant 0 : i32
        %dma_wait3A_308 = arith.constant 0 : i32
        %dma_wait3A_309 = tpu.memref_slice %arg3[%dma_wait3A_306, %dma_wait3A_307, %dma_wait3A_308] : memref<4002x2x80xi32, #tpu.memory_space<hbm>> -> memref<12x2x80xi32, #tpu.memory_space<hbm>>
        tpu.wait_dma2 semaphore(%arg21 : memref<!tpu.dma_semaphore, #tpu.memory_space<semaphore_mem>>) src(%dma_wait3A_309 : memref<12x2x80xi32, #tpu.memory_space<hbm>>) dst(%dma_wait3A_305 : memref<12x2x80xi32, #tpu.memory_space<vmem>>)
      } else {
      }
      %lt3A_279 = arith.constant 250 : i32
      %lt3A_280 = arith.cmpi slt, %add3A_267, %lt3A_279 : i32
      %convert_element_type3A_281 = arith.extui %lt3A_280 : i1 to i32
      %cond3A_282 = arith.constant 0 : i32
      %cond3A_283 = arith.cmpi ne, %convert_element_type3A_281, %cond3A_282 : i32
      scf.if %cond3A_283 {
        %dma_wait3A_291 = arith.constant 0 : i32
        %dma_wait3A_292 = arith.constant 0 : i32
        %dma_wait3A_293 = tpu.memref_slice %arg2[%dma_wait3A_291, %dma_wait3A_292] : memref<20000x128xf32, #tpu.memory_space<hbm>> -> memref<80x128xf32, #tpu.memory_space<hbm>>
        %dma_wait3A_294 = arith.constant 0 : i32
        %dma_wait3A_295 = arith.constant 0 : i32
        %dma_wait3A_296 = tpu.memref_slice %arg2[%dma_wait3A_294, %dma_wait3A_295] : memref<20000x128xf32, #tpu.memory_space<hbm>> -> memref<80x128xf32, #tpu.memory_space<hbm>>
        tpu.wait_dma2 semaphore(%arg15 : memref<!tpu.dma_semaphore, #tpu.memory_space<semaphore_mem>>) src(%dma_wait3A_296 : memref<80x128xf32, #tpu.memory_space<hbm>>) dst(%arg10 : memref<80x128xf32, #tpu.memory_space<vmem>>)
        %dma_start3A_297 = arith.constant 1 : i32
        %dma_start3A_298 = arith.constant 10 : i32
        %dma_start3A_299 = arith.constant 1 : i32
        %dma_start3A_300 = arith.constant 0 : i32
        %dma_start3A_301 = tpu.memref_slice %arg7[%dma_start3A_297, %dma_start3A_298, %dma_start3A_299, %dma_start3A_300] : memref<2x12x2x80xi32, #tpu.memory_space<vmem>> -> memref<1x1x1x80xi32, #tpu.memory_space<vmem>>
        %dma_start3A_302 = tpu.memref_squeeze %dma_start3A_301 : memref<1x1x1x80xi32, #tpu.memory_space<vmem>> -> memref<80xi32, #tpu.memory_space<vmem>>
        %dma_start3A_303 = arith.constant 0 : i32
        %dma_start3A_304 = arith.constant 0 : i32
        %dma_start3A_305 = tpu.memref_slice %arg12[%dma_start3A_303, %dma_start3A_304] : memref<10000x128xf32, #tpu.memory_space<vmem_shared>> -> memref<10000x128xf32, #tpu.memory_space<vmem_shared>>
        tpu.enqueue_indirect_dma source(%arg10 : memref<80x128xf32, #tpu.memory_space<vmem>>) target(%dma_start3A_305 : memref<10000x128xf32, #tpu.memory_space<vmem_shared>>) offsets(%dma_start3A_302 : memref<80xi32, #tpu.memory_space<vmem>>) semaphore(%arg19 : memref<!tpu.dma_semaphore, #tpu.memory_space<semaphore_mem>>) {add = true}
        %add3A_306 = arith.constant 2 : i32
        %add3A_307 = arith.addi %add3A_267, %add3A_306 : i32
        %lt3A_308 = arith.constant 250 : i32
        %lt3A_309 = arith.cmpi slt, %add3A_307, %lt3A_308 : i32
        %convert_element_type3A_310 = arith.extui %lt3A_309 : i1 to i32
        %cond3A_311 = arith.constant 0 : i32
        %cond3A_312 = arith.cmpi ne, %convert_element_type3A_310, %cond3A_311 : i32
        scf.if %cond3A_312 {
          %ge3A = arith.constant 4 : i32
          %ge3A_313 = arith.cmpi sge, %add3A_307, %ge3A : i32
          %convert_element_type3A_314 = arith.extui %ge3A_313 : i1 to i32
          %cond3A_315 = arith.constant 0 : i32
          %cond3A_316 = arith.cmpi ne, %convert_element_type3A_314, %cond3A_315 : i32
          scf.if %cond3A_316 {
            %dma_wait3A_326 = arith.constant 0 : i32
            %dma_wait3A_327 = arith.constant 0 : i32
            %dma_wait3A_328 = tpu.memref_slice %arg5[%dma_wait3A_326, %dma_wait3A_327] : memref<10000x128xf32, #tpu.memory_space<hbm>> -> memref<80x128xf32, #tpu.memory_space<hbm>>
            %dma_wait3A_329 = arith.constant 0 : i32
            %dma_wait3A_330 = arith.constant 0 : i32
            %dma_wait3A_331 = tpu.memref_slice %arg5[%dma_wait3A_329, %dma_wait3A_330] : memref<10000x128xf32, #tpu.memory_space<hbm>> -> memref<80x128xf32, #tpu.memory_space<hbm>>
            tpu.wait_dma2 semaphore(%arg17 : memref<!tpu.dma_semaphore, #tpu.memory_space<semaphore_mem>>) src(%dma_wait3A_331 : memref<80x128xf32, #tpu.memory_space<hbm>>) dst(%arg8 : memref<80x128xf32, #tpu.memory_space<vmem>>)
          } else {
          }
          %dma_start3A_317 = arith.constant 0 : i32
          %dma_start3A_318 = arith.constant 0 : i32
          %dma_start3A_319 = arith.constant 0 : i32
          %dma_start3A_320 = arith.constant 0 : i32
          %dma_start3A_321 = tpu.memref_slice %arg7[%dma_start3A_317, %dma_start3A_318, %dma_start3A_319, %dma_start3A_320] : memref<2x12x2x80xi32, #tpu.memory_space<vmem>> -> memref<1x1x1x80xi32, #tpu.memory_space<vmem>>
          %dma_start3A_322 = tpu.memref_squeeze %dma_start3A_321 : memref<1x1x1x80xi32, #tpu.memory_space<vmem>> -> memref<80xi32, #tpu.memory_space<vmem>>
          %dma_start3A_323 = arith.constant 0 : i32
          %dma_start3A_324 = arith.constant 0 : i32
          %dma_start3A_325 = tpu.memref_slice %arg2[%dma_start3A_323, %dma_start3A_324] : memref<20000x128xf32, #tpu.memory_space<hbm>> -> memref<20000x128xf32, #tpu.memory_space<hbm>>
          tpu.enqueue_indirect_dma source(%dma_start3A_325 : memref<20000x128xf32, #tpu.memory_space<hbm>>) target(%arg8 : memref<80x128xf32, #tpu.memory_space<vmem>>) offsets(%dma_start3A_322 : memref<80xi32, #tpu.memory_space<vmem>>) semaphore(%arg13 : memref<!tpu.dma_semaphore, #tpu.memory_space<semaphore_mem>>)
        } else {
        }
      } else {
      }
      %add3A_284 = arith.constant 23 : i32
      %add3A_285 = arith.addi %mul3A_79, %add3A_284 : i32
      %lt3A_286 = arith.constant 250 : i32
      %lt3A_287 = arith.cmpi slt, %add3A_285, %lt3A_286 : i32
      %convert_element_type3A_288 = arith.extui %lt3A_287 : i1 to i32
      %cond3A_289 = arith.constant 0 : i32
      %cond3A_290 = arith.cmpi ne, %convert_element_type3A_288, %cond3A_289 : i32
      scf.if %cond3A_290 {
        %dma_wait3A_291 = arith.constant 0 : i32
        %dma_wait3A_292 = arith.constant 0 : i32
        %dma_wait3A_293 = tpu.memref_slice %arg2[%dma_wait3A_291, %dma_wait3A_292] : memref<20000x128xf32, #tpu.memory_space<hbm>> -> memref<80x128xf32, #tpu.memory_space<hbm>>
        %dma_wait3A_294 = arith.constant 0 : i32
        %dma_wait3A_295 = arith.constant 0 : i32
        %dma_wait3A_296 = tpu.memref_slice %arg2[%dma_wait3A_294, %dma_wait3A_295] : memref<20000x128xf32, #tpu.memory_space<hbm>> -> memref<80x128xf32, #tpu.memory_space<hbm>>
        tpu.wait_dma2 semaphore(%arg16 : memref<!tpu.dma_semaphore, #tpu.memory_space<semaphore_mem>>) src(%dma_wait3A_296 : memref<80x128xf32, #tpu.memory_space<hbm>>) dst(%arg11 : memref<80x128xf32, #tpu.memory_space<vmem>>)
        %dma_start3A_297 = arith.constant 1 : i32
        %dma_start3A_298 = arith.constant 11 : i32
        %dma_start3A_299 = arith.constant 1 : i32
        %dma_start3A_300 = arith.constant 0 : i32
        %dma_start3A_301 = tpu.memref_slice %arg7[%dma_start3A_297, %dma_start3A_298, %dma_start3A_299, %dma_start3A_300] : memref<2x12x2x80xi32, #tpu.memory_space<vmem>> -> memref<1x1x1x80xi32, #tpu.memory_space<vmem>>
        %dma_start3A_302 = tpu.memref_squeeze %dma_start3A_301 : memref<1x1x1x80xi32, #tpu.memory_space<vmem>> -> memref<80xi32, #tpu.memory_space<vmem>>
        %dma_start3A_303 = arith.constant 0 : i32
        %dma_start3A_304 = arith.constant 0 : i32
        %dma_start3A_305 = tpu.memref_slice %arg12[%dma_start3A_303, %dma_start3A_304] : memref<10000x128xf32, #tpu.memory_space<vmem_shared>> -> memref<10000x128xf32, #tpu.memory_space<vmem_shared>>
        tpu.enqueue_indirect_dma source(%arg11 : memref<80x128xf32, #tpu.memory_space<vmem>>) target(%dma_start3A_305 : memref<10000x128xf32, #tpu.memory_space<vmem_shared>>) offsets(%dma_start3A_302 : memref<80xi32, #tpu.memory_space<vmem>>) semaphore(%arg20 : memref<!tpu.dma_semaphore, #tpu.memory_space<semaphore_mem>>) {add = true}
        %add3A_306 = arith.constant 2 : i32
        %add3A_307 = arith.addi %add3A_285, %add3A_306 : i32
        %lt3A_308 = arith.constant 250 : i32
        %lt3A_309 = arith.cmpi slt, %add3A_307, %lt3A_308 : i32
        %convert_element_type3A_310 = arith.extui %lt3A_309 : i1 to i32
        %cond3A_311 = arith.constant 0 : i32
        %cond3A_312 = arith.cmpi ne, %convert_element_type3A_310, %cond3A_311 : i32
        scf.if %cond3A_312 {
          %ge3A = arith.constant 4 : i32
          %ge3A_313 = arith.cmpi sge, %add3A_307, %ge3A : i32
          %convert_element_type3A_314 = arith.extui %ge3A_313 : i1 to i32
          %cond3A_315 = arith.constant 0 : i32
          %cond3A_316 = arith.cmpi ne, %convert_element_type3A_314, %cond3A_315 : i32
          scf.if %cond3A_316 {
            %dma_wait3A_326 = arith.constant 0 : i32
            %dma_wait3A_327 = arith.constant 0 : i32
            %dma_wait3A_328 = tpu.memref_slice %arg5[%dma_wait3A_326, %dma_wait3A_327] : memref<10000x128xf32, #tpu.memory_space<hbm>> -> memref<80x128xf32, #tpu.memory_space<hbm>>
            %dma_wait3A_329 = arith.constant 0 : i32
            %dma_wait3A_330 = arith.constant 0 : i32
            %dma_wait3A_331 = tpu.memref_slice %arg5[%dma_wait3A_329, %dma_wait3A_330] : memref<10000x128xf32, #tpu.memory_space<hbm>> -> memref<80x128xf32, #tpu.memory_space<hbm>>
            tpu.wait_dma2 semaphore(%arg18 : memref<!tpu.dma_semaphore, #tpu.memory_space<semaphore_mem>>) src(%dma_wait3A_331 : memref<80x128xf32, #tpu.memory_space<hbm>>) dst(%arg9 : memref<80x128xf32, #tpu.memory_space<vmem>>)
          } else {
          }
          %dma_start3A_317 = arith.constant 0 : i32
          %dma_start3A_318 = arith.constant 1 : i32
          %dma_start3A_319 = arith.constant 0 : i32
          %dma_start3A_320 = arith.constant 0 : i32
          %dma_start3A_321 = tpu.memref_slice %arg7[%dma_start3A_317, %dma_start3A_318, %dma_start3A_319, %dma_start3A_320] : memref<2x12x2x80xi32, #tpu.memory_space<vmem>> -> memref<1x1x1x80xi32, #tpu.memory_space<vmem>>
          %dma_start3A_322 = tpu.memref_squeeze %dma_start3A_321 : memref<1x1x1x80xi32, #tpu.memory_space<vmem>> -> memref<80xi32, #tpu.memory_space<vmem>>
          %dma_start3A_323 = arith.constant 0 : i32
          %dma_start3A_324 = arith.constant 0 : i32
          %dma_start3A_325 = tpu.memref_slice %arg2[%dma_start3A_323, %dma_start3A_324] : memref<20000x128xf32, #tpu.memory_space<hbm>> -> memref<20000x128xf32, #tpu.memory_space<hbm>>
          tpu.enqueue_indirect_dma source(%dma_start3A_325 : memref<20000x128xf32, #tpu.memory_space<hbm>>) target(%arg9 : memref<80x128xf32, #tpu.memory_space<vmem>>) offsets(%dma_start3A_322 : memref<80xi32, #tpu.memory_space<vmem>>) semaphore(%arg14 : memref<!tpu.dma_semaphore, #tpu.memory_space<semaphore_mem>>)
        } else {
        }
      } else {
      }
    }
    %scan3A_49 = arith.constant 11 : i32
    %dma_wait3A_50 = arith.constant 0 : i32
    %dma_wait3A_51 = arith.constant 0 : i32
    %dma_wait3A_52 = tpu.memref_slice %arg5[%dma_wait3A_50, %dma_wait3A_51] : memref<10000x128xf32, #tpu.memory_space<hbm>> -> memref<80x128xf32, #tpu.memory_space<hbm>>
    %dma_wait3A_53 = arith.constant 0 : i32
    %dma_wait3A_54 = arith.constant 0 : i32
    %dma_wait3A_55 = tpu.memref_slice %arg5[%dma_wait3A_53, %dma_wait3A_54] : memref<10000x128xf32, #tpu.memory_space<hbm>> -> memref<80x128xf32, #tpu.memory_space<hbm>>
    tpu.wait_dma2 semaphore(%arg17 : memref<!tpu.dma_semaphore, #tpu.memory_space<semaphore_mem>>) src(%dma_wait3A_55 : memref<80x128xf32, #tpu.memory_space<hbm>>) dst(%arg8 : memref<80x128xf32, #tpu.memory_space<vmem>>)
    %dma_wait3A_56 = arith.constant 0 : i32
    %dma_wait3A_57 = arith.constant 0 : i32
    %dma_wait3A_58 = tpu.memref_slice %arg5[%dma_wait3A_56, %dma_wait3A_57] : memref<10000x128xf32, #tpu.memory_space<hbm>> -> memref<80x128xf32, #tpu.memory_space<hbm>>
    %dma_wait3A_59 = arith.constant 0 : i32
    %dma_wait3A_60 = arith.constant 0 : i32
    %dma_wait3A_61 = tpu.memref_slice %arg5[%dma_wait3A_59, %dma_wait3A_60] : memref<10000x128xf32, #tpu.memory_space<hbm>> -> memref<80x128xf32, #tpu.memory_space<hbm>>
    tpu.wait_dma2 semaphore(%arg18 : memref<!tpu.dma_semaphore, #tpu.memory_space<semaphore_mem>>) src(%dma_wait3A_61 : memref<80x128xf32, #tpu.memory_space<hbm>>) dst(%arg9 : memref<80x128xf32, #tpu.memory_space<vmem>>)
    %dma_wait3A_62 = arith.constant 0 : i32
    %dma_wait3A_63 = arith.constant 0 : i32
    %dma_wait3A_64 = tpu.memref_slice %arg5[%dma_wait3A_62, %dma_wait3A_63] : memref<10000x128xf32, #tpu.memory_space<hbm>> -> memref<80x128xf32, #tpu.memory_space<hbm>>
    %dma_wait3A_65 = arith.constant 0 : i32
    %dma_wait3A_66 = arith.constant 0 : i32
    %dma_wait3A_67 = tpu.memref_slice %arg5[%dma_wait3A_65, %dma_wait3A_66] : memref<10000x128xf32, #tpu.memory_space<hbm>> -> memref<80x128xf32, #tpu.memory_space<hbm>>
    tpu.wait_dma2 semaphore(%arg19 : memref<!tpu.dma_semaphore, #tpu.memory_space<semaphore_mem>>) src(%dma_wait3A_67 : memref<80x128xf32, #tpu.memory_space<hbm>>) dst(%arg10 : memref<80x128xf32, #tpu.memory_space<vmem>>)
    %dma_wait3A_68 = arith.constant 0 : i32
    %dma_wait3A_69 = arith.constant 0 : i32
    %dma_wait3A_70 = tpu.memref_slice %arg5[%dma_wait3A_68, %dma_wait3A_69] : memref<10000x128xf32, #tpu.memory_space<hbm>> -> memref<80x128xf32, #tpu.memory_space<hbm>>
    %dma_wait3A_71 = arith.constant 0 : i32
    %dma_wait3A_72 = arith.constant 0 : i32
    %dma_wait3A_73 = tpu.memref_slice %arg5[%dma_wait3A_71, %dma_wait3A_72] : memref<10000x128xf32, #tpu.memory_space<hbm>> -> memref<80x128xf32, #tpu.memory_space<hbm>>
    tpu.wait_dma2 semaphore(%arg20 : memref<!tpu.dma_semaphore, #tpu.memory_space<semaphore_mem>>) src(%dma_wait3A_73 : memref<80x128xf32, #tpu.memory_space<hbm>>) dst(%arg11 : memref<80x128xf32, #tpu.memory_space<vmem>>)
    %barrier3A_74 = arith.constant 0 : index
    tpu.barrier barrier_id(%barrier3A_74)
    %mul3A_75 = arith.constant 10000 : i32
    %mul3A_76 = arith.muli %arg0, %mul3A_75 : i32
    %add3A = arith.addi %mul3A_76, %mul3A_0 : i32
    "tpu.region"() ({
      %run_scoped3A = tpu.sem_alloc : memref<!tpu.dma_semaphore, #tpu.memory_space<semaphore_mem>>
      %dma_start3A_77 = arith.constant 0 : i32
      %dma_start3A_78 = tpu.memref_slice %arg6[%add3A, %dma_start3A_77] : memref<20000x128xf32, #tpu.memory_space<hbm>> -> memref<625x128xf32, #tpu.memory_space<hbm>>
      %dma_start3A_79 = arith.constant 0 : i32
      %dma_start3A_80 = tpu.memref_slice %arg12[%mul3A_0, %dma_start3A_79] : memref<10000x128xf32, #tpu.memory_space<vmem_shared>> -> memref<625x128xf32, #tpu.memory_space<vmem_shared>>
      tpu.enqueue_dma source(%dma_start3A_80 : memref<625x128xf32, #tpu.memory_space<vmem_shared>>) target(%dma_start3A_78 : memref<625x128xf32, #tpu.memory_space<hbm>>) target_semaphore(%run_scoped3A : memref<!tpu.dma_semaphore, #tpu.memory_space<semaphore_mem>>)
      %dma_wait3A_81 = arith.constant 0 : i32
      %dma_wait3A_82 = tpu.memref_slice %arg6[%add3A, %dma_wait3A_81] : memref<20000x128xf32, #tpu.memory_space<hbm>> -> memref<625x128xf32, #tpu.memory_space<hbm>>
      %dma_wait3A_83 = arith.constant 0 : i32
      %dma_wait3A_84 = tpu.memref_slice %arg12[%mul3A_0, %dma_wait3A_83] : memref<10000x128xf32, #tpu.memory_space<vmem_shared>> -> memref<625x128xf32, #tpu.memory_space<vmem_shared>>
      tpu.wait_dma2 semaphore(%run_scoped3A : memref<!tpu.dma_semaphore, #tpu.memory_space<semaphore_mem>>) src(%dma_wait3A_84 : memref<625x128xf32, #tpu.memory_space<vmem_shared>>) dst(%dma_wait3A_82 : memref<625x128xf32, #tpu.memory_space<hbm>>)
      tpu.yield
    }) : () -> ()
    return
  }
}

#map = affine_map<(d0, d1) -> (0, 0)>
#map1 = affine_map<(d0, d1) -> (0, 0, 0)>
module attributes {stable_mosaic.version = 14 : i64} {
  func.func @agg(%arg0: i32, %arg1: i32, %arg2: memref<10000x128xf32, #tpu.memory_space<hbm>>, %arg3: memref<4002x2x80xi32, #tpu.memory_space<hbm>>, %arg4: memref<10000x128xf32, #tpu.memory_space<hbm>>, %arg5: memref<10000x16xf32, #tpu.memory_space<hbm>>, %arg6: memref<20000x128xf32, #tpu.memory_space<hbm>>, %arg7: memref<20000x16xf32, #tpu.memory_space<hbm>>, %arg8: memref<2x9x2x80xi32, #tpu.memory_space<vmem>>, %arg9: memref<80x128xf32, #tpu.memory_space<vmem>>, %arg10: memref<80x128xf32, #tpu.memory_space<vmem>>, %arg11: memref<80x128xf32, #tpu.memory_space<vmem>>, %arg12: memref<80x16xf32, #tpu.memory_space<vmem>>, %arg13: memref<10000x128xf32, #tpu.memory_space<vmem_shared>>, %arg14: memref<10000x16xf32, #tpu.memory_space<vmem_shared>>, %arg15: memref<!tpu.dma_semaphore, #tpu.memory_space<semaphore_mem>>, %arg16: memref<!tpu.dma_semaphore, #tpu.memory_space<semaphore_mem>>, %arg17: memref<!tpu.dma_semaphore, #tpu.memory_space<semaphore_mem>>, %arg18: memref<!tpu.dma_semaphore, #tpu.memory_space<semaphore_mem>>, %arg19: memref<!tpu.dma_semaphore, #tpu.memory_space<semaphore_mem>>, %arg20: memref<!tpu.dma_semaphore, #tpu.memory_space<semaphore_mem>>, %arg21: memref<!tpu.dma_semaphore, #tpu.memory_space<semaphore_mem>>, %arg22: memref<!tpu.dma_semaphore, #tpu.memory_space<semaphore_mem>>, %arg23: memref<!tpu.dma_semaphore, #tpu.memory_space<semaphore_mem>>, %arg24: memref<!tpu.dma_semaphore, #tpu.memory_space<semaphore_mem>>, %arg25: memref<!tpu.dma_semaphore, #tpu.memory_space<semaphore_mem>>) attributes {dimension_semantics = [#tpu.dimension_semantics<core_parallel>, #tpu.dimension_semantics<subcore_parallel>], iteration_bounds = array<i64: 2, 16>, scalar_prefetch = 0 : i64, scratch_operands = 18 : i64, tpu.core_type = #tpu.core_type<sc_vector_subcore>, window_params = [{transform_indices = #map}, {transform_indices = #map1}, {transform_indices = #map}, {transform_indices = #map}, {transform_indices = #map}, {transform_indices = #map}]} {
    %mul3A = arith.constant 625 : i32
    %mul3A_0 = arith.muli %arg1, %mul3A : i32
    %mul3A_1 = arith.constant 16 : i32
    %mul3A_2 = arith.muli %arg0, %mul3A_1 : i32
    %add3A = arith.addi %mul3A_2, %arg1 : i32
    %mul3A_3 = arith.constant 125 : i32
    %mul3A_4 = arith.muli %add3A, %mul3A_3 : i32
    %run_scoped3A = arith.constant 0 : i32
    "tpu.region"() ({
      %run_scoped3A_75 = tpu.sem_alloc : memref<!tpu.dma_semaphore, #tpu.memory_space<semaphore_mem>>
      %dma_start3A_76 = arith.constant 0 : i32
      %dma_start3A_77 = arith.constant 0 : i32
      %dma_start3A_78 = arith.constant 0 : i32
      %dma_start3A_79 = tpu.memref_slice %arg8[%run_scoped3A, %dma_start3A_76, %dma_start3A_77, %dma_start3A_78] : memref<2x9x2x80xi32, #tpu.memory_space<vmem>> -> memref<1x9x2x80xi32, #tpu.memory_space<vmem>>
      %dma_start3A_80 = tpu.memref_squeeze %dma_start3A_79 : memref<1x9x2x80xi32, #tpu.memory_space<vmem>> -> memref<9x2x80xi32, #tpu.memory_space<vmem>>
      %dma_start3A_81 = arith.constant 0 : i32
      %dma_start3A_82 = arith.constant 0 : i32
      %dma_start3A_83 = tpu.memref_slice %arg3[%mul3A_4, %dma_start3A_81, %dma_start3A_82] : memref<4002x2x80xi32, #tpu.memory_space<hbm>> -> memref<9x2x80xi32, #tpu.memory_space<hbm>>
      %dma_start3A_84 = arith.constant 0 : i32
      %dma_start3A_85 = arith.constant 0 : i32
      %dma_start3A_86 = arith.constant 0 : i32
      %dma_start3A_87 = tpu.memref_slice %arg8[%run_scoped3A, %dma_start3A_84, %dma_start3A_85, %dma_start3A_86] : memref<2x9x2x80xi32, #tpu.memory_space<vmem>> -> memref<1x9x2x80xi32, #tpu.memory_space<vmem>>
      %dma_start3A_88 = tpu.memref_squeeze %dma_start3A_87 : memref<1x9x2x80xi32, #tpu.memory_space<vmem>> -> memref<9x2x80xi32, #tpu.memory_space<vmem>>
      %dma_start3A_89 = arith.constant 0 : i32
      %dma_start3A_90 = arith.constant 0 : i32
      %dma_start3A_91 = tpu.memref_slice %arg3[%mul3A_4, %dma_start3A_89, %dma_start3A_90] : memref<4002x2x80xi32, #tpu.memory_space<hbm>> -> memref<9x2x80xi32, #tpu.memory_space<hbm>>
      tpu.enqueue_dma source(%dma_start3A_91 : memref<9x2x80xi32, #tpu.memory_space<hbm>>) target(%dma_start3A_88 : memref<9x2x80xi32, #tpu.memory_space<vmem>>) target_semaphore(%run_scoped3A_75 : memref<!tpu.dma_semaphore, #tpu.memory_space<semaphore_mem>>)
      %dma_wait3A_92 = arith.constant 0 : i32
      %dma_wait3A_93 = arith.constant 0 : i32
      %dma_wait3A_94 = arith.constant 0 : i32
      %dma_wait3A_95 = tpu.memref_slice %arg8[%run_scoped3A, %dma_wait3A_92, %dma_wait3A_93, %dma_wait3A_94] : memref<2x9x2x80xi32, #tpu.memory_space<vmem>> -> memref<1x9x2x80xi32, #tpu.memory_space<vmem>>
      %dma_wait3A_96 = tpu.memref_squeeze %dma_wait3A_95 : memref<1x9x2x80xi32, #tpu.memory_space<vmem>> -> memref<9x2x80xi32, #tpu.memory_space<vmem>>
      %dma_wait3A_97 = arith.constant 0 : i32
      %dma_wait3A_98 = arith.constant 0 : i32
      %dma_wait3A_99 = tpu.memref_slice %arg3[%mul3A_4, %dma_wait3A_97, %dma_wait3A_98] : memref<4002x2x80xi32, #tpu.memory_space<hbm>> -> memref<9x2x80xi32, #tpu.memory_space<hbm>>
      %dma_wait3A_100 = arith.constant 0 : i32
      %dma_wait3A_101 = arith.constant 0 : i32
      %dma_wait3A_102 = arith.constant 0 : i32
      %dma_wait3A_103 = tpu.memref_slice %arg8[%run_scoped3A, %dma_wait3A_100, %dma_wait3A_101, %dma_wait3A_102] : memref<2x9x2x80xi32, #tpu.memory_space<vmem>> -> memref<1x9x2x80xi32, #tpu.memory_space<vmem>>
      %dma_wait3A_104 = tpu.memref_squeeze %dma_wait3A_103 : memref<1x9x2x80xi32, #tpu.memory_space<vmem>> -> memref<9x2x80xi32, #tpu.memory_space<vmem>>
      %dma_wait3A_105 = arith.constant 0 : i32
      %dma_wait3A_106 = arith.constant 0 : i32
      %dma_wait3A_107 = tpu.memref_slice %arg3[%mul3A_4, %dma_wait3A_105, %dma_wait3A_106] : memref<4002x2x80xi32, #tpu.memory_space<hbm>> -> memref<9x2x80xi32, #tpu.memory_space<hbm>>
      tpu.wait_dma2 semaphore(%run_scoped3A_75 : memref<!tpu.dma_semaphore, #tpu.memory_space<semaphore_mem>>) src(%dma_wait3A_107 : memref<9x2x80xi32, #tpu.memory_space<hbm>>) dst(%dma_wait3A_104 : memref<9x2x80xi32, #tpu.memory_space<vmem>>)
      tpu.yield
    }) : () -> ()
    %dma_start3A = arith.constant 0 : i32
    %dma_start3A_5 = arith.constant 0 : i32
    %dma_start3A_6 = arith.constant 0 : i32
    %dma_start3A_7 = arith.constant 0 : i32
    %dma_start3A_8 = tpu.memref_slice %arg8[%dma_start3A, %dma_start3A_5, %dma_start3A_6, %dma_start3A_7] : memref<2x9x2x80xi32, #tpu.memory_space<vmem>> -> memref<1x1x1x80xi32, #tpu.memory_space<vmem>>
    %dma_start3A_9 = tpu.memref_squeeze %dma_start3A_8 : memref<1x1x1x80xi32, #tpu.memory_space<vmem>> -> memref<80xi32, #tpu.memory_space<vmem>>
    %dma_start3A_10 = arith.constant 0 : i32
    %dma_start3A_11 = arith.constant 0 : i32
    %dma_start3A_12 = tpu.memref_slice %arg2[%dma_start3A_10, %dma_start3A_11] : memref<10000x128xf32, #tpu.memory_space<hbm>> -> memref<10000x128xf32, #tpu.memory_space<hbm>>
    tpu.enqueue_indirect_dma source(%dma_start3A_12 : memref<10000x128xf32, #tpu.memory_space<hbm>>) target(%arg9 : memref<80x128xf32, #tpu.memory_space<vmem>>) offsets(%dma_start3A_9 : memref<80xi32, #tpu.memory_space<vmem>>) semaphore(%arg15 : memref<!tpu.dma_semaphore, #tpu.memory_space<semaphore_mem>>)
    %dma_start3A_13 = arith.constant 0 : i32
    %dma_start3A_14 = arith.constant 1 : i32
    %dma_start3A_15 = arith.constant 0 : i32
    %dma_start3A_16 = arith.constant 0 : i32
    %dma_start3A_17 = tpu.memref_slice %arg8[%dma_start3A_13, %dma_start3A_14, %dma_start3A_15, %dma_start3A_16] : memref<2x9x2x80xi32, #tpu.memory_space<vmem>> -> memref<1x1x1x80xi32, #tpu.memory_space<vmem>>
    %dma_start3A_18 = tpu.memref_squeeze %dma_start3A_17 : memref<1x1x1x80xi32, #tpu.memory_space<vmem>> -> memref<80xi32, #tpu.memory_space<vmem>>
    %dma_start3A_19 = arith.constant 0 : i32
    %dma_start3A_20 = arith.constant 0 : i32
    %dma_start3A_21 = tpu.memref_slice %arg2[%dma_start3A_19, %dma_start3A_20] : memref<10000x128xf32, #tpu.memory_space<hbm>> -> memref<10000x128xf32, #tpu.memory_space<hbm>>
    tpu.enqueue_indirect_dma source(%dma_start3A_21 : memref<10000x128xf32, #tpu.memory_space<hbm>>) target(%arg10 : memref<80x128xf32, #tpu.memory_space<vmem>>) offsets(%dma_start3A_18 : memref<80xi32, #tpu.memory_space<vmem>>) semaphore(%arg16 : memref<!tpu.dma_semaphore, #tpu.memory_space<semaphore_mem>>)
    %scan3A = arith.constant 0 : i32
    %scan3A_22 = arith.constant 0 : i32
    %scan3A_23 = arith.constant 80 : i32
    %scan3A_24 = arith.addi %scan3A_22, %scan3A_23 : i32
    %scan3A_25 = arith.constant 1 : i32
    scf.for %scan3A_75 = %scan3A_22 to %scan3A_24 step %scan3A_25  : i32 {
      %broadcast_in_dim3A = arith.constant 1.000000e+00 : f32
      %broadcast_in_dim3A_76 = vector.broadcast %broadcast_in_dim3A : f32 to vector<16xf32>
      %swap3A = arith.index_cast %scan3A_75 : i32 to index
      %swap3A_77 = arith.constant 0 : index
      %swap3A_78 = tpu.vector_load %arg12[%swap3A, %swap3A_77] {strides = array<i32>} : memref<80x16xf32, #tpu.memory_space<vmem>>, vector<1x16xf32>,
      %swap3A_79 = vector.shape_cast %swap3A_78 : vector<1x16xf32> to vector<16xf32>
      %swap3A_80 = vector.shape_cast %broadcast_in_dim3A_76 : vector<16xf32> to vector<1x16xf32>
      tpu.vector_store %arg12[%swap3A, %swap3A_77], %swap3A_80 {strides = array<i32>} : memref<80x16xf32, #tpu.memory_space<vmem>>, vector<1x16xf32>,
    }
    %scan3A_26 = arith.constant 80 : i32
    "tpu.region"() ({
      %run_scoped3A_75 = tpu.sem_alloc : memref<!tpu.dma_semaphore, #tpu.memory_space<semaphore_mem>>
      %dma_start3A_76 = arith.constant 0 : i32
      %dma_start3A_77 = tpu.memref_slice %arg14[%mul3A_0, %dma_start3A_76] : memref<10000x16xf32, #tpu.memory_space<vmem_shared>> -> memref<625x16xf32, #tpu.memory_space<vmem_shared>>
      %dma_start3A_78 = arith.constant 0 : i32
      %dma_start3A_79 = tpu.memref_slice %arg5[%mul3A_0, %dma_start3A_78] : memref<10000x16xf32, #tpu.memory_space<hbm>> -> memref<625x16xf32, #tpu.memory_space<hbm>>
      tpu.enqueue_dma source(%dma_start3A_79 : memref<625x16xf32, #tpu.memory_space<hbm>>) target(%dma_start3A_77 : memref<625x16xf32, #tpu.memory_space<vmem_shared>>) target_semaphore(%run_scoped3A_75 : memref<!tpu.dma_semaphore, #tpu.memory_space<semaphore_mem>>)
      %dma_wait3A_80 = arith.constant 0 : i32
      %dma_wait3A_81 = tpu.memref_slice %arg14[%mul3A_0, %dma_wait3A_80] : memref<10000x16xf32, #tpu.memory_space<vmem_shared>> -> memref<625x16xf32, #tpu.memory_space<vmem_shared>>
      %dma_wait3A_82 = arith.constant 0 : i32
      %dma_wait3A_83 = tpu.memref_slice %arg5[%mul3A_0, %dma_wait3A_82] : memref<10000x16xf32, #tpu.memory_space<hbm>> -> memref<625x16xf32, #tpu.memory_space<hbm>>
      tpu.wait_dma2 semaphore(%run_scoped3A_75 : memref<!tpu.dma_semaphore, #tpu.memory_space<semaphore_mem>>) src(%dma_wait3A_83 : memref<625x16xf32, #tpu.memory_space<hbm>>) dst(%dma_wait3A_81 : memref<625x16xf32, #tpu.memory_space<vmem_shared>>)
      tpu.yield
    }) : () -> ()
    "tpu.region"() ({
      %run_scoped3A_75 = tpu.sem_alloc : memref<!tpu.dma_semaphore, #tpu.memory_space<semaphore_mem>>
      %dma_start3A_76 = arith.constant 0 : i32
      %dma_start3A_77 = tpu.memref_slice %arg13[%mul3A_0, %dma_start3A_76] : memref<10000x128xf32, #tpu.memory_space<vmem_shared>> -> memref<625x128xf32, #tpu.memory_space<vmem_shared>>
      %dma_start3A_78 = arith.constant 0 : i32
      %dma_start3A_79 = tpu.memref_slice %arg4[%mul3A_0, %dma_start3A_78] : memref<10000x128xf32, #tpu.memory_space<hbm>> -> memref<625x128xf32, #tpu.memory_space<hbm>>
      tpu.enqueue_dma source(%dma_start3A_79 : memref<625x128xf32, #tpu.memory_space<hbm>>) target(%dma_start3A_77 : memref<625x128xf32, #tpu.memory_space<vmem_shared>>) target_semaphore(%run_scoped3A_75 : memref<!tpu.dma_semaphore, #tpu.memory_space<semaphore_mem>>)
      %dma_wait3A_80 = arith.constant 0 : i32
      %dma_wait3A_81 = tpu.memref_slice %arg13[%mul3A_0, %dma_wait3A_80] : memref<10000x128xf32, #tpu.memory_space<vmem_shared>> -> memref<625x128xf32, #tpu.memory_space<vmem_shared>>
      %dma_wait3A_82 = arith.constant 0 : i32
      %dma_wait3A_83 = tpu.memref_slice %arg4[%mul3A_0, %dma_wait3A_82] : memref<10000x128xf32, #tpu.memory_space<hbm>> -> memref<625x128xf32, #tpu.memory_space<hbm>>
      tpu.wait_dma2 semaphore(%run_scoped3A_75 : memref<!tpu.dma_semaphore, #tpu.memory_space<semaphore_mem>>) src(%dma_wait3A_83 : memref<625x128xf32, #tpu.memory_space<hbm>>) dst(%dma_wait3A_81 : memref<625x128xf32, #tpu.memory_space<vmem_shared>>)
      tpu.yield
    }) : () -> ()
    %barrier3A = arith.constant 0 : index
    tpu.barrier barrier_id(%barrier3A)
    %scan3A_27 = arith.constant 0 : i32
    %scan3A_28 = arith.constant 0 : i32
    %scan3A_29 = arith.constant 7 : i32
    %scan3A_30 = arith.addi %scan3A_28, %scan3A_29 : i32
    %scan3A_31 = arith.constant 1 : i32
    scf.for %scan3A_75 = %scan3A_28 to %scan3A_30 step %scan3A_31  : i32 {
      %mul3A_76 = arith.constant 18 : i32
      %mul3A_77 = arith.muli %scan3A_75, %mul3A_76 : i32
      %add3A_78 = arith.constant 0 : i32
      %add3A_79 = arith.addi %mul3A_77, %add3A_78 : i32
      %lt3A = arith.constant 125 : i32
      %lt3A_80 = arith.cmpi slt, %add3A_79, %lt3A : i32
      %convert_element_type3A = arith.extui %lt3A_80 : i1 to i32
      %cond3A = arith.constant 0 : i32
      %cond3A_81 = arith.cmpi ne, %convert_element_type3A, %cond3A : i32
      scf.if %cond3A_81 {
        %dma_wait3A_245 = arith.constant 0 : i32
        %dma_wait3A_246 = arith.constant 0 : i32
        %dma_wait3A_247 = tpu.memref_slice %arg2[%dma_wait3A_245, %dma_wait3A_246] : memref<10000x128xf32, #tpu.memory_space<hbm>> -> memref<80x128xf32, #tpu.memory_space<hbm>>
        %dma_wait3A_248 = arith.constant 0 : i32
        %dma_wait3A_249 = arith.constant 0 : i32
        %dma_wait3A_250 = tpu.memref_slice %arg2[%dma_wait3A_248, %dma_wait3A_249] : memref<10000x128xf32, #tpu.memory_space<hbm>> -> memref<80x128xf32, #tpu.memory_space<hbm>>
        tpu.wait_dma2 semaphore(%arg15 : memref<!tpu.dma_semaphore, #tpu.memory_space<semaphore_mem>>) src(%dma_wait3A_250 : memref<80x128xf32, #tpu.memory_space<hbm>>) dst(%arg9 : memref<80x128xf32, #tpu.memory_space<vmem>>)
        %dma_start3A_251 = arith.constant 0 : i32
        %dma_start3A_252 = arith.constant 0 : i32
        %dma_start3A_253 = arith.constant 1 : i32
        %dma_start3A_254 = arith.constant 0 : i32
        %dma_start3A_255 = tpu.memref_slice %arg8[%dma_start3A_251, %dma_start3A_252, %dma_start3A_253, %dma_start3A_254] : memref<2x9x2x80xi32, #tpu.memory_space<vmem>> -> memref<1x1x1x80xi32, #tpu.memory_space<vmem>>
        %dma_start3A_256 = tpu.memref_squeeze %dma_start3A_255 : memref<1x1x1x80xi32, #tpu.memory_space<vmem>> -> memref<80xi32, #tpu.memory_space<vmem>>
        %dma_start3A_257 = arith.constant 0 : i32
        %dma_start3A_258 = arith.constant 0 : i32
        %dma_start3A_259 = tpu.memref_slice %arg13[%dma_start3A_257, %dma_start3A_258] : memref<10000x128xf32, #tpu.memory_space<vmem_shared>> -> memref<10000x128xf32, #tpu.memory_space<vmem_shared>>
        tpu.enqueue_indirect_dma source(%arg9 : memref<80x128xf32, #tpu.memory_space<vmem>>) target(%dma_start3A_259 : memref<10000x128xf32, #tpu.memory_space<vmem_shared>>) offsets(%dma_start3A_256 : memref<80xi32, #tpu.memory_space<vmem>>) semaphore(%arg18 : memref<!tpu.dma_semaphore, #tpu.memory_space<semaphore_mem>>) {add = true}
        %dma_start3A_260 = arith.constant 0 : i32
        %dma_start3A_261 = arith.constant 0 : i32
        %dma_start3A_262 = arith.constant 1 : i32
        %dma_start3A_263 = arith.constant 0 : i32
        %dma_start3A_264 = tpu.memref_slice %arg8[%dma_start3A_260, %dma_start3A_261, %dma_start3A_262, %dma_start3A_263] : memref<2x9x2x80xi32, #tpu.memory_space<vmem>> -> memref<1x1x1x80xi32, #tpu.memory_space<vmem>>
        %dma_start3A_265 = tpu.memref_squeeze %dma_start3A_264 : memref<1x1x1x80xi32, #tpu.memory_space<vmem>> -> memref<80xi32, #tpu.memory_space<vmem>>
        %dma_start3A_266 = arith.constant 0 : i32
        %dma_start3A_267 = arith.constant 0 : i32
        %dma_start3A_268 = tpu.memref_slice %arg14[%dma_start3A_266, %dma_start3A_267] : memref<10000x16xf32, #tpu.memory_space<vmem_shared>> -> memref<10000x16xf32, #tpu.memory_space<vmem_shared>>
        tpu.enqueue_indirect_dma source(%arg12 : memref<80x16xf32, #tpu.memory_space<vmem>>) target(%dma_start3A_268 : memref<10000x16xf32, #tpu.memory_space<vmem_shared>>) offsets(%dma_start3A_265 : memref<80xi32, #tpu.memory_space<vmem>>) semaphore(%arg21 : memref<!tpu.dma_semaphore, #tpu.memory_space<semaphore_mem>>) {add = true}
        %add3A_269 = arith.constant 2 : i32
        %add3A_270 = arith.addi %add3A_79, %add3A_269 : i32
        %lt3A_271 = arith.constant 125 : i32
        %lt3A_272 = arith.cmpi slt, %add3A_270, %lt3A_271 : i32
        %convert_element_type3A_273 = arith.extui %lt3A_272 : i1 to i32
        %cond3A_274 = arith.constant 0 : i32
        %cond3A_275 = arith.cmpi ne, %convert_element_type3A_273, %cond3A_274 : i32
        scf.if %cond3A_275 {
          %ge3A = arith.constant 3 : i32
          %ge3A_276 = arith.cmpi sge, %add3A_270, %ge3A : i32
          %convert_element_type3A_277 = arith.extui %ge3A_276 : i1 to i32
          %cond3A_278 = arith.constant 0 : i32
          %cond3A_279 = arith.cmpi ne, %convert_element_type3A_277, %cond3A_278 : i32
          scf.if %cond3A_279 {
            %dma_wait3A_289 = arith.constant 0 : i32
            %dma_wait3A_290 = arith.constant 0 : i32
            %dma_wait3A_291 = tpu.memref_slice %arg4[%dma_wait3A_289, %dma_wait3A_290] : memref<10000x128xf32, #tpu.memory_space<hbm>> -> memref<80x128xf32, #tpu.memory_space<hbm>>
            %dma_wait3A_292 = arith.constant 0 : i32
            %dma_wait3A_293 = arith.constant 0 : i32
            %dma_wait3A_294 = tpu.memref_slice %arg4[%dma_wait3A_292, %dma_wait3A_293] : memref<10000x128xf32, #tpu.memory_space<hbm>> -> memref<80x128xf32, #tpu.memory_space<hbm>>
            tpu.wait_dma2 semaphore(%arg20 : memref<!tpu.dma_semaphore, #tpu.memory_space<semaphore_mem>>) src(%dma_wait3A_294 : memref<80x128xf32, #tpu.memory_space<hbm>>) dst(%arg11 : memref<80x128xf32, #tpu.memory_space<vmem>>)
            %dma_wait3A_295 = arith.constant 0 : i32
            %dma_wait3A_296 = arith.constant 0 : i32
            %dma_wait3A_297 = tpu.memref_slice %arg5[%dma_wait3A_295, %dma_wait3A_296] : memref<10000x16xf32, #tpu.memory_space<hbm>> -> memref<80x16xf32, #tpu.memory_space<hbm>>
            %dma_wait3A_298 = arith.constant 0 : i32
            %dma_wait3A_299 = arith.constant 0 : i32
            %dma_wait3A_300 = tpu.memref_slice %arg5[%dma_wait3A_298, %dma_wait3A_299] : memref<10000x16xf32, #tpu.memory_space<hbm>> -> memref<80x16xf32, #tpu.memory_space<hbm>>
            tpu.wait_dma2 semaphore(%arg23 : memref<!tpu.dma_semaphore, #tpu.memory_space<semaphore_mem>>) src(%dma_wait3A_300 : memref<80x16xf32, #tpu.memory_space<hbm>>) dst(%arg12 : memref<80x16xf32, #tpu.memory_space<vmem>>)
          } else {
          }
          %dma_start3A_280 = arith.constant 0 : i32
          %dma_start3A_281 = arith.constant 2 : i32
          %dma_start3A_282 = arith.constant 0 : i32
          %dma_start3A_283 = arith.constant 0 : i32
          %dma_start3A_284 = tpu.memref_slice %arg8[%dma_start3A_280, %dma_start3A_281, %dma_start3A_282, %dma_start3A_283] : memref<2x9x2x80xi32, #tpu.memory_space<vmem>> -> memref<1x1x1x80xi32, #tpu.memory_space<vmem>>
          %dma_start3A_285 = tpu.memref_squeeze %dma_start3A_284 : memref<1x1x1x80xi32, #tpu.memory_space<vmem>> -> memref<80xi32, #tpu.memory_space<vmem>>
          %dma_start3A_286 = arith.constant 0 : i32
          %dma_start3A_287 = arith.constant 0 : i32
          %dma_start3A_288 = tpu.memref_slice %arg2[%dma_start3A_286, %dma_start3A_287] : memref<10000x128xf32, #tpu.memory_space<hbm>> -> memref<10000x128xf32, #tpu.memory_space<hbm>>
          tpu.enqueue_indirect_dma source(%dma_start3A_288 : memref<10000x128xf32, #tpu.memory_space<hbm>>) target(%arg11 : memref<80x128xf32, #tpu.memory_space<vmem>>) offsets(%dma_start3A_285 : memref<80xi32, #tpu.memory_space<vmem>>) semaphore(%arg17 : memref<!tpu.dma_semaphore, #tpu.memory_space<semaphore_mem>>)
        } else {
        }
      } else {
      }
      %add3A_82 = arith.constant 1 : i32
      %add3A_83 = arith.addi %mul3A_77, %add3A_82 : i32
      %mul3A_84 = arith.constant 2 : i32
      %mul3A_85 = arith.muli %mul3A_84, %scan3A_75 : i32
      %add3A_86 = arith.constant 1 : i32
      %add3A_87 = arith.addi %mul3A_85, %add3A_86 : i32
      %mul3A_88 = arith.constant 9 : i32
      %mul3A_89 = arith.muli %add3A_87, %mul3A_88 : i32
      %lt3A_90 = arith.constant 125 : i32
      %lt3A_91 = arith.cmpi slt, %mul3A_89, %lt3A_90 : i32
      %convert_element_type3A_92 = arith.extui %lt3A_91 : i1 to i32
      %cond3A_93 = arith.constant 0 : i32
      %cond3A_94 = arith.cmpi ne, %convert_element_type3A_92, %cond3A_93 : i32
      scf.if %cond3A_94 {
        %mul3A_245 = arith.constant 2 : i32
        %mul3A_246 = arith.muli %mul3A_245, %scan3A_75 : i32
        %add3A_247 = arith.constant 1 : i32
        %add3A_248 = arith.addi %mul3A_246, %add3A_247 : i32
        %mul3A_249 = arith.constant 9 : i32
        %mul3A_250 = arith.muli %add3A_248, %mul3A_249 : i32
        %add3A_251 = arith.addi %mul3A_4, %mul3A_250 : i32
        %dma_start3A_252 = arith.constant 1 : i32
        %dma_start3A_253 = arith.constant 0 : i32
        %dma_start3A_254 = arith.constant 0 : i32
        %dma_start3A_255 = arith.constant 0 : i32
        %dma_start3A_256 = tpu.memref_slice %arg8[%dma_start3A_252, %dma_start3A_253, %dma_start3A_254, %dma_start3A_255] : memref<2x9x2x80xi32, #tpu.memory_space<vmem>> -> memref<1x9x2x80xi32, #tpu.memory_space<vmem>>
        %dma_start3A_257 = tpu.memref_squeeze %dma_start3A_256 : memref<1x9x2x80xi32, #tpu.memory_space<vmem>> -> memref<9x2x80xi32, #tpu.memory_space<vmem>>
        %dma_start3A_258 = arith.constant 0 : i32
        %dma_start3A_259 = arith.constant 0 : i32
        %dma_start3A_260 = tpu.memref_slice %arg3[%add3A_251, %dma_start3A_258, %dma_start3A_259] : memref<4002x2x80xi32, #tpu.memory_space<hbm>> -> memref<9x2x80xi32, #tpu.memory_space<hbm>>
        %dma_start3A_261 = arith.constant 0 : i32
        %dma_start3A_262 = arith.constant 0 : i32
        %dma_start3A_263 = arith.constant 0 : i32
        %dma_start3A_264 = tpu.memref_slice %arg8[%dma_start3A_252, %dma_start3A_261, %dma_start3A_262, %dma_start3A_263] : memref<2x9x2x80xi32, #tpu.memory_space<vmem>> -> memref<1x9x2x80xi32, #tpu.memory_space<vmem>>
        %dma_start3A_265 = tpu.memref_squeeze %dma_start3A_264 : memref<1x9x2x80xi32, #tpu.memory_space<vmem>> -> memref<9x2x80xi32, #tpu.memory_space<vmem>>
        %dma_start3A_266 = arith.constant 0 : i32
        %dma_start3A_267 = arith.constant 0 : i32
        %dma_start3A_268 = tpu.memref_slice %arg3[%add3A_251, %dma_start3A_266, %dma_start3A_267] : memref<4002x2x80xi32, #tpu.memory_space<hbm>> -> memref<9x2x80xi32, #tpu.memory_space<hbm>>
        tpu.enqueue_dma source(%dma_start3A_268 : memref<9x2x80xi32, #tpu.memory_space<hbm>>) target(%dma_start3A_265 : memref<9x2x80xi32, #tpu.memory_space<vmem>>) target_semaphore(%arg25 : memref<!tpu.dma_semaphore, #tpu.memory_space<semaphore_mem>>)
      } else {
      }
      %lt3A_95 = arith.constant 125 : i32
      %lt3A_96 = arith.cmpi slt, %add3A_83, %lt3A_95 : i32
      %convert_element_type3A_97 = arith.extui %lt3A_96 : i1 to i32
      %cond3A_98 = arith.constant 0 : i32
      %cond3A_99 = arith.cmpi ne, %convert_element_type3A_97, %cond3A_98 : i32
      scf.if %cond3A_99 {
        %dma_wait3A_245 = arith.constant 0 : i32
        %dma_wait3A_246 = arith.constant 0 : i32
        %dma_wait3A_247 = tpu.memref_slice %arg2[%dma_wait3A_245, %dma_wait3A_246] : memref<10000x128xf32, #tpu.memory_space<hbm>> -> memref<80x128xf32, #tpu.memory_space<hbm>>
        %dma_wait3A_248 = arith.constant 0 : i32
        %dma_wait3A_249 = arith.constant 0 : i32
        %dma_wait3A_250 = tpu.memref_slice %arg2[%dma_wait3A_248, %dma_wait3A_249] : memref<10000x128xf32, #tpu.memory_space<hbm>> -> memref<80x128xf32, #tpu.memory_space<hbm>>
        tpu.wait_dma2 semaphore(%arg16 : memref<!tpu.dma_semaphore, #tpu.memory_space<semaphore_mem>>) src(%dma_wait3A_250 : memref<80x128xf32, #tpu.memory_space<hbm>>) dst(%arg10 : memref<80x128xf32, #tpu.memory_space<vmem>>)
        %dma_start3A_251 = arith.constant 0 : i32
        %dma_start3A_252 = arith.constant 1 : i32
        %dma_start3A_253 = arith.constant 1 : i32
        %dma_start3A_254 = arith.constant 0 : i32
        %dma_start3A_255 = tpu.memref_slice %arg8[%dma_start3A_251, %dma_start3A_252, %dma_start3A_253, %dma_start3A_254] : memref<2x9x2x80xi32, #tpu.memory_space<vmem>> -> memref<1x1x1x80xi32, #tpu.memory_space<vmem>>
        %dma_start3A_256 = tpu.memref_squeeze %dma_start3A_255 : memref<1x1x1x80xi32, #tpu.memory_space<vmem>> -> memref<80xi32, #tpu.memory_space<vmem>>
        %dma_start3A_257 = arith.constant 0 : i32
        %dma_start3A_258 = arith.constant 0 : i32
        %dma_start3A_259 = tpu.memref_slice %arg13[%dma_start3A_257, %dma_start3A_258] : memref<10000x128xf32, #tpu.memory_space<vmem_shared>> -> memref<10000x128xf32, #tpu.memory_space<vmem_shared>>
        tpu.enqueue_indirect_dma source(%arg10 : memref<80x128xf32, #tpu.memory_space<vmem>>) target(%dma_start3A_259 : memref<10000x128xf32, #tpu.memory_space<vmem_shared>>) offsets(%dma_start3A_256 : memref<80xi32, #tpu.memory_space<vmem>>) semaphore(%arg19 : memref<!tpu.dma_semaphore, #tpu.memory_space<semaphore_mem>>) {add = true}
        %dma_start3A_260 = arith.constant 0 : i32
        %dma_start3A_261 = arith.constant 1 : i32
        %dma_start3A_262 = arith.constant 1 : i32
        %dma_start3A_263 = arith.constant 0 : i32
        %dma_start3A_264 = tpu.memref_slice %arg8[%dma_start3A_260, %dma_start3A_261, %dma_start3A_262, %dma_start3A_263] : memref<2x9x2x80xi32, #tpu.memory_space<vmem>> -> memref<1x1x1x80xi32, #tpu.memory_space<vmem>>
        %dma_start3A_265 = tpu.memref_squeeze %dma_start3A_264 : memref<1x1x1x80xi32, #tpu.memory_space<vmem>> -> memref<80xi32, #tpu.memory_space<vmem>>
        %dma_start3A_266 = arith.constant 0 : i32
        %dma_start3A_267 = arith.constant 0 : i32
        %dma_start3A_268 = tpu.memref_slice %arg14[%dma_start3A_266, %dma_start3A_267] : memref<10000x16xf32, #tpu.memory_space<vmem_shared>> -> memref<10000x16xf32, #tpu.memory_space<vmem_shared>>
        tpu.enqueue_indirect_dma source(%arg12 : memref<80x16xf32, #tpu.memory_space<vmem>>) target(%dma_start3A_268 : memref<10000x16xf32, #tpu.memory_space<vmem_shared>>) offsets(%dma_start3A_265 : memref<80xi32, #tpu.memory_space<vmem>>) semaphore(%arg22 : memref<!tpu.dma_semaphore, #tpu.memory_space<semaphore_mem>>) {add = true}
        %add3A_269 = arith.constant 2 : i32
        %add3A_270 = arith.addi %add3A_83, %add3A_269 : i32
        %lt3A_271 = arith.constant 125 : i32
        %lt3A_272 = arith.cmpi slt, %add3A_270, %lt3A_271 : i32
        %convert_element_type3A_273 = arith.extui %lt3A_272 : i1 to i32
        %cond3A_274 = arith.constant 0 : i32
        %cond3A_275 = arith.cmpi ne, %convert_element_type3A_273, %cond3A_274 : i32
        scf.if %cond3A_275 {
          %ge3A = arith.constant 3 : i32
          %ge3A_276 = arith.cmpi sge, %add3A_270, %ge3A : i32
          %convert_element_type3A_277 = arith.extui %ge3A_276 : i1 to i32
          %cond3A_278 = arith.constant 0 : i32
          %cond3A_279 = arith.cmpi ne, %convert_element_type3A_277, %cond3A_278 : i32
          scf.if %cond3A_279 {
            %dma_wait3A_289 = arith.constant 0 : i32
            %dma_wait3A_290 = arith.constant 0 : i32
            %dma_wait3A_291 = tpu.memref_slice %arg4[%dma_wait3A_289, %dma_wait3A_290] : memref<10000x128xf32, #tpu.memory_space<hbm>> -> memref<80x128xf32, #tpu.memory_space<hbm>>
            %dma_wait3A_292 = arith.constant 0 : i32
            %dma_wait3A_293 = arith.constant 0 : i32
            %dma_wait3A_294 = tpu.memref_slice %arg4[%dma_wait3A_292, %dma_wait3A_293] : memref<10000x128xf32, #tpu.memory_space<hbm>> -> memref<80x128xf32, #tpu.memory_space<hbm>>
            tpu.wait_dma2 semaphore(%arg18 : memref<!tpu.dma_semaphore, #tpu.memory_space<semaphore_mem>>) src(%dma_wait3A_294 : memref<80x128xf32, #tpu.memory_space<hbm>>) dst(%arg9 : memref<80x128xf32, #tpu.memory_space<vmem>>)
            %dma_wait3A_295 = arith.constant 0 : i32
            %dma_wait3A_296 = arith.constant 0 : i32
            %dma_wait3A_297 = tpu.memref_slice %arg5[%dma_wait3A_295, %dma_wait3A_296] : memref<10000x16xf32, #tpu.memory_space<hbm>> -> memref<80x16xf32, #tpu.memory_space<hbm>>
            %dma_wait3A_298 = arith.constant 0 : i32
            %dma_wait3A_299 = arith.constant 0 : i32
            %dma_wait3A_300 = tpu.memref_slice %arg5[%dma_wait3A_298, %dma_wait3A_299] : memref<10000x16xf32, #tpu.memory_space<hbm>> -> memref<80x16xf32, #tpu.memory_space<hbm>>
            tpu.wait_dma2 semaphore(%arg21 : memref<!tpu.dma_semaphore, #tpu.memory_space<semaphore_mem>>) src(%dma_wait3A_300 : memref<80x16xf32, #tpu.memory_space<hbm>>) dst(%arg12 : memref<80x16xf32, #tpu.memory_space<vmem>>)
          } else {
          }
          %dma_start3A_280 = arith.constant 0 : i32
          %dma_start3A_281 = arith.constant 3 : i32
          %dma_start3A_282 = arith.constant 0 : i32
          %dma_start3A_283 = arith.constant 0 : i32
          %dma_start3A_284 = tpu.memref_slice %arg8[%dma_start3A_280, %dma_start3A_281, %dma_start3A_282, %dma_start3A_283] : memref<2x9x2x80xi32, #tpu.memory_space<vmem>> -> memref<1x1x1x80xi32, #tpu.memory_space<vmem>>
          %dma_start3A_285 = tpu.memref_squeeze %dma_start3A_284 : memref<1x1x1x80xi32, #tpu.memory_space<vmem>> -> memref<80xi32, #tpu.memory_space<vmem>>
          %dma_start3A_286 = arith.constant 0 : i32
          %dma_start3A_287 = arith.constant 0 : i32
          %dma_start3A_288 = tpu.memref_slice %arg2[%dma_start3A_286, %dma_start3A_287] : memref<10000x128xf32, #tpu.memory_space<hbm>> -> memref<10000x128xf32, #tpu.memory_space<hbm>>
          tpu.enqueue_indirect_dma source(%dma_start3A_288 : memref<10000x128xf32, #tpu.memory_space<hbm>>) target(%arg9 : memref<80x128xf32, #tpu.memory_space<vmem>>) offsets(%dma_start3A_285 : memref<80xi32, #tpu.memory_space<vmem>>) semaphore(%arg15 : memref<!tpu.dma_semaphore, #tpu.memory_space<semaphore_mem>>)
        } else {
        }
      } else {
      }
      %add3A_100 = arith.constant 2 : i32
      %add3A_101 = arith.addi %mul3A_77, %add3A_100 : i32
      %lt3A_102 = arith.constant 125 : i32
      %lt3A_103 = arith.cmpi slt, %add3A_101, %lt3A_102 : i32
      %convert_element_type3A_104 = arith.extui %lt3A_103 : i1 to i32
      %cond3A_105 = arith.constant 0 : i32
      %cond3A_106 = arith.cmpi ne, %convert_element_type3A_104, %cond3A_105 : i32
      scf.if %cond3A_106 {
        %dma_wait3A_245 = arith.constant 0 : i32
        %dma_wait3A_246 = arith.constant 0 : i32
        %dma_wait3A_247 = tpu.memref_slice %arg2[%dma_wait3A_245, %dma_wait3A_246] : memref<10000x128xf32, #tpu.memory_space<hbm>> -> memref<80x128xf32, #tpu.memory_space<hbm>>
        %dma_wait3A_248 = arith.constant 0 : i32
        %dma_wait3A_249 = arith.constant 0 : i32
        %dma_wait3A_250 = tpu.memref_slice %arg2[%dma_wait3A_248, %dma_wait3A_249] : memref<10000x128xf32, #tpu.memory_space<hbm>> -> memref<80x128xf32, #tpu.memory_space<hbm>>
        tpu.wait_dma2 semaphore(%arg17 : memref<!tpu.dma_semaphore, #tpu.memory_space<semaphore_mem>>) src(%dma_wait3A_250 : memref<80x128xf32, #tpu.memory_space<hbm>>) dst(%arg11 : memref<80x128xf32, #tpu.memory_space<vmem>>)
        %dma_start3A_251 = arith.constant 0 : i32
        %dma_start3A_252 = arith.constant 2 : i32
        %dma_start3A_253 = arith.constant 1 : i32
        %dma_start3A_254 = arith.constant 0 : i32
        %dma_start3A_255 = tpu.memref_slice %arg8[%dma_start3A_251, %dma_start3A_252, %dma_start3A_253, %dma_start3A_254] : memref<2x9x2x80xi32, #tpu.memory_space<vmem>> -> memref<1x1x1x80xi32, #tpu.memory_space<vmem>>
        %dma_start3A_256 = tpu.memref_squeeze %dma_start3A_255 : memref<1x1x1x80xi32, #tpu.memory_space<vmem>> -> memref<80xi32, #tpu.memory_space<vmem>>
        %dma_start3A_257 = arith.constant 0 : i32
        %dma_start3A_258 = arith.constant 0 : i32
        %dma_start3A_259 = tpu.memref_slice %arg13[%dma_start3A_257, %dma_start3A_258] : memref<10000x128xf32, #tpu.memory_space<vmem_shared>> -> memref<10000x128xf32, #tpu.memory_space<vmem_shared>>
        tpu.enqueue_indirect_dma source(%arg11 : memref<80x128xf32, #tpu.memory_space<vmem>>) target(%dma_start3A_259 : memref<10000x128xf32, #tpu.memory_space<vmem_shared>>) offsets(%dma_start3A_256 : memref<80xi32, #tpu.memory_space<vmem>>) semaphore(%arg20 : memref<!tpu.dma_semaphore, #tpu.memory_space<semaphore_mem>>) {add = true}
        %dma_start3A_260 = arith.constant 0 : i32
        %dma_start3A_261 = arith.constant 2 : i32
        %dma_start3A_262 = arith.constant 1 : i32
        %dma_start3A_263 = arith.constant 0 : i32
        %dma_start3A_264 = tpu.memref_slice %arg8[%dma_start3A_260, %dma_start3A_261, %dma_start3A_262, %dma_start3A_263] : memref<2x9x2x80xi32, #tpu.memory_space<vmem>> -> memref<1x1x1x80xi32, #tpu.memory_space<vmem>>
        %dma_start3A_265 = tpu.memref_squeeze %dma_start3A_264 : memref<1x1x1x80xi32, #tpu.memory_space<vmem>> -> memref<80xi32, #tpu.memory_space<vmem>>
        %dma_start3A_266 = arith.constant 0 : i32
        %dma_start3A_267 = arith.constant 0 : i32
        %dma_start3A_268 = tpu.memref_slice %arg14[%dma_start3A_266, %dma_start3A_267] : memref<10000x16xf32, #tpu.memory_space<vmem_shared>> -> memref<10000x16xf32, #tpu.memory_space<vmem_shared>>
        tpu.enqueue_indirect_dma source(%arg12 : memref<80x16xf32, #tpu.memory_space<vmem>>) target(%dma_start3A_268 : memref<10000x16xf32, #tpu.memory_space<vmem_shared>>) offsets(%dma_start3A_265 : memref<80xi32, #tpu.memory_space<vmem>>) semaphore(%arg23 : memref<!tpu.dma_semaphore, #tpu.memory_space<semaphore_mem>>) {add = true}
        %add3A_269 = arith.constant 2 : i32
        %add3A_270 = arith.addi %add3A_101, %add3A_269 : i32
        %lt3A_271 = arith.constant 125 : i32
        %lt3A_272 = arith.cmpi slt, %add3A_270, %lt3A_271 : i32
        %convert_element_type3A_273 = arith.extui %lt3A_272 : i1 to i32
        %cond3A_274 = arith.constant 0 : i32
        %cond3A_275 = arith.cmpi ne, %convert_element_type3A_273, %cond3A_274 : i32
        scf.if %cond3A_275 {
          %ge3A = arith.constant 3 : i32
          %ge3A_276 = arith.cmpi sge, %add3A_270, %ge3A : i32
          %convert_element_type3A_277 = arith.extui %ge3A_276 : i1 to i32
          %cond3A_278 = arith.constant 0 : i32
          %cond3A_279 = arith.cmpi ne, %convert_element_type3A_277, %cond3A_278 : i32
          scf.if %cond3A_279 {
            %dma_wait3A_289 = arith.constant 0 : i32
            %dma_wait3A_290 = arith.constant 0 : i32
            %dma_wait3A_291 = tpu.memref_slice %arg4[%dma_wait3A_289, %dma_wait3A_290] : memref<10000x128xf32, #tpu.memory_space<hbm>> -> memref<80x128xf32, #tpu.memory_space<hbm>>
            %dma_wait3A_292 = arith.constant 0 : i32
            %dma_wait3A_293 = arith.constant 0 : i32
            %dma_wait3A_294 = tpu.memref_slice %arg4[%dma_wait3A_292, %dma_wait3A_293] : memref<10000x128xf32, #tpu.memory_space<hbm>> -> memref<80x128xf32, #tpu.memory_space<hbm>>
            tpu.wait_dma2 semaphore(%arg19 : memref<!tpu.dma_semaphore, #tpu.memory_space<semaphore_mem>>) src(%dma_wait3A_294 : memref<80x128xf32, #tpu.memory_space<hbm>>) dst(%arg10 : memref<80x128xf32, #tpu.memory_space<vmem>>)
            %dma_wait3A_295 = arith.constant 0 : i32
            %dma_wait3A_296 = arith.constant 0 : i32
            %dma_wait3A_297 = tpu.memref_slice %arg5[%dma_wait3A_295, %dma_wait3A_296] : memref<10000x16xf32, #tpu.memory_space<hbm>> -> memref<80x16xf32, #tpu.memory_space<hbm>>
            %dma_wait3A_298 = arith.constant 0 : i32
            %dma_wait3A_299 = arith.constant 0 : i32
            %dma_wait3A_300 = tpu.memref_slice %arg5[%dma_wait3A_298, %dma_wait3A_299] : memref<10000x16xf32, #tpu.memory_space<hbm>> -> memref<80x16xf32, #tpu.memory_space<hbm>>
            tpu.wait_dma2 semaphore(%arg22 : memref<!tpu.dma_semaphore, #tpu.memory_space<semaphore_mem>>) src(%dma_wait3A_300 : memref<80x16xf32, #tpu.memory_space<hbm>>) dst(%arg12 : memref<80x16xf32, #tpu.memory_space<vmem>>)
          } else {
          }
          %dma_start3A_280 = arith.constant 0 : i32
          %dma_start3A_281 = arith.constant 4 : i32
          %dma_start3A_282 = arith.constant 0 : i32
          %dma_start3A_283 = arith.constant 0 : i32
          %dma_start3A_284 = tpu.memref_slice %arg8[%dma_start3A_280, %dma_start3A_281, %dma_start3A_282, %dma_start3A_283] : memref<2x9x2x80xi32, #tpu.memory_space<vmem>> -> memref<1x1x1x80xi32, #tpu.memory_space<vmem>>
          %dma_start3A_285 = tpu.memref_squeeze %dma_start3A_284 : memref<1x1x1x80xi32, #tpu.memory_space<vmem>> -> memref<80xi32, #tpu.memory_space<vmem>>
          %dma_start3A_286 = arith.constant 0 : i32
          %dma_start3A_287 = arith.constant 0 : i32
          %dma_start3A_288 = tpu.memref_slice %arg2[%dma_start3A_286, %dma_start3A_287] : memref<10000x128xf32, #tpu.memory_space<hbm>> -> memref<10000x128xf32, #tpu.memory_space<hbm>>
          tpu.enqueue_indirect_dma source(%dma_start3A_288 : memref<10000x128xf32, #tpu.memory_space<hbm>>) target(%arg10 : memref<80x128xf32, #tpu.memory_space<vmem>>) offsets(%dma_start3A_285 : memref<80xi32, #tpu.memory_space<vmem>>) semaphore(%arg16 : memref<!tpu.dma_semaphore, #tpu.memory_space<semaphore_mem>>)
        } else {
        }
      } else {
      }
      %add3A_107 = arith.constant 3 : i32
      %add3A_108 = arith.addi %mul3A_77, %add3A_107 : i32
      %lt3A_109 = arith.constant 125 : i32
      %lt3A_110 = arith.cmpi slt, %add3A_108, %lt3A_109 : i32
      %convert_element_type3A_111 = arith.extui %lt3A_110 : i1 to i32
      %cond3A_112 = arith.constant 0 : i32
      %cond3A_113 = arith.cmpi ne, %convert_element_type3A_111, %cond3A_112 : i32
      scf.if %cond3A_113 {
        %dma_wait3A_245 = arith.constant 0 : i32
        %dma_wait3A_246 = arith.constant 0 : i32
        %dma_wait3A_247 = tpu.memref_slice %arg2[%dma_wait3A_245, %dma_wait3A_246] : memref<10000x128xf32, #tpu.memory_space<hbm>> -> memref<80x128xf32, #tpu.memory_space<hbm>>
        %dma_wait3A_248 = arith.constant 0 : i32
        %dma_wait3A_249 = arith.constant 0 : i32
        %dma_wait3A_250 = tpu.memref_slice %arg2[%dma_wait3A_248, %dma_wait3A_249] : memref<10000x128xf32, #tpu.memory_space<hbm>> -> memref<80x128xf32, #tpu.memory_space<hbm>>
        tpu.wait_dma2 semaphore(%arg15 : memref<!tpu.dma_semaphore, #tpu.memory_space<semaphore_mem>>) src(%dma_wait3A_250 : memref<80x128xf32, #tpu.memory_space<hbm>>) dst(%arg9 : memref<80x128xf32, #tpu.memory_space<vmem>>)
        %dma_start3A_251 = arith.constant 0 : i32
        %dma_start3A_252 = arith.constant 3 : i32
        %dma_start3A_253 = arith.constant 1 : i32
        %dma_start3A_254 = arith.constant 0 : i32
        %dma_start3A_255 = tpu.memref_slice %arg8[%dma_start3A_251, %dma_start3A_252, %dma_start3A_253, %dma_start3A_254] : memref<2x9x2x80xi32, #tpu.memory_space<vmem>> -> memref<1x1x1x80xi32, #tpu.memory_space<vmem>>
        %dma_start3A_256 = tpu.memref_squeeze %dma_start3A_255 : memref<1x1x1x80xi32, #tpu.memory_space<vmem>> -> memref<80xi32, #tpu.memory_space<vmem>>
        %dma_start3A_257 = arith.constant 0 : i32
        %dma_start3A_258 = arith.constant 0 : i32
        %dma_start3A_259 = tpu.memref_slice %arg13[%dma_start3A_257, %dma_start3A_258] : memref<10000x128xf32, #tpu.memory_space<vmem_shared>> -> memref<10000x128xf32, #tpu.memory_space<vmem_shared>>
        tpu.enqueue_indirect_dma source(%arg9 : memref<80x128xf32, #tpu.memory_space<vmem>>) target(%dma_start3A_259 : memref<10000x128xf32, #tpu.memory_space<vmem_shared>>) offsets(%dma_start3A_256 : memref<80xi32, #tpu.memory_space<vmem>>) semaphore(%arg18 : memref<!tpu.dma_semaphore, #tpu.memory_space<semaphore_mem>>) {add = true}
        %dma_start3A_260 = arith.constant 0 : i32
        %dma_start3A_261 = arith.constant 3 : i32
        %dma_start3A_262 = arith.constant 1 : i32
        %dma_start3A_263 = arith.constant 0 : i32
        %dma_start3A_264 = tpu.memref_slice %arg8[%dma_start3A_260, %dma_start3A_261, %dma_start3A_262, %dma_start3A_263] : memref<2x9x2x80xi32, #tpu.memory_space<vmem>> -> memref<1x1x1x80xi32, #tpu.memory_space<vmem>>
        %dma_start3A_265 = tpu.memref_squeeze %dma_start3A_264 : memref<1x1x1x80xi32, #tpu.memory_space<vmem>> -> memref<80xi32, #tpu.memory_space<vmem>>
        %dma_start3A_266 = arith.constant 0 : i32
        %dma_start3A_267 = arith.constant 0 : i32
        %dma_start3A_268 = tpu.memref_slice %arg14[%dma_start3A_266, %dma_start3A_267] : memref<10000x16xf32, #tpu.memory_space<vmem_shared>> -> memref<10000x16xf32, #tpu.memory_space<vmem_shared>>
        tpu.enqueue_indirect_dma source(%arg12 : memref<80x16xf32, #tpu.memory_space<vmem>>) target(%dma_start3A_268 : memref<10000x16xf32, #tpu.memory_space<vmem_shared>>) offsets(%dma_start3A_265 : memref<80xi32, #tpu.memory_space<vmem>>) semaphore(%arg21 : memref<!tpu.dma_semaphore, #tpu.memory_space<semaphore_mem>>) {add = true}
        %add3A_269 = arith.constant 2 : i32
        %add3A_270 = arith.addi %add3A_108, %add3A_269 : i32
        %lt3A_271 = arith.constant 125 : i32
        %lt3A_272 = arith.cmpi slt, %add3A_270, %lt3A_271 : i32
        %convert_element_type3A_273 = arith.extui %lt3A_272 : i1 to i32
        %cond3A_274 = arith.constant 0 : i32
        %cond3A_275 = arith.cmpi ne, %convert_element_type3A_273, %cond3A_274 : i32
        scf.if %cond3A_275 {
          %ge3A = arith.constant 3 : i32
          %ge3A_276 = arith.cmpi sge, %add3A_270, %ge3A : i32
          %convert_element_type3A_277 = arith.extui %ge3A_276 : i1 to i32
          %cond3A_278 = arith.constant 0 : i32
          %cond3A_279 = arith.cmpi ne, %convert_element_type3A_277, %cond3A_278 : i32
          scf.if %cond3A_279 {
            %dma_wait3A_289 = arith.constant 0 : i32
            %dma_wait3A_290 = arith.constant 0 : i32
            %dma_wait3A_291 = tpu.memref_slice %arg4[%dma_wait3A_289, %dma_wait3A_290] : memref<10000x128xf32, #tpu.memory_space<hbm>> -> memref<80x128xf32, #tpu.memory_space<hbm>>
            %dma_wait3A_292 = arith.constant 0 : i32
            %dma_wait3A_293 = arith.constant 0 : i32
            %dma_wait3A_294 = tpu.memref_slice %arg4[%dma_wait3A_292, %dma_wait3A_293] : memref<10000x128xf32, #tpu.memory_space<hbm>> -> memref<80x128xf32, #tpu.memory_space<hbm>>
            tpu.wait_dma2 semaphore(%arg20 : memref<!tpu.dma_semaphore, #tpu.memory_space<semaphore_mem>>) src(%dma_wait3A_294 : memref<80x128xf32, #tpu.memory_space<hbm>>) dst(%arg11 : memref<80x128xf32, #tpu.memory_space<vmem>>)
            %dma_wait3A_295 = arith.constant 0 : i32
            %dma_wait3A_296 = arith.constant 0 : i32
            %dma_wait3A_297 = tpu.memref_slice %arg5[%dma_wait3A_295, %dma_wait3A_296] : memref<10000x16xf32, #tpu.memory_space<hbm>> -> memref<80x16xf32, #tpu.memory_space<hbm>>
            %dma_wait3A_298 = arith.constant 0 : i32
            %dma_wait3A_299 = arith.constant 0 : i32
            %dma_wait3A_300 = tpu.memref_slice %arg5[%dma_wait3A_298, %dma_wait3A_299] : memref<10000x16xf32, #tpu.memory_space<hbm>> -> memref<80x16xf32, #tpu.memory_space<hbm>>
            tpu.wait_dma2 semaphore(%arg23 : memref<!tpu.dma_semaphore, #tpu.memory_space<semaphore_mem>>) src(%dma_wait3A_300 : memref<80x16xf32, #tpu.memory_space<hbm>>) dst(%arg12 : memref<80x16xf32, #tpu.memory_space<vmem>>)
          } else {
          }
          %dma_start3A_280 = arith.constant 0 : i32
          %dma_start3A_281 = arith.constant 5 : i32
          %dma_start3A_282 = arith.constant 0 : i32
          %dma_start3A_283 = arith.constant 0 : i32
          %dma_start3A_284 = tpu.memref_slice %arg8[%dma_start3A_280, %dma_start3A_281, %dma_start3A_282, %dma_start3A_283] : memref<2x9x2x80xi32, #tpu.memory_space<vmem>> -> memref<1x1x1x80xi32, #tpu.memory_space<vmem>>
          %dma_start3A_285 = tpu.memref_squeeze %dma_start3A_284 : memref<1x1x1x80xi32, #tpu.memory_space<vmem>> -> memref<80xi32, #tpu.memory_space<vmem>>
          %dma_start3A_286 = arith.constant 0 : i32
          %dma_start3A_287 = arith.constant 0 : i32
          %dma_start3A_288 = tpu.memref_slice %arg2[%dma_start3A_286, %dma_start3A_287] : memref<10000x128xf32, #tpu.memory_space<hbm>> -> memref<10000x128xf32, #tpu.memory_space<hbm>>
          tpu.enqueue_indirect_dma source(%dma_start3A_288 : memref<10000x128xf32, #tpu.memory_space<hbm>>) target(%arg11 : memref<80x128xf32, #tpu.memory_space<vmem>>) offsets(%dma_start3A_285 : memref<80xi32, #tpu.memory_space<vmem>>) semaphore(%arg17 : memref<!tpu.dma_semaphore, #tpu.memory_space<semaphore_mem>>)
        } else {
        }
      } else {
      }
      %add3A_114 = arith.constant 4 : i32
      %add3A_115 = arith.addi %mul3A_77, %add3A_114 : i32
      %lt3A_116 = arith.constant 125 : i32
      %lt3A_117 = arith.cmpi slt, %add3A_115, %lt3A_116 : i32
      %convert_element_type3A_118 = arith.extui %lt3A_117 : i1 to i32
      %cond3A_119 = arith.constant 0 : i32
      %cond3A_120 = arith.cmpi ne, %convert_element_type3A_118, %cond3A_119 : i32
      scf.if %cond3A_120 {
        %dma_wait3A_245 = arith.constant 0 : i32
        %dma_wait3A_246 = arith.constant 0 : i32
        %dma_wait3A_247 = tpu.memref_slice %arg2[%dma_wait3A_245, %dma_wait3A_246] : memref<10000x128xf32, #tpu.memory_space<hbm>> -> memref<80x128xf32, #tpu.memory_space<hbm>>
        %dma_wait3A_248 = arith.constant 0 : i32
        %dma_wait3A_249 = arith.constant 0 : i32
        %dma_wait3A_250 = tpu.memref_slice %arg2[%dma_wait3A_248, %dma_wait3A_249] : memref<10000x128xf32, #tpu.memory_space<hbm>> -> memref<80x128xf32, #tpu.memory_space<hbm>>
        tpu.wait_dma2 semaphore(%arg16 : memref<!tpu.dma_semaphore, #tpu.memory_space<semaphore_mem>>) src(%dma_wait3A_250 : memref<80x128xf32, #tpu.memory_space<hbm>>) dst(%arg10 : memref<80x128xf32, #tpu.memory_space<vmem>>)
        %dma_start3A_251 = arith.constant 0 : i32
        %dma_start3A_252 = arith.constant 4 : i32
        %dma_start3A_253 = arith.constant 1 : i32
        %dma_start3A_254 = arith.constant 0 : i32
        %dma_start3A_255 = tpu.memref_slice %arg8[%dma_start3A_251, %dma_start3A_252, %dma_start3A_253, %dma_start3A_254] : memref<2x9x2x80xi32, #tpu.memory_space<vmem>> -> memref<1x1x1x80xi32, #tpu.memory_space<vmem>>
        %dma_start3A_256 = tpu.memref_squeeze %dma_start3A_255 : memref<1x1x1x80xi32, #tpu.memory_space<vmem>> -> memref<80xi32, #tpu.memory_space<vmem>>
        %dma_start3A_257 = arith.constant 0 : i32
        %dma_start3A_258 = arith.constant 0 : i32
        %dma_start3A_259 = tpu.memref_slice %arg13[%dma_start3A_257, %dma_start3A_258] : memref<10000x128xf32, #tpu.memory_space<vmem_shared>> -> memref<10000x128xf32, #tpu.memory_space<vmem_shared>>
        tpu.enqueue_indirect_dma source(%arg10 : memref<80x128xf32, #tpu.memory_space<vmem>>) target(%dma_start3A_259 : memref<10000x128xf32, #tpu.memory_space<vmem_shared>>) offsets(%dma_start3A_256 : memref<80xi32, #tpu.memory_space<vmem>>) semaphore(%arg19 : memref<!tpu.dma_semaphore, #tpu.memory_space<semaphore_mem>>) {add = true}
        %dma_start3A_260 = arith.constant 0 : i32
        %dma_start3A_261 = arith.constant 4 : i32
        %dma_start3A_262 = arith.constant 1 : i32
        %dma_start3A_263 = arith.constant 0 : i32
        %dma_start3A_264 = tpu.memref_slice %arg8[%dma_start3A_260, %dma_start3A_261, %dma_start3A_262, %dma_start3A_263] : memref<2x9x2x80xi32, #tpu.memory_space<vmem>> -> memref<1x1x1x80xi32, #tpu.memory_space<vmem>>
        %dma_start3A_265 = tpu.memref_squeeze %dma_start3A_264 : memref<1x1x1x80xi32, #tpu.memory_space<vmem>> -> memref<80xi32, #tpu.memory_space<vmem>>
        %dma_start3A_266 = arith.constant 0 : i32
        %dma_start3A_267 = arith.constant 0 : i32
        %dma_start3A_268 = tpu.memref_slice %arg14[%dma_start3A_266, %dma_start3A_267] : memref<10000x16xf32, #tpu.memory_space<vmem_shared>> -> memref<10000x16xf32, #tpu.memory_space<vmem_shared>>
        tpu.enqueue_indirect_dma source(%arg12 : memref<80x16xf32, #tpu.memory_space<vmem>>) target(%dma_start3A_268 : memref<10000x16xf32, #tpu.memory_space<vmem_shared>>) offsets(%dma_start3A_265 : memref<80xi32, #tpu.memory_space<vmem>>) semaphore(%arg22 : memref<!tpu.dma_semaphore, #tpu.memory_space<semaphore_mem>>) {add = true}
        %add3A_269 = arith.constant 2 : i32
        %add3A_270 = arith.addi %add3A_115, %add3A_269 : i32
        %lt3A_271 = arith.constant 125 : i32
        %lt3A_272 = arith.cmpi slt, %add3A_270, %lt3A_271 : i32
        %convert_element_type3A_273 = arith.extui %lt3A_272 : i1 to i32
        %cond3A_274 = arith.constant 0 : i32
        %cond3A_275 = arith.cmpi ne, %convert_element_type3A_273, %cond3A_274 : i32
        scf.if %cond3A_275 {
          %ge3A = arith.constant 3 : i32
          %ge3A_276 = arith.cmpi sge, %add3A_270, %ge3A : i32
          %convert_element_type3A_277 = arith.extui %ge3A_276 : i1 to i32
          %cond3A_278 = arith.constant 0 : i32
          %cond3A_279 = arith.cmpi ne, %convert_element_type3A_277, %cond3A_278 : i32
          scf.if %cond3A_279 {
            %dma_wait3A_289 = arith.constant 0 : i32
            %dma_wait3A_290 = arith.constant 0 : i32
            %dma_wait3A_291 = tpu.memref_slice %arg4[%dma_wait3A_289, %dma_wait3A_290] : memref<10000x128xf32, #tpu.memory_space<hbm>> -> memref<80x128xf32, #tpu.memory_space<hbm>>
            %dma_wait3A_292 = arith.constant 0 : i32
            %dma_wait3A_293 = arith.constant 0 : i32
            %dma_wait3A_294 = tpu.memref_slice %arg4[%dma_wait3A_292, %dma_wait3A_293] : memref<10000x128xf32, #tpu.memory_space<hbm>> -> memref<80x128xf32, #tpu.memory_space<hbm>>
            tpu.wait_dma2 semaphore(%arg18 : memref<!tpu.dma_semaphore, #tpu.memory_space<semaphore_mem>>) src(%dma_wait3A_294 : memref<80x128xf32, #tpu.memory_space<hbm>>) dst(%arg9 : memref<80x128xf32, #tpu.memory_space<vmem>>)
            %dma_wait3A_295 = arith.constant 0 : i32
            %dma_wait3A_296 = arith.constant 0 : i32
            %dma_wait3A_297 = tpu.memref_slice %arg5[%dma_wait3A_295, %dma_wait3A_296] : memref<10000x16xf32, #tpu.memory_space<hbm>> -> memref<80x16xf32, #tpu.memory_space<hbm>>
            %dma_wait3A_298 = arith.constant 0 : i32
            %dma_wait3A_299 = arith.constant 0 : i32
            %dma_wait3A_300 = tpu.memref_slice %arg5[%dma_wait3A_298, %dma_wait3A_299] : memref<10000x16xf32, #tpu.memory_space<hbm>> -> memref<80x16xf32, #tpu.memory_space<hbm>>
            tpu.wait_dma2 semaphore(%arg21 : memref<!tpu.dma_semaphore, #tpu.memory_space<semaphore_mem>>) src(%dma_wait3A_300 : memref<80x16xf32, #tpu.memory_space<hbm>>) dst(%arg12 : memref<80x16xf32, #tpu.memory_space<vmem>>)
          } else {
          }
          %dma_start3A_280 = arith.constant 0 : i32
          %dma_start3A_281 = arith.constant 6 : i32
          %dma_start3A_282 = arith.constant 0 : i32
          %dma_start3A_283 = arith.constant 0 : i32
          %dma_start3A_284 = tpu.memref_slice %arg8[%dma_start3A_280, %dma_start3A_281, %dma_start3A_282, %dma_start3A_283] : memref<2x9x2x80xi32, #tpu.memory_space<vmem>> -> memref<1x1x1x80xi32, #tpu.memory_space<vmem>>
          %dma_start3A_285 = tpu.memref_squeeze %dma_start3A_284 : memref<1x1x1x80xi32, #tpu.memory_space<vmem>> -> memref<80xi32, #tpu.memory_space<vmem>>
          %dma_start3A_286 = arith.constant 0 : i32
          %dma_start3A_287 = arith.constant 0 : i32
          %dma_start3A_288 = tpu.memref_slice %arg2[%dma_start3A_286, %dma_start3A_287] : memref<10000x128xf32, #tpu.memory_space<hbm>> -> memref<10000x128xf32, #tpu.memory_space<hbm>>
          tpu.enqueue_indirect_dma source(%dma_start3A_288 : memref<10000x128xf32, #tpu.memory_space<hbm>>) target(%arg9 : memref<80x128xf32, #tpu.memory_space<vmem>>) offsets(%dma_start3A_285 : memref<80xi32, #tpu.memory_space<vmem>>) semaphore(%arg15 : memref<!tpu.dma_semaphore, #tpu.memory_space<semaphore_mem>>)
        } else {
        }
      } else {
      }
      %add3A_121 = arith.constant 5 : i32
      %add3A_122 = arith.addi %mul3A_77, %add3A_121 : i32
      %lt3A_123 = arith.constant 125 : i32
      %lt3A_124 = arith.cmpi slt, %add3A_122, %lt3A_123 : i32
      %convert_element_type3A_125 = arith.extui %lt3A_124 : i1 to i32
      %cond3A_126 = arith.constant 0 : i32
      %cond3A_127 = arith.cmpi ne, %convert_element_type3A_125, %cond3A_126 : i32
      scf.if %cond3A_127 {
        %dma_wait3A_245 = arith.constant 0 : i32
        %dma_wait3A_246 = arith.constant 0 : i32
        %dma_wait3A_247 = tpu.memref_slice %arg2[%dma_wait3A_245, %dma_wait3A_246] : memref<10000x128xf32, #tpu.memory_space<hbm>> -> memref<80x128xf32, #tpu.memory_space<hbm>>
        %dma_wait3A_248 = arith.constant 0 : i32
        %dma_wait3A_249 = arith.constant 0 : i32
        %dma_wait3A_250 = tpu.memref_slice %arg2[%dma_wait3A_248, %dma_wait3A_249] : memref<10000x128xf32, #tpu.memory_space<hbm>> -> memref<80x128xf32, #tpu.memory_space<hbm>>
        tpu.wait_dma2 semaphore(%arg17 : memref<!tpu.dma_semaphore, #tpu.memory_space<semaphore_mem>>) src(%dma_wait3A_250 : memref<80x128xf32, #tpu.memory_space<hbm>>) dst(%arg11 : memref<80x128xf32, #tpu.memory_space<vmem>>)
        %dma_start3A_251 = arith.constant 0 : i32
        %dma_start3A_252 = arith.constant 5 : i32
        %dma_start3A_253 = arith.constant 1 : i32
        %dma_start3A_254 = arith.constant 0 : i32
        %dma_start3A_255 = tpu.memref_slice %arg8[%dma_start3A_251, %dma_start3A_252, %dma_start3A_253, %dma_start3A_254] : memref<2x9x2x80xi32, #tpu.memory_space<vmem>> -> memref<1x1x1x80xi32, #tpu.memory_space<vmem>>
        %dma_start3A_256 = tpu.memref_squeeze %dma_start3A_255 : memref<1x1x1x80xi32, #tpu.memory_space<vmem>> -> memref<80xi32, #tpu.memory_space<vmem>>
        %dma_start3A_257 = arith.constant 0 : i32
        %dma_start3A_258 = arith.constant 0 : i32
        %dma_start3A_259 = tpu.memref_slice %arg13[%dma_start3A_257, %dma_start3A_258] : memref<10000x128xf32, #tpu.memory_space<vmem_shared>> -> memref<10000x128xf32, #tpu.memory_space<vmem_shared>>
        tpu.enqueue_indirect_dma source(%arg11 : memref<80x128xf32, #tpu.memory_space<vmem>>) target(%dma_start3A_259 : memref<10000x128xf32, #tpu.memory_space<vmem_shared>>) offsets(%dma_start3A_256 : memref<80xi32, #tpu.memory_space<vmem>>) semaphore(%arg20 : memref<!tpu.dma_semaphore, #tpu.memory_space<semaphore_mem>>) {add = true}
        %dma_start3A_260 = arith.constant 0 : i32
        %dma_start3A_261 = arith.constant 5 : i32
        %dma_start3A_262 = arith.constant 1 : i32
        %dma_start3A_263 = arith.constant 0 : i32
        %dma_start3A_264 = tpu.memref_slice %arg8[%dma_start3A_260, %dma_start3A_261, %dma_start3A_262, %dma_start3A_263] : memref<2x9x2x80xi32, #tpu.memory_space<vmem>> -> memref<1x1x1x80xi32, #tpu.memory_space<vmem>>
        %dma_start3A_265 = tpu.memref_squeeze %dma_start3A_264 : memref<1x1x1x80xi32, #tpu.memory_space<vmem>> -> memref<80xi32, #tpu.memory_space<vmem>>
        %dma_start3A_266 = arith.constant 0 : i32
        %dma_start3A_267 = arith.constant 0 : i32
        %dma_start3A_268 = tpu.memref_slice %arg14[%dma_start3A_266, %dma_start3A_267] : memref<10000x16xf32, #tpu.memory_space<vmem_shared>> -> memref<10000x16xf32, #tpu.memory_space<vmem_shared>>
        tpu.enqueue_indirect_dma source(%arg12 : memref<80x16xf32, #tpu.memory_space<vmem>>) target(%dma_start3A_268 : memref<10000x16xf32, #tpu.memory_space<vmem_shared>>) offsets(%dma_start3A_265 : memref<80xi32, #tpu.memory_space<vmem>>) semaphore(%arg23 : memref<!tpu.dma_semaphore, #tpu.memory_space<semaphore_mem>>) {add = true}
        %add3A_269 = arith.constant 2 : i32
        %add3A_270 = arith.addi %add3A_122, %add3A_269 : i32
        %lt3A_271 = arith.constant 125 : i32
        %lt3A_272 = arith.cmpi slt, %add3A_270, %lt3A_271 : i32
        %convert_element_type3A_273 = arith.extui %lt3A_272 : i1 to i32
        %cond3A_274 = arith.constant 0 : i32
        %cond3A_275 = arith.cmpi ne, %convert_element_type3A_273, %cond3A_274 : i32
        scf.if %cond3A_275 {
          %ge3A = arith.constant 3 : i32
          %ge3A_276 = arith.cmpi sge, %add3A_270, %ge3A : i32
          %convert_element_type3A_277 = arith.extui %ge3A_276 : i1 to i32
          %cond3A_278 = arith.constant 0 : i32
          %cond3A_279 = arith.cmpi ne, %convert_element_type3A_277, %cond3A_278 : i32
          scf.if %cond3A_279 {
            %dma_wait3A_289 = arith.constant 0 : i32
            %dma_wait3A_290 = arith.constant 0 : i32
            %dma_wait3A_291 = tpu.memref_slice %arg4[%dma_wait3A_289, %dma_wait3A_290] : memref<10000x128xf32, #tpu.memory_space<hbm>> -> memref<80x128xf32, #tpu.memory_space<hbm>>
            %dma_wait3A_292 = arith.constant 0 : i32
            %dma_wait3A_293 = arith.constant 0 : i32
            %dma_wait3A_294 = tpu.memref_slice %arg4[%dma_wait3A_292, %dma_wait3A_293] : memref<10000x128xf32, #tpu.memory_space<hbm>> -> memref<80x128xf32, #tpu.memory_space<hbm>>
            tpu.wait_dma2 semaphore(%arg19 : memref<!tpu.dma_semaphore, #tpu.memory_space<semaphore_mem>>) src(%dma_wait3A_294 : memref<80x128xf32, #tpu.memory_space<hbm>>) dst(%arg10 : memref<80x128xf32, #tpu.memory_space<vmem>>)
            %dma_wait3A_295 = arith.constant 0 : i32
            %dma_wait3A_296 = arith.constant 0 : i32
            %dma_wait3A_297 = tpu.memref_slice %arg5[%dma_wait3A_295, %dma_wait3A_296] : memref<10000x16xf32, #tpu.memory_space<hbm>> -> memref<80x16xf32, #tpu.memory_space<hbm>>
            %dma_wait3A_298 = arith.constant 0 : i32
            %dma_wait3A_299 = arith.constant 0 : i32
            %dma_wait3A_300 = tpu.memref_slice %arg5[%dma_wait3A_298, %dma_wait3A_299] : memref<10000x16xf32, #tpu.memory_space<hbm>> -> memref<80x16xf32, #tpu.memory_space<hbm>>
            tpu.wait_dma2 semaphore(%arg22 : memref<!tpu.dma_semaphore, #tpu.memory_space<semaphore_mem>>) src(%dma_wait3A_300 : memref<80x16xf32, #tpu.memory_space<hbm>>) dst(%arg12 : memref<80x16xf32, #tpu.memory_space<vmem>>)
          } else {
          }
          %dma_start3A_280 = arith.constant 0 : i32
          %dma_start3A_281 = arith.constant 7 : i32
          %dma_start3A_282 = arith.constant 0 : i32
          %dma_start3A_283 = arith.constant 0 : i32
          %dma_start3A_284 = tpu.memref_slice %arg8[%dma_start3A_280, %dma_start3A_281, %dma_start3A_282, %dma_start3A_283] : memref<2x9x2x80xi32, #tpu.memory_space<vmem>> -> memref<1x1x1x80xi32, #tpu.memory_space<vmem>>
          %dma_start3A_285 = tpu.memref_squeeze %dma_start3A_284 : memref<1x1x1x80xi32, #tpu.memory_space<vmem>> -> memref<80xi32, #tpu.memory_space<vmem>>
          %dma_start3A_286 = arith.constant 0 : i32
          %dma_start3A_287 = arith.constant 0 : i32
          %dma_start3A_288 = tpu.memref_slice %arg2[%dma_start3A_286, %dma_start3A_287] : memref<10000x128xf32, #tpu.memory_space<hbm>> -> memref<10000x128xf32, #tpu.memory_space<hbm>>
          tpu.enqueue_indirect_dma source(%dma_start3A_288 : memref<10000x128xf32, #tpu.memory_space<hbm>>) target(%arg10 : memref<80x128xf32, #tpu.memory_space<vmem>>) offsets(%dma_start3A_285 : memref<80xi32, #tpu.memory_space<vmem>>) semaphore(%arg16 : memref<!tpu.dma_semaphore, #tpu.memory_space<semaphore_mem>>)
        } else {
        }
      } else {
      }
      %add3A_128 = arith.constant 6 : i32
      %add3A_129 = arith.addi %mul3A_77, %add3A_128 : i32
      %lt3A_130 = arith.constant 125 : i32
      %lt3A_131 = arith.cmpi slt, %add3A_129, %lt3A_130 : i32
      %convert_element_type3A_132 = arith.extui %lt3A_131 : i1 to i32
      %cond3A_133 = arith.constant 0 : i32
      %cond3A_134 = arith.cmpi ne, %convert_element_type3A_132, %cond3A_133 : i32
      scf.if %cond3A_134 {
        %dma_wait3A_245 = arith.constant 0 : i32
        %dma_wait3A_246 = arith.constant 0 : i32
        %dma_wait3A_247 = tpu.memref_slice %arg2[%dma_wait3A_245, %dma_wait3A_246] : memref<10000x128xf32, #tpu.memory_space<hbm>> -> memref<80x128xf32, #tpu.memory_space<hbm>>
        %dma_wait3A_248 = arith.constant 0 : i32
        %dma_wait3A_249 = arith.constant 0 : i32
        %dma_wait3A_250 = tpu.memref_slice %arg2[%dma_wait3A_248, %dma_wait3A_249] : memref<10000x128xf32, #tpu.memory_space<hbm>> -> memref<80x128xf32, #tpu.memory_space<hbm>>
        tpu.wait_dma2 semaphore(%arg15 : memref<!tpu.dma_semaphore, #tpu.memory_space<semaphore_mem>>) src(%dma_wait3A_250 : memref<80x128xf32, #tpu.memory_space<hbm>>) dst(%arg9 : memref<80x128xf32, #tpu.memory_space<vmem>>)
        %dma_start3A_251 = arith.constant 0 : i32
        %dma_start3A_252 = arith.constant 6 : i32
        %dma_start3A_253 = arith.constant 1 : i32
        %dma_start3A_254 = arith.constant 0 : i32
        %dma_start3A_255 = tpu.memref_slice %arg8[%dma_start3A_251, %dma_start3A_252, %dma_start3A_253, %dma_start3A_254] : memref<2x9x2x80xi32, #tpu.memory_space<vmem>> -> memref<1x1x1x80xi32, #tpu.memory_space<vmem>>
        %dma_start3A_256 = tpu.memref_squeeze %dma_start3A_255 : memref<1x1x1x80xi32, #tpu.memory_space<vmem>> -> memref<80xi32, #tpu.memory_space<vmem>>
        %dma_start3A_257 = arith.constant 0 : i32
        %dma_start3A_258 = arith.constant 0 : i32
        %dma_start3A_259 = tpu.memref_slice %arg13[%dma_start3A_257, %dma_start3A_258] : memref<10000x128xf32, #tpu.memory_space<vmem_shared>> -> memref<10000x128xf32, #tpu.memory_space<vmem_shared>>
        tpu.enqueue_indirect_dma source(%arg9 : memref<80x128xf32, #tpu.memory_space<vmem>>) target(%dma_start3A_259 : memref<10000x128xf32, #tpu.memory_space<vmem_shared>>) offsets(%dma_start3A_256 : memref<80xi32, #tpu.memory_space<vmem>>) semaphore(%arg18 : memref<!tpu.dma_semaphore, #tpu.memory_space<semaphore_mem>>) {add = true}
        %dma_start3A_260 = arith.constant 0 : i32
        %dma_start3A_261 = arith.constant 6 : i32
        %dma_start3A_262 = arith.constant 1 : i32
        %dma_start3A_263 = arith.constant 0 : i32
        %dma_start3A_264 = tpu.memref_slice %arg8[%dma_start3A_260, %dma_start3A_261, %dma_start3A_262, %dma_start3A_263] : memref<2x9x2x80xi32, #tpu.memory_space<vmem>> -> memref<1x1x1x80xi32, #tpu.memory_space<vmem>>
        %dma_start3A_265 = tpu.memref_squeeze %dma_start3A_264 : memref<1x1x1x80xi32, #tpu.memory_space<vmem>> -> memref<80xi32, #tpu.memory_space<vmem>>
        %dma_start3A_266 = arith.constant 0 : i32
        %dma_start3A_267 = arith.constant 0 : i32
        %dma_start3A_268 = tpu.memref_slice %arg14[%dma_start3A_266, %dma_start3A_267] : memref<10000x16xf32, #tpu.memory_space<vmem_shared>> -> memref<10000x16xf32, #tpu.memory_space<vmem_shared>>
        tpu.enqueue_indirect_dma source(%arg12 : memref<80x16xf32, #tpu.memory_space<vmem>>) target(%dma_start3A_268 : memref<10000x16xf32, #tpu.memory_space<vmem_shared>>) offsets(%dma_start3A_265 : memref<80xi32, #tpu.memory_space<vmem>>) semaphore(%arg21 : memref<!tpu.dma_semaphore, #tpu.memory_space<semaphore_mem>>) {add = true}
        %add3A_269 = arith.constant 2 : i32
        %add3A_270 = arith.addi %add3A_129, %add3A_269 : i32
        %lt3A_271 = arith.constant 125 : i32
        %lt3A_272 = arith.cmpi slt, %add3A_270, %lt3A_271 : i32
        %convert_element_type3A_273 = arith.extui %lt3A_272 : i1 to i32
        %cond3A_274 = arith.constant 0 : i32
        %cond3A_275 = arith.cmpi ne, %convert_element_type3A_273, %cond3A_274 : i32
        scf.if %cond3A_275 {
          %ge3A = arith.constant 3 : i32
          %ge3A_276 = arith.cmpi sge, %add3A_270, %ge3A : i32
          %convert_element_type3A_277 = arith.extui %ge3A_276 : i1 to i32
          %cond3A_278 = arith.constant 0 : i32
          %cond3A_279 = arith.cmpi ne, %convert_element_type3A_277, %cond3A_278 : i32
          scf.if %cond3A_279 {
            %dma_wait3A_289 = arith.constant 0 : i32
            %dma_wait3A_290 = arith.constant 0 : i32
            %dma_wait3A_291 = tpu.memref_slice %arg4[%dma_wait3A_289, %dma_wait3A_290] : memref<10000x128xf32, #tpu.memory_space<hbm>> -> memref<80x128xf32, #tpu.memory_space<hbm>>
            %dma_wait3A_292 = arith.constant 0 : i32
            %dma_wait3A_293 = arith.constant 0 : i32
            %dma_wait3A_294 = tpu.memref_slice %arg4[%dma_wait3A_292, %dma_wait3A_293] : memref<10000x128xf32, #tpu.memory_space<hbm>> -> memref<80x128xf32, #tpu.memory_space<hbm>>
            tpu.wait_dma2 semaphore(%arg20 : memref<!tpu.dma_semaphore, #tpu.memory_space<semaphore_mem>>) src(%dma_wait3A_294 : memref<80x128xf32, #tpu.memory_space<hbm>>) dst(%arg11 : memref<80x128xf32, #tpu.memory_space<vmem>>)
            %dma_wait3A_295 = arith.constant 0 : i32
            %dma_wait3A_296 = arith.constant 0 : i32
            %dma_wait3A_297 = tpu.memref_slice %arg5[%dma_wait3A_295, %dma_wait3A_296] : memref<10000x16xf32, #tpu.memory_space<hbm>> -> memref<80x16xf32, #tpu.memory_space<hbm>>
            %dma_wait3A_298 = arith.constant 0 : i32
            %dma_wait3A_299 = arith.constant 0 : i32
            %dma_wait3A_300 = tpu.memref_slice %arg5[%dma_wait3A_298, %dma_wait3A_299] : memref<10000x16xf32, #tpu.memory_space<hbm>> -> memref<80x16xf32, #tpu.memory_space<hbm>>
            tpu.wait_dma2 semaphore(%arg23 : memref<!tpu.dma_semaphore, #tpu.memory_space<semaphore_mem>>) src(%dma_wait3A_300 : memref<80x16xf32, #tpu.memory_space<hbm>>) dst(%arg12 : memref<80x16xf32, #tpu.memory_space<vmem>>)
          } else {
          }
          %dma_start3A_280 = arith.constant 0 : i32
          %dma_start3A_281 = arith.constant 8 : i32
          %dma_start3A_282 = arith.constant 0 : i32
          %dma_start3A_283 = arith.constant 0 : i32
          %dma_start3A_284 = tpu.memref_slice %arg8[%dma_start3A_280, %dma_start3A_281, %dma_start3A_282, %dma_start3A_283] : memref<2x9x2x80xi32, #tpu.memory_space<vmem>> -> memref<1x1x1x80xi32, #tpu.memory_space<vmem>>
          %dma_start3A_285 = tpu.memref_squeeze %dma_start3A_284 : memref<1x1x1x80xi32, #tpu.memory_space<vmem>> -> memref<80xi32, #tpu.memory_space<vmem>>
          %dma_start3A_286 = arith.constant 0 : i32
          %dma_start3A_287 = arith.constant 0 : i32
          %dma_start3A_288 = tpu.memref_slice %arg2[%dma_start3A_286, %dma_start3A_287] : memref<10000x128xf32, #tpu.memory_space<hbm>> -> memref<10000x128xf32, #tpu.memory_space<hbm>>
          tpu.enqueue_indirect_dma source(%dma_start3A_288 : memref<10000x128xf32, #tpu.memory_space<hbm>>) target(%arg11 : memref<80x128xf32, #tpu.memory_space<vmem>>) offsets(%dma_start3A_285 : memref<80xi32, #tpu.memory_space<vmem>>) semaphore(%arg17 : memref<!tpu.dma_semaphore, #tpu.memory_space<semaphore_mem>>)
        } else {
        }
      } else {
      }
      %add3A_135 = arith.constant 7 : i32
      %add3A_136 = arith.addi %mul3A_77, %add3A_135 : i32
      %mul3A_137 = arith.constant 2 : i32
      %mul3A_138 = arith.muli %mul3A_137, %scan3A_75 : i32
      %add3A_139 = arith.constant 1 : i32
      %add3A_140 = arith.addi %mul3A_138, %add3A_139 : i32
      %mul3A_141 = arith.constant 9 : i32
      %mul3A_142 = arith.muli %add3A_140, %mul3A_141 : i32
      %lt3A_143 = arith.constant 125 : i32
      %lt3A_144 = arith.cmpi slt, %mul3A_142, %lt3A_143 : i32
      %convert_element_type3A_145 = arith.extui %lt3A_144 : i1 to i32
      %cond3A_146 = arith.constant 0 : i32
      %cond3A_147 = arith.cmpi ne, %convert_element_type3A_145, %cond3A_146 : i32
      scf.if %cond3A_147 {
        %dma_wait3A_245 = arith.constant 1 : i32
        %dma_wait3A_246 = arith.constant 0 : i32
        %dma_wait3A_247 = arith.constant 0 : i32
        %dma_wait3A_248 = arith.constant 0 : i32
        %dma_wait3A_249 = tpu.memref_slice %arg8[%dma_wait3A_245, %dma_wait3A_246, %dma_wait3A_247, %dma_wait3A_248] : memref<2x9x2x80xi32, #tpu.memory_space<vmem>> -> memref<1x9x2x80xi32, #tpu.memory_space<vmem>>
        %dma_wait3A_250 = tpu.memref_squeeze %dma_wait3A_249 : memref<1x9x2x80xi32, #tpu.memory_space<vmem>> -> memref<9x2x80xi32, #tpu.memory_space<vmem>>
        %dma_wait3A_251 = arith.constant 0 : i32
        %dma_wait3A_252 = arith.constant 0 : i32
        %dma_wait3A_253 = arith.constant 0 : i32
        %dma_wait3A_254 = tpu.memref_slice %arg3[%dma_wait3A_251, %dma_wait3A_252, %dma_wait3A_253] : memref<4002x2x80xi32, #tpu.memory_space<hbm>> -> memref<9x2x80xi32, #tpu.memory_space<hbm>>
        %dma_wait3A_255 = arith.constant 0 : i32
        %dma_wait3A_256 = arith.constant 0 : i32
        %dma_wait3A_257 = arith.constant 0 : i32
        %dma_wait3A_258 = tpu.memref_slice %arg8[%dma_wait3A_245, %dma_wait3A_255, %dma_wait3A_256, %dma_wait3A_257] : memref<2x9x2x80xi32, #tpu.memory_space<vmem>> -> memref<1x9x2x80xi32, #tpu.memory_space<vmem>>
        %dma_wait3A_259 = tpu.memref_squeeze %dma_wait3A_258 : memref<1x9x2x80xi32, #tpu.memory_space<vmem>> -> memref<9x2x80xi32, #tpu.memory_space<vmem>>
        %dma_wait3A_260 = arith.constant 0 : i32
        %dma_wait3A_261 = arith.constant 0 : i32
        %dma_wait3A_262 = arith.constant 0 : i32
        %dma_wait3A_263 = tpu.memref_slice %arg3[%dma_wait3A_260, %dma_wait3A_261, %dma_wait3A_262] : memref<4002x2x80xi32, #tpu.memory_space<hbm>> -> memref<9x2x80xi32, #tpu.memory_space<hbm>>
        tpu.wait_dma2 semaphore(%arg25 : memref<!tpu.dma_semaphore, #tpu.memory_space<semaphore_mem>>) src(%dma_wait3A_263 : memref<9x2x80xi32, #tpu.memory_space<hbm>>) dst(%dma_wait3A_259 : memref<9x2x80xi32, #tpu.memory_space<vmem>>)
      } else {
      }
      %lt3A_148 = arith.constant 125 : i32
      %lt3A_149 = arith.cmpi slt, %add3A_136, %lt3A_148 : i32
      %convert_element_type3A_150 = arith.extui %lt3A_149 : i1 to i32
      %cond3A_151 = arith.constant 0 : i32
      %cond3A_152 = arith.cmpi ne, %convert_element_type3A_150, %cond3A_151 : i32
      scf.if %cond3A_152 {
        %dma_wait3A_245 = arith.constant 0 : i32
        %dma_wait3A_246 = arith.constant 0 : i32
        %dma_wait3A_247 = tpu.memref_slice %arg2[%dma_wait3A_245, %dma_wait3A_246] : memref<10000x128xf32, #tpu.memory_space<hbm>> -> memref<80x128xf32, #tpu.memory_space<hbm>>
        %dma_wait3A_248 = arith.constant 0 : i32
        %dma_wait3A_249 = arith.constant 0 : i32
        %dma_wait3A_250 = tpu.memref_slice %arg2[%dma_wait3A_248, %dma_wait3A_249] : memref<10000x128xf32, #tpu.memory_space<hbm>> -> memref<80x128xf32, #tpu.memory_space<hbm>>
        tpu.wait_dma2 semaphore(%arg16 : memref<!tpu.dma_semaphore, #tpu.memory_space<semaphore_mem>>) src(%dma_wait3A_250 : memref<80x128xf32, #tpu.memory_space<hbm>>) dst(%arg10 : memref<80x128xf32, #tpu.memory_space<vmem>>)
        %dma_start3A_251 = arith.constant 0 : i32
        %dma_start3A_252 = arith.constant 7 : i32
        %dma_start3A_253 = arith.constant 1 : i32
        %dma_start3A_254 = arith.constant 0 : i32
        %dma_start3A_255 = tpu.memref_slice %arg8[%dma_start3A_251, %dma_start3A_252, %dma_start3A_253, %dma_start3A_254] : memref<2x9x2x80xi32, #tpu.memory_space<vmem>> -> memref<1x1x1x80xi32, #tpu.memory_space<vmem>>
        %dma_start3A_256 = tpu.memref_squeeze %dma_start3A_255 : memref<1x1x1x80xi32, #tpu.memory_space<vmem>> -> memref<80xi32, #tpu.memory_space<vmem>>
        %dma_start3A_257 = arith.constant 0 : i32
        %dma_start3A_258 = arith.constant 0 : i32
        %dma_start3A_259 = tpu.memref_slice %arg13[%dma_start3A_257, %dma_start3A_258] : memref<10000x128xf32, #tpu.memory_space<vmem_shared>> -> memref<10000x128xf32, #tpu.memory_space<vmem_shared>>
        tpu.enqueue_indirect_dma source(%arg10 : memref<80x128xf32, #tpu.memory_space<vmem>>) target(%dma_start3A_259 : memref<10000x128xf32, #tpu.memory_space<vmem_shared>>) offsets(%dma_start3A_256 : memref<80xi32, #tpu.memory_space<vmem>>) semaphore(%arg19 : memref<!tpu.dma_semaphore, #tpu.memory_space<semaphore_mem>>) {add = true}
        %dma_start3A_260 = arith.constant 0 : i32
        %dma_start3A_261 = arith.constant 7 : i32
        %dma_start3A_262 = arith.constant 1 : i32
        %dma_start3A_263 = arith.constant 0 : i32
        %dma_start3A_264 = tpu.memref_slice %arg8[%dma_start3A_260, %dma_start3A_261, %dma_start3A_262, %dma_start3A_263] : memref<2x9x2x80xi32, #tpu.memory_space<vmem>> -> memref<1x1x1x80xi32, #tpu.memory_space<vmem>>
        %dma_start3A_265 = tpu.memref_squeeze %dma_start3A_264 : memref<1x1x1x80xi32, #tpu.memory_space<vmem>> -> memref<80xi32, #tpu.memory_space<vmem>>
        %dma_start3A_266 = arith.constant 0 : i32
        %dma_start3A_267 = arith.constant 0 : i32
        %dma_start3A_268 = tpu.memref_slice %arg14[%dma_start3A_266, %dma_start3A_267] : memref<10000x16xf32, #tpu.memory_space<vmem_shared>> -> memref<10000x16xf32, #tpu.memory_space<vmem_shared>>
        tpu.enqueue_indirect_dma source(%arg12 : memref<80x16xf32, #tpu.memory_space<vmem>>) target(%dma_start3A_268 : memref<10000x16xf32, #tpu.memory_space<vmem_shared>>) offsets(%dma_start3A_265 : memref<80xi32, #tpu.memory_space<vmem>>) semaphore(%arg22 : memref<!tpu.dma_semaphore, #tpu.memory_space<semaphore_mem>>) {add = true}
        %add3A_269 = arith.constant 2 : i32
        %add3A_270 = arith.addi %add3A_136, %add3A_269 : i32
        %lt3A_271 = arith.constant 125 : i32
        %lt3A_272 = arith.cmpi slt, %add3A_270, %lt3A_271 : i32
        %convert_element_type3A_273 = arith.extui %lt3A_272 : i1 to i32
        %cond3A_274 = arith.constant 0 : i32
        %cond3A_275 = arith.cmpi ne, %convert_element_type3A_273, %cond3A_274 : i32
        scf.if %cond3A_275 {
          %ge3A = arith.constant 3 : i32
          %ge3A_276 = arith.cmpi sge, %add3A_270, %ge3A : i32
          %convert_element_type3A_277 = arith.extui %ge3A_276 : i1 to i32
          %cond3A_278 = arith.constant 0 : i32
          %cond3A_279 = arith.cmpi ne, %convert_element_type3A_277, %cond3A_278 : i32
          scf.if %cond3A_279 {
            %dma_wait3A_289 = arith.constant 0 : i32
            %dma_wait3A_290 = arith.constant 0 : i32
            %dma_wait3A_291 = tpu.memref_slice %arg4[%dma_wait3A_289, %dma_wait3A_290] : memref<10000x128xf32, #tpu.memory_space<hbm>> -> memref<80x128xf32, #tpu.memory_space<hbm>>
            %dma_wait3A_292 = arith.constant 0 : i32
            %dma_wait3A_293 = arith.constant 0 : i32
            %dma_wait3A_294 = tpu.memref_slice %arg4[%dma_wait3A_292, %dma_wait3A_293] : memref<10000x128xf32, #tpu.memory_space<hbm>> -> memref<80x128xf32, #tpu.memory_space<hbm>>
            tpu.wait_dma2 semaphore(%arg18 : memref<!tpu.dma_semaphore, #tpu.memory_space<semaphore_mem>>) src(%dma_wait3A_294 : memref<80x128xf32, #tpu.memory_space<hbm>>) dst(%arg9 : memref<80x128xf32, #tpu.memory_space<vmem>>)
            %dma_wait3A_295 = arith.constant 0 : i32
            %dma_wait3A_296 = arith.constant 0 : i32
            %dma_wait3A_297 = tpu.memref_slice %arg5[%dma_wait3A_295, %dma_wait3A_296] : memref<10000x16xf32, #tpu.memory_space<hbm>> -> memref<80x16xf32, #tpu.memory_space<hbm>>
            %dma_wait3A_298 = arith.constant 0 : i32
            %dma_wait3A_299 = arith.constant 0 : i32
            %dma_wait3A_300 = tpu.memref_slice %arg5[%dma_wait3A_298, %dma_wait3A_299] : memref<10000x16xf32, #tpu.memory_space<hbm>> -> memref<80x16xf32, #tpu.memory_space<hbm>>
            tpu.wait_dma2 semaphore(%arg21 : memref<!tpu.dma_semaphore, #tpu.memory_space<semaphore_mem>>) src(%dma_wait3A_300 : memref<80x16xf32, #tpu.memory_space<hbm>>) dst(%arg12 : memref<80x16xf32, #tpu.memory_space<vmem>>)
          } else {
          }
          %dma_start3A_280 = arith.constant 1 : i32
          %dma_start3A_281 = arith.constant 0 : i32
          %dma_start3A_282 = arith.constant 0 : i32
          %dma_start3A_283 = arith.constant 0 : i32
          %dma_start3A_284 = tpu.memref_slice %arg8[%dma_start3A_280, %dma_start3A_281, %dma_start3A_282, %dma_start3A_283] : memref<2x9x2x80xi32, #tpu.memory_space<vmem>> -> memref<1x1x1x80xi32, #tpu.memory_space<vmem>>
          %dma_start3A_285 = tpu.memref_squeeze %dma_start3A_284 : memref<1x1x1x80xi32, #tpu.memory_space<vmem>> -> memref<80xi32, #tpu.memory_space<vmem>>
          %dma_start3A_286 = arith.constant 0 : i32
          %dma_start3A_287 = arith.constant 0 : i32
          %dma_start3A_288 = tpu.memref_slice %arg2[%dma_start3A_286, %dma_start3A_287] : memref<10000x128xf32, #tpu.memory_space<hbm>> -> memref<10000x128xf32, #tpu.memory_space<hbm>>
          tpu.enqueue_indirect_dma source(%dma_start3A_288 : memref<10000x128xf32, #tpu.memory_space<hbm>>) target(%arg9 : memref<80x128xf32, #tpu.memory_space<vmem>>) offsets(%dma_start3A_285 : memref<80xi32, #tpu.memory_space<vmem>>) semaphore(%arg15 : memref<!tpu.dma_semaphore, #tpu.memory_space<semaphore_mem>>)
        } else {
        }
      } else {
      }
      %add3A_153 = arith.constant 8 : i32
      %add3A_154 = arith.addi %mul3A_77, %add3A_153 : i32
      %lt3A_155 = arith.constant 125 : i32
      %lt3A_156 = arith.cmpi slt, %add3A_154, %lt3A_155 : i32
      %convert_element_type3A_157 = arith.extui %lt3A_156 : i1 to i32
      %cond3A_158 = arith.constant 0 : i32
      %cond3A_159 = arith.cmpi ne, %convert_element_type3A_157, %cond3A_158 : i32
      scf.if %cond3A_159 {
        %dma_wait3A_245 = arith.constant 0 : i32
        %dma_wait3A_246 = arith.constant 0 : i32
        %dma_wait3A_247 = tpu.memref_slice %arg2[%dma_wait3A_245, %dma_wait3A_246] : memref<10000x128xf32, #tpu.memory_space<hbm>> -> memref<80x128xf32, #tpu.memory_space<hbm>>
        %dma_wait3A_248 = arith.constant 0 : i32
        %dma_wait3A_249 = arith.constant 0 : i32
        %dma_wait3A_250 = tpu.memref_slice %arg2[%dma_wait3A_248, %dma_wait3A_249] : memref<10000x128xf32, #tpu.memory_space<hbm>> -> memref<80x128xf32, #tpu.memory_space<hbm>>
        tpu.wait_dma2 semaphore(%arg17 : memref<!tpu.dma_semaphore, #tpu.memory_space<semaphore_mem>>) src(%dma_wait3A_250 : memref<80x128xf32, #tpu.memory_space<hbm>>) dst(%arg11 : memref<80x128xf32, #tpu.memory_space<vmem>>)
        %dma_start3A_251 = arith.constant 0 : i32
        %dma_start3A_252 = arith.constant 8 : i32
        %dma_start3A_253 = arith.constant 1 : i32
        %dma_start3A_254 = arith.constant 0 : i32
        %dma_start3A_255 = tpu.memref_slice %arg8[%dma_start3A_251, %dma_start3A_252, %dma_start3A_253, %dma_start3A_254] : memref<2x9x2x80xi32, #tpu.memory_space<vmem>> -> memref<1x1x1x80xi32, #tpu.memory_space<vmem>>
        %dma_start3A_256 = tpu.memref_squeeze %dma_start3A_255 : memref<1x1x1x80xi32, #tpu.memory_space<vmem>> -> memref<80xi32, #tpu.memory_space<vmem>>
        %dma_start3A_257 = arith.constant 0 : i32
        %dma_start3A_258 = arith.constant 0 : i32
        %dma_start3A_259 = tpu.memref_slice %arg13[%dma_start3A_257, %dma_start3A_258] : memref<10000x128xf32, #tpu.memory_space<vmem_shared>> -> memref<10000x128xf32, #tpu.memory_space<vmem_shared>>
        tpu.enqueue_indirect_dma source(%arg11 : memref<80x128xf32, #tpu.memory_space<vmem>>) target(%dma_start3A_259 : memref<10000x128xf32, #tpu.memory_space<vmem_shared>>) offsets(%dma_start3A_256 : memref<80xi32, #tpu.memory_space<vmem>>) semaphore(%arg20 : memref<!tpu.dma_semaphore, #tpu.memory_space<semaphore_mem>>) {add = true}
        %dma_start3A_260 = arith.constant 0 : i32
        %dma_start3A_261 = arith.constant 8 : i32
        %dma_start3A_262 = arith.constant 1 : i32
        %dma_start3A_263 = arith.constant 0 : i32
        %dma_start3A_264 = tpu.memref_slice %arg8[%dma_start3A_260, %dma_start3A_261, %dma_start3A_262, %dma_start3A_263] : memref<2x9x2x80xi32, #tpu.memory_space<vmem>> -> memref<1x1x1x80xi32, #tpu.memory_space<vmem>>
        %dma_start3A_265 = tpu.memref_squeeze %dma_start3A_264 : memref<1x1x1x80xi32, #tpu.memory_space<vmem>> -> memref<80xi32, #tpu.memory_space<vmem>>
        %dma_start3A_266 = arith.constant 0 : i32
        %dma_start3A_267 = arith.constant 0 : i32
        %dma_start3A_268 = tpu.memref_slice %arg14[%dma_start3A_266, %dma_start3A_267] : memref<10000x16xf32, #tpu.memory_space<vmem_shared>> -> memref<10000x16xf32, #tpu.memory_space<vmem_shared>>
        tpu.enqueue_indirect_dma source(%arg12 : memref<80x16xf32, #tpu.memory_space<vmem>>) target(%dma_start3A_268 : memref<10000x16xf32, #tpu.memory_space<vmem_shared>>) offsets(%dma_start3A_265 : memref<80xi32, #tpu.memory_space<vmem>>) semaphore(%arg23 : memref<!tpu.dma_semaphore, #tpu.memory_space<semaphore_mem>>) {add = true}
        %add3A_269 = arith.constant 2 : i32
        %add3A_270 = arith.addi %add3A_154, %add3A_269 : i32
        %lt3A_271 = arith.constant 125 : i32
        %lt3A_272 = arith.cmpi slt, %add3A_270, %lt3A_271 : i32
        %convert_element_type3A_273 = arith.extui %lt3A_272 : i1 to i32
        %cond3A_274 = arith.constant 0 : i32
        %cond3A_275 = arith.cmpi ne, %convert_element_type3A_273, %cond3A_274 : i32
        scf.if %cond3A_275 {
          %ge3A = arith.constant 3 : i32
          %ge3A_276 = arith.cmpi sge, %add3A_270, %ge3A : i32
          %convert_element_type3A_277 = arith.extui %ge3A_276 : i1 to i32
          %cond3A_278 = arith.constant 0 : i32
          %cond3A_279 = arith.cmpi ne, %convert_element_type3A_277, %cond3A_278 : i32
          scf.if %cond3A_279 {
            %dma_wait3A_289 = arith.constant 0 : i32
            %dma_wait3A_290 = arith.constant 0 : i32
            %dma_wait3A_291 = tpu.memref_slice %arg4[%dma_wait3A_289, %dma_wait3A_290] : memref<10000x128xf32, #tpu.memory_space<hbm>> -> memref<80x128xf32, #tpu.memory_space<hbm>>
            %dma_wait3A_292 = arith.constant 0 : i32
            %dma_wait3A_293 = arith.constant 0 : i32
            %dma_wait3A_294 = tpu.memref_slice %arg4[%dma_wait3A_292, %dma_wait3A_293] : memref<10000x128xf32, #tpu.memory_space<hbm>> -> memref<80x128xf32, #tpu.memory_space<hbm>>
            tpu.wait_dma2 semaphore(%arg19 : memref<!tpu.dma_semaphore, #tpu.memory_space<semaphore_mem>>) src(%dma_wait3A_294 : memref<80x128xf32, #tpu.memory_space<hbm>>) dst(%arg10 : memref<80x128xf32, #tpu.memory_space<vmem>>)
            %dma_wait3A_295 = arith.constant 0 : i32
            %dma_wait3A_296 = arith.constant 0 : i32
            %dma_wait3A_297 = tpu.memref_slice %arg5[%dma_wait3A_295, %dma_wait3A_296] : memref<10000x16xf32, #tpu.memory_space<hbm>> -> memref<80x16xf32, #tpu.memory_space<hbm>>
            %dma_wait3A_298 = arith.constant 0 : i32
            %dma_wait3A_299 = arith.constant 0 : i32
            %dma_wait3A_300 = tpu.memref_slice %arg5[%dma_wait3A_298, %dma_wait3A_299] : memref<10000x16xf32, #tpu.memory_space<hbm>> -> memref<80x16xf32, #tpu.memory_space<hbm>>
            tpu.wait_dma2 semaphore(%arg22 : memref<!tpu.dma_semaphore, #tpu.memory_space<semaphore_mem>>) src(%dma_wait3A_300 : memref<80x16xf32, #tpu.memory_space<hbm>>) dst(%arg12 : memref<80x16xf32, #tpu.memory_space<vmem>>)
          } else {
          }
          %dma_start3A_280 = arith.constant 1 : i32
          %dma_start3A_281 = arith.constant 1 : i32
          %dma_start3A_282 = arith.constant 0 : i32
          %dma_start3A_283 = arith.constant 0 : i32
          %dma_start3A_284 = tpu.memref_slice %arg8[%dma_start3A_280, %dma_start3A_281, %dma_start3A_282, %dma_start3A_283] : memref<2x9x2x80xi32, #tpu.memory_space<vmem>> -> memref<1x1x1x80xi32, #tpu.memory_space<vmem>>
          %dma_start3A_285 = tpu.memref_squeeze %dma_start3A_284 : memref<1x1x1x80xi32, #tpu.memory_space<vmem>> -> memref<80xi32, #tpu.memory_space<vmem>>
          %dma_start3A_286 = arith.constant 0 : i32
          %dma_start3A_287 = arith.constant 0 : i32
          %dma_start3A_288 = tpu.memref_slice %arg2[%dma_start3A_286, %dma_start3A_287] : memref<10000x128xf32, #tpu.memory_space<hbm>> -> memref<10000x128xf32, #tpu.memory_space<hbm>>
          tpu.enqueue_indirect_dma source(%dma_start3A_288 : memref<10000x128xf32, #tpu.memory_space<hbm>>) target(%arg10 : memref<80x128xf32, #tpu.memory_space<vmem>>) offsets(%dma_start3A_285 : memref<80xi32, #tpu.memory_space<vmem>>) semaphore(%arg16 : memref<!tpu.dma_semaphore, #tpu.memory_space<semaphore_mem>>)
        } else {
        }
      } else {
      }
      %add3A_160 = arith.constant 9 : i32
      %add3A_161 = arith.addi %mul3A_77, %add3A_160 : i32
      %lt3A_162 = arith.constant 125 : i32
      %lt3A_163 = arith.cmpi slt, %add3A_161, %lt3A_162 : i32
      %convert_element_type3A_164 = arith.extui %lt3A_163 : i1 to i32
      %cond3A_165 = arith.constant 0 : i32
      %cond3A_166 = arith.cmpi ne, %convert_element_type3A_164, %cond3A_165 : i32
      scf.if %cond3A_166 {
        %dma_wait3A_245 = arith.constant 0 : i32
        %dma_wait3A_246 = arith.constant 0 : i32
        %dma_wait3A_247 = tpu.memref_slice %arg2[%dma_wait3A_245, %dma_wait3A_246] : memref<10000x128xf32, #tpu.memory_space<hbm>> -> memref<80x128xf32, #tpu.memory_space<hbm>>
        %dma_wait3A_248 = arith.constant 0 : i32
        %dma_wait3A_249 = arith.constant 0 : i32
        %dma_wait3A_250 = tpu.memref_slice %arg2[%dma_wait3A_248, %dma_wait3A_249] : memref<10000x128xf32, #tpu.memory_space<hbm>> -> memref<80x128xf32, #tpu.memory_space<hbm>>
        tpu.wait_dma2 semaphore(%arg15 : memref<!tpu.dma_semaphore, #tpu.memory_space<semaphore_mem>>) src(%dma_wait3A_250 : memref<80x128xf32, #tpu.memory_space<hbm>>) dst(%arg9 : memref<80x128xf32, #tpu.memory_space<vmem>>)
        %dma_start3A_251 = arith.constant 1 : i32
        %dma_start3A_252 = arith.constant 0 : i32
        %dma_start3A_253 = arith.constant 1 : i32
        %dma_start3A_254 = arith.constant 0 : i32
        %dma_start3A_255 = tpu.memref_slice %arg8[%dma_start3A_251, %dma_start3A_252, %dma_start3A_253, %dma_start3A_254] : memref<2x9x2x80xi32, #tpu.memory_space<vmem>> -> memref<1x1x1x80xi32, #tpu.memory_space<vmem>>
        %dma_start3A_256 = tpu.memref_squeeze %dma_start3A_255 : memref<1x1x1x80xi32, #tpu.memory_space<vmem>> -> memref<80xi32, #tpu.memory_space<vmem>>
        %dma_start3A_257 = arith.constant 0 : i32
        %dma_start3A_258 = arith.constant 0 : i32
        %dma_start3A_259 = tpu.memref_slice %arg13[%dma_start3A_257, %dma_start3A_258] : memref<10000x128xf32, #tpu.memory_space<vmem_shared>> -> memref<10000x128xf32, #tpu.memory_space<vmem_shared>>
        tpu.enqueue_indirect_dma source(%arg9 : memref<80x128xf32, #tpu.memory_space<vmem>>) target(%dma_start3A_259 : memref<10000x128xf32, #tpu.memory_space<vmem_shared>>) offsets(%dma_start3A_256 : memref<80xi32, #tpu.memory_space<vmem>>) semaphore(%arg18 : memref<!tpu.dma_semaphore, #tpu.memory_space<semaphore_mem>>) {add = true}
        %dma_start3A_260 = arith.constant 1 : i32
        %dma_start3A_261 = arith.constant 0 : i32
        %dma_start3A_262 = arith.constant 1 : i32
        %dma_start3A_263 = arith.constant 0 : i32
        %dma_start3A_264 = tpu.memref_slice %arg8[%dma_start3A_260, %dma_start3A_261, %dma_start3A_262, %dma_start3A_263] : memref<2x9x2x80xi32, #tpu.memory_space<vmem>> -> memref<1x1x1x80xi32, #tpu.memory_space<vmem>>
        %dma_start3A_265 = tpu.memref_squeeze %dma_start3A_264 : memref<1x1x1x80xi32, #tpu.memory_space<vmem>> -> memref<80xi32, #tpu.memory_space<vmem>>
        %dma_start3A_266 = arith.constant 0 : i32
        %dma_start3A_267 = arith.constant 0 : i32
        %dma_start3A_268 = tpu.memref_slice %arg14[%dma_start3A_266, %dma_start3A_267] : memref<10000x16xf32, #tpu.memory_space<vmem_shared>> -> memref<10000x16xf32, #tpu.memory_space<vmem_shared>>
        tpu.enqueue_indirect_dma source(%arg12 : memref<80x16xf32, #tpu.memory_space<vmem>>) target(%dma_start3A_268 : memref<10000x16xf32, #tpu.memory_space<vmem_shared>>) offsets(%dma_start3A_265 : memref<80xi32, #tpu.memory_space<vmem>>) semaphore(%arg21 : memref<!tpu.dma_semaphore, #tpu.memory_space<semaphore_mem>>) {add = true}
        %add3A_269 = arith.constant 2 : i32
        %add3A_270 = arith.addi %add3A_161, %add3A_269 : i32
        %lt3A_271 = arith.constant 125 : i32
        %lt3A_272 = arith.cmpi slt, %add3A_270, %lt3A_271 : i32
        %convert_element_type3A_273 = arith.extui %lt3A_272 : i1 to i32
        %cond3A_274 = arith.constant 0 : i32
        %cond3A_275 = arith.cmpi ne, %convert_element_type3A_273, %cond3A_274 : i32
        scf.if %cond3A_275 {
          %ge3A = arith.constant 3 : i32
          %ge3A_276 = arith.cmpi sge, %add3A_270, %ge3A : i32
          %convert_element_type3A_277 = arith.extui %ge3A_276 : i1 to i32
          %cond3A_278 = arith.constant 0 : i32
          %cond3A_279 = arith.cmpi ne, %convert_element_type3A_277, %cond3A_278 : i32
          scf.if %cond3A_279 {
            %dma_wait3A_289 = arith.constant 0 : i32
            %dma_wait3A_290 = arith.constant 0 : i32
            %dma_wait3A_291 = tpu.memref_slice %arg4[%dma_wait3A_289, %dma_wait3A_290] : memref<10000x128xf32, #tpu.memory_space<hbm>> -> memref<80x128xf32, #tpu.memory_space<hbm>>
            %dma_wait3A_292 = arith.constant 0 : i32
            %dma_wait3A_293 = arith.constant 0 : i32
            %dma_wait3A_294 = tpu.memref_slice %arg4[%dma_wait3A_292, %dma_wait3A_293] : memref<10000x128xf32, #tpu.memory_space<hbm>> -> memref<80x128xf32, #tpu.memory_space<hbm>>
            tpu.wait_dma2 semaphore(%arg20 : memref<!tpu.dma_semaphore, #tpu.memory_space<semaphore_mem>>) src(%dma_wait3A_294 : memref<80x128xf32, #tpu.memory_space<hbm>>) dst(%arg11 : memref<80x128xf32, #tpu.memory_space<vmem>>)
            %dma_wait3A_295 = arith.constant 0 : i32
            %dma_wait3A_296 = arith.constant 0 : i32
            %dma_wait3A_297 = tpu.memref_slice %arg5[%dma_wait3A_295, %dma_wait3A_296] : memref<10000x16xf32, #tpu.memory_space<hbm>> -> memref<80x16xf32, #tpu.memory_space<hbm>>
            %dma_wait3A_298 = arith.constant 0 : i32
            %dma_wait3A_299 = arith.constant 0 : i32
            %dma_wait3A_300 = tpu.memref_slice %arg5[%dma_wait3A_298, %dma_wait3A_299] : memref<10000x16xf32, #tpu.memory_space<hbm>> -> memref<80x16xf32, #tpu.memory_space<hbm>>
            tpu.wait_dma2 semaphore(%arg23 : memref<!tpu.dma_semaphore, #tpu.memory_space<semaphore_mem>>) src(%dma_wait3A_300 : memref<80x16xf32, #tpu.memory_space<hbm>>) dst(%arg12 : memref<80x16xf32, #tpu.memory_space<vmem>>)
          } else {
          }
          %dma_start3A_280 = arith.constant 1 : i32
          %dma_start3A_281 = arith.constant 2 : i32
          %dma_start3A_282 = arith.constant 0 : i32
          %dma_start3A_283 = arith.constant 0 : i32
          %dma_start3A_284 = tpu.memref_slice %arg8[%dma_start3A_280, %dma_start3A_281, %dma_start3A_282, %dma_start3A_283] : memref<2x9x2x80xi32, #tpu.memory_space<vmem>> -> memref<1x1x1x80xi32, #tpu.memory_space<vmem>>
          %dma_start3A_285 = tpu.memref_squeeze %dma_start3A_284 : memref<1x1x1x80xi32, #tpu.memory_space<vmem>> -> memref<80xi32, #tpu.memory_space<vmem>>
          %dma_start3A_286 = arith.constant 0 : i32
          %dma_start3A_287 = arith.constant 0 : i32
          %dma_start3A_288 = tpu.memref_slice %arg2[%dma_start3A_286, %dma_start3A_287] : memref<10000x128xf32, #tpu.memory_space<hbm>> -> memref<10000x128xf32, #tpu.memory_space<hbm>>
          tpu.enqueue_indirect_dma source(%dma_start3A_288 : memref<10000x128xf32, #tpu.memory_space<hbm>>) target(%arg11 : memref<80x128xf32, #tpu.memory_space<vmem>>) offsets(%dma_start3A_285 : memref<80xi32, #tpu.memory_space<vmem>>) semaphore(%arg17 : memref<!tpu.dma_semaphore, #tpu.memory_space<semaphore_mem>>)
        } else {
        }
      } else {
      }
      %add3A_167 = arith.constant 10 : i32
      %add3A_168 = arith.addi %mul3A_77, %add3A_167 : i32
      %mul3A_169 = arith.constant 2 : i32
      %mul3A_170 = arith.muli %mul3A_169, %scan3A_75 : i32
      %add3A_171 = arith.constant 2 : i32
      %add3A_172 = arith.addi %mul3A_170, %add3A_171 : i32
      %mul3A_173 = arith.constant 9 : i32
      %mul3A_174 = arith.muli %add3A_172, %mul3A_173 : i32
      %lt3A_175 = arith.constant 125 : i32
      %lt3A_176 = arith.cmpi slt, %mul3A_174, %lt3A_175 : i32
      %convert_element_type3A_177 = arith.extui %lt3A_176 : i1 to i32
      %cond3A_178 = arith.constant 0 : i32
      %cond3A_179 = arith.cmpi ne, %convert_element_type3A_177, %cond3A_178 : i32
      scf.if %cond3A_179 {
        %mul3A_245 = arith.constant 2 : i32
        %mul3A_246 = arith.muli %mul3A_245, %scan3A_75 : i32
        %add3A_247 = arith.constant 2 : i32
        %add3A_248 = arith.addi %mul3A_246, %add3A_247 : i32
        %mul3A_249 = arith.constant 9 : i32
        %mul3A_250 = arith.muli %add3A_248, %mul3A_249 : i32
        %add3A_251 = arith.addi %mul3A_4, %mul3A_250 : i32
        %dma_start3A_252 = arith.constant 0 : i32
        %dma_start3A_253 = arith.constant 0 : i32
        %dma_start3A_254 = arith.constant 0 : i32
        %dma_start3A_255 = arith.constant 0 : i32
        %dma_start3A_256 = tpu.memref_slice %arg8[%dma_start3A_252, %dma_start3A_253, %dma_start3A_254, %dma_start3A_255] : memref<2x9x2x80xi32, #tpu.memory_space<vmem>> -> memref<1x9x2x80xi32, #tpu.memory_space<vmem>>
        %dma_start3A_257 = tpu.memref_squeeze %dma_start3A_256 : memref<1x9x2x80xi32, #tpu.memory_space<vmem>> -> memref<9x2x80xi32, #tpu.memory_space<vmem>>
        %dma_start3A_258 = arith.constant 0 : i32
        %dma_start3A_259 = arith.constant 0 : i32
        %dma_start3A_260 = tpu.memref_slice %arg3[%add3A_251, %dma_start3A_258, %dma_start3A_259] : memref<4002x2x80xi32, #tpu.memory_space<hbm>> -> memref<9x2x80xi32, #tpu.memory_space<hbm>>
        %dma_start3A_261 = arith.constant 0 : i32
        %dma_start3A_262 = arith.constant 0 : i32
        %dma_start3A_263 = arith.constant 0 : i32
        %dma_start3A_264 = tpu.memref_slice %arg8[%dma_start3A_252, %dma_start3A_261, %dma_start3A_262, %dma_start3A_263] : memref<2x9x2x80xi32, #tpu.memory_space<vmem>> -> memref<1x9x2x80xi32, #tpu.memory_space<vmem>>
        %dma_start3A_265 = tpu.memref_squeeze %dma_start3A_264 : memref<1x9x2x80xi32, #tpu.memory_space<vmem>> -> memref<9x2x80xi32, #tpu.memory_space<vmem>>
        %dma_start3A_266 = arith.constant 0 : i32
        %dma_start3A_267 = arith.constant 0 : i32
        %dma_start3A_268 = tpu.memref_slice %arg3[%add3A_251, %dma_start3A_266, %dma_start3A_267] : memref<4002x2x80xi32, #tpu.memory_space<hbm>> -> memref<9x2x80xi32, #tpu.memory_space<hbm>>
        tpu.enqueue_dma source(%dma_start3A_268 : memref<9x2x80xi32, #tpu.memory_space<hbm>>) target(%dma_start3A_265 : memref<9x2x80xi32, #tpu.memory_space<vmem>>) target_semaphore(%arg24 : memref<!tpu.dma_semaphore, #tpu.memory_space<semaphore_mem>>)
      } else {
      }
      %lt3A_180 = arith.constant 125 : i32
      %lt3A_181 = arith.cmpi slt, %add3A_168, %lt3A_180 : i32
      %convert_element_type3A_182 = arith.extui %lt3A_181 : i1 to i32
      %cond3A_183 = arith.constant 0 : i32
      %cond3A_184 = arith.cmpi ne, %convert_element_type3A_182, %cond3A_183 : i32
      scf.if %cond3A_184 {
        %dma_wait3A_245 = arith.constant 0 : i32
        %dma_wait3A_246 = arith.constant 0 : i32
        %dma_wait3A_247 = tpu.memref_slice %arg2[%dma_wait3A_245, %dma_wait3A_246] : memref<10000x128xf32, #tpu.memory_space<hbm>> -> memref<80x128xf32, #tpu.memory_space<hbm>>
        %dma_wait3A_248 = arith.constant 0 : i32
        %dma_wait3A_249 = arith.constant 0 : i32
        %dma_wait3A_250 = tpu.memref_slice %arg2[%dma_wait3A_248, %dma_wait3A_249] : memref<10000x128xf32, #tpu.memory_space<hbm>> -> memref<80x128xf32, #tpu.memory_space<hbm>>
        tpu.wait_dma2 semaphore(%arg16 : memref<!tpu.dma_semaphore, #tpu.memory_space<semaphore_mem>>) src(%dma_wait3A_250 : memref<80x128xf32, #tpu.memory_space<hbm>>) dst(%arg10 : memref<80x128xf32, #tpu.memory_space<vmem>>)
        %dma_start3A_251 = arith.constant 1 : i32
        %dma_start3A_252 = arith.constant 1 : i32
        %dma_start3A_253 = arith.constant 1 : i32
        %dma_start3A_254 = arith.constant 0 : i32
        %dma_start3A_255 = tpu.memref_slice %arg8[%dma_start3A_251, %dma_start3A_252, %dma_start3A_253, %dma_start3A_254] : memref<2x9x2x80xi32, #tpu.memory_space<vmem>> -> memref<1x1x1x80xi32, #tpu.memory_space<vmem>>
        %dma_start3A_256 = tpu.memref_squeeze %dma_start3A_255 : memref<1x1x1x80xi32, #tpu.memory_space<vmem>> -> memref<80xi32, #tpu.memory_space<vmem>>
        %dma_start3A_257 = arith.constant 0 : i32
        %dma_start3A_258 = arith.constant 0 : i32
        %dma_start3A_259 = tpu.memref_slice %arg13[%dma_start3A_257, %dma_start3A_258] : memref<10000x128xf32, #tpu.memory_space<vmem_shared>> -> memref<10000x128xf32, #tpu.memory_space<vmem_shared>>
        tpu.enqueue_indirect_dma source(%arg10 : memref<80x128xf32, #tpu.memory_space<vmem>>) target(%dma_start3A_259 : memref<10000x128xf32, #tpu.memory_space<vmem_shared>>) offsets(%dma_start3A_256 : memref<80xi32, #tpu.memory_space<vmem>>) semaphore(%arg19 : memref<!tpu.dma_semaphore, #tpu.memory_space<semaphore_mem>>) {add = true}
        %dma_start3A_260 = arith.constant 1 : i32
        %dma_start3A_261 = arith.constant 1 : i32
        %dma_start3A_262 = arith.constant 1 : i32
        %dma_start3A_263 = arith.constant 0 : i32
        %dma_start3A_264 = tpu.memref_slice %arg8[%dma_start3A_260, %dma_start3A_261, %dma_start3A_262, %dma_start3A_263] : memref<2x9x2x80xi32, #tpu.memory_space<vmem>> -> memref<1x1x1x80xi32, #tpu.memory_space<vmem>>
        %dma_start3A_265 = tpu.memref_squeeze %dma_start3A_264 : memref<1x1x1x80xi32, #tpu.memory_space<vmem>> -> memref<80xi32, #tpu.memory_space<vmem>>
        %dma_start3A_266 = arith.constant 0 : i32
        %dma_start3A_267 = arith.constant 0 : i32
        %dma_start3A_268 = tpu.memref_slice %arg14[%dma_start3A_266, %dma_start3A_267] : memref<10000x16xf32, #tpu.memory_space<vmem_shared>> -> memref<10000x16xf32, #tpu.memory_space<vmem_shared>>
        tpu.enqueue_indirect_dma source(%arg12 : memref<80x16xf32, #tpu.memory_space<vmem>>) target(%dma_start3A_268 : memref<10000x16xf32, #tpu.memory_space<vmem_shared>>) offsets(%dma_start3A_265 : memref<80xi32, #tpu.memory_space<vmem>>) semaphore(%arg22 : memref<!tpu.dma_semaphore, #tpu.memory_space<semaphore_mem>>) {add = true}
        %add3A_269 = arith.constant 2 : i32
        %add3A_270 = arith.addi %add3A_168, %add3A_269 : i32
        %lt3A_271 = arith.constant 125 : i32
        %lt3A_272 = arith.cmpi slt, %add3A_270, %lt3A_271 : i32
        %convert_element_type3A_273 = arith.extui %lt3A_272 : i1 to i32
        %cond3A_274 = arith.constant 0 : i32
        %cond3A_275 = arith.cmpi ne, %convert_element_type3A_273, %cond3A_274 : i32
        scf.if %cond3A_275 {
          %ge3A = arith.constant 3 : i32
          %ge3A_276 = arith.cmpi sge, %add3A_270, %ge3A : i32
          %convert_element_type3A_277 = arith.extui %ge3A_276 : i1 to i32
          %cond3A_278 = arith.constant 0 : i32
          %cond3A_279 = arith.cmpi ne, %convert_element_type3A_277, %cond3A_278 : i32
          scf.if %cond3A_279 {
            %dma_wait3A_289 = arith.constant 0 : i32
            %dma_wait3A_290 = arith.constant 0 : i32
            %dma_wait3A_291 = tpu.memref_slice %arg4[%dma_wait3A_289, %dma_wait3A_290] : memref<10000x128xf32, #tpu.memory_space<hbm>> -> memref<80x128xf32, #tpu.memory_space<hbm>>
            %dma_wait3A_292 = arith.constant 0 : i32
            %dma_wait3A_293 = arith.constant 0 : i32
            %dma_wait3A_294 = tpu.memref_slice %arg4[%dma_wait3A_292, %dma_wait3A_293] : memref<10000x128xf32, #tpu.memory_space<hbm>> -> memref<80x128xf32, #tpu.memory_space<hbm>>
            tpu.wait_dma2 semaphore(%arg18 : memref<!tpu.dma_semaphore, #tpu.memory_space<semaphore_mem>>) src(%dma_wait3A_294 : memref<80x128xf32, #tpu.memory_space<hbm>>) dst(%arg9 : memref<80x128xf32, #tpu.memory_space<vmem>>)
            %dma_wait3A_295 = arith.constant 0 : i32
            %dma_wait3A_296 = arith.constant 0 : i32
            %dma_wait3A_297 = tpu.memref_slice %arg5[%dma_wait3A_295, %dma_wait3A_296] : memref<10000x16xf32, #tpu.memory_space<hbm>> -> memref<80x16xf32, #tpu.memory_space<hbm>>
            %dma_wait3A_298 = arith.constant 0 : i32
            %dma_wait3A_299 = arith.constant 0 : i32
            %dma_wait3A_300 = tpu.memref_slice %arg5[%dma_wait3A_298, %dma_wait3A_299] : memref<10000x16xf32, #tpu.memory_space<hbm>> -> memref<80x16xf32, #tpu.memory_space<hbm>>
            tpu.wait_dma2 semaphore(%arg21 : memref<!tpu.dma_semaphore, #tpu.memory_space<semaphore_mem>>) src(%dma_wait3A_300 : memref<80x16xf32, #tpu.memory_space<hbm>>) dst(%arg12 : memref<80x16xf32, #tpu.memory_space<vmem>>)
          } else {
          }
          %dma_start3A_280 = arith.constant 1 : i32
          %dma_start3A_281 = arith.constant 3 : i32
          %dma_start3A_282 = arith.constant 0 : i32
          %dma_start3A_283 = arith.constant 0 : i32
          %dma_start3A_284 = tpu.memref_slice %arg8[%dma_start3A_280, %dma_start3A_281, %dma_start3A_282, %dma_start3A_283] : memref<2x9x2x80xi32, #tpu.memory_space<vmem>> -> memref<1x1x1x80xi32, #tpu.memory_space<vmem>>
          %dma_start3A_285 = tpu.memref_squeeze %dma_start3A_284 : memref<1x1x1x80xi32, #tpu.memory_space<vmem>> -> memref<80xi32, #tpu.memory_space<vmem>>
          %dma_start3A_286 = arith.constant 0 : i32
          %dma_start3A_287 = arith.constant 0 : i32
          %dma_start3A_288 = tpu.memref_slice %arg2[%dma_start3A_286, %dma_start3A_287] : memref<10000x128xf32, #tpu.memory_space<hbm>> -> memref<10000x128xf32, #tpu.memory_space<hbm>>
          tpu.enqueue_indirect_dma source(%dma_start3A_288 : memref<10000x128xf32, #tpu.memory_space<hbm>>) target(%arg9 : memref<80x128xf32, #tpu.memory_space<vmem>>) offsets(%dma_start3A_285 : memref<80xi32, #tpu.memory_space<vmem>>) semaphore(%arg15 : memref<!tpu.dma_semaphore, #tpu.memory_space<semaphore_mem>>)
        } else {
        }
      } else {
      }
      %add3A_185 = arith.constant 11 : i32
      %add3A_186 = arith.addi %mul3A_77, %add3A_185 : i32
      %lt3A_187 = arith.constant 125 : i32
      %lt3A_188 = arith.cmpi slt, %add3A_186, %lt3A_187 : i32
      %convert_element_type3A_189 = arith.extui %lt3A_188 : i1 to i32
      %cond3A_190 = arith.constant 0 : i32
      %cond3A_191 = arith.cmpi ne, %convert_element_type3A_189, %cond3A_190 : i32
      scf.if %cond3A_191 {
        %dma_wait3A_245 = arith.constant 0 : i32
        %dma_wait3A_246 = arith.constant 0 : i32
        %dma_wait3A_247 = tpu.memref_slice %arg2[%dma_wait3A_245, %dma_wait3A_246] : memref<10000x128xf32, #tpu.memory_space<hbm>> -> memref<80x128xf32, #tpu.memory_space<hbm>>
        %dma_wait3A_248 = arith.constant 0 : i32
        %dma_wait3A_249 = arith.constant 0 : i32
        %dma_wait3A_250 = tpu.memref_slice %arg2[%dma_wait3A_248, %dma_wait3A_249] : memref<10000x128xf32, #tpu.memory_space<hbm>> -> memref<80x128xf32, #tpu.memory_space<hbm>>
        tpu.wait_dma2 semaphore(%arg17 : memref<!tpu.dma_semaphore, #tpu.memory_space<semaphore_mem>>) src(%dma_wait3A_250 : memref<80x128xf32, #tpu.memory_space<hbm>>) dst(%arg11 : memref<80x128xf32, #tpu.memory_space<vmem>>)
        %dma_start3A_251 = arith.constant 1 : i32
        %dma_start3A_252 = arith.constant 2 : i32
        %dma_start3A_253 = arith.constant 1 : i32
        %dma_start3A_254 = arith.constant 0 : i32
        %dma_start3A_255 = tpu.memref_slice %arg8[%dma_start3A_251, %dma_start3A_252, %dma_start3A_253, %dma_start3A_254] : memref<2x9x2x80xi32, #tpu.memory_space<vmem>> -> memref<1x1x1x80xi32, #tpu.memory_space<vmem>>
        %dma_start3A_256 = tpu.memref_squeeze %dma_start3A_255 : memref<1x1x1x80xi32, #tpu.memory_space<vmem>> -> memref<80xi32, #tpu.memory_space<vmem>>
        %dma_start3A_257 = arith.constant 0 : i32
        %dma_start3A_258 = arith.constant 0 : i32
        %dma_start3A_259 = tpu.memref_slice %arg13[%dma_start3A_257, %dma_start3A_258] : memref<10000x128xf32, #tpu.memory_space<vmem_shared>> -> memref<10000x128xf32, #tpu.memory_space<vmem_shared>>
        tpu.enqueue_indirect_dma source(%arg11 : memref<80x128xf32, #tpu.memory_space<vmem>>) target(%dma_start3A_259 : memref<10000x128xf32, #tpu.memory_space<vmem_shared>>) offsets(%dma_start3A_256 : memref<80xi32, #tpu.memory_space<vmem>>) semaphore(%arg20 : memref<!tpu.dma_semaphore, #tpu.memory_space<semaphore_mem>>) {add = true}
        %dma_start3A_260 = arith.constant 1 : i32
        %dma_start3A_261 = arith.constant 2 : i32
        %dma_start3A_262 = arith.constant 1 : i32
        %dma_start3A_263 = arith.constant 0 : i32
        %dma_start3A_264 = tpu.memref_slice %arg8[%dma_start3A_260, %dma_start3A_261, %dma_start3A_262, %dma_start3A_263] : memref<2x9x2x80xi32, #tpu.memory_space<vmem>> -> memref<1x1x1x80xi32, #tpu.memory_space<vmem>>
        %dma_start3A_265 = tpu.memref_squeeze %dma_start3A_264 : memref<1x1x1x80xi32, #tpu.memory_space<vmem>> -> memref<80xi32, #tpu.memory_space<vmem>>
        %dma_start3A_266 = arith.constant 0 : i32
        %dma_start3A_267 = arith.constant 0 : i32
        %dma_start3A_268 = tpu.memref_slice %arg14[%dma_start3A_266, %dma_start3A_267] : memref<10000x16xf32, #tpu.memory_space<vmem_shared>> -> memref<10000x16xf32, #tpu.memory_space<vmem_shared>>
        tpu.enqueue_indirect_dma source(%arg12 : memref<80x16xf32, #tpu.memory_space<vmem>>) target(%dma_start3A_268 : memref<10000x16xf32, #tpu.memory_space<vmem_shared>>) offsets(%dma_start3A_265 : memref<80xi32, #tpu.memory_space<vmem>>) semaphore(%arg23 : memref<!tpu.dma_semaphore, #tpu.memory_space<semaphore_mem>>) {add = true}
        %add3A_269 = arith.constant 2 : i32
        %add3A_270 = arith.addi %add3A_186, %add3A_269 : i32
        %lt3A_271 = arith.constant 125 : i32
        %lt3A_272 = arith.cmpi slt, %add3A_270, %lt3A_271 : i32
        %convert_element_type3A_273 = arith.extui %lt3A_272 : i1 to i32
        %cond3A_274 = arith.constant 0 : i32
        %cond3A_275 = arith.cmpi ne, %convert_element_type3A_273, %cond3A_274 : i32
        scf.if %cond3A_275 {
          %ge3A = arith.constant 3 : i32
          %ge3A_276 = arith.cmpi sge, %add3A_270, %ge3A : i32
          %convert_element_type3A_277 = arith.extui %ge3A_276 : i1 to i32
          %cond3A_278 = arith.constant 0 : i32
          %cond3A_279 = arith.cmpi ne, %convert_element_type3A_277, %cond3A_278 : i32
          scf.if %cond3A_279 {
            %dma_wait3A_289 = arith.constant 0 : i32
            %dma_wait3A_290 = arith.constant 0 : i32
            %dma_wait3A_291 = tpu.memref_slice %arg4[%dma_wait3A_289, %dma_wait3A_290] : memref<10000x128xf32, #tpu.memory_space<hbm>> -> memref<80x128xf32, #tpu.memory_space<hbm>>
            %dma_wait3A_292 = arith.constant 0 : i32
            %dma_wait3A_293 = arith.constant 0 : i32
            %dma_wait3A_294 = tpu.memref_slice %arg4[%dma_wait3A_292, %dma_wait3A_293] : memref<10000x128xf32, #tpu.memory_space<hbm>> -> memref<80x128xf32, #tpu.memory_space<hbm>>
            tpu.wait_dma2 semaphore(%arg19 : memref<!tpu.dma_semaphore, #tpu.memory_space<semaphore_mem>>) src(%dma_wait3A_294 : memref<80x128xf32, #tpu.memory_space<hbm>>) dst(%arg10 : memref<80x128xf32, #tpu.memory_space<vmem>>)
            %dma_wait3A_295 = arith.constant 0 : i32
            %dma_wait3A_296 = arith.constant 0 : i32
            %dma_wait3A_297 = tpu.memref_slice %arg5[%dma_wait3A_295, %dma_wait3A_296] : memref<10000x16xf32, #tpu.memory_space<hbm>> -> memref<80x16xf32, #tpu.memory_space<hbm>>
            %dma_wait3A_298 = arith.constant 0 : i32
            %dma_wait3A_299 = arith.constant 0 : i32
            %dma_wait3A_300 = tpu.memref_slice %arg5[%dma_wait3A_298, %dma_wait3A_299] : memref<10000x16xf32, #tpu.memory_space<hbm>> -> memref<80x16xf32, #tpu.memory_space<hbm>>
            tpu.wait_dma2 semaphore(%arg22 : memref<!tpu.dma_semaphore, #tpu.memory_space<semaphore_mem>>) src(%dma_wait3A_300 : memref<80x16xf32, #tpu.memory_space<hbm>>) dst(%arg12 : memref<80x16xf32, #tpu.memory_space<vmem>>)
          } else {
          }
          %dma_start3A_280 = arith.constant 1 : i32
          %dma_start3A_281 = arith.constant 4 : i32
          %dma_start3A_282 = arith.constant 0 : i32
          %dma_start3A_283 = arith.constant 0 : i32
          %dma_start3A_284 = tpu.memref_slice %arg8[%dma_start3A_280, %dma_start3A_281, %dma_start3A_282, %dma_start3A_283] : memref<2x9x2x80xi32, #tpu.memory_space<vmem>> -> memref<1x1x1x80xi32, #tpu.memory_space<vmem>>
          %dma_start3A_285 = tpu.memref_squeeze %dma_start3A_284 : memref<1x1x1x80xi32, #tpu.memory_space<vmem>> -> memref<80xi32, #tpu.memory_space<vmem>>
          %dma_start3A_286 = arith.constant 0 : i32
          %dma_start3A_287 = arith.constant 0 : i32
          %dma_start3A_288 = tpu.memref_slice %arg2[%dma_start3A_286, %dma_start3A_287] : memref<10000x128xf32, #tpu.memory_space<hbm>> -> memref<10000x128xf32, #tpu.memory_space<hbm>>
          tpu.enqueue_indirect_dma source(%dma_start3A_288 : memref<10000x128xf32, #tpu.memory_space<hbm>>) target(%arg10 : memref<80x128xf32, #tpu.memory_space<vmem>>) offsets(%dma_start3A_285 : memref<80xi32, #tpu.memory_space<vmem>>) semaphore(%arg16 : memref<!tpu.dma_semaphore, #tpu.memory_space<semaphore_mem>>)
        } else {
        }
      } else {
      }
      %add3A_192 = arith.constant 12 : i32
      %add3A_193 = arith.addi %mul3A_77, %add3A_192 : i32
      %lt3A_194 = arith.constant 125 : i32
      %lt3A_195 = arith.cmpi slt, %add3A_193, %lt3A_194 : i32
      %convert_element_type3A_196 = arith.extui %lt3A_195 : i1 to i32
      %cond3A_197 = arith.constant 0 : i32
      %cond3A_198 = arith.cmpi ne, %convert_element_type3A_196, %cond3A_197 : i32
      scf.if %cond3A_198 {
        %dma_wait3A_245 = arith.constant 0 : i32
        %dma_wait3A_246 = arith.constant 0 : i32
        %dma_wait3A_247 = tpu.memref_slice %arg2[%dma_wait3A_245, %dma_wait3A_246] : memref<10000x128xf32, #tpu.memory_space<hbm>> -> memref<80x128xf32, #tpu.memory_space<hbm>>
        %dma_wait3A_248 = arith.constant 0 : i32
        %dma_wait3A_249 = arith.constant 0 : i32
        %dma_wait3A_250 = tpu.memref_slice %arg2[%dma_wait3A_248, %dma_wait3A_249] : memref<10000x128xf32, #tpu.memory_space<hbm>> -> memref<80x128xf32, #tpu.memory_space<hbm>>
        tpu.wait_dma2 semaphore(%arg15 : memref<!tpu.dma_semaphore, #tpu.memory_space<semaphore_mem>>) src(%dma_wait3A_250 : memref<80x128xf32, #tpu.memory_space<hbm>>) dst(%arg9 : memref<80x128xf32, #tpu.memory_space<vmem>>)
        %dma_start3A_251 = arith.constant 1 : i32
        %dma_start3A_252 = arith.constant 3 : i32
        %dma_start3A_253 = arith.constant 1 : i32
        %dma_start3A_254 = arith.constant 0 : i32
        %dma_start3A_255 = tpu.memref_slice %arg8[%dma_start3A_251, %dma_start3A_252, %dma_start3A_253, %dma_start3A_254] : memref<2x9x2x80xi32, #tpu.memory_space<vmem>> -> memref<1x1x1x80xi32, #tpu.memory_space<vmem>>
        %dma_start3A_256 = tpu.memref_squeeze %dma_start3A_255 : memref<1x1x1x80xi32, #tpu.memory_space<vmem>> -> memref<80xi32, #tpu.memory_space<vmem>>
        %dma_start3A_257 = arith.constant 0 : i32
        %dma_start3A_258 = arith.constant 0 : i32
        %dma_start3A_259 = tpu.memref_slice %arg13[%dma_start3A_257, %dma_start3A_258] : memref<10000x128xf32, #tpu.memory_space<vmem_shared>> -> memref<10000x128xf32, #tpu.memory_space<vmem_shared>>
        tpu.enqueue_indirect_dma source(%arg9 : memref<80x128xf32, #tpu.memory_space<vmem>>) target(%dma_start3A_259 : memref<10000x128xf32, #tpu.memory_space<vmem_shared>>) offsets(%dma_start3A_256 : memref<80xi32, #tpu.memory_space<vmem>>) semaphore(%arg18 : memref<!tpu.dma_semaphore, #tpu.memory_space<semaphore_mem>>) {add = true}
        %dma_start3A_260 = arith.constant 1 : i32
        %dma_start3A_261 = arith.constant 3 : i32
        %dma_start3A_262 = arith.constant 1 : i32
        %dma_start3A_263 = arith.constant 0 : i32
        %dma_start3A_264 = tpu.memref_slice %arg8[%dma_start3A_260, %dma_start3A_261, %dma_start3A_262, %dma_start3A_263] : memref<2x9x2x80xi32, #tpu.memory_space<vmem>> -> memref<1x1x1x80xi32, #tpu.memory_space<vmem>>
        %dma_start3A_265 = tpu.memref_squeeze %dma_start3A_264 : memref<1x1x1x80xi32, #tpu.memory_space<vmem>> -> memref<80xi32, #tpu.memory_space<vmem>>
        %dma_start3A_266 = arith.constant 0 : i32
        %dma_start3A_267 = arith.constant 0 : i32
        %dma_start3A_268 = tpu.memref_slice %arg14[%dma_start3A_266, %dma_start3A_267] : memref<10000x16xf32, #tpu.memory_space<vmem_shared>> -> memref<10000x16xf32, #tpu.memory_space<vmem_shared>>
        tpu.enqueue_indirect_dma source(%arg12 : memref<80x16xf32, #tpu.memory_space<vmem>>) target(%dma_start3A_268 : memref<10000x16xf32, #tpu.memory_space<vmem_shared>>) offsets(%dma_start3A_265 : memref<80xi32, #tpu.memory_space<vmem>>) semaphore(%arg21 : memref<!tpu.dma_semaphore, #tpu.memory_space<semaphore_mem>>) {add = true}
        %add3A_269 = arith.constant 2 : i32
        %add3A_270 = arith.addi %add3A_193, %add3A_269 : i32
        %lt3A_271 = arith.constant 125 : i32
        %lt3A_272 = arith.cmpi slt, %add3A_270, %lt3A_271 : i32
        %convert_element_type3A_273 = arith.extui %lt3A_272 : i1 to i32
        %cond3A_274 = arith.constant 0 : i32
        %cond3A_275 = arith.cmpi ne, %convert_element_type3A_273, %cond3A_274 : i32
        scf.if %cond3A_275 {
          %ge3A = arith.constant 3 : i32
          %ge3A_276 = arith.cmpi sge, %add3A_270, %ge3A : i32
          %convert_element_type3A_277 = arith.extui %ge3A_276 : i1 to i32
          %cond3A_278 = arith.constant 0 : i32
          %cond3A_279 = arith.cmpi ne, %convert_element_type3A_277, %cond3A_278 : i32
          scf.if %cond3A_279 {
            %dma_wait3A_289 = arith.constant 0 : i32
            %dma_wait3A_290 = arith.constant 0 : i32
            %dma_wait3A_291 = tpu.memref_slice %arg4[%dma_wait3A_289, %dma_wait3A_290] : memref<10000x128xf32, #tpu.memory_space<hbm>> -> memref<80x128xf32, #tpu.memory_space<hbm>>
            %dma_wait3A_292 = arith.constant 0 : i32
            %dma_wait3A_293 = arith.constant 0 : i32
            %dma_wait3A_294 = tpu.memref_slice %arg4[%dma_wait3A_292, %dma_wait3A_293] : memref<10000x128xf32, #tpu.memory_space<hbm>> -> memref<80x128xf32, #tpu.memory_space<hbm>>
            tpu.wait_dma2 semaphore(%arg20 : memref<!tpu.dma_semaphore, #tpu.memory_space<semaphore_mem>>) src(%dma_wait3A_294 : memref<80x128xf32, #tpu.memory_space<hbm>>) dst(%arg11 : memref<80x128xf32, #tpu.memory_space<vmem>>)
            %dma_wait3A_295 = arith.constant 0 : i32
            %dma_wait3A_296 = arith.constant 0 : i32
            %dma_wait3A_297 = tpu.memref_slice %arg5[%dma_wait3A_295, %dma_wait3A_296] : memref<10000x16xf32, #tpu.memory_space<hbm>> -> memref<80x16xf32, #tpu.memory_space<hbm>>
            %dma_wait3A_298 = arith.constant 0 : i32
            %dma_wait3A_299 = arith.constant 0 : i32
            %dma_wait3A_300 = tpu.memref_slice %arg5[%dma_wait3A_298, %dma_wait3A_299] : memref<10000x16xf32, #tpu.memory_space<hbm>> -> memref<80x16xf32, #tpu.memory_space<hbm>>
            tpu.wait_dma2 semaphore(%arg23 : memref<!tpu.dma_semaphore, #tpu.memory_space<semaphore_mem>>) src(%dma_wait3A_300 : memref<80x16xf32, #tpu.memory_space<hbm>>) dst(%arg12 : memref<80x16xf32, #tpu.memory_space<vmem>>)
          } else {
          }
          %dma_start3A_280 = arith.constant 1 : i32
          %dma_start3A_281 = arith.constant 5 : i32
          %dma_start3A_282 = arith.constant 0 : i32
          %dma_start3A_283 = arith.constant 0 : i32
          %dma_start3A_284 = tpu.memref_slice %arg8[%dma_start3A_280, %dma_start3A_281, %dma_start3A_282, %dma_start3A_283] : memref<2x9x2x80xi32, #tpu.memory_space<vmem>> -> memref<1x1x1x80xi32, #tpu.memory_space<vmem>>
          %dma_start3A_285 = tpu.memref_squeeze %dma_start3A_284 : memref<1x1x1x80xi32, #tpu.memory_space<vmem>> -> memref<80xi32, #tpu.memory_space<vmem>>
          %dma_start3A_286 = arith.constant 0 : i32
          %dma_start3A_287 = arith.constant 0 : i32
          %dma_start3A_288 = tpu.memref_slice %arg2[%dma_start3A_286, %dma_start3A_287] : memref<10000x128xf32, #tpu.memory_space<hbm>> -> memref<10000x128xf32, #tpu.memory_space<hbm>>
          tpu.enqueue_indirect_dma source(%dma_start3A_288 : memref<10000x128xf32, #tpu.memory_space<hbm>>) target(%arg11 : memref<80x128xf32, #tpu.memory_space<vmem>>) offsets(%dma_start3A_285 : memref<80xi32, #tpu.memory_space<vmem>>) semaphore(%arg17 : memref<!tpu.dma_semaphore, #tpu.memory_space<semaphore_mem>>)
        } else {
        }
      } else {
      }
      %add3A_199 = arith.constant 13 : i32
      %add3A_200 = arith.addi %mul3A_77, %add3A_199 : i32
      %lt3A_201 = arith.constant 125 : i32
      %lt3A_202 = arith.cmpi slt, %add3A_200, %lt3A_201 : i32
      %convert_element_type3A_203 = arith.extui %lt3A_202 : i1 to i32
      %cond3A_204 = arith.constant 0 : i32
      %cond3A_205 = arith.cmpi ne, %convert_element_type3A_203, %cond3A_204 : i32
      scf.if %cond3A_205 {
        %dma_wait3A_245 = arith.constant 0 : i32
        %dma_wait3A_246 = arith.constant 0 : i32
        %dma_wait3A_247 = tpu.memref_slice %arg2[%dma_wait3A_245, %dma_wait3A_246] : memref<10000x128xf32, #tpu.memory_space<hbm>> -> memref<80x128xf32, #tpu.memory_space<hbm>>
        %dma_wait3A_248 = arith.constant 0 : i32
        %dma_wait3A_249 = arith.constant 0 : i32
        %dma_wait3A_250 = tpu.memref_slice %arg2[%dma_wait3A_248, %dma_wait3A_249] : memref<10000x128xf32, #tpu.memory_space<hbm>> -> memref<80x128xf32, #tpu.memory_space<hbm>>
        tpu.wait_dma2 semaphore(%arg16 : memref<!tpu.dma_semaphore, #tpu.memory_space<semaphore_mem>>) src(%dma_wait3A_250 : memref<80x128xf32, #tpu.memory_space<hbm>>) dst(%arg10 : memref<80x128xf32, #tpu.memory_space<vmem>>)
        %dma_start3A_251 = arith.constant 1 : i32
        %dma_start3A_252 = arith.constant 4 : i32
        %dma_start3A_253 = arith.constant 1 : i32
        %dma_start3A_254 = arith.constant 0 : i32
        %dma_start3A_255 = tpu.memref_slice %arg8[%dma_start3A_251, %dma_start3A_252, %dma_start3A_253, %dma_start3A_254] : memref<2x9x2x80xi32, #tpu.memory_space<vmem>> -> memref<1x1x1x80xi32, #tpu.memory_space<vmem>>
        %dma_start3A_256 = tpu.memref_squeeze %dma_start3A_255 : memref<1x1x1x80xi32, #tpu.memory_space<vmem>> -> memref<80xi32, #tpu.memory_space<vmem>>
        %dma_start3A_257 = arith.constant 0 : i32
        %dma_start3A_258 = arith.constant 0 : i32
        %dma_start3A_259 = tpu.memref_slice %arg13[%dma_start3A_257, %dma_start3A_258] : memref<10000x128xf32, #tpu.memory_space<vmem_shared>> -> memref<10000x128xf32, #tpu.memory_space<vmem_shared>>
        tpu.enqueue_indirect_dma source(%arg10 : memref<80x128xf32, #tpu.memory_space<vmem>>) target(%dma_start3A_259 : memref<10000x128xf32, #tpu.memory_space<vmem_shared>>) offsets(%dma_start3A_256 : memref<80xi32, #tpu.memory_space<vmem>>) semaphore(%arg19 : memref<!tpu.dma_semaphore, #tpu.memory_space<semaphore_mem>>) {add = true}
        %dma_start3A_260 = arith.constant 1 : i32
        %dma_start3A_261 = arith.constant 4 : i32
        %dma_start3A_262 = arith.constant 1 : i32
        %dma_start3A_263 = arith.constant 0 : i32
        %dma_start3A_264 = tpu.memref_slice %arg8[%dma_start3A_260, %dma_start3A_261, %dma_start3A_262, %dma_start3A_263] : memref<2x9x2x80xi32, #tpu.memory_space<vmem>> -> memref<1x1x1x80xi32, #tpu.memory_space<vmem>>
        %dma_start3A_265 = tpu.memref_squeeze %dma_start3A_264 : memref<1x1x1x80xi32, #tpu.memory_space<vmem>> -> memref<80xi32, #tpu.memory_space<vmem>>
        %dma_start3A_266 = arith.constant 0 : i32
        %dma_start3A_267 = arith.constant 0 : i32
        %dma_start3A_268 = tpu.memref_slice %arg14[%dma_start3A_266, %dma_start3A_267] : memref<10000x16xf32, #tpu.memory_space<vmem_shared>> -> memref<10000x16xf32, #tpu.memory_space<vmem_shared>>
        tpu.enqueue_indirect_dma source(%arg12 : memref<80x16xf32, #tpu.memory_space<vmem>>) target(%dma_start3A_268 : memref<10000x16xf32, #tpu.memory_space<vmem_shared>>) offsets(%dma_start3A_265 : memref<80xi32, #tpu.memory_space<vmem>>) semaphore(%arg22 : memref<!tpu.dma_semaphore, #tpu.memory_space<semaphore_mem>>) {add = true}
        %add3A_269 = arith.constant 2 : i32
        %add3A_270 = arith.addi %add3A_200, %add3A_269 : i32
        %lt3A_271 = arith.constant 125 : i32
        %lt3A_272 = arith.cmpi slt, %add3A_270, %lt3A_271 : i32
        %convert_element_type3A_273 = arith.extui %lt3A_272 : i1 to i32
        %cond3A_274 = arith.constant 0 : i32
        %cond3A_275 = arith.cmpi ne, %convert_element_type3A_273, %cond3A_274 : i32
        scf.if %cond3A_275 {
          %ge3A = arith.constant 3 : i32
          %ge3A_276 = arith.cmpi sge, %add3A_270, %ge3A : i32
          %convert_element_type3A_277 = arith.extui %ge3A_276 : i1 to i32
          %cond3A_278 = arith.constant 0 : i32
          %cond3A_279 = arith.cmpi ne, %convert_element_type3A_277, %cond3A_278 : i32
          scf.if %cond3A_279 {
            %dma_wait3A_289 = arith.constant 0 : i32
            %dma_wait3A_290 = arith.constant 0 : i32
            %dma_wait3A_291 = tpu.memref_slice %arg4[%dma_wait3A_289, %dma_wait3A_290] : memref<10000x128xf32, #tpu.memory_space<hbm>> -> memref<80x128xf32, #tpu.memory_space<hbm>>
            %dma_wait3A_292 = arith.constant 0 : i32
            %dma_wait3A_293 = arith.constant 0 : i32
            %dma_wait3A_294 = tpu.memref_slice %arg4[%dma_wait3A_292, %dma_wait3A_293] : memref<10000x128xf32, #tpu.memory_space<hbm>> -> memref<80x128xf32, #tpu.memory_space<hbm>>
            tpu.wait_dma2 semaphore(%arg18 : memref<!tpu.dma_semaphore, #tpu.memory_space<semaphore_mem>>) src(%dma_wait3A_294 : memref<80x128xf32, #tpu.memory_space<hbm>>) dst(%arg9 : memref<80x128xf32, #tpu.memory_space<vmem>>)
            %dma_wait3A_295 = arith.constant 0 : i32
            %dma_wait3A_296 = arith.constant 0 : i32
            %dma_wait3A_297 = tpu.memref_slice %arg5[%dma_wait3A_295, %dma_wait3A_296] : memref<10000x16xf32, #tpu.memory_space<hbm>> -> memref<80x16xf32, #tpu.memory_space<hbm>>
            %dma_wait3A_298 = arith.constant 0 : i32
            %dma_wait3A_299 = arith.constant 0 : i32
            %dma_wait3A_300 = tpu.memref_slice %arg5[%dma_wait3A_298, %dma_wait3A_299] : memref<10000x16xf32, #tpu.memory_space<hbm>> -> memref<80x16xf32, #tpu.memory_space<hbm>>
            tpu.wait_dma2 semaphore(%arg21 : memref<!tpu.dma_semaphore, #tpu.memory_space<semaphore_mem>>) src(%dma_wait3A_300 : memref<80x16xf32, #tpu.memory_space<hbm>>) dst(%arg12 : memref<80x16xf32, #tpu.memory_space<vmem>>)
          } else {
          }
          %dma_start3A_280 = arith.constant 1 : i32
          %dma_start3A_281 = arith.constant 6 : i32
          %dma_start3A_282 = arith.constant 0 : i32
          %dma_start3A_283 = arith.constant 0 : i32
          %dma_start3A_284 = tpu.memref_slice %arg8[%dma_start3A_280, %dma_start3A_281, %dma_start3A_282, %dma_start3A_283] : memref<2x9x2x80xi32, #tpu.memory_space<vmem>> -> memref<1x1x1x80xi32, #tpu.memory_space<vmem>>
          %dma_start3A_285 = tpu.memref_squeeze %dma_start3A_284 : memref<1x1x1x80xi32, #tpu.memory_space<vmem>> -> memref<80xi32, #tpu.memory_space<vmem>>
          %dma_start3A_286 = arith.constant 0 : i32
          %dma_start3A_287 = arith.constant 0 : i32
          %dma_start3A_288 = tpu.memref_slice %arg2[%dma_start3A_286, %dma_start3A_287] : memref<10000x128xf32, #tpu.memory_space<hbm>> -> memref<10000x128xf32, #tpu.memory_space<hbm>>
          tpu.enqueue_indirect_dma source(%dma_start3A_288 : memref<10000x128xf32, #tpu.memory_space<hbm>>) target(%arg9 : memref<80x128xf32, #tpu.memory_space<vmem>>) offsets(%dma_start3A_285 : memref<80xi32, #tpu.memory_space<vmem>>) semaphore(%arg15 : memref<!tpu.dma_semaphore, #tpu.memory_space<semaphore_mem>>)
        } else {
        }
      } else {
      }
      %add3A_206 = arith.constant 14 : i32
      %add3A_207 = arith.addi %mul3A_77, %add3A_206 : i32
      %lt3A_208 = arith.constant 125 : i32
      %lt3A_209 = arith.cmpi slt, %add3A_207, %lt3A_208 : i32
      %convert_element_type3A_210 = arith.extui %lt3A_209 : i1 to i32
      %cond3A_211 = arith.constant 0 : i32
      %cond3A_212 = arith.cmpi ne, %convert_element_type3A_210, %cond3A_211 : i32
      scf.if %cond3A_212 {
        %dma_wait3A_245 = arith.constant 0 : i32
        %dma_wait3A_246 = arith.constant 0 : i32
        %dma_wait3A_247 = tpu.memref_slice %arg2[%dma_wait3A_245, %dma_wait3A_246] : memref<10000x128xf32, #tpu.memory_space<hbm>> -> memref<80x128xf32, #tpu.memory_space<hbm>>
        %dma_wait3A_248 = arith.constant 0 : i32
        %dma_wait3A_249 = arith.constant 0 : i32
        %dma_wait3A_250 = tpu.memref_slice %arg2[%dma_wait3A_248, %dma_wait3A_249] : memref<10000x128xf32, #tpu.memory_space<hbm>> -> memref<80x128xf32, #tpu.memory_space<hbm>>
        tpu.wait_dma2 semaphore(%arg17 : memref<!tpu.dma_semaphore, #tpu.memory_space<semaphore_mem>>) src(%dma_wait3A_250 : memref<80x128xf32, #tpu.memory_space<hbm>>) dst(%arg11 : memref<80x128xf32, #tpu.memory_space<vmem>>)
        %dma_start3A_251 = arith.constant 1 : i32
        %dma_start3A_252 = arith.constant 5 : i32
        %dma_start3A_253 = arith.constant 1 : i32
        %dma_start3A_254 = arith.constant 0 : i32
        %dma_start3A_255 = tpu.memref_slice %arg8[%dma_start3A_251, %dma_start3A_252, %dma_start3A_253, %dma_start3A_254] : memref<2x9x2x80xi32, #tpu.memory_space<vmem>> -> memref<1x1x1x80xi32, #tpu.memory_space<vmem>>
        %dma_start3A_256 = tpu.memref_squeeze %dma_start3A_255 : memref<1x1x1x80xi32, #tpu.memory_space<vmem>> -> memref<80xi32, #tpu.memory_space<vmem>>
        %dma_start3A_257 = arith.constant 0 : i32
        %dma_start3A_258 = arith.constant 0 : i32
        %dma_start3A_259 = tpu.memref_slice %arg13[%dma_start3A_257, %dma_start3A_258] : memref<10000x128xf32, #tpu.memory_space<vmem_shared>> -> memref<10000x128xf32, #tpu.memory_space<vmem_shared>>
        tpu.enqueue_indirect_dma source(%arg11 : memref<80x128xf32, #tpu.memory_space<vmem>>) target(%dma_start3A_259 : memref<10000x128xf32, #tpu.memory_space<vmem_shared>>) offsets(%dma_start3A_256 : memref<80xi32, #tpu.memory_space<vmem>>) semaphore(%arg20 : memref<!tpu.dma_semaphore, #tpu.memory_space<semaphore_mem>>) {add = true}
        %dma_start3A_260 = arith.constant 1 : i32
        %dma_start3A_261 = arith.constant 5 : i32
        %dma_start3A_262 = arith.constant 1 : i32
        %dma_start3A_263 = arith.constant 0 : i32
        %dma_start3A_264 = tpu.memref_slice %arg8[%dma_start3A_260, %dma_start3A_261, %dma_start3A_262, %dma_start3A_263] : memref<2x9x2x80xi32, #tpu.memory_space<vmem>> -> memref<1x1x1x80xi32, #tpu.memory_space<vmem>>
        %dma_start3A_265 = tpu.memref_squeeze %dma_start3A_264 : memref<1x1x1x80xi32, #tpu.memory_space<vmem>> -> memref<80xi32, #tpu.memory_space<vmem>>
        %dma_start3A_266 = arith.constant 0 : i32
        %dma_start3A_267 = arith.constant 0 : i32
        %dma_start3A_268 = tpu.memref_slice %arg14[%dma_start3A_266, %dma_start3A_267] : memref<10000x16xf32, #tpu.memory_space<vmem_shared>> -> memref<10000x16xf32, #tpu.memory_space<vmem_shared>>
        tpu.enqueue_indirect_dma source(%arg12 : memref<80x16xf32, #tpu.memory_space<vmem>>) target(%dma_start3A_268 : memref<10000x16xf32, #tpu.memory_space<vmem_shared>>) offsets(%dma_start3A_265 : memref<80xi32, #tpu.memory_space<vmem>>) semaphore(%arg23 : memref<!tpu.dma_semaphore, #tpu.memory_space<semaphore_mem>>) {add = true}
        %add3A_269 = arith.constant 2 : i32
        %add3A_270 = arith.addi %add3A_207, %add3A_269 : i32
        %lt3A_271 = arith.constant 125 : i32
        %lt3A_272 = arith.cmpi slt, %add3A_270, %lt3A_271 : i32
        %convert_element_type3A_273 = arith.extui %lt3A_272 : i1 to i32
        %cond3A_274 = arith.constant 0 : i32
        %cond3A_275 = arith.cmpi ne, %convert_element_type3A_273, %cond3A_274 : i32
        scf.if %cond3A_275 {
          %ge3A = arith.constant 3 : i32
          %ge3A_276 = arith.cmpi sge, %add3A_270, %ge3A : i32
          %convert_element_type3A_277 = arith.extui %ge3A_276 : i1 to i32
          %cond3A_278 = arith.constant 0 : i32
          %cond3A_279 = arith.cmpi ne, %convert_element_type3A_277, %cond3A_278 : i32
          scf.if %cond3A_279 {
            %dma_wait3A_289 = arith.constant 0 : i32
            %dma_wait3A_290 = arith.constant 0 : i32
            %dma_wait3A_291 = tpu.memref_slice %arg4[%dma_wait3A_289, %dma_wait3A_290] : memref<10000x128xf32, #tpu.memory_space<hbm>> -> memref<80x128xf32, #tpu.memory_space<hbm>>
            %dma_wait3A_292 = arith.constant 0 : i32
            %dma_wait3A_293 = arith.constant 0 : i32
            %dma_wait3A_294 = tpu.memref_slice %arg4[%dma_wait3A_292, %dma_wait3A_293] : memref<10000x128xf32, #tpu.memory_space<hbm>> -> memref<80x128xf32, #tpu.memory_space<hbm>>
            tpu.wait_dma2 semaphore(%arg19 : memref<!tpu.dma_semaphore, #tpu.memory_space<semaphore_mem>>) src(%dma_wait3A_294 : memref<80x128xf32, #tpu.memory_space<hbm>>) dst(%arg10 : memref<80x128xf32, #tpu.memory_space<vmem>>)
            %dma_wait3A_295 = arith.constant 0 : i32
            %dma_wait3A_296 = arith.constant 0 : i32
            %dma_wait3A_297 = tpu.memref_slice %arg5[%dma_wait3A_295, %dma_wait3A_296] : memref<10000x16xf32, #tpu.memory_space<hbm>> -> memref<80x16xf32, #tpu.memory_space<hbm>>
            %dma_wait3A_298 = arith.constant 0 : i32
            %dma_wait3A_299 = arith.constant 0 : i32
            %dma_wait3A_300 = tpu.memref_slice %arg5[%dma_wait3A_298, %dma_wait3A_299] : memref<10000x16xf32, #tpu.memory_space<hbm>> -> memref<80x16xf32, #tpu.memory_space<hbm>>
            tpu.wait_dma2 semaphore(%arg22 : memref<!tpu.dma_semaphore, #tpu.memory_space<semaphore_mem>>) src(%dma_wait3A_300 : memref<80x16xf32, #tpu.memory_space<hbm>>) dst(%arg12 : memref<80x16xf32, #tpu.memory_space<vmem>>)
          } else {
          }
          %dma_start3A_280 = arith.constant 1 : i32
          %dma_start3A_281 = arith.constant 7 : i32
          %dma_start3A_282 = arith.constant 0 : i32
          %dma_start3A_283 = arith.constant 0 : i32
          %dma_start3A_284 = tpu.memref_slice %arg8[%dma_start3A_280, %dma_start3A_281, %dma_start3A_282, %dma_start3A_283] : memref<2x9x2x80xi32, #tpu.memory_space<vmem>> -> memref<1x1x1x80xi32, #tpu.memory_space<vmem>>
          %dma_start3A_285 = tpu.memref_squeeze %dma_start3A_284 : memref<1x1x1x80xi32, #tpu.memory_space<vmem>> -> memref<80xi32, #tpu.memory_space<vmem>>
          %dma_start3A_286 = arith.constant 0 : i32
          %dma_start3A_287 = arith.constant 0 : i32
          %dma_start3A_288 = tpu.memref_slice %arg2[%dma_start3A_286, %dma_start3A_287] : memref<10000x128xf32, #tpu.memory_space<hbm>> -> memref<10000x128xf32, #tpu.memory_space<hbm>>
          tpu.enqueue_indirect_dma source(%dma_start3A_288 : memref<10000x128xf32, #tpu.memory_space<hbm>>) target(%arg10 : memref<80x128xf32, #tpu.memory_space<vmem>>) offsets(%dma_start3A_285 : memref<80xi32, #tpu.memory_space<vmem>>) semaphore(%arg16 : memref<!tpu.dma_semaphore, #tpu.memory_space<semaphore_mem>>)
        } else {
        }
      } else {
      }
      %add3A_213 = arith.constant 15 : i32
      %add3A_214 = arith.addi %mul3A_77, %add3A_213 : i32
      %lt3A_215 = arith.constant 125 : i32
      %lt3A_216 = arith.cmpi slt, %add3A_214, %lt3A_215 : i32
      %convert_element_type3A_217 = arith.extui %lt3A_216 : i1 to i32
      %cond3A_218 = arith.constant 0 : i32
      %cond3A_219 = arith.cmpi ne, %convert_element_type3A_217, %cond3A_218 : i32
      scf.if %cond3A_219 {
        %dma_wait3A_245 = arith.constant 0 : i32
        %dma_wait3A_246 = arith.constant 0 : i32
        %dma_wait3A_247 = tpu.memref_slice %arg2[%dma_wait3A_245, %dma_wait3A_246] : memref<10000x128xf32, #tpu.memory_space<hbm>> -> memref<80x128xf32, #tpu.memory_space<hbm>>
        %dma_wait3A_248 = arith.constant 0 : i32
        %dma_wait3A_249 = arith.constant 0 : i32
        %dma_wait3A_250 = tpu.memref_slice %arg2[%dma_wait3A_248, %dma_wait3A_249] : memref<10000x128xf32, #tpu.memory_space<hbm>> -> memref<80x128xf32, #tpu.memory_space<hbm>>
        tpu.wait_dma2 semaphore(%arg15 : memref<!tpu.dma_semaphore, #tpu.memory_space<semaphore_mem>>) src(%dma_wait3A_250 : memref<80x128xf32, #tpu.memory_space<hbm>>) dst(%arg9 : memref<80x128xf32, #tpu.memory_space<vmem>>)
        %dma_start3A_251 = arith.constant 1 : i32
        %dma_start3A_252 = arith.constant 6 : i32
        %dma_start3A_253 = arith.constant 1 : i32
        %dma_start3A_254 = arith.constant 0 : i32
        %dma_start3A_255 = tpu.memref_slice %arg8[%dma_start3A_251, %dma_start3A_252, %dma_start3A_253, %dma_start3A_254] : memref<2x9x2x80xi32, #tpu.memory_space<vmem>> -> memref<1x1x1x80xi32, #tpu.memory_space<vmem>>
        %dma_start3A_256 = tpu.memref_squeeze %dma_start3A_255 : memref<1x1x1x80xi32, #tpu.memory_space<vmem>> -> memref<80xi32, #tpu.memory_space<vmem>>
        %dma_start3A_257 = arith.constant 0 : i32
        %dma_start3A_258 = arith.constant 0 : i32
        %dma_start3A_259 = tpu.memref_slice %arg13[%dma_start3A_257, %dma_start3A_258] : memref<10000x128xf32, #tpu.memory_space<vmem_shared>> -> memref<10000x128xf32, #tpu.memory_space<vmem_shared>>
        tpu.enqueue_indirect_dma source(%arg9 : memref<80x128xf32, #tpu.memory_space<vmem>>) target(%dma_start3A_259 : memref<10000x128xf32, #tpu.memory_space<vmem_shared>>) offsets(%dma_start3A_256 : memref<80xi32, #tpu.memory_space<vmem>>) semaphore(%arg18 : memref<!tpu.dma_semaphore, #tpu.memory_space<semaphore_mem>>) {add = true}
        %dma_start3A_260 = arith.constant 1 : i32
        %dma_start3A_261 = arith.constant 6 : i32
        %dma_start3A_262 = arith.constant 1 : i32
        %dma_start3A_263 = arith.constant 0 : i32
        %dma_start3A_264 = tpu.memref_slice %arg8[%dma_start3A_260, %dma_start3A_261, %dma_start3A_262, %dma_start3A_263] : memref<2x9x2x80xi32, #tpu.memory_space<vmem>> -> memref<1x1x1x80xi32, #tpu.memory_space<vmem>>
        %dma_start3A_265 = tpu.memref_squeeze %dma_start3A_264 : memref<1x1x1x80xi32, #tpu.memory_space<vmem>> -> memref<80xi32, #tpu.memory_space<vmem>>
        %dma_start3A_266 = arith.constant 0 : i32
        %dma_start3A_267 = arith.constant 0 : i32
        %dma_start3A_268 = tpu.memref_slice %arg14[%dma_start3A_266, %dma_start3A_267] : memref<10000x16xf32, #tpu.memory_space<vmem_shared>> -> memref<10000x16xf32, #tpu.memory_space<vmem_shared>>
        tpu.enqueue_indirect_dma source(%arg12 : memref<80x16xf32, #tpu.memory_space<vmem>>) target(%dma_start3A_268 : memref<10000x16xf32, #tpu.memory_space<vmem_shared>>) offsets(%dma_start3A_265 : memref<80xi32, #tpu.memory_space<vmem>>) semaphore(%arg21 : memref<!tpu.dma_semaphore, #tpu.memory_space<semaphore_mem>>) {add = true}
        %add3A_269 = arith.constant 2 : i32
        %add3A_270 = arith.addi %add3A_214, %add3A_269 : i32
        %lt3A_271 = arith.constant 125 : i32
        %lt3A_272 = arith.cmpi slt, %add3A_270, %lt3A_271 : i32
        %convert_element_type3A_273 = arith.extui %lt3A_272 : i1 to i32
        %cond3A_274 = arith.constant 0 : i32
        %cond3A_275 = arith.cmpi ne, %convert_element_type3A_273, %cond3A_274 : i32
        scf.if %cond3A_275 {
          %ge3A = arith.constant 3 : i32
          %ge3A_276 = arith.cmpi sge, %add3A_270, %ge3A : i32
          %convert_element_type3A_277 = arith.extui %ge3A_276 : i1 to i32
          %cond3A_278 = arith.constant 0 : i32
          %cond3A_279 = arith.cmpi ne, %convert_element_type3A_277, %cond3A_278 : i32
          scf.if %cond3A_279 {
            %dma_wait3A_289 = arith.constant 0 : i32
            %dma_wait3A_290 = arith.constant 0 : i32
            %dma_wait3A_291 = tpu.memref_slice %arg4[%dma_wait3A_289, %dma_wait3A_290] : memref<10000x128xf32, #tpu.memory_space<hbm>> -> memref<80x128xf32, #tpu.memory_space<hbm>>
            %dma_wait3A_292 = arith.constant 0 : i32
            %dma_wait3A_293 = arith.constant 0 : i32
            %dma_wait3A_294 = tpu.memref_slice %arg4[%dma_wait3A_292, %dma_wait3A_293] : memref<10000x128xf32, #tpu.memory_space<hbm>> -> memref<80x128xf32, #tpu.memory_space<hbm>>
            tpu.wait_dma2 semaphore(%arg20 : memref<!tpu.dma_semaphore, #tpu.memory_space<semaphore_mem>>) src(%dma_wait3A_294 : memref<80x128xf32, #tpu.memory_space<hbm>>) dst(%arg11 : memref<80x128xf32, #tpu.memory_space<vmem>>)
            %dma_wait3A_295 = arith.constant 0 : i32
            %dma_wait3A_296 = arith.constant 0 : i32
            %dma_wait3A_297 = tpu.memref_slice %arg5[%dma_wait3A_295, %dma_wait3A_296] : memref<10000x16xf32, #tpu.memory_space<hbm>> -> memref<80x16xf32, #tpu.memory_space<hbm>>
            %dma_wait3A_298 = arith.constant 0 : i32
            %dma_wait3A_299 = arith.constant 0 : i32
            %dma_wait3A_300 = tpu.memref_slice %arg5[%dma_wait3A_298, %dma_wait3A_299] : memref<10000x16xf32, #tpu.memory_space<hbm>> -> memref<80x16xf32, #tpu.memory_space<hbm>>
            tpu.wait_dma2 semaphore(%arg23 : memref<!tpu.dma_semaphore, #tpu.memory_space<semaphore_mem>>) src(%dma_wait3A_300 : memref<80x16xf32, #tpu.memory_space<hbm>>) dst(%arg12 : memref<80x16xf32, #tpu.memory_space<vmem>>)
          } else {
          }
          %dma_start3A_280 = arith.constant 1 : i32
          %dma_start3A_281 = arith.constant 8 : i32
          %dma_start3A_282 = arith.constant 0 : i32
          %dma_start3A_283 = arith.constant 0 : i32
          %dma_start3A_284 = tpu.memref_slice %arg8[%dma_start3A_280, %dma_start3A_281, %dma_start3A_282, %dma_start3A_283] : memref<2x9x2x80xi32, #tpu.memory_space<vmem>> -> memref<1x1x1x80xi32, #tpu.memory_space<vmem>>
          %dma_start3A_285 = tpu.memref_squeeze %dma_start3A_284 : memref<1x1x1x80xi32, #tpu.memory_space<vmem>> -> memref<80xi32, #tpu.memory_space<vmem>>
          %dma_start3A_286 = arith.constant 0 : i32
          %dma_start3A_287 = arith.constant 0 : i32
          %dma_start3A_288 = tpu.memref_slice %arg2[%dma_start3A_286, %dma_start3A_287] : memref<10000x128xf32, #tpu.memory_space<hbm>> -> memref<10000x128xf32, #tpu.memory_space<hbm>>
          tpu.enqueue_indirect_dma source(%dma_start3A_288 : memref<10000x128xf32, #tpu.memory_space<hbm>>) target(%arg11 : memref<80x128xf32, #tpu.memory_space<vmem>>) offsets(%dma_start3A_285 : memref<80xi32, #tpu.memory_space<vmem>>) semaphore(%arg17 : memref<!tpu.dma_semaphore, #tpu.memory_space<semaphore_mem>>)
        } else {
        }
      } else {
      }
      %add3A_220 = arith.constant 16 : i32
      %add3A_221 = arith.addi %mul3A_77, %add3A_220 : i32
      %mul3A_222 = arith.constant 2 : i32
      %mul3A_223 = arith.muli %mul3A_222, %scan3A_75 : i32
      %add3A_224 = arith.constant 2 : i32
      %add3A_225 = arith.addi %mul3A_223, %add3A_224 : i32
      %mul3A_226 = arith.constant 9 : i32
      %mul3A_227 = arith.muli %add3A_225, %mul3A_226 : i32
      %lt3A_228 = arith.constant 125 : i32
      %lt3A_229 = arith.cmpi slt, %mul3A_227, %lt3A_228 : i32
      %convert_element_type3A_230 = arith.extui %lt3A_229 : i1 to i32
      %cond3A_231 = arith.constant 0 : i32
      %cond3A_232 = arith.cmpi ne, %convert_element_type3A_230, %cond3A_231 : i32
      scf.if %cond3A_232 {
        %dma_wait3A_245 = arith.constant 0 : i32
        %dma_wait3A_246 = arith.constant 0 : i32
        %dma_wait3A_247 = arith.constant 0 : i32
        %dma_wait3A_248 = arith.constant 0 : i32
        %dma_wait3A_249 = tpu.memref_slice %arg8[%dma_wait3A_245, %dma_wait3A_246, %dma_wait3A_247, %dma_wait3A_248] : memref<2x9x2x80xi32, #tpu.memory_space<vmem>> -> memref<1x9x2x80xi32, #tpu.memory_space<vmem>>
        %dma_wait3A_250 = tpu.memref_squeeze %dma_wait3A_249 : memref<1x9x2x80xi32, #tpu.memory_space<vmem>> -> memref<9x2x80xi32, #tpu.memory_space<vmem>>
        %dma_wait3A_251 = arith.constant 0 : i32
        %dma_wait3A_252 = arith.constant 0 : i32
        %dma_wait3A_253 = arith.constant 0 : i32
        %dma_wait3A_254 = tpu.memref_slice %arg3[%dma_wait3A_251, %dma_wait3A_252, %dma_wait3A_253] : memref<4002x2x80xi32, #tpu.memory_space<hbm>> -> memref<9x2x80xi32, #tpu.memory_space<hbm>>
        %dma_wait3A_255 = arith.constant 0 : i32
        %dma_wait3A_256 = arith.constant 0 : i32
        %dma_wait3A_257 = arith.constant 0 : i32
        %dma_wait3A_258 = tpu.memref_slice %arg8[%dma_wait3A_245, %dma_wait3A_255, %dma_wait3A_256, %dma_wait3A_257] : memref<2x9x2x80xi32, #tpu.memory_space<vmem>> -> memref<1x9x2x80xi32, #tpu.memory_space<vmem>>
        %dma_wait3A_259 = tpu.memref_squeeze %dma_wait3A_258 : memref<1x9x2x80xi32, #tpu.memory_space<vmem>> -> memref<9x2x80xi32, #tpu.memory_space<vmem>>
        %dma_wait3A_260 = arith.constant 0 : i32
        %dma_wait3A_261 = arith.constant 0 : i32
        %dma_wait3A_262 = arith.constant 0 : i32
        %dma_wait3A_263 = tpu.memref_slice %arg3[%dma_wait3A_260, %dma_wait3A_261, %dma_wait3A_262] : memref<4002x2x80xi32, #tpu.memory_space<hbm>> -> memref<9x2x80xi32, #tpu.memory_space<hbm>>
        tpu.wait_dma2 semaphore(%arg24 : memref<!tpu.dma_semaphore, #tpu.memory_space<semaphore_mem>>) src(%dma_wait3A_263 : memref<9x2x80xi32, #tpu.memory_space<hbm>>) dst(%dma_wait3A_259 : memref<9x2x80xi32, #tpu.memory_space<vmem>>)
      } else {
      }
      %lt3A_233 = arith.constant 125 : i32
      %lt3A_234 = arith.cmpi slt, %add3A_221, %lt3A_233 : i32
      %convert_element_type3A_235 = arith.extui %lt3A_234 : i1 to i32
      %cond3A_236 = arith.constant 0 : i32
      %cond3A_237 = arith.cmpi ne, %convert_element_type3A_235, %cond3A_236 : i32
      scf.if %cond3A_237 {
        %dma_wait3A_245 = arith.constant 0 : i32
        %dma_wait3A_246 = arith.constant 0 : i32
        %dma_wait3A_247 = tpu.memref_slice %arg2[%dma_wait3A_245, %dma_wait3A_246] : memref<10000x128xf32, #tpu.memory_space<hbm>> -> memref<80x128xf32, #tpu.memory_space<hbm>>
        %dma_wait3A_248 = arith.constant 0 : i32
        %dma_wait3A_249 = arith.constant 0 : i32
        %dma_wait3A_250 = tpu.memref_slice %arg2[%dma_wait3A_248, %dma_wait3A_249] : memref<10000x128xf32, #tpu.memory_space<hbm>> -> memref<80x128xf32, #tpu.memory_space<hbm>>
        tpu.wait_dma2 semaphore(%arg16 : memref<!tpu.dma_semaphore, #tpu.memory_space<semaphore_mem>>) src(%dma_wait3A_250 : memref<80x128xf32, #tpu.memory_space<hbm>>) dst(%arg10 : memref<80x128xf32, #tpu.memory_space<vmem>>)
        %dma_start3A_251 = arith.constant 1 : i32
        %dma_start3A_252 = arith.constant 7 : i32
        %dma_start3A_253 = arith.constant 1 : i32
        %dma_start3A_254 = arith.constant 0 : i32
        %dma_start3A_255 = tpu.memref_slice %arg8[%dma_start3A_251, %dma_start3A_252, %dma_start3A_253, %dma_start3A_254] : memref<2x9x2x80xi32, #tpu.memory_space<vmem>> -> memref<1x1x1x80xi32, #tpu.memory_space<vmem>>
        %dma_start3A_256 = tpu.memref_squeeze %dma_start3A_255 : memref<1x1x1x80xi32, #tpu.memory_space<vmem>> -> memref<80xi32, #tpu.memory_space<vmem>>
        %dma_start3A_257 = arith.constant 0 : i32
        %dma_start3A_258 = arith.constant 0 : i32
        %dma_start3A_259 = tpu.memref_slice %arg13[%dma_start3A_257, %dma_start3A_258] : memref<10000x128xf32, #tpu.memory_space<vmem_shared>> -> memref<10000x128xf32, #tpu.memory_space<vmem_shared>>
        tpu.enqueue_indirect_dma source(%arg10 : memref<80x128xf32, #tpu.memory_space<vmem>>) target(%dma_start3A_259 : memref<10000x128xf32, #tpu.memory_space<vmem_shared>>) offsets(%dma_start3A_256 : memref<80xi32, #tpu.memory_space<vmem>>) semaphore(%arg19 : memref<!tpu.dma_semaphore, #tpu.memory_space<semaphore_mem>>) {add = true}
        %dma_start3A_260 = arith.constant 1 : i32
        %dma_start3A_261 = arith.constant 7 : i32
        %dma_start3A_262 = arith.constant 1 : i32
        %dma_start3A_263 = arith.constant 0 : i32
        %dma_start3A_264 = tpu.memref_slice %arg8[%dma_start3A_260, %dma_start3A_261, %dma_start3A_262, %dma_start3A_263] : memref<2x9x2x80xi32, #tpu.memory_space<vmem>> -> memref<1x1x1x80xi32, #tpu.memory_space<vmem>>
        %dma_start3A_265 = tpu.memref_squeeze %dma_start3A_264 : memref<1x1x1x80xi32, #tpu.memory_space<vmem>> -> memref<80xi32, #tpu.memory_space<vmem>>
        %dma_start3A_266 = arith.constant 0 : i32
        %dma_start3A_267 = arith.constant 0 : i32
        %dma_start3A_268 = tpu.memref_slice %arg14[%dma_start3A_266, %dma_start3A_267] : memref<10000x16xf32, #tpu.memory_space<vmem_shared>> -> memref<10000x16xf32, #tpu.memory_space<vmem_shared>>
        tpu.enqueue_indirect_dma source(%arg12 : memref<80x16xf32, #tpu.memory_space<vmem>>) target(%dma_start3A_268 : memref<10000x16xf32, #tpu.memory_space<vmem_shared>>) offsets(%dma_start3A_265 : memref<80xi32, #tpu.memory_space<vmem>>) semaphore(%arg22 : memref<!tpu.dma_semaphore, #tpu.memory_space<semaphore_mem>>) {add = true}
        %add3A_269 = arith.constant 2 : i32
        %add3A_270 = arith.addi %add3A_221, %add3A_269 : i32
        %lt3A_271 = arith.constant 125 : i32
        %lt3A_272 = arith.cmpi slt, %add3A_270, %lt3A_271 : i32
        %convert_element_type3A_273 = arith.extui %lt3A_272 : i1 to i32
        %cond3A_274 = arith.constant 0 : i32
        %cond3A_275 = arith.cmpi ne, %convert_element_type3A_273, %cond3A_274 : i32
        scf.if %cond3A_275 {
          %ge3A = arith.constant 3 : i32
          %ge3A_276 = arith.cmpi sge, %add3A_270, %ge3A : i32
          %convert_element_type3A_277 = arith.extui %ge3A_276 : i1 to i32
          %cond3A_278 = arith.constant 0 : i32
          %cond3A_279 = arith.cmpi ne, %convert_element_type3A_277, %cond3A_278 : i32
          scf.if %cond3A_279 {
            %dma_wait3A_289 = arith.constant 0 : i32
            %dma_wait3A_290 = arith.constant 0 : i32
            %dma_wait3A_291 = tpu.memref_slice %arg4[%dma_wait3A_289, %dma_wait3A_290] : memref<10000x128xf32, #tpu.memory_space<hbm>> -> memref<80x128xf32, #tpu.memory_space<hbm>>
            %dma_wait3A_292 = arith.constant 0 : i32
            %dma_wait3A_293 = arith.constant 0 : i32
            %dma_wait3A_294 = tpu.memref_slice %arg4[%dma_wait3A_292, %dma_wait3A_293] : memref<10000x128xf32, #tpu.memory_space<hbm>> -> memref<80x128xf32, #tpu.memory_space<hbm>>
            tpu.wait_dma2 semaphore(%arg18 : memref<!tpu.dma_semaphore, #tpu.memory_space<semaphore_mem>>) src(%dma_wait3A_294 : memref<80x128xf32, #tpu.memory_space<hbm>>) dst(%arg9 : memref<80x128xf32, #tpu.memory_space<vmem>>)
            %dma_wait3A_295 = arith.constant 0 : i32
            %dma_wait3A_296 = arith.constant 0 : i32
            %dma_wait3A_297 = tpu.memref_slice %arg5[%dma_wait3A_295, %dma_wait3A_296] : memref<10000x16xf32, #tpu.memory_space<hbm>> -> memref<80x16xf32, #tpu.memory_space<hbm>>
            %dma_wait3A_298 = arith.constant 0 : i32
            %dma_wait3A_299 = arith.constant 0 : i32
            %dma_wait3A_300 = tpu.memref_slice %arg5[%dma_wait3A_298, %dma_wait3A_299] : memref<10000x16xf32, #tpu.memory_space<hbm>> -> memref<80x16xf32, #tpu.memory_space<hbm>>
            tpu.wait_dma2 semaphore(%arg21 : memref<!tpu.dma_semaphore, #tpu.memory_space<semaphore_mem>>) src(%dma_wait3A_300 : memref<80x16xf32, #tpu.memory_space<hbm>>) dst(%arg12 : memref<80x16xf32, #tpu.memory_space<vmem>>)
          } else {
          }
          %dma_start3A_280 = arith.constant 0 : i32
          %dma_start3A_281 = arith.constant 0 : i32
          %dma_start3A_282 = arith.constant 0 : i32
          %dma_start3A_283 = arith.constant 0 : i32
          %dma_start3A_284 = tpu.memref_slice %arg8[%dma_start3A_280, %dma_start3A_281, %dma_start3A_282, %dma_start3A_283] : memref<2x9x2x80xi32, #tpu.memory_space<vmem>> -> memref<1x1x1x80xi32, #tpu.memory_space<vmem>>
          %dma_start3A_285 = tpu.memref_squeeze %dma_start3A_284 : memref<1x1x1x80xi32, #tpu.memory_space<vmem>> -> memref<80xi32, #tpu.memory_space<vmem>>
          %dma_start3A_286 = arith.constant 0 : i32
          %dma_start3A_287 = arith.constant 0 : i32
          %dma_start3A_288 = tpu.memref_slice %arg2[%dma_start3A_286, %dma_start3A_287] : memref<10000x128xf32, #tpu.memory_space<hbm>> -> memref<10000x128xf32, #tpu.memory_space<hbm>>
          tpu.enqueue_indirect_dma source(%dma_start3A_288 : memref<10000x128xf32, #tpu.memory_space<hbm>>) target(%arg9 : memref<80x128xf32, #tpu.memory_space<vmem>>) offsets(%dma_start3A_285 : memref<80xi32, #tpu.memory_space<vmem>>) semaphore(%arg15 : memref<!tpu.dma_semaphore, #tpu.memory_space<semaphore_mem>>)
        } else {
        }
      } else {
      }
      %add3A_238 = arith.constant 17 : i32
      %add3A_239 = arith.addi %mul3A_77, %add3A_238 : i32
      %lt3A_240 = arith.constant 125 : i32
      %lt3A_241 = arith.cmpi slt, %add3A_239, %lt3A_240 : i32
      %convert_element_type3A_242 = arith.extui %lt3A_241 : i1 to i32
      %cond3A_243 = arith.constant 0 : i32
      %cond3A_244 = arith.cmpi ne, %convert_element_type3A_242, %cond3A_243 : i32
      scf.if %cond3A_244 {
        %dma_wait3A_245 = arith.constant 0 : i32
        %dma_wait3A_246 = arith.constant 0 : i32
        %dma_wait3A_247 = tpu.memref_slice %arg2[%dma_wait3A_245, %dma_wait3A_246] : memref<10000x128xf32, #tpu.memory_space<hbm>> -> memref<80x128xf32, #tpu.memory_space<hbm>>
        %dma_wait3A_248 = arith.constant 0 : i32
        %dma_wait3A_249 = arith.constant 0 : i32
        %dma_wait3A_250 = tpu.memref_slice %arg2[%dma_wait3A_248, %dma_wait3A_249] : memref<10000x128xf32, #tpu.memory_space<hbm>> -> memref<80x128xf32, #tpu.memory_space<hbm>>
        tpu.wait_dma2 semaphore(%arg17 : memref<!tpu.dma_semaphore, #tpu.memory_space<semaphore_mem>>) src(%dma_wait3A_250 : memref<80x128xf32, #tpu.memory_space<hbm>>) dst(%arg11 : memref<80x128xf32, #tpu.memory_space<vmem>>)
        %dma_start3A_251 = arith.constant 1 : i32
        %dma_start3A_252 = arith.constant 8 : i32
        %dma_start3A_253 = arith.constant 1 : i32
        %dma_start3A_254 = arith.constant 0 : i32
        %dma_start3A_255 = tpu.memref_slice %arg8[%dma_start3A_251, %dma_start3A_252, %dma_start3A_253, %dma_start3A_254] : memref<2x9x2x80xi32, #tpu.memory_space<vmem>> -> memref<1x1x1x80xi32, #tpu.memory_space<vmem>>
        %dma_start3A_256 = tpu.memref_squeeze %dma_start3A_255 : memref<1x1x1x80xi32, #tpu.memory_space<vmem>> -> memref<80xi32, #tpu.memory_space<vmem>>
        %dma_start3A_257 = arith.constant 0 : i32
        %dma_start3A_258 = arith.constant 0 : i32
        %dma_start3A_259 = tpu.memref_slice %arg13[%dma_start3A_257, %dma_start3A_258] : memref<10000x128xf32, #tpu.memory_space<vmem_shared>> -> memref<10000x128xf32, #tpu.memory_space<vmem_shared>>
        tpu.enqueue_indirect_dma source(%arg11 : memref<80x128xf32, #tpu.memory_space<vmem>>) target(%dma_start3A_259 : memref<10000x128xf32, #tpu.memory_space<vmem_shared>>) offsets(%dma_start3A_256 : memref<80xi32, #tpu.memory_space<vmem>>) semaphore(%arg20 : memref<!tpu.dma_semaphore, #tpu.memory_space<semaphore_mem>>) {add = true}
        %dma_start3A_260 = arith.constant 1 : i32
        %dma_start3A_261 = arith.constant 8 : i32
        %dma_start3A_262 = arith.constant 1 : i32
        %dma_start3A_263 = arith.constant 0 : i32
        %dma_start3A_264 = tpu.memref_slice %arg8[%dma_start3A_260, %dma_start3A_261, %dma_start3A_262, %dma_start3A_263] : memref<2x9x2x80xi32, #tpu.memory_space<vmem>> -> memref<1x1x1x80xi32, #tpu.memory_space<vmem>>
        %dma_start3A_265 = tpu.memref_squeeze %dma_start3A_264 : memref<1x1x1x80xi32, #tpu.memory_space<vmem>> -> memref<80xi32, #tpu.memory_space<vmem>>
        %dma_start3A_266 = arith.constant 0 : i32
        %dma_start3A_267 = arith.constant 0 : i32
        %dma_start3A_268 = tpu.memref_slice %arg14[%dma_start3A_266, %dma_start3A_267] : memref<10000x16xf32, #tpu.memory_space<vmem_shared>> -> memref<10000x16xf32, #tpu.memory_space<vmem_shared>>
        tpu.enqueue_indirect_dma source(%arg12 : memref<80x16xf32, #tpu.memory_space<vmem>>) target(%dma_start3A_268 : memref<10000x16xf32, #tpu.memory_space<vmem_shared>>) offsets(%dma_start3A_265 : memref<80xi32, #tpu.memory_space<vmem>>) semaphore(%arg23 : memref<!tpu.dma_semaphore, #tpu.memory_space<semaphore_mem>>) {add = true}
        %add3A_269 = arith.constant 2 : i32
        %add3A_270 = arith.addi %add3A_239, %add3A_269 : i32
        %lt3A_271 = arith.constant 125 : i32
        %lt3A_272 = arith.cmpi slt, %add3A_270, %lt3A_271 : i32
        %convert_element_type3A_273 = arith.extui %lt3A_272 : i1 to i32
        %cond3A_274 = arith.constant 0 : i32
        %cond3A_275 = arith.cmpi ne, %convert_element_type3A_273, %cond3A_274 : i32
        scf.if %cond3A_275 {
          %ge3A = arith.constant 3 : i32
          %ge3A_276 = arith.cmpi sge, %add3A_270, %ge3A : i32
          %convert_element_type3A_277 = arith.extui %ge3A_276 : i1 to i32
          %cond3A_278 = arith.constant 0 : i32
          %cond3A_279 = arith.cmpi ne, %convert_element_type3A_277, %cond3A_278 : i32
          scf.if %cond3A_279 {
            %dma_wait3A_289 = arith.constant 0 : i32
            %dma_wait3A_290 = arith.constant 0 : i32
            %dma_wait3A_291 = tpu.memref_slice %arg4[%dma_wait3A_289, %dma_wait3A_290] : memref<10000x128xf32, #tpu.memory_space<hbm>> -> memref<80x128xf32, #tpu.memory_space<hbm>>
            %dma_wait3A_292 = arith.constant 0 : i32
            %dma_wait3A_293 = arith.constant 0 : i32
            %dma_wait3A_294 = tpu.memref_slice %arg4[%dma_wait3A_292, %dma_wait3A_293] : memref<10000x128xf32, #tpu.memory_space<hbm>> -> memref<80x128xf32, #tpu.memory_space<hbm>>
            tpu.wait_dma2 semaphore(%arg19 : memref<!tpu.dma_semaphore, #tpu.memory_space<semaphore_mem>>) src(%dma_wait3A_294 : memref<80x128xf32, #tpu.memory_space<hbm>>) dst(%arg10 : memref<80x128xf32, #tpu.memory_space<vmem>>)
            %dma_wait3A_295 = arith.constant 0 : i32
            %dma_wait3A_296 = arith.constant 0 : i32
            %dma_wait3A_297 = tpu.memref_slice %arg5[%dma_wait3A_295, %dma_wait3A_296] : memref<10000x16xf32, #tpu.memory_space<hbm>> -> memref<80x16xf32, #tpu.memory_space<hbm>>
            %dma_wait3A_298 = arith.constant 0 : i32
            %dma_wait3A_299 = arith.constant 0 : i32
            %dma_wait3A_300 = tpu.memref_slice %arg5[%dma_wait3A_298, %dma_wait3A_299] : memref<10000x16xf32, #tpu.memory_space<hbm>> -> memref<80x16xf32, #tpu.memory_space<hbm>>
            tpu.wait_dma2 semaphore(%arg22 : memref<!tpu.dma_semaphore, #tpu.memory_space<semaphore_mem>>) src(%dma_wait3A_300 : memref<80x16xf32, #tpu.memory_space<hbm>>) dst(%arg12 : memref<80x16xf32, #tpu.memory_space<vmem>>)
          } else {
          }
          %dma_start3A_280 = arith.constant 0 : i32
          %dma_start3A_281 = arith.constant 1 : i32
          %dma_start3A_282 = arith.constant 0 : i32
          %dma_start3A_283 = arith.constant 0 : i32
          %dma_start3A_284 = tpu.memref_slice %arg8[%dma_start3A_280, %dma_start3A_281, %dma_start3A_282, %dma_start3A_283] : memref<2x9x2x80xi32, #tpu.memory_space<vmem>> -> memref<1x1x1x80xi32, #tpu.memory_space<vmem>>
          %dma_start3A_285 = tpu.memref_squeeze %dma_start3A_284 : memref<1x1x1x80xi32, #tpu.memory_space<vmem>> -> memref<80xi32, #tpu.memory_space<vmem>>
          %dma_start3A_286 = arith.constant 0 : i32
          %dma_start3A_287 = arith.constant 0 : i32
          %dma_start3A_288 = tpu.memref_slice %arg2[%dma_start3A_286, %dma_start3A_287] : memref<10000x128xf32, #tpu.memory_space<hbm>> -> memref<10000x128xf32, #tpu.memory_space<hbm>>
          tpu.enqueue_indirect_dma source(%dma_start3A_288 : memref<10000x128xf32, #tpu.memory_space<hbm>>) target(%arg10 : memref<80x128xf32, #tpu.memory_space<vmem>>) offsets(%dma_start3A_285 : memref<80xi32, #tpu.memory_space<vmem>>) semaphore(%arg16 : memref<!tpu.dma_semaphore, #tpu.memory_space<semaphore_mem>>)
        } else {
        }
      } else {
      }
    }
    %scan3A_32 = arith.constant 7 : i32
    %dma_wait3A = arith.constant 0 : i32
    %dma_wait3A_33 = arith.constant 0 : i32
    %dma_wait3A_34 = tpu.memref_slice %arg4[%dma_wait3A, %dma_wait3A_33] : memref<10000x128xf32, #tpu.memory_space<hbm>> -> memref<80x128xf32, #tpu.memory_space<hbm>>
    %dma_wait3A_35 = arith.constant 0 : i32
    %dma_wait3A_36 = arith.constant 0 : i32
    %dma_wait3A_37 = tpu.memref_slice %arg4[%dma_wait3A_35, %dma_wait3A_36] : memref<10000x128xf32, #tpu.memory_space<hbm>> -> memref<80x128xf32, #tpu.memory_space<hbm>>
    tpu.wait_dma2 semaphore(%arg18 : memref<!tpu.dma_semaphore, #tpu.memory_space<semaphore_mem>>) src(%dma_wait3A_37 : memref<80x128xf32, #tpu.memory_space<hbm>>) dst(%arg9 : memref<80x128xf32, #tpu.memory_space<vmem>>)
    %dma_wait3A_38 = arith.constant 0 : i32
    %dma_wait3A_39 = arith.constant 0 : i32
    %dma_wait3A_40 = tpu.memref_slice %arg5[%dma_wait3A_38, %dma_wait3A_39] : memref<10000x16xf32, #tpu.memory_space<hbm>> -> memref<80x16xf32, #tpu.memory_space<hbm>>
    %dma_wait3A_41 = arith.constant 0 : i32
    %dma_wait3A_42 = arith.constant 0 : i32
    %dma_wait3A_43 = tpu.memref_slice %arg5[%dma_wait3A_41, %dma_wait3A_42] : memref<10000x16xf32, #tpu.memory_space<hbm>> -> memref<80x16xf32, #tpu.memory_space<hbm>>
    tpu.wait_dma2 semaphore(%arg21 : memref<!tpu.dma_semaphore, #tpu.memory_space<semaphore_mem>>) src(%dma_wait3A_43 : memref<80x16xf32, #tpu.memory_space<hbm>>) dst(%arg12 : memref<80x16xf32, #tpu.memory_space<vmem>>)
    %dma_wait3A_44 = arith.constant 0 : i32
    %dma_wait3A_45 = arith.constant 0 : i32
    %dma_wait3A_46 = tpu.memref_slice %arg4[%dma_wait3A_44, %dma_wait3A_45] : memref<10000x128xf32, #tpu.memory_space<hbm>> -> memref<80x128xf32, #tpu.memory_space<hbm>>
    %dma_wait3A_47 = arith.constant 0 : i32
    %dma_wait3A_48 = arith.constant 0 : i32
    %dma_wait3A_49 = tpu.memref_slice %arg4[%dma_wait3A_47, %dma_wait3A_48] : memref<10000x128xf32, #tpu.memory_space<hbm>> -> memref<80x128xf32, #tpu.memory_space<hbm>>
    tpu.wait_dma2 semaphore(%arg19 : memref<!tpu.dma_semaphore, #tpu.memory_space<semaphore_mem>>) src(%dma_wait3A_49 : memref<80x128xf32, #tpu.memory_space<hbm>>) dst(%arg10 : memref<80x128xf32, #tpu.memory_space<vmem>>)
    %dma_wait3A_50 = arith.constant 0 : i32
    %dma_wait3A_51 = arith.constant 0 : i32
    %dma_wait3A_52 = tpu.memref_slice %arg5[%dma_wait3A_50, %dma_wait3A_51] : memref<10000x16xf32, #tpu.memory_space<hbm>> -> memref<80x16xf32, #tpu.memory_space<hbm>>
    %dma_wait3A_53 = arith.constant 0 : i32
    %dma_wait3A_54 = arith.constant 0 : i32
    %dma_wait3A_55 = tpu.memref_slice %arg5[%dma_wait3A_53, %dma_wait3A_54] : memref<10000x16xf32, #tpu.memory_space<hbm>> -> memref<80x16xf32, #tpu.memory_space<hbm>>
    tpu.wait_dma2 semaphore(%arg22 : memref<!tpu.dma_semaphore, #tpu.memory_space<semaphore_mem>>) src(%dma_wait3A_55 : memref<80x16xf32, #tpu.memory_space<hbm>>) dst(%arg12 : memref<80x16xf32, #tpu.memory_space<vmem>>)
    %dma_wait3A_56 = arith.constant 0 : i32
    %dma_wait3A_57 = arith.constant 0 : i32
    %dma_wait3A_58 = tpu.memref_slice %arg4[%dma_wait3A_56, %dma_wait3A_57] : memref<10000x128xf32, #tpu.memory_space<hbm>> -> memref<80x128xf32, #tpu.memory_space<hbm>>
    %dma_wait3A_59 = arith.constant 0 : i32
    %dma_wait3A_60 = arith.constant 0 : i32
    %dma_wait3A_61 = tpu.memref_slice %arg4[%dma_wait3A_59, %dma_wait3A_60] : memref<10000x128xf32, #tpu.memory_space<hbm>> -> memref<80x128xf32, #tpu.memory_space<hbm>>
    tpu.wait_dma2 semaphore(%arg20 : memref<!tpu.dma_semaphore, #tpu.memory_space<semaphore_mem>>) src(%dma_wait3A_61 : memref<80x128xf32, #tpu.memory_space<hbm>>) dst(%arg11 : memref<80x128xf32, #tpu.memory_space<vmem>>)
    %dma_wait3A_62 = arith.constant 0 : i32
    %dma_wait3A_63 = arith.constant 0 : i32
    %dma_wait3A_64 = tpu.memref_slice %arg5[%dma_wait3A_62, %dma_wait3A_63] : memref<10000x16xf32, #tpu.memory_space<hbm>> -> memref<80x16xf32, #tpu.memory_space<hbm>>
    %dma_wait3A_65 = arith.constant 0 : i32
    %dma_wait3A_66 = arith.constant 0 : i32
    %dma_wait3A_67 = tpu.memref_slice %arg5[%dma_wait3A_65, %dma_wait3A_66] : memref<10000x16xf32, #tpu.memory_space<hbm>> -> memref<80x16xf32, #tpu.memory_space<hbm>>
    tpu.wait_dma2 semaphore(%arg23 : memref<!tpu.dma_semaphore, #tpu.memory_space<semaphore_mem>>) src(%dma_wait3A_67 : memref<80x16xf32, #tpu.memory_space<hbm>>) dst(%arg12 : memref<80x16xf32, #tpu.memory_space<vmem>>)
    %barrier3A_68 = arith.constant 0 : index
    tpu.barrier barrier_id(%barrier3A_68)
    %mul3A_69 = arith.constant 10000 : i32
    %mul3A_70 = arith.muli %arg0, %mul3A_69 : i32
    %add3A_71 = arith.addi %mul3A_70, %mul3A_0 : i32
    "tpu.region"() ({
      %run_scoped3A_75 = tpu.sem_alloc : memref<!tpu.dma_semaphore, #tpu.memory_space<semaphore_mem>>
      %dma_start3A_76 = arith.constant 0 : i32
      %dma_start3A_77 = tpu.memref_slice %arg6[%add3A_71, %dma_start3A_76] : memref<20000x128xf32, #tpu.memory_space<hbm>> -> memref<625x128xf32, #tpu.memory_space<hbm>>
      %dma_start3A_78 = arith.constant 0 : i32
      %dma_start3A_79 = tpu.memref_slice %arg13[%mul3A_0, %dma_start3A_78] : memref<10000x128xf32, #tpu.memory_space<vmem_shared>> -> memref<625x128xf32, #tpu.memory_space<vmem_shared>>
      tpu.enqueue_dma source(%dma_start3A_79 : memref<625x128xf32, #tpu.memory_space<vmem_shared>>) target(%dma_start3A_77 : memref<625x128xf32, #tpu.memory_space<hbm>>) target_semaphore(%run_scoped3A_75 : memref<!tpu.dma_semaphore, #tpu.memory_space<semaphore_mem>>)
      %dma_wait3A_80 = arith.constant 0 : i32
      %dma_wait3A_81 = tpu.memref_slice %arg6[%add3A_71, %dma_wait3A_80] : memref<20000x128xf32, #tpu.memory_space<hbm>> -> memref<625x128xf32, #tpu.memory_space<hbm>>
      %dma_wait3A_82 = arith.constant 0 : i32
      %dma_wait3A_83 = tpu.memref_slice %arg13[%mul3A_0, %dma_wait3A_82] : memref<10000x128xf32, #tpu.memory_space<vmem_shared>> -> memref<625x128xf32, #tpu.memory_space<vmem_shared>>
      tpu.wait_dma2 semaphore(%run_scoped3A_75 : memref<!tpu.dma_semaphore, #tpu.memory_space<semaphore_mem>>) src(%dma_wait3A_83 : memref<625x128xf32, #tpu.memory_space<vmem_shared>>) dst(%dma_wait3A_81 : memref<625x128xf32, #tpu.memory_space<hbm>>)
      tpu.yield
    }) : () -> ()
    %mul3A_72 = arith.constant 10000 : i32
    %mul3A_73 = arith.muli %arg0, %mul3A_72 : i32
    %add3A_74 = arith.addi %mul3A_73, %mul3A_0 : i32
    "tpu.region"() ({
      %run_scoped3A_75 = tpu.sem_alloc : memref<!tpu.dma_semaphore, #tpu.memory_space<semaphore_mem>>
      %dma_start3A_76 = arith.constant 0 : i32
      %dma_start3A_77 = tpu.memref_slice %arg7[%add3A_74, %dma_start3A_76] : memref<20000x16xf32, #tpu.memory_space<hbm>> -> memref<625x16xf32, #tpu.memory_space<hbm>>
      %dma_start3A_78 = arith.constant 0 : i32
      %dma_start3A_79 = tpu.memref_slice %arg14[%mul3A_0, %dma_start3A_78] : memref<10000x16xf32, #tpu.memory_space<vmem_shared>> -> memref<625x16xf32, #tpu.memory_space<vmem_shared>>
      tpu.enqueue_dma source(%dma_start3A_79 : memref<625x16xf32, #tpu.memory_space<vmem_shared>>) target(%dma_start3A_77 : memref<625x16xf32, #tpu.memory_space<hbm>>) target_semaphore(%run_scoped3A_75 : memref<!tpu.dma_semaphore, #tpu.memory_space<semaphore_mem>>)
      %dma_wait3A_80 = arith.constant 0 : i32
      %dma_wait3A_81 = tpu.memref_slice %arg7[%add3A_74, %dma_wait3A_80] : memref<20000x16xf32, #tpu.memory_space<hbm>> -> memref<625x16xf32, #tpu.memory_space<hbm>>
      %dma_wait3A_82 = arith.constant 0 : i32
      %dma_wait3A_83 = tpu.memref_slice %arg14[%mul3A_0, %dma_wait3A_82] : memref<10000x16xf32, #tpu.memory_space<vmem_shared>> -> memref<625x16xf32, #tpu.memory_space<vmem_shared>>
      tpu.wait_dma2 semaphore(%run_scoped3A_75 : memref<!tpu.dma_semaphore, #tpu.memory_space<semaphore_mem>>) src(%dma_wait3A_83 : memref<625x16xf32, #tpu.memory_space<vmem_shared>>) dst(%dma_wait3A_81 : memref<625x16xf32, #tpu.memory_space<hbm>>)
      tpu.yield
    }) : () -> ()
    return
  }
}

module attributes {stable_mosaic.version = 14 : i64} {
  func.func @_tc1_body(%arg0: i32, %arg1: memref<2x2000x128xf32, #tpu.memory_space<vmem>>, %arg2: memref<2x2000x16xf32, #tpu.memory_space<vmem>>, %arg3: memref<2000x128xf32, #tpu.memory_space<vmem>>, %arg4: memref<128x256xf32, #tpu.memory_space<vmem>>, %arg5: memref<128x256xf32, #tpu.memory_space<vmem>>, %arg6: memref<1x256xf32, #tpu.memory_space<vmem>>, %arg7: memref<2x2000x128xf32, #tpu.memory_space<vmem>>) attributes {dimension_semantics = [#tpu.dimension_semantics<arbitrary>], iteration_bounds = array<i64: 5>, scalar_prefetch = 0 : i64, scratch_operands = 0 : i64, tpu.core_type = #tpu.core_type<tc>, window_params = [{transform_indices = @transform_0, window_bounds = array<i64: 2, 2000, 128>}, {transform_indices = @transform_1, window_bounds = array<i64: 2, 2000, 16>}, {transform_indices = @transform_2, window_bounds = array<i64: 2000, 128>}, {pipeline_mode = #tpu.pipeline_mode<synchronous>, transform_indices = @transform_3, window_bounds = array<i64: 128, 256>}, {pipeline_mode = #tpu.pipeline_mode<synchronous>, transform_indices = @transform_4, window_bounds = array<i64: 128, 256>}, {pipeline_mode = #tpu.pipeline_mode<synchronous>, transform_indices = @transform_5, window_bounds = array<i64: 1, 256>}, {transform_indices = @transform_6, window_bounds = array<i64: 2, 2000, 128>}]} {
    %get3A = arith.constant 0 : index
    %get3A_0 = arith.constant 0 : index
    %get3A_1 = arith.constant 0 : index
    %get3A_2 = vector.load %arg1[%get3A, %get3A_0, %get3A_1] : memref<2x2000x128xf32, #tpu.memory_space<vmem>>, vector<1x2000x128xf32>
    %get3A_3 = vector.shape_cast %get3A_2 : vector<1x2000x128xf32> to vector<2000x128xf32>
    %get3A_4 = arith.constant 1 : index
    %get3A_5 = arith.constant 0 : index
    %get3A_6 = arith.constant 0 : index
    %get3A_7 = vector.load %arg1[%get3A_4, %get3A_5, %get3A_6] : memref<2x2000x128xf32, #tpu.memory_space<vmem>>, vector<1x2000x128xf32>
    %get3A_8 = vector.shape_cast %get3A_7 : vector<1x2000x128xf32> to vector<2000x128xf32>
    %add3A = arith.addf %get3A_3, %get3A_8 : vector<2000x128xf32>
    %get3A_9 = arith.constant 0 : index
    %get3A_10 = arith.constant 0 : index
    %get3A_11 = arith.constant 0 : index
    %get3A_12 = vector.load %arg2[%get3A_9, %get3A_10, %get3A_11] : memref<2x2000x16xf32, #tpu.memory_space<vmem>>, vector<1x2000x1xf32>
    %get3A_13 = vector.shape_cast %get3A_12 : vector<1x2000x1xf32> to vector<2000x1xf32>
    %get3A_14 = arith.constant 1 : index
    %get3A_15 = arith.constant 0 : index
    %get3A_16 = arith.constant 0 : index
    %get3A_17 = vector.load %arg2[%get3A_14, %get3A_15, %get3A_16] : memref<2x2000x16xf32, #tpu.memory_space<vmem>>, vector<1x2000x1xf32>
    %get3A_18 = vector.shape_cast %get3A_17 : vector<1x2000x1xf32> to vector<2000x1xf32>
    %add3A_19 = arith.addf %get3A_13, %get3A_18 : vector<2000x1xf32>
    %max3A = arith.constant 1.000000e+00 : f32
    %max3A_20 = vector.broadcast %max3A : f32 to vector<2000x1xf32>
    %max3A_21 = arith.maximumf %add3A_19, %max3A_20 : vector<2000x1xf32>
    %div3A = vector.broadcast %max3A_21 : vector<2000x1xf32> to vector<2000x128xf32>
    %div3A_22 = arith.divf %add3A, %div3A : vector<2000x128xf32>
    %get3A_23 = arith.constant 0 : index
    %get3A_24 = arith.constant 0 : index
    %get3A_25 = vector.load %arg4[%get3A_23, %get3A_24] : memref<128x256xf32, #tpu.memory_space<vmem>>, vector<128x256xf32>
    %dot_general3A = arith.constant dense<0.000000e+00> : vector<2000x256xf32>
    %dot_general3A_26 = tpu.matmul %div3A_22, %get3A_25, %dot_general3A {dimension_numbers = #tpu.dot_dimension_numbers<[1], [0], [0], [1], [0, 0, 1, 1], [], []>, transpose_lhs_hint = false} : vector<2000x128xf32>, vector<128x256xf32>, vector<2000x256xf32> -> vector<2000x256xf32>
    %get3A_27 = arith.constant 0 : index
    %get3A_28 = arith.constant 0 : index
    %get3A_29 = vector.load %arg3[%get3A_27, %get3A_28] : memref<2000x128xf32, #tpu.memory_space<vmem>>, vector<2000x128xf32>
    %get3A_30 = arith.constant 0 : index
    %get3A_31 = arith.constant 0 : index
    %get3A_32 = vector.load %arg5[%get3A_30, %get3A_31] : memref<128x256xf32, #tpu.memory_space<vmem>>, vector<128x256xf32>
    %dot_general3A_33 = arith.constant dense<0.000000e+00> : vector<2000x256xf32>
    %dot_general3A_34 = tpu.matmul %get3A_29, %get3A_32, %dot_general3A_33 {dimension_numbers = #tpu.dot_dimension_numbers<[1], [0], [0], [1], [0, 0, 1, 1], [], []>, transpose_lhs_hint = false} : vector<2000x128xf32>, vector<128x256xf32>, vector<2000x256xf32> -> vector<2000x256xf32>
    %add3A_35 = arith.addf %dot_general3A_26, %dot_general3A_34 : vector<2000x256xf32>
    %get3A_36 = arith.constant 0 : index
    %get3A_37 = arith.constant 0 : index
    %get3A_38 = vector.load %arg6[%get3A_36, %get3A_37] : memref<1x256xf32, #tpu.memory_space<vmem>>, vector<1x256xf32>
    %add3A_39 = vector.broadcast %get3A_38 : vector<1x256xf32> to vector<2000x256xf32>
    %add3A_40 = arith.addf %add3A_35, %add3A_39 : vector<2000x256xf32>
    %max3A_41 = arith.constant 0.000000e+00 : f32
    %max3A_42 = vector.broadcast %max3A_41 : f32 to vector<2000x256xf32>
    %max3A_43 = arith.maximumf %add3A_40, %max3A_42 : vector<2000x256xf32>
    %slice3A = vector.extract_strided_slice %max3A_43 {offsets = [0, 0], sizes = [2000, 128], strides = [1, 1]} : vector<2000x256xf32> to vector<2000x128xf32>
    %swap3A = arith.constant 0 : index
    %swap3A_44 = arith.constant 0 : index
    %swap3A_45 = arith.constant 0 : index
    %swap3A_46 = vector.load %arg7[%swap3A, %swap3A_44, %swap3A_45] : memref<2x2000x128xf32, #tpu.memory_space<vmem>>, vector<1x2000x128xf32>
    %swap3A_47 = vector.shape_cast %swap3A_46 : vector<1x2000x128xf32> to vector<2000x128xf32>
    %swap3A_48 = vector.shape_cast %slice3A : vector<2000x128xf32> to vector<1x2000x128xf32>
    tpu.vector_store %arg7[%swap3A, %swap3A_44, %swap3A_45], %swap3A_48 {strides = array<i32>} : memref<2x2000x128xf32, #tpu.memory_space<vmem>>, vector<1x2000x128xf32>,
    %slice3A_49 = vector.extract_strided_slice %max3A_43 {offsets = [0, 128], sizes = [2000, 128], strides = [1, 1]} : vector<2000x256xf32> to vector<2000x128xf32>
    %swap3A_50 = arith.constant 1 : index
    %swap3A_51 = arith.constant 0 : index
    %swap3A_52 = arith.constant 0 : index
    %swap3A_53 = vector.load %arg7[%swap3A_50, %swap3A_51, %swap3A_52] : memref<2x2000x128xf32, #tpu.memory_space<vmem>>, vector<1x2000x128xf32>
    %swap3A_54 = vector.shape_cast %swap3A_53 : vector<1x2000x128xf32> to vector<2000x128xf32>
    %swap3A_55 = vector.shape_cast %slice3A_49 : vector<2000x128xf32> to vector<1x2000x128xf32>
    tpu.vector_store %arg7[%swap3A_50, %swap3A_51, %swap3A_52], %swap3A_55 {strides = array<i32>} : memref<2x2000x128xf32, #tpu.memory_space<vmem>>, vector<1x2000x128xf32>,
    return
  }
  func.func @transform_0(%arg0: i32) -> (i32, i32, i32) {
    %c0_i32 = arith.constant 0 : i32
    %c0_i32_0 = arith.constant 0 : i32
    %c0_i32_1 = arith.constant 0 : i32
    return %c0_i32, %arg0, %c0_i32_0 : i32, i32, i32
  }
  func.func @transform_1(%arg0: i32) -> (i32, i32, i32) {
    %c0_i32 = arith.constant 0 : i32
    %c0_i32_0 = arith.constant 0 : i32
    %c0_i32_1 = arith.constant 0 : i32
    return %c0_i32, %arg0, %c0_i32_0 : i32, i32, i32
  }
  func.func @transform_2(%arg0: i32) -> (i32, i32) {
    %c0_i32 = arith.constant 0 : i32
    %c0_i32_0 = arith.constant 0 : i32
    return %arg0, %c0_i32 : i32, i32
  }
  func.func @transform_3(%arg0: i32) -> (i32, i32) {
    %c0_i32 = arith.constant 0 : i32
    %c0_i32_0 = arith.constant 0 : i32
    %c0_i32_1 = arith.constant 0 : i32
    return %c0_i32, %c0_i32_0 : i32, i32
  }
  func.func @transform_4(%arg0: i32) -> (i32, i32) {
    %c0_i32 = arith.constant 0 : i32
    %c0_i32_0 = arith.constant 0 : i32
    %c0_i32_1 = arith.constant 0 : i32
    return %c0_i32, %c0_i32_0 : i32, i32
  }
  func.func @transform_5(%arg0: i32) -> (i32, i32) {
    %c0_i32 = arith.constant 0 : i32
    %c0_i32_0 = arith.constant 0 : i32
    %c0_i32_1 = arith.constant 0 : i32
    return %c0_i32, %c0_i32_0 : i32, i32
  }
  func.func @transform_6(%arg0: i32) -> (i32, i32, i32) {
    %c0_i32 = arith.constant 0 : i32
    %c0_i32_0 = arith.constant 0 : i32
    %c0_i32_1 = arith.constant 0 : i32
    return %c0_i32, %arg0, %c0_i32_0 : i32, i32, i32
  }
}

module attributes {stable_mosaic.version = 14 : i64} {
  func.func @_tc2_body(%arg0: i32, %arg1: memref<2x2000x128xf32, #tpu.memory_space<vmem>>, %arg2: memref<2x2000x16xf32, #tpu.memory_space<vmem>>, %arg3: memref<2x2000x128xf32, #tpu.memory_space<vmem>>, %arg4: memref<256x256xf32, #tpu.memory_space<vmem>>, %arg5: memref<256x256xf32, #tpu.memory_space<vmem>>, %arg6: memref<1x256xf32, #tpu.memory_space<vmem>>, %arg7: memref<2000x256xf32, #tpu.memory_space<vmem>>) attributes {dimension_semantics = [#tpu.dimension_semantics<arbitrary>], iteration_bounds = array<i64: 5>, scalar_prefetch = 0 : i64, scratch_operands = 0 : i64, tpu.core_type = #tpu.core_type<tc>, window_params = [{transform_indices = @transform_0, window_bounds = array<i64: 2, 2000, 128>}, {transform_indices = @transform_1, window_bounds = array<i64: 2, 2000, 16>}, {transform_indices = @transform_2, window_bounds = array<i64: 2, 2000, 128>}, {pipeline_mode = #tpu.pipeline_mode<synchronous>, transform_indices = @transform_3, window_bounds = array<i64: 256, 256>}, {pipeline_mode = #tpu.pipeline_mode<synchronous>, transform_indices = @transform_4, window_bounds = array<i64: 256, 256>}, {pipeline_mode = #tpu.pipeline_mode<synchronous>, transform_indices = @transform_5, window_bounds = array<i64: 1, 256>}, {transform_indices = @transform_6, window_bounds = array<i64: 2000, 256>}]} {
    %get3A = arith.constant 0 : index
    %get3A_0 = arith.constant 0 : index
    %get3A_1 = arith.constant 0 : index
    %get3A_2 = vector.load %arg2[%get3A, %get3A_0, %get3A_1] : memref<2x2000x16xf32, #tpu.memory_space<vmem>>, vector<1x2000x1xf32>
    %get3A_3 = vector.shape_cast %get3A_2 : vector<1x2000x1xf32> to vector<2000x1xf32>
    %get3A_4 = arith.constant 1 : index
    %get3A_5 = arith.constant 0 : index
    %get3A_6 = arith.constant 0 : index
    %get3A_7 = vector.load %arg2[%get3A_4, %get3A_5, %get3A_6] : memref<2x2000x16xf32, #tpu.memory_space<vmem>>, vector<1x2000x1xf32>
    %get3A_8 = vector.shape_cast %get3A_7 : vector<1x2000x1xf32> to vector<2000x1xf32>
    %add3A = arith.addf %get3A_3, %get3A_8 : vector<2000x1xf32>
    %max3A = arith.constant 1.000000e+00 : f32
    %max3A_9 = vector.broadcast %max3A : f32 to vector<2000x1xf32>
    %max3A_10 = arith.maximumf %add3A, %max3A_9 : vector<2000x1xf32>
    %div3A = arith.constant 1.000000e+00 : f32
    %div3A_11 = vector.broadcast %div3A : f32 to vector<2000x1xf32>
    %div3A_12 = arith.divf %div3A_11, %max3A_10 : vector<2000x1xf32>
    %get3A_13 = arith.constant 0 : index
    %get3A_14 = arith.constant 0 : index
    %get3A_15 = arith.constant 0 : index
    %get3A_16 = vector.load %arg1[%get3A_13, %get3A_14, %get3A_15] : memref<2x2000x128xf32, #tpu.memory_space<vmem>>, vector<1x2000x128xf32>
    %get3A_17 = vector.shape_cast %get3A_16 : vector<1x2000x128xf32> to vector<2000x128xf32>
    %mul3A = vector.broadcast %div3A_12 : vector<2000x1xf32> to vector<2000x128xf32>
    %mul3A_18 = arith.mulf %get3A_17, %mul3A : vector<2000x128xf32>
    %get3A_19 = arith.constant 0 : index
    %get3A_20 = arith.constant 0 : index
    %get3A_21 = vector.load %arg4[%get3A_19, %get3A_20] : memref<256x256xf32, #tpu.memory_space<vmem>>, vector<128x256xf32>
    %dot_general3A = arith.constant dense<0.000000e+00> : vector<2000x256xf32>
    %dot_general3A_22 = tpu.matmul %mul3A_18, %get3A_21, %dot_general3A {dimension_numbers = #tpu.dot_dimension_numbers<[1], [0], [0], [1], [0, 0, 1, 1], [], []>, transpose_lhs_hint = false} : vector<2000x128xf32>, vector<128x256xf32>, vector<2000x256xf32> -> vector<2000x256xf32>
    %get3A_23 = arith.constant 1 : index
    %get3A_24 = arith.constant 0 : index
    %get3A_25 = arith.constant 0 : index
    %get3A_26 = vector.load %arg1[%get3A_23, %get3A_24, %get3A_25] : memref<2x2000x128xf32, #tpu.memory_space<vmem>>, vector<1x2000x128xf32>
    %get3A_27 = vector.shape_cast %get3A_26 : vector<1x2000x128xf32> to vector<2000x128xf32>
    %mul3A_28 = vector.broadcast %div3A_12 : vector<2000x1xf32> to vector<2000x128xf32>
    %mul3A_29 = arith.mulf %get3A_27, %mul3A_28 : vector<2000x128xf32>
    %get3A_30 = arith.constant 128 : index
    %get3A_31 = arith.constant 0 : index
    %get3A_32 = vector.load %arg4[%get3A_30, %get3A_31] : memref<256x256xf32, #tpu.memory_space<vmem>>, vector<128x256xf32>
    %dot_general3A_33 = arith.constant dense<0.000000e+00> : vector<2000x256xf32>
    %dot_general3A_34 = tpu.matmul %mul3A_29, %get3A_32, %dot_general3A_33 {dimension_numbers = #tpu.dot_dimension_numbers<[1], [0], [0], [1], [0, 0, 1, 1], [], []>, transpose_lhs_hint = false} : vector<2000x128xf32>, vector<128x256xf32>, vector<2000x256xf32> -> vector<2000x256xf32>
    %add3A_35 = arith.addf %dot_general3A_22, %dot_general3A_34 : vector<2000x256xf32>
    %get3A_36 = arith.constant 0 : index
    %get3A_37 = arith.constant 0 : index
    %get3A_38 = arith.constant 0 : index
    %get3A_39 = vector.load %arg3[%get3A_36, %get3A_37, %get3A_38] : memref<2x2000x128xf32, #tpu.memory_space<vmem>>, vector<1x2000x128xf32>
    %get3A_40 = vector.shape_cast %get3A_39 : vector<1x2000x128xf32> to vector<2000x128xf32>
    %get3A_41 = arith.constant 0 : index
    %get3A_42 = arith.constant 0 : index
    %get3A_43 = vector.load %arg5[%get3A_41, %get3A_42] : memref<256x256xf32, #tpu.memory_space<vmem>>, vector<128x256xf32>
    %dot_general3A_44 = arith.constant dense<0.000000e+00> : vector<2000x256xf32>
    %dot_general3A_45 = tpu.matmul %get3A_40, %get3A_43, %dot_general3A_44 {dimension_numbers = #tpu.dot_dimension_numbers<[1], [0], [0], [1], [0, 0, 1, 1], [], []>, transpose_lhs_hint = false} : vector<2000x128xf32>, vector<128x256xf32>, vector<2000x256xf32> -> vector<2000x256xf32>
    %add3A_46 = arith.addf %add3A_35, %dot_general3A_45 : vector<2000x256xf32>
    %get3A_47 = arith.constant 1 : index
    %get3A_48 = arith.constant 0 : index
    %get3A_49 = arith.constant 0 : index
    %get3A_50 = vector.load %arg3[%get3A_47, %get3A_48, %get3A_49] : memref<2x2000x128xf32, #tpu.memory_space<vmem>>, vector<1x2000x128xf32>
    %get3A_51 = vector.shape_cast %get3A_50 : vector<1x2000x128xf32> to vector<2000x128xf32>
    %get3A_52 = arith.constant 128 : index
    %get3A_53 = arith.constant 0 : index
    %get3A_54 = vector.load %arg5[%get3A_52, %get3A_53] : memref<256x256xf32, #tpu.memory_space<vmem>>, vector<128x256xf32>
    %dot_general3A_55 = arith.constant dense<0.000000e+00> : vector<2000x256xf32>
    %dot_general3A_56 = tpu.matmul %get3A_51, %get3A_54, %dot_general3A_55 {dimension_numbers = #tpu.dot_dimension_numbers<[1], [0], [0], [1], [0, 0, 1, 1], [], []>, transpose_lhs_hint = false} : vector<2000x128xf32>, vector<128x256xf32>, vector<2000x256xf32> -> vector<2000x256xf32>
    %add3A_57 = arith.addf %add3A_46, %dot_general3A_56 : vector<2000x256xf32>
    %get3A_58 = arith.constant 0 : index
    %get3A_59 = arith.constant 0 : index
    %get3A_60 = vector.load %arg6[%get3A_58, %get3A_59] : memref<1x256xf32, #tpu.memory_space<vmem>>, vector<1x256xf32>
    %add3A_61 = vector.broadcast %get3A_60 : vector<1x256xf32> to vector<2000x256xf32>
    %add3A_62 = arith.addf %add3A_57, %add3A_61 : vector<2000x256xf32>
    %swap3A = arith.constant 0 : index
    %swap3A_63 = arith.constant 0 : index
    %swap3A_64 = vector.load %arg7[%swap3A, %swap3A_63] : memref<2000x256xf32, #tpu.memory_space<vmem>>, vector<2000x256xf32>
    tpu.vector_store %arg7[%swap3A, %swap3A_63], %add3A_62 {strides = array<i32>} : memref<2000x256xf32, #tpu.memory_space<vmem>>, vector<2000x256xf32>,
    return
  }
  func.func @transform_0(%arg0: i32) -> (i32, i32, i32) {
    %c0_i32 = arith.constant 0 : i32
    %c0_i32_0 = arith.constant 0 : i32
    %c0_i32_1 = arith.constant 0 : i32
    return %c0_i32, %arg0, %c0_i32_0 : i32, i32, i32
  }
  func.func @transform_1(%arg0: i32) -> (i32, i32, i32) {
    %c0_i32 = arith.constant 0 : i32
    %c0_i32_0 = arith.constant 0 : i32
    %c0_i32_1 = arith.constant 0 : i32
    return %c0_i32, %arg0, %c0_i32_0 : i32, i32, i32
  }
  func.func @transform_2(%arg0: i32) -> (i32, i32, i32) {
    %c0_i32 = arith.constant 0 : i32
    %c0_i32_0 = arith.constant 0 : i32
    %c0_i32_1 = arith.constant 0 : i32
    return %c0_i32, %arg0, %c0_i32_0 : i32, i32, i32
  }
  func.func @transform_3(%arg0: i32) -> (i32, i32) {
    %c0_i32 = arith.constant 0 : i32
    %c0_i32_0 = arith.constant 0 : i32
    %c0_i32_1 = arith.constant 0 : i32
    return %c0_i32, %c0_i32_0 : i32, i32
  }
  func.func @transform_4(%arg0: i32) -> (i32, i32) {
    %c0_i32 = arith.constant 0 : i32
    %c0_i32_0 = arith.constant 0 : i32
    %c0_i32_1 = arith.constant 0 : i32
    return %c0_i32, %c0_i32_0 : i32, i32
  }
  func.func @transform_5(%arg0: i32) -> (i32, i32) {
    %c0_i32 = arith.constant 0 : i32
    %c0_i32_0 = arith.constant 0 : i32
    %c0_i32_1 = arith.constant 0 : i32
    return %c0_i32, %c0_i32_0 : i32, i32
  }
  func.func @transform_6(%arg0: i32) -> (i32, i32) {
    %c0_i32 = arith.constant 0 : i32
    %c0_i32_0 = arith.constant 0 : i32
    return %arg0, %c0_i32 : i32, i32
  }
}

</mosaic_0001>

<sc_bundles>
// kernel: kernel.6.cloned.1.call-start
scs
__scs_entry_jumppad:
0x0: {  	(pc) =	sbr.rel $0x88, $3  }
0x1: {  	(tag) =	ssettag $0x0;
	lr =	simm.s32 $0x1  }
0x2: {  	[smem:$0x3F99] =	sst lr;
	_ =	strace $0xD0000000  }
0x3: {  	_ = 	snop  }
0x4: {  	_ = 	snop  }
0x5: {  	_ = 	snop  }
0x6: {  	_ = 	snop  }
0x7: {  	_ = 	snop  }
__scs_overlays_trampoline_lowered:
0x8: {  	[smem:$0x3FA8] =	sst s0  }
0x9: {  	[smem:$0x3FA9] =	sst s1  }
0xa: {  	[smem:$0x3FAA] =	sst s2  }
0xb: {  	[smem:$0x3FAB] =	sst s3  }
0xc: {  	[smem:$0x3FAC] =	sst s4  }
0xd: {  	[smem:$0x3FAD] =	sst s5  }
0xe: {  	[smem:$0x3FAE] =	sst s6  }
0xf: {  	[smem:$0x3FAF] =	sst s7  }
0x10: {  	[smem:$0x3FB0] =	sst s8  }
0x11: {  	[smem:$0x3FB1] =	sst s9;
	s0 =	simm.s32 @!p0 $0x0  }
0x12: {  	s1 =	sld [smem:$0x3F97];
	s0 =	simm.s32 @p0 $0x1  }
0x13: {  	[smem:$0x3FB2] =	sst s0;
	s0 =	simm.s32 @!p1 $0x0  }
0x14: {  	s2 =	sld [smem:$0x3F96];
	s0 =	simm.s32 @p1 $0x1  }
0x15: {  	[smem:$0x3FB3] =	sst s0;
	s0 =	simm.s32 @!p2 $0x0  }
0x16: {  	s3 =	sld [smem:$0x3FDB];
	s0 =	simm.s32 @p2 $0x1  }
0x17: {  	s4 =	simm.s32 $0x1BF5;
	[smem:$0x3FB5] =	sst s0  }
0x18: {  	s0 =	sld [smem:$0x3F98];
	_ =	swait.ge [sflag:s4], $0x0  }
0x19: {  	s7 =	sld [smem:$0x3F99]  }
0x1a: {  	s8 =	sadd.s32 $0xFFFFE003, lr  }
0x1b: {  	s9 =	sadd.s32 $0xFFFFFEF7, lr;
	s5 =	simm.s32 $0xFFFFFFFF;
	p2 =	slt.u32 s8, $0xFFFFF086  }
0x1c: {  	p1 =	slt.u32 s9, $0xF7A;
	s5 =	simm.s32 @!p2 $0x0  }
0x1d: {  	s5 =	simm.s32 @p1 $0x1;
	p0 =	seq.s32 s7, s2  }
0x1e: {  	s7 =	smul.u32 @!p0 $0xF7A, s2;
	p2 =	seq.s32 @!p0 s5, $0x0  }
0x1f: {  	s9 =	smul.u32 $0xF7A, s1;
	s8 =	simm.s32 @!p0 $0x1BF5;
	p2 =	por !p2, p0  }
0x20: {  	[sflag:s8] =	ssyncset.s32 @!p0 $0xFFFFF086;
	s6 =	sadd.s32 @!p0 s3, s7;
	s7 =	simm.s32 @!p0 $0x108  }
0x21: {  	s3 =	sadd.s32 s3, s9;
	s6 =	sadd.s32 @!p0 $0x88, s6;
	s7 =	simm.s32 @p2 $0x1082  }
0x22: {  	[simem:s7], [sflag:s8] =	dma.local @!p0 [hbm:s6], $0xF7A  }
0x23: {  	s9 =	sor.u32 $0xD0000000, s2;
	s6 =	simm.s32 $0x108;
	_ =	swait.ge @!p0 [sflag:s8], $0x0  }
0x24: {  	s3 =	sadd.s32 $0x88, s3;
	s6 =	simm.s32 @!p1 $0x1082;
	[sflag:s4] =	ssyncset.s32 $0xFFFFF086  }
0x25: {  	[simem:s6], [sflag:s4] =	dma.local [hbm:s3], $0xF7A  }
0x26: {  	[smem:$0x3F99] =	sst s1;
	(tag) =	ssettag s2;
	_ =	strace s9  }
0x27: {  	s1 =	sld [smem:$0x3FA9]  }
0x28: {  	s2 =	sld [smem:$0x3FAA]  }
0x29: {  	s4 =	sld [smem:$0x3FAC]  }
0x2a: {  	p0 =	seq.s32 s5, $0x0;
	s5 =	sld [smem:$0x3FAD]  }
0x2b: {  	s6 =	sld [smem:$0x3FAE]  }
0x2c: {  	s7 =	sld [smem:$0x3FAF]  }
0x2d: {  	s3 =	simm.s32 $0x108;
	s8 =	sld [smem:$0x3FB0]  }
0x2e: {  	s3 =	simm.s32 @!p0 $0x1082;
	s9 =	sld [smem:$0x3FB1]  }
0x2f: {  	lr =	sadd.s32 s0, s3;
	s0 =	sld [smem:$0x3FA8]  }
0x30: {  	s3 =	sld [smem:$0x3FAB]  }
0x31: {  	[smem:$0x3FB4] =	sst s10  }
0x32: {  	s10 =	sld [smem:$0x3FB2];
	_ =	sdelay $0x3  }
0x33: {  	p0 =	seq.s32 s10, $0x1;
	s10 =	sld [smem:$0x3FB4];
	_ =	sdelay $0x3  }
0x34: {  	[smem:$0x3FB4] =	sst s10  }
0x35: {  	s10 =	sld [smem:$0x3FB3];
	_ =	sdelay $0x3  }
0x36: {  	p1 =	seq.s32 s10, $0x1;
	s10 =	sld [smem:$0x3FB4];
	_ =	sdelay $0x3  }
0x37: {  	[smem:$0x3FB4] =	sst s10  }
0x38: {  	s10 =	sld [smem:$0x3FB5]  }
0x39: {  	_ = 	snop;
	(pc) =	sbr.ind lr, $3  }
0x3a: {  	_ = 	snop  }
0x3b: {  	_ = 	snop  }
0x3c: {  	p2 =	seq.s32 s10, $0x1;
	s10 =	sld [smem:$0x3FB4]  }
0x3d: {  	_ =	shalt  }
0x3e: {  	_ =	shalt  }
0x3f: {  	_ =	shalt  }
0x40: {  	_ =	shalt  }
0x41: {  	_ =	shalt  }
0x42: {  	_ =	shalt  }
0x43: {  	_ =	shalt  }
0x44: {  	_ =	shalt  }
0x45: {  	_ =	shalt  }
0x46: {  	_ =	shalt  }
0x47: {  	_ =	shalt  }
0x48: {  	_ =	shalt  }
0x49: {  	_ =	shalt  }
0x4a: {  	_ =	shalt  }
0x4b: {  	_ =	shalt  }
0x4c: {  	_ =	shalt  }
0x4d: {  	_ =	shalt  }
0x4e: {  	_ =	shalt  }
0x4f: {  	_ =	shalt  }
0x50: {  	_ =	shalt  }
0x51: {  	_ =	shalt  }
0x52: {  	_ =	shalt  }
0x53: {  	_ =	shalt  }
0x54: {  	_ =	shalt  }
0x55: {  	_ =	shalt  }
0x56: {  	_ =	shalt  }
0x57: {  	_ =	shalt  }
0x58: {  	_ =	shalt  }
0x59: {  	_ =	shalt  }
0x5a: {  	_ =	shalt  }
0x5b: {  	_ =	shalt  }
0x5c: {  	_ =	shalt  }
0x5d: {  	_ =	shalt  }
0x5e: {  	_ =	shalt  }
0x5f: {  	_ =	shalt  }
0x60: {  	_ =	shalt  }
0x61: {  	_ =	shalt  }
0x62: {  	_ =	shalt  }
0x63: {  	_ =	shalt  }
0x64: {  	_ =	shalt  }
0x65: {  	_ =	shalt  }
0x66: {  	_ =	shalt  }
0x67: {  	_ =	shalt  }
0x68: {  	_ =	shalt  }
0x69: {  	_ =	shalt  }
0x6a: {  	_ =	shalt  }
0x6b: {  	_ =	shalt  }
0x6c: {  	_ =	shalt  }
0x6d: {  	_ =	shalt  }
0x6e: {  	_ =	shalt  }
0x6f: {  	_ =	shalt  }
0x70: {  	_ =	shalt  }
0x71: {  	_ =	shalt  }
0x72: {  	_ =	shalt  }
0x73: {  	_ =	shalt  }
0x74: {  	_ =	shalt  }
0x75: {  	_ =	shalt  }
0x76: {  	_ =	shalt  }
0x77: {  	_ =	shalt  }
0x78: {  	_ =	shalt  }
0x79: {  	_ =	shalt  }
0x7a: {  	_ =	shalt  }
0x7b: {  	_ =	shalt  }
0x7c: {  	_ =	shalt  }
0x7d: {  	_ =	shalt  }
0x7e: {  	_ =	shalt  }
0x7f: {  	_ =	shalt  }
0x80: {  	_ =	shalt  }
0x81: {  	_ =	shalt  }
0x82: {  	_ =	shalt  }
0x83: {  	_ =	shalt  }
0x84: {  	_ =	shalt  }
0x85: {  	_ =	shalt  }
0x86: {  	_ =	shalt  }
0x87: {  	_ =	shalt  }
.Lfunc_end0:
.L_simem_size_0:
called_computation_lowered:
.L_overlay_start_0:
0x88: {  	s2 =	sld [smem:$0x3FD9]  }
0x89: {  	s3 =	sld [smem:$0x3FFE];
	_ =	sdelay $0x1  }
0x8a: {  	s1 =	srdreg.scid  }
0x8b: {  	s0 =	sand.u32 $0x1, s1  }
0x8c: {  	s17 =	sshll.u32 s0, $0xA;
	s2 =	sadd.s32 s3, s2  }
0x8d: {  	s2 =	sadd.s32 s2, s17  }
0x8e: {  	[smem:$0x3FC0] =	sst s2  }
0x8f: {  	_ = 	snop  }
0x90: {  	s2 =	sld [smem:$0x3FC9]  }
0x91: {  	s18 =	sld [smem:$0x3FD0];
	(tm) =	ssettm $0x1  }
0x92: {  	s4 =	sld [smem:$0x3FFB];
	_ =	sdelay $0x3  }
0x93: {  	_ =	strace s4  }
0x94: {  	s4 =	sld [smem:$0x3FFC];
	_ =	sdelay $0x3  }
0x95: {  	_ =	strace s4  }
0x96: {  	s4 =	sld [smem:$0x3FFD];
	_ =	sdelay $0x3  }
0x97: {  	_ =	strace s4  }
0x98: {  	_ =	strace $0x8FFFFFFF  }
0x99: {  	s19 =	sld [smem:$0x3FDB];
	_ =	sdelay $0x1  }
0x9a: {  	s5 =	simm.s32 $_scs_section_size  }
0x9b: {  	s6 =	simm.s32 $_size__tile_overlayer_lowered;
	s7 =	simm.s32 $_tile_overlayer_lowered  }
0x9c: {  	s22 =	simm.s32 $0x1BFF;
	s21 =	sshll.u32 s7, $0x1;
	s4 =	sadd.s32 s5, s19  }
0x9d: {  	s8 =	simm.s32 $0x0;
	s20 =	sshll.u32 s6, $0x1;
	s6 =	sadd.s32 s21, s4  }
0x9e: {  	[timem:s8], [sflag:s22] =	dma.local [hbm:s6], s20  }
0x9f: {  	_ =	swait.ge [sflag:s22], s20  }
0xa0: {  	s5 =	ssub.s32 $0x0, s20;
	[sflag:s22] =	ssyncset.done $0x0  }
0xa1: {  	[sflag:s22] =	ssyncadd.s32 s5;
	_ =	sdelay $0x1  }
0xa2: {  	s23 =	simm.s32 $0x1B8B  }
0xa3: {  	_ =	swait.ge [sflag:s23], $0x1  }
0xa4: {  	[sflag:s23] =	ssyncset.done $0x0  }
0xa5: {  	s25 =	simm.s32 $0x1B8E;
	s24 =	sld [smem:$0x3FFE];
	[sflag:s23] =	ssyncadd.s32 $0xFFFFFFFF  }
0xa6: {  	s26 =	simm.s32 $execute0_lowered;
	[smem:$0x3FD2] =	sst s25  }
0xa7: {  	s6 =	sshll.u32 s26, $0x1;
	_ =	strace $0x80000046;
	[dreg:$0x1] =	wrdreg $0xFFFFFFFF  }
0xa8: {  	s28 =	simm.s32 $_size_execute0_lowered;
	s4 =	sadd.s32 s4, s6;
	[dreg:$0x0] =	wrdreg $0x0  }
0xa9: {  	s6 =	sshll.u32 s28, $0x1;
	[dreg:$0x2] =	wrdreg s4  }
0xaa: {  	[dreg:$0x3] =	wrdreg s6  }
0xab: {  	[dreg:$0x4] =	wrdreg $0xC0  }
0xac: {  	_ =	task [dreg:s8], $0x5FFFF  }
0xad: {  	[dreg:$0x1] =	wrdreg $0xFFFFFFFF  }
0xae: {  	[dreg:$0x0] =	wrdreg $0x60  }
0xaf: {  	[dreg:$0x2] =	wrdreg s2  }
0xb0: {  	[dreg:$0x3] =	wrdreg s24  }
0xb1: {  	[dreg:$0x4] =	wrdreg s18  }
0xb2: {  	[dreg:$0x5] =	wrdreg $0x1C0C00  }
0xb3: {  	[dreg:$0x6] =	wrdreg $0x88400  }
0xb4: {  	[dreg:$0x7] =	wrdreg $0x9  }
0xb5: {  	_ =	task.clear_ibuf [dreg:s8], $0x8FFFF;
	_ =	strace $0x90000046  }
0xb6: {  	s29 =	simm.s32 $0x9;
	_ =	strace $0x80000048  }
0xb7: {  	_ =	swait.ge [sflag:s29], $0x1  }
0xb8: {  	[sflag:s29] =	ssyncadd.s32 $0xFFFFFFFF  }
0xb9: {  	_ =	strace $0x90000048  }
0xba: {  	_ =	sfence  }
0xbb: {  	s30 =	sld [smem:$0x0];
	_ =	sdelay $0x2  }
0xbc: {  	s31 =	sshll.u32 s1, $0xD;
	s1 =	sshrl.u32 s1, $0x2  }
0xbd: {  	s3 =	sand.u32 $0x4000, s31;
	s1 =	sadd.s32 s1, s30  }
0xbe: {  	s0 =	sor.u32 s3, s0;
	s1 =	sshll.u32 s1, $0x11  }
0xbf: {  	s0 =	sor.u32 s1, s0  }
0xc0: {  	s0 =	sadd.s32 $0x8F2B, s0  }
0xc1: {  	[sflag:s0] =	ssyncadd.remote.s32 $0x1  }
0xc2: {  	_ =	sfence.sel $0xFFFF  }
0xc3: {  	[dreg:$0x0] =	wrdreg $0xFFFFFFFF;
	(pc) =	sbr.abs _section_cstart, $3  }
0xc4: {  	[dreg:$0x1] =	wrdreg $0xFFFFFFFF  }
0xc5: {  	_ =	task.clear_ibuf [dreg:s8], $0x2FFFF;
	_ =	strace $0x9FFFFFFF  }
0xc6: {  	(tm) =	ssettm $0x7FFFFFFF  }
0xc7: {  	_ =	shalt  }
tec
execute0_lowered:
.L_overlay_start_1:
0x0: {  	(tag) =	ssettag $0x1  }
0x1: {  	s1 =	rddreg [dreg:$0x0]  }
0x2: {  	s0 =	rddreg [dreg:$0x1]  }
0x3: {  	s2 =	rddreg [dreg:$0x2]  }
0x4: {  	s3 =	rddreg [dreg:$0x3]  }
0x5: {  	s4 =	rddreg [dreg:$0x4]  }
0x6: {  	s16 =	stileid.u32;
	s31 =	simm.s32 $0x0;
	s6 =	srdreg.scid  }
0x7: {  	s15 =	simm.s32 $0xB40;
	s17 =	simm.s32 $0x3340;
	s5 =	smul.u32 $0x13880, s16  }
0x8: {  	s29 =	simm.s32 $0x4;
	s30 =	simm.s32 $0x7;
	s7 =	smul.u32 $0x271, s16  }
0x9: {  	s28 =	simm.s32 $0x870;
	[smem:$0x7FF] =	sst s31;
	s14 =	smul.u32 $0x2710, s16  }
0xa: {  	s6 =	sand.u32 $0x1, s6;
	s9 =	sadd.s32 $0x2C00, s0;
	s21 =	smul.u32 $0x9C4, s16  }
0xb: {  	_ =	strace $0x80000047;
	s8 =	smul.u32 $0x2710, s6;
	s11 =	sshll.u32 s6, $0x4  }
0xc: {  	s12 =	ssub.s32 $0x2, s6;
	s18 =	smul.u32 $0x9C40, s6;
	s6 =	simm.s32 $0x5  }
0xd: {  	s10 =	sshrl.u32 s5, $0x3;
	s22 =	sor.u32 s16, s11;
	s13 =	sshrl.u32 s12, $0x1  }
0xe: {  	s25 =	sadd.s32 s14, s3;
	s26 =	sshrl.u32 s14, $0x3;
	s14 =	simm.s32 $0x50  }
0xf: {  	s10 =	sadd.s32 s10, s0;
	s7 =	sadd.s32 s7, s8;
	s8 =	smul.u32 $0x9C4, s22  }
0x10: {  	s24 =	ssub.s32 s12, s13;
	s2 =	sadd.s32 s2, s26;
	s13 =	sadd.s32 s5, s4  }
0x11: {  	s25 =	sshrl.u32 s25, $0x3;
	s5 =	simm.s32 $0x0;
	s23 =	sshll.u32 s7, $0x4  }
0x12: {  	s7 =	sshll.u32 s7, $0x1;
	[dreg:$0x7] =	wrdreg s2;
	s19 =	sadd.s32 $0x16600, s10  }
0x13: {  	s22 =	smax.u32 s24, $0x1;
	s24 =	sshll.u32 s16, $0x6;
	[dreg:$0xd] =	wrdreg s25  }
0x14: {  	s26 =	sshrl.u32 s13, $0x3;
	s10 =	simm.s32 $0x6;
	s25 =	simm.s32 $0x7D0  }
0x15: {  	s2 =	simm.s32 $0x910;
	s13 =	simm.s32 $0xA;
	s11 =	sadd.s32 s23, s0  }
0x16: {  	s0 =	sadd.s32 s7, s0;
	s8 =	sadd.s32 s9, s8;
	[dreg:$0x8] =	wrdreg s19  }
0x17: {  	[dreg:$0xb] =	wrdreg s22;
	s23 =	sadd.s32 s18, s9;
	s18 =	simm.s32 $0xC  }
0x18: {  	[dreg:$0xe] =	wrdreg s26;
	s22 =	simm.s32 $0x8340;
	s26 =	simm.s32 $0x2  }
0x19: {  	s7 =	simm.s32 $0x8;
	s9 =	simm.s32 $0x9B0;
	[dreg:$0x6] =	wrdreg s8  }
.Ltmp0:
0x1a: {  	s20 =	sadd.s32 $0x47600, s11;
	s0 =	sadd.s32 $0x3D800, s0;
	(pc) =	sbr.rel .LBB2_1-.Ltmp0, $4  }
0x1b: {  	s12 =	sadd.s32 s21, s23;
	s21 =	simm.s32 $0x1;
	s11 =	simm.s32 $0x9  }
0x1c: {  	s8 =	simm.s32 $0xB;
	s23 =	simm.s32 $0xAF0;
	[dreg:$0x9] =	wrdreg s20  }
0x1d: {  	[dreg:$0xa] =	wrdreg s0;
	s0 =	sor.u32 $0x1C0C, s24;
	s24 =	simm.s32 $0x5B40  }
0x1e: {  	v0 =	vimm.f32 $1.000000000e+00;
	s20 =	simm.s32 $0xA50;
	[dreg:$0xc] =	wrdreg s0;
	s0 =	simm.s32 $0x3  }
.LBB2_6:
0x1f: {  	_ =	swait.ge [sflag:s26], $0x2800  }
0x20: {  	[sflag:s26] =	ssyncset.done $0x0  }
0x21: {  	[sflag:s26] =	ssyncadd.s32 $0xFFFFD800  }
0x22: {  	[spmem:s4] =	stream.indirect.scatter.add.f32 [tilespmem:s17], [sflag:$0x5], $0x80, s20, s14, $0xb8;
	[tilespmem:$0x1E7D0] =	vst v63  }
0x23: {  	_ = 	snop  }
0x24: {  	[spmem:s3] =	stream.indirect.scatter.add.f32 [tilespmem:s22], [sflag:$0x8], $0x10, s20, s14, $0xb8;
	[tilespmem:$0x1E7D0] =	vst v63  }
0x25: {  	_ =	swait.ge [sflag:s29], $0x2800  }
0x26: {  	[sflag:s29] =	ssyncset.done $0x0  }
0x27: {  	[sflag:s29] =	ssyncadd.s32 $0xFFFFD800  }
0x28: {  	_ =	swait.ge [sflag:s30], $0x500  }
0x29: {  	[sflag:s30] =	ssyncset.done $0x0  }
0x2a: {  	[sflag:s30] =	ssyncadd.s32 $0xFFFFFB00  }
0x2b: {  	_ =	swait.ge [sflag:s6], $0x2800  }
0x2c: {  	[sflag:s6] =	ssyncset.done $0x0  }
0x2d: {  	[sflag:s6] =	ssyncadd.s32 $0xFFFFD800  }
0x2e: {  	_ =	swait.ge [sflag:s7], $0x500  }
0x2f: {  	[sflag:s7] =	ssyncset.done $0x0  }
0x30: {  	[sflag:s7] =	ssyncadd.s32 $0xFFFFFB00  }
0x31: {  	_ =	swait.ge [sflag:s10], $0x2800  }
0x32: {  	[sflag:s10] =	ssyncset.done $0x0  }
0x33: {  	[sflag:s10] =	ssyncadd.s32 $0xFFFFD800  }
0x34: {  	_ =	swait.ge [sflag:s11], $0x500  }
0x35: {  	[sflag:s11] =	ssyncset.done $0x0  }
0x36: {  	[sflag:s11] =	ssyncadd.s32 $0xFFFFFB00  }
0x37: {  	[bflag:$0x0] =	sbarrier.arrive $0xFFFF  }
0x38: {  	s16 =	rddreg [dreg:$0x9]  }
0x39: {  	s19 =	rddreg [dreg:$0xc]  }
0x3a: {  	s18 =	simm.s32 $0xC;
	s5 =	rddreg [dreg:$0xe]  }
0x3b: {  	[hbm:s16], [sflag:s19] =	dma.local [spmem:s5], $0x2710  }
0x3c: {  	_ =	swait.ge [sflag:s18], $0x2710  }
0x3d: {  	[sflag:s18] =	ssyncset.done $0x0;
	s5 =	rddreg [dreg:$0xa]  }
0x3e: {  	s31 =	rddreg [dreg:$0xd];
	[sflag:s18] =	ssyncadd.s32 $0xFFFFD8F0  }
0x3f: {  	[hbm:s5], [sflag:s19] =	dma.local [spmem:s31], $0x4E2  }
0x40: {  	_ =	swait.ge [sflag:s18], $0x4E2  }
0x41: {  	s16 =	rddreg [dreg:$0xf]  }
0x42: {  	s19 =	rddreg [dreg:$0xb];
	s5 =	sadd.s32 $0x1, s16  }
0x43: {  	p0 =	sne.s32 s5, s19  }
.Ltmp1:
0x44: {  	_ = 	snop;
	(pc) =	sbr.rel @!p0 .LBB2_7-.Ltmp1, $3  }
0x45: {  	_ =	sdelay $0x1  }
0x46: {  	[sflag:s18] =	ssyncset.done $0x0  }
0x47: {  	s31 =	simm.s32 $0x0;
	[sflag:s18] =	ssyncadd.s32 $0xFFFFFB1E  }
.LBB2_1:
0x48: {  	[dreg:$0xf] =	wrdreg s5  }
0x49: {  	s16 =	rddreg [dreg:$0x6]  }
0x4a: {  	[tilespmem:s31], [sflag:$0xC] =	stream.linear.gather [hbm4b:s16+s31], $0x5A0, $0x38;
	[tilespmem:$0x1E7D0] =	vst v63  }
0x4b: {  	_ =	swait.ge [sflag:s18], $0x5A0  }
0x4c: {  	[sflag:s18] =	ssyncset.done $0x0  }
0x4d: {  	[sflag:s18] =	ssyncadd.s32 $0xFFFFFA60  }
0x4e: {  	[tilespmem:s15], [sflag:$0x1] =	stream.indirect.gather [hbm4b:s1+s14], $0x80, s31, s14, $0xb8;
	[tilespmem:$0x1E7D0] =	vst v63  }
0x4f: {  	s19 =	simm.s32 $0xA0  }
0x50: {  	[tilespmem:s17], [sflag:$0x2] =	stream.indirect.gather [hbm4b:s1+s14], $0x80, s19, s14, $0xb8;
	[tilespmem:$0x1E7D0] =	vst v63  }
0x51: {  	s18 =	simm.s32 $0x0;
	s19 =	simm.s32 $0x40  }
.LBB2_2:
0x52: {  	p0 =	sne.s32 s19, $0x13C0;
	[tilespmem:s18+$0x8340] =	vst v0;
	s18 =	smov.u32 s19;
	s19 =	sadd.s32 $0x40, s19  }
.Ltmp2:
0x53: {  	(pc) =	sbr.rel @p0 .LBB2_2-.Ltmp2, $2  }
0x54: {  	_ =	sdelay $0x2  }
0x55: {  	s18 =	sshra.s32 s18, $0x2  }
0x56: {  	s16 =	rddreg [dreg:$0x7]  }
0x57: {  	s19 =	rddreg [dreg:$0xc]  }
0x58: {  	[tilespmem:s18+$0x8340] =	vst v0;
	s5 =	rddreg [dreg:$0xd];
	s18 =	simm.s32 $0xC  }
0x59: {  	[spmem:s5], [sflag:s19] =	dma.local [hbm:s16], $0x4E2  }
0x5a: {  	_ =	swait.ge [sflag:s18], $0x4E2  }
0x5b: {  	[sflag:s18] =	ssyncset.done $0x0;
	s16 =	rddreg [dreg:$0x8]  }
0x5c: {  	s5 =	rddreg [dreg:$0xe];
	[sflag:s18] =	ssyncadd.s32 $0xFFFFFB1E  }
0x5d: {  	[spmem:s5], [sflag:s19] =	dma.local [hbm:s16], $0x2710  }
0x5e: {  	_ =	swait.ge [sflag:s18], $0x2710  }
0x5f: {  	[sflag:s18] =	ssyncset.done $0x0  }
0x60: {  	[sflag:s18] =	ssyncadd.s32 $0xFFFFD8F0  }
0x61: {  	s19 =	simm.s32 $0x0;
	s5 =	simm.s32 $0x140;
	[bflag:$0x0] =	sbarrier.arrive $0xFFFF  }
.LBB2_4:
0x62: {  	_ =	swait.ge [sflag:s21], $0x2800  }
0x63: {  	[sflag:s21] =	ssyncset.done $0x0  }
0x64: {  	p0 =	seq.s32 s19, $0x0;
	[sflag:s21] =	ssyncadd.s32 $0xFFFFD800  }
0x65: {  	[spmem:s4] =	stream.indirect.scatter.add.f32 [tilespmem:s15], [sflag:$0x4], $0x80, s14, s14, $0xb8;
	[tilespmem:$0x1E7D0] =	vst v63  }
0x66: {  	s18 =	simm.s32 @!p0 $0x6  }
0x67: {  	[spmem:s3] =	stream.indirect.scatter.add.f32 [tilespmem:s22], [sflag:$0x7], $0x10, s14, s14, $0xb8;
	[tilespmem:$0x1E7D0] =	vst v63  }
0x68: {  	_ =	swait.ge @!p0 [sflag:s18], $0x2800  }
0x69: {  	[sflag:s18] =	ssyncset.done @!p0 $0x0  }
0x6a: {  	[sflag:s18] =	ssyncadd.s32 @!p0 $0xFFFFD800;
	s18 =	simm.s32 @!p0 $0x9  }
0x6b: {  	_ =	swait.ge @!p0 [sflag:s18], $0x500  }
0x6c: {  	[sflag:s18] =	ssyncset.done @!p0 $0x0  }
0x6d: {  	s16 =	sadd.s32 s19, s12;
	[sflag:s18] =	ssyncadd.s32 @!p0 $0xFFFFFB00  }
0x6e: {  	[tilespmem:s24], [sflag:$0x3] =	stream.indirect.gather [hbm4b:s1+s14], $0x80, s5, s14, $0xb8;
	[tilespmem:$0x1E7D0] =	vst v63  }
0x6f: {  	s18 =	sadd.s32 $0xB4, s16;
	s16 =	simm.s32 $0x5A0  }
0x70: {  	[tilespmem:s16], [sflag:$0xB] =	stream.linear.gather [hbm4b:s18+s31], $0x5A0, $0x38;
	[tilespmem:$0x1E7D0] =	vst v63  }
0x71: {  	_ =	swait.ge [sflag:s26], $0x2800  }
0x72: {  	[sflag:s26] =	ssyncset.done $0x0  }
0x73: {  	s31 =	simm.s32 $0xF0;
	[sflag:s26] =	ssyncadd.s32 $0xFFFFD800  }
0x74: {  	[spmem:s4] =	stream.indirect.scatter.add.f32 [tilespmem:s17], [sflag:$0x5], $0x80, s31, s14, $0xb8;
	[tilespmem:$0x1E7D0] =	vst v63  }
0x75: {  	_ = 	snop  }
0x76: {  	[spmem:s3] =	stream.indirect.scatter.add.f32 [tilespmem:s22], [sflag:$0x8], $0x10, s31, s14, $0xb8;
	[tilespmem:$0x1E7D0] =	vst v63  }
0x77: {  	_ =	swait.ge [sflag:s29], $0x2800  }
0x78: {  	[sflag:s29] =	ssyncset.done $0x0  }
0x79: {  	[sflag:s29] =	ssyncadd.s32 $0xFFFFD800  }
0x7a: {  	_ =	swait.ge [sflag:s30], $0x500  }
0x7b: {  	[sflag:s30] =	ssyncset.done $0x0  }
0x7c: {  	s31 =	simm.s32 $0x1E0;
	[sflag:s30] =	ssyncadd.s32 $0xFFFFFB00  }
0x7d: {  	[tilespmem:s15], [sflag:$0x1] =	stream.indirect.gather [hbm4b:s1+s14], $0x80, s31, s14, $0xb8;
	[tilespmem:$0x1E7D0] =	vst v63  }
0x7e: {  	_ =	swait.ge [sflag:s0], $0x2800  }
0x7f: {  	[sflag:s0] =	ssyncset.done $0x0  }
0x80: {  	s31 =	simm.s32 $0x190;
	[sflag:s0] =	ssyncadd.s32 $0xFFFFD800  }
0x81: {  	[spmem:s4] =	stream.indirect.scatter.add.f32 [tilespmem:s24], [sflag:$0x6], $0x80, s31, s14, $0xb8;
	[tilespmem:$0x1E7D0] =	vst v63  }
0x82: {  	_ = 	snop  }
0x83: {  	[spmem:s3] =	stream.indirect.scatter.add.f32 [tilespmem:s22], [sflag:$0x9], $0x10, s31, s14, $0xb8;
	[tilespmem:$0x1E7D0] =	vst v63  }
0x84: {  	_ =	swait.ge [sflag:s6], $0x2800  }
0x85: {  	[sflag:s6] =	ssyncset.done $0x0  }
0x86: {  	[sflag:s6] =	ssyncadd.s32 $0xFFFFD800  }
0x87: {  	_ =	swait.ge [sflag:s7], $0x500  }
0x88: {  	[sflag:s7] =	ssyncset.done $0x0  }
0x89: {  	s31 =	simm.s32 $0x280;
	[sflag:s7] =	ssyncadd.s32 $0xFFFFFB00  }
0x8a: {  	[tilespmem:s17], [sflag:$0x2] =	stream.indirect.gather [hbm4b:s1+s14], $0x80, s31, s14, $0xb8;
	[tilespmem:$0x1E7D0] =	vst v63  }
0x8b: {  	_ =	swait.ge [sflag:s21], $0x2800  }
0x8c: {  	[sflag:s21] =	ssyncset.done $0x0  }
0x8d: {  	s31 =	simm.s32 $0x230;
	[sflag:s21] =	ssyncadd.s32 $0xFFFFD800  }
0x8e: {  	[spmem:s4] =	stream.indirect.scatter.add.f32 [tilespmem:s15], [sflag:$0x4], $0x80, s31, s14, $0xb8;
	[tilespmem:$0x1E7D0] =	vst v63  }
0x8f: {  	_ = 	snop  }
0x90: {  	[spmem:s3] =	stream.indirect.scatter.add.f32 [tilespmem:s22], [sflag:$0x7], $0x10, s31, s14, $0xb8;
	[tilespmem:$0x1E7D0] =	vst v63  }
0x91: {  	_ =	swait.ge [sflag:s10], $0x2800  }
0x92: {  	[sflag:s10] =	ssyncset.done $0x0  }
0x93: {  	[sflag:s10] =	ssyncadd.s32 $0xFFFFD800  }
0x94: {  	_ =	swait.ge [sflag:s11], $0x500  }
0x95: {  	[sflag:s11] =	ssyncset.done $0x0  }
0x96: {  	s31 =	simm.s32 $0x320;
	[sflag:s11] =	ssyncadd.s32 $0xFFFFFB00  }
0x97: {  	[tilespmem:s24], [sflag:$0x3] =	stream.indirect.gather [hbm4b:s1+s14], $0x80, s31, s14, $0xb8;
	[tilespmem:$0x1E7D0] =	vst v63  }
0x98: {  	_ =	swait.ge [sflag:s26], $0x2800  }
0x99: {  	[sflag:s26] =	ssyncset.done $0x0  }
0x9a: {  	s31 =	simm.s32 $0x2D0;
	[sflag:s26] =	ssyncadd.s32 $0xFFFFD800  }
0x9b: {  	[spmem:s4] =	stream.indirect.scatter.add.f32 [tilespmem:s17], [sflag:$0x5], $0x80, s31, s14, $0xb8;
	[tilespmem:$0x1E7D0] =	vst v63  }
0x9c: {  	_ = 	snop  }
0x9d: {  	[spmem:s3] =	stream.indirect.scatter.add.f32 [tilespmem:s22], [sflag:$0x8], $0x10, s31, s14, $0xb8;
	[tilespmem:$0x1E7D0] =	vst v63  }
0x9e: {  	_ =	swait.ge [sflag:s29], $0x2800  }
0x9f: {  	[sflag:s29] =	ssyncset.done $0x0  }
0xa0: {  	[sflag:s29] =	ssyncadd.s32 $0xFFFFD800  }
0xa1: {  	_ =	swait.ge [sflag:s30], $0x500  }
0xa2: {  	[sflag:s30] =	ssyncset.done $0x0  }
0xa3: {  	s31 =	simm.s32 $0x3C0;
	[sflag:s30] =	ssyncadd.s32 $0xFFFFFB00  }
0xa4: {  	[tilespmem:s15], [sflag:$0x1] =	stream.indirect.gather [hbm4b:s1+s14], $0x80, s31, s14, $0xb8;
	[tilespmem:$0x1E7D0] =	vst v63  }
0xa5: {  	_ =	swait.ge [sflag:s0], $0x2800  }
0xa6: {  	[sflag:s0] =	ssyncset.done $0x0  }
0xa7: {  	s31 =	simm.s32 $0x370;
	[sflag:s0] =	ssyncadd.s32 $0xFFFFD800  }
0xa8: {  	[spmem:s4] =	stream.indirect.scatter.add.f32 [tilespmem:s24], [sflag:$0x6], $0x80, s31, s14, $0xb8;
	[tilespmem:$0x1E7D0] =	vst v63  }
0xa9: {  	_ = 	snop  }
0xaa: {  	[spmem:s3] =	stream.indirect.scatter.add.f32 [tilespmem:s22], [sflag:$0x9], $0x10, s31, s14, $0xb8;
	[tilespmem:$0x1E7D0] =	vst v63  }
0xab: {  	_ =	swait.ge [sflag:s6], $0x2800  }
0xac: {  	[sflag:s6] =	ssyncset.done $0x0  }
0xad: {  	[sflag:s6] =	ssyncadd.s32 $0xFFFFD800  }
0xae: {  	_ =	swait.ge [sflag:s7], $0x500  }
0xaf: {  	[sflag:s7] =	ssyncset.done $0x0  }
0xb0: {  	s31 =	simm.s32 $0x460;
	[sflag:s7] =	ssyncadd.s32 $0xFFFFFB00  }
0xb1: {  	[tilespmem:s17], [sflag:$0x2] =	stream.indirect.gather [hbm4b:s1+s14], $0x80, s31, s14, $0xb8;
	[tilespmem:$0x1E7D0] =	vst v63  }
0xb2: {  	_ =	swait.ge [sflag:s21], $0x2800  }
0xb3: {  	[sflag:s21] =	ssyncset.done $0x0  }
0xb4: {  	s31 =	simm.s32 $0x410;
	[sflag:s21] =	ssyncadd.s32 $0xFFFFD800  }
0xb5: {  	[spmem:s4] =	stream.indirect.scatter.add.f32 [tilespmem:s15], [sflag:$0x4], $0x80, s31, s14, $0xb8;
	[tilespmem:$0x1E7D0] =	vst v63  }
0xb6: {  	_ = 	snop  }
0xb7: {  	[spmem:s3] =	stream.indirect.scatter.add.f32 [tilespmem:s22], [sflag:$0x7], $0x10, s31, s14, $0xb8;
	[tilespmem:$0x1E7D0] =	vst v63  }
0xb8: {  	_ =	swait.ge [sflag:s10], $0x2800  }
0xb9: {  	[sflag:s10] =	ssyncset.done $0x0  }
0xba: {  	[sflag:s10] =	ssyncadd.s32 $0xFFFFD800  }
0xbb: {  	_ =	swait.ge [sflag:s11], $0x500  }
0xbc: {  	[sflag:s11] =	ssyncset.done $0x0  }
0xbd: {  	s31 =	simm.s32 $0x500;
	[sflag:s11] =	ssyncadd.s32 $0xFFFFFB00  }
0xbe: {  	[tilespmem:s24], [sflag:$0x3] =	stream.indirect.gather [hbm4b:s1+s14], $0x80, s31, s14, $0xb8;
	[tilespmem:$0x1E7D0] =	vst v63  }
0xbf: {  	_ =	swait.ge [sflag:s8], $0x5A0  }
0xc0: {  	[sflag:s8] =	ssyncset.done $0x0  }
0xc1: {  	[sflag:s8] =	ssyncadd.s32 $0xFFFFFA60  }
0xc2: {  	_ =	swait.ge [sflag:s26], $0x2800  }
0xc3: {  	[sflag:s26] =	ssyncset.done $0x0  }
0xc4: {  	s31 =	simm.s32 $0x4B0;
	[sflag:s26] =	ssyncadd.s32 $0xFFFFD800  }
0xc5: {  	[spmem:s4] =	stream.indirect.scatter.add.f32 [tilespmem:s17], [sflag:$0x5], $0x80, s31, s14, $0xb8;
	[tilespmem:$0x1E7D0] =	vst v63  }
0xc6: {  	_ = 	snop  }
0xc7: {  	[spmem:s3] =	stream.indirect.scatter.add.f32 [tilespmem:s22], [sflag:$0x8], $0x10, s31, s14, $0xb8;
	[tilespmem:$0x1E7D0] =	vst v63  }
0xc8: {  	_ =	swait.ge [sflag:s29], $0x2800  }
0xc9: {  	[sflag:s29] =	ssyncset.done $0x0  }
0xca: {  	[sflag:s29] =	ssyncadd.s32 $0xFFFFD800  }
0xcb: {  	_ =	swait.ge [sflag:s30], $0x500  }
0xcc: {  	[sflag:s30] =	ssyncset.done $0x0  }
0xcd: {  	[sflag:s30] =	ssyncadd.s32 $0xFFFFFB00  }
0xce: {  	[tilespmem:s15], [sflag:$0x1] =	stream.indirect.gather [hbm4b:s1+s14], $0x80, s16, s14, $0xb8;
	[tilespmem:$0x1E7D0] =	vst v63  }
0xcf: {  	_ =	swait.ge [sflag:s0], $0x2800  }
0xd0: {  	[sflag:s0] =	ssyncset.done $0x0  }
0xd1: {  	s31 =	simm.s32 $0x550;
	[sflag:s0] =	ssyncadd.s32 $0xFFFFD800  }
0xd2: {  	[spmem:s4] =	stream.indirect.scatter.add.f32 [tilespmem:s24], [sflag:$0x6], $0x80, s31, s14, $0xb8;
	[tilespmem:$0x1E7D0] =	vst v63  }
0xd3: {  	_ = 	snop  }
0xd4: {  	[spmem:s3] =	stream.indirect.scatter.add.f32 [tilespmem:s22], [sflag:$0x9], $0x10, s31, s14, $0xb8;
	[tilespmem:$0x1E7D0] =	vst v63  }
0xd5: {  	_ =	swait.ge [sflag:s6], $0x2800  }
0xd6: {  	[sflag:s6] =	ssyncset.done $0x0  }
0xd7: {  	[sflag:s6] =	ssyncadd.s32 $0xFFFFD800  }
0xd8: {  	_ =	swait.ge [sflag:s7], $0x500  }
0xd9: {  	[sflag:s7] =	ssyncset.done $0x0  }
0xda: {  	s18 =	simm.s32 $0x640;
	[sflag:s7] =	ssyncadd.s32 $0xFFFFFB00  }
0xdb: {  	[tilespmem:s17], [sflag:$0x2] =	stream.indirect.gather [hbm4b:s1+s14], $0x80, s18, s14, $0xb8;
	[tilespmem:$0x1E7D0] =	vst v63  }
0xdc: {  	_ =	swait.ge [sflag:s21], $0x2800  }
0xdd: {  	[sflag:s21] =	ssyncset.done $0x0  }
0xde: {  	s31 =	simm.s32 $0x5F0;
	[sflag:s21] =	ssyncadd.s32 $0xFFFFD800  }
0xdf: {  	[spmem:s4] =	stream.indirect.scatter.add.f32 [tilespmem:s15], [sflag:$0x4], $0x80, s31, s14, $0xb8;
	[tilespmem:$0x1E7D0] =	vst v63  }
0xe0: {  	_ = 	snop  }
0xe1: {  	[spmem:s3] =	stream.indirect.scatter.add.f32 [tilespmem:s22], [sflag:$0x7], $0x10, s31, s14, $0xb8;
	[tilespmem:$0x1E7D0] =	vst v63  }
0xe2: {  	_ =	swait.ge [sflag:s10], $0x2800  }
0xe3: {  	[sflag:s10] =	ssyncset.done $0x0  }
0xe4: {  	[sflag:s10] =	ssyncadd.s32 $0xFFFFD800  }
0xe5: {  	_ =	swait.ge [sflag:s11], $0x500  }
0xe6: {  	[sflag:s11] =	ssyncset.done $0x0  }
0xe7: {  	p0 =	seq.s32 s19, $0x870;
	s18 =	simm.s32 $0x6E0;
	[sflag:s11] =	ssyncadd.s32 $0xFFFFFB00  }
0xe8: {  	[tilespmem:s24], [sflag:$0x3] =	stream.indirect.gather [hbm4b:s1+s14], $0x80, s18, s14, $0xb8;
	[tilespmem:$0x1E7D0] =	vst v63  }
0xe9: {  	s18 =	sadd.s32 @!p0 s19, s12  }
0xea: {  	s31 =	simm.s32 @!p0 $0x0;
	s18 =	sadd.s32 @!p0 $0x168, s18  }
0xeb: {  	[tilespmem:s31], [sflag:$0xA] =	stream.linear.gather @!p0 [hbm4b:s18+s31], $0x5A0, $0x38;
	[tilespmem:$0x1E7D0] =	vst v63  }
0xec: {  	_ =	swait.ge [sflag:s26], $0x2800  }
0xed: {  	[sflag:s26] =	ssyncset.done $0x0  }
0xee: {  	s31 =	simm.s32 $0x690;
	[sflag:s26] =	ssyncadd.s32 $0xFFFFD800  }
0xef: {  	[spmem:s4] =	stream.indirect.scatter.add.f32 [tilespmem:s17], [sflag:$0x5], $0x80, s31, s14, $0xb8;
	[tilespmem:$0x1E7D0] =	vst v63  }
0xf0: {  	_ = 	snop  }
0xf1: {  	[spmem:s3] =	stream.indirect.scatter.add.f32 [tilespmem:s22], [sflag:$0x8], $0x10, s31, s14, $0xb8;
	[tilespmem:$0x1E7D0] =	vst v63  }
0xf2: {  	_ =	swait.ge [sflag:s29], $0x2800  }
0xf3: {  	[sflag:s29] =	ssyncset.done $0x0  }
0xf4: {  	[sflag:s29] =	ssyncadd.s32 $0xFFFFD800  }
0xf5: {  	_ =	swait.ge [sflag:s30], $0x500  }
0xf6: {  	[sflag:s30] =	ssyncset.done $0x0  }
0xf7: {  	s31 =	simm.s32 $0x780;
	[sflag:s30] =	ssyncadd.s32 $0xFFFFFB00  }
0xf8: {  	[tilespmem:s15], [sflag:$0x1] =	stream.indirect.gather [hbm4b:s1+s14], $0x80, s31, s14, $0xb8;
	[tilespmem:$0x1E7D0] =	vst v63  }
0xf9: {  	_ =	swait.ge [sflag:s0], $0x2800  }
0xfa: {  	[sflag:s0] =	ssyncset.done $0x0  }
0xfb: {  	s31 =	simm.s32 $0x730;
	[sflag:s0] =	ssyncadd.s32 $0xFFFFD800  }
0xfc: {  	[spmem:s4] =	stream.indirect.scatter.add.f32 [tilespmem:s24], [sflag:$0x6], $0x80, s31, s14, $0xb8;
	[tilespmem:$0x1E7D0] =	vst v63  }
0xfd: {  	_ = 	snop  }
0xfe: {  	[spmem:s3] =	stream.indirect.scatter.add.f32 [tilespmem:s22], [sflag:$0x9], $0x10, s31, s14, $0xb8;
	[tilespmem:$0x1E7D0] =	vst v63  }
0xff: {  	_ =	swait.ge [sflag:s6], $0x2800  }
0x100: {  	[sflag:s6] =	ssyncset.done $0x0  }
0x101: {  	[sflag:s6] =	ssyncadd.s32 $0xFFFFD800  }
0x102: {  	_ =	swait.ge [sflag:s7], $0x500  }
0x103: {  	[sflag:s7] =	ssyncset.done $0x0  }
0x104: {  	s31 =	simm.s32 $0x820;
	[sflag:s7] =	ssyncadd.s32 $0xFFFFFB00  }
0x105: {  	[tilespmem:s17], [sflag:$0x2] =	stream.indirect.gather [hbm4b:s1+s14], $0x80, s31, s14, $0xb8;
	[tilespmem:$0x1E7D0] =	vst v63  }
0x106: {  	_ =	swait.ge [sflag:s21], $0x2800  }
0x107: {  	[sflag:s21] =	ssyncset.done $0x0  }
0x108: {  	[sflag:s21] =	ssyncadd.s32 $0xFFFFD800  }
0x109: {  	[spmem:s4] =	stream.indirect.scatter.add.f32 [tilespmem:s15], [sflag:$0x4], $0x80, s25, s14, $0xb8;
	[tilespmem:$0x1E7D0] =	vst v63  }
0x10a: {  	_ = 	snop  }
0x10b: {  	[spmem:s3] =	stream.indirect.scatter.add.f32 [tilespmem:s22], [sflag:$0x7], $0x10, s25, s14, $0xb8;
	[tilespmem:$0x1E7D0] =	vst v63  }
0x10c: {  	_ =	swait.ge [sflag:s10], $0x2800  }
0x10d: {  	[sflag:s10] =	ssyncset.done $0x0  }
0x10e: {  	[sflag:s10] =	ssyncadd.s32 $0xFFFFD800  }
0x10f: {  	_ =	swait.ge [sflag:s11], $0x500  }
0x110: {  	[sflag:s11] =	ssyncset.done $0x0  }
0x111: {  	s31 =	simm.s32 $0x8C0;
	[sflag:s11] =	ssyncadd.s32 $0xFFFFFB00  }
0x112: {  	[tilespmem:s24], [sflag:$0x3] =	stream.indirect.gather [hbm4b:s1+s14], $0x80, s31, s14, $0xb8;
	[tilespmem:$0x1E7D0] =	vst v63  }
0x113: {  	_ =	swait.ge [sflag:s26], $0x2800  }
0x114: {  	[sflag:s26] =	ssyncset.done $0x0  }
0x115: {  	[sflag:s26] =	ssyncadd.s32 $0xFFFFD800  }
0x116: {  	[spmem:s4] =	stream.indirect.scatter.add.f32 [tilespmem:s17], [sflag:$0x5], $0x80, s28, s14, $0xb8;
	[tilespmem:$0x1E7D0] =	vst v63  }
0x117: {  	_ = 	snop  }
0x118: {  	[spmem:s3] =	stream.indirect.scatter.add.f32 [tilespmem:s22], [sflag:$0x8], $0x10, s28, s14, $0xb8;
	[tilespmem:$0x1E7D0] =	vst v63  }
0x119: {  	_ =	swait.ge [sflag:s29], $0x2800  }
0x11a: {  	[sflag:s29] =	ssyncset.done $0x0  }
0x11b: {  	[sflag:s29] =	ssyncadd.s32 $0xFFFFD800  }
0x11c: {  	_ =	swait.ge [sflag:s30], $0x500  }
0x11d: {  	[sflag:s30] =	ssyncset.done $0x0  }
0x11e: {  	s31 =	simm.s32 $0x960;
	[sflag:s30] =	ssyncadd.s32 $0xFFFFFB00  }
0x11f: {  	[tilespmem:s15], [sflag:$0x1] =	stream.indirect.gather [hbm4b:s1+s14], $0x80, s31, s14, $0xb8;
	[tilespmem:$0x1E7D0] =	vst v63  }
0x120: {  	_ =	swait.ge [sflag:s0], $0x2800  }
0x121: {  	[sflag:s0] =	ssyncset.done $0x0  }
0x122: {  	[sflag:s0] =	ssyncadd.s32 $0xFFFFD800  }
0x123: {  	[spmem:s4] =	stream.indirect.scatter.add.f32 [tilespmem:s24], [sflag:$0x6], $0x80, s2, s14, $0xb8;
	[tilespmem:$0x1E7D0] =	vst v63  }
0x124: {  	_ = 	snop  }
0x125: {  	[spmem:s3] =	stream.indirect.scatter.add.f32 [tilespmem:s22], [sflag:$0x9], $0x10, s2, s14, $0xb8;
	[tilespmem:$0x1E7D0] =	vst v63  }
0x126: {  	_ =	swait.ge [sflag:s6], $0x2800  }
0x127: {  	[sflag:s6] =	ssyncset.done $0x0  }
0x128: {  	[sflag:s6] =	ssyncadd.s32 $0xFFFFD800  }
0x129: {  	_ =	swait.ge [sflag:s7], $0x500  }
0x12a: {  	[sflag:s7] =	ssyncset.done $0x0  }
0x12b: {  	s31 =	simm.s32 $0xA00;
	[sflag:s7] =	ssyncadd.s32 $0xFFFFFB00  }
0x12c: {  	[tilespmem:s17], [sflag:$0x2] =	stream.indirect.gather [hbm4b:s1+s14], $0x80, s31, s14, $0xb8;
	[tilespmem:$0x1E7D0] =	vst v63  }
0x12d: {  	_ =	swait.ge [sflag:s21], $0x2800  }
.Ltmp3:
0x12e: {  	[sflag:s21] =	ssyncset.done $0x0;
	(pc) =	sbr.rel @p0 .LBB2_6-.Ltmp3, $4  }
0x12f: {  	[sflag:s21] =	ssyncadd.s32 $0xFFFFD800  }
0x130: {  	[spmem:s4] =	stream.indirect.scatter.add.f32 [tilespmem:s15], [sflag:$0x4], $0x80, s9, s14, $0xb8;
	[tilespmem:$0x1E7D0] =	vst v63  }
0x131: {  	s16 =	simm.s32 $0x0  }
0x132: {  	[spmem:s3] =	stream.indirect.scatter.add.f32 [tilespmem:s22], [sflag:$0x7], $0x10, s9, s14, $0xb8;
	[tilespmem:$0x1E7D0] =	vst v63  }
0x133: {  	_ =	swait.ge [sflag:s10], $0x2800  }
0x134: {  	[sflag:s10] =	ssyncset.done $0x0  }
0x135: {  	[sflag:s10] =	ssyncadd.s32 $0xFFFFD800  }
0x136: {  	_ =	swait.ge [sflag:s11], $0x500  }
0x137: {  	[sflag:s11] =	ssyncset.done $0x0  }
0x138: {  	s18 =	simm.s32 $0xAA0;
	[sflag:s11] =	ssyncadd.s32 $0xFFFFFB00  }
0x139: {  	[tilespmem:s24], [sflag:$0x3] =	stream.indirect.gather [hbm4b:s1+s14], $0x80, s18, s14, $0xb8;
	[tilespmem:$0x1E7D0] =	vst v63  }
0x13a: {  	_ =	swait.ge [sflag:s13], $0x5A0  }
0x13b: {  	[sflag:s13] =	ssyncset.done $0x0  }
0x13c: {  	[sflag:s13] =	ssyncadd.s32 $0xFFFFFA60  }
0x13d: {  	_ =	swait.ge [sflag:s26], $0x2800  }
0x13e: {  	[sflag:s26] =	ssyncset.done $0x0  }
0x13f: {  	[sflag:s26] =	ssyncadd.s32 $0xFFFFD800  }
0x140: {  	[spmem:s4] =	stream.indirect.scatter.add.f32 [tilespmem:s17], [sflag:$0x5], $0x80, s20, s14, $0xb8;
	[tilespmem:$0x1E7D0] =	vst v63  }
0x141: {  	_ = 	snop  }
0x142: {  	[spmem:s3] =	stream.indirect.scatter.add.f32 [tilespmem:s22], [sflag:$0x8], $0x10, s20, s14, $0xb8;
	[tilespmem:$0x1E7D0] =	vst v63  }
0x143: {  	_ =	swait.ge [sflag:s29], $0x2800  }
0x144: {  	[sflag:s29] =	ssyncset.done $0x0  }
0x145: {  	[sflag:s29] =	ssyncadd.s32 $0xFFFFD800  }
0x146: {  	_ =	swait.ge [sflag:s30], $0x500  }
0x147: {  	[sflag:s30] =	ssyncset.done $0x0  }
0x148: {  	[sflag:s30] =	ssyncadd.s32 $0xFFFFFB00  }
0x149: {  	[tilespmem:s15], [sflag:$0x1] =	stream.indirect.gather [hbm4b:s1+s14], $0x80, s16, s14, $0xb8;
	[tilespmem:$0x1E7D0] =	vst v63  }
0x14a: {  	_ =	swait.ge [sflag:s0], $0x2800  }
0x14b: {  	[sflag:s0] =	ssyncset.done $0x0  }
0x14c: {  	[sflag:s0] =	ssyncadd.s32 $0xFFFFD800  }
0x14d: {  	[spmem:s4] =	stream.indirect.scatter.add.f32 [tilespmem:s24], [sflag:$0x6], $0x80, s23, s14, $0xb8;
	[tilespmem:$0x1E7D0] =	vst v63  }
0x14e: {  	_ = 	snop  }
0x14f: {  	[spmem:s3] =	stream.indirect.scatter.add.f32 [tilespmem:s22], [sflag:$0x9], $0x10, s23, s14, $0xb8;
	[tilespmem:$0x1E7D0] =	vst v63  }
0x150: {  	_ =	swait.ge [sflag:s6], $0x2800  }
0x151: {  	[sflag:s6] =	ssyncset.done $0x0  }
.Ltmp4:
0x152: {  	[sflag:s6] =	ssyncadd.s32 $0xFFFFD800;
	(pc) =	sbr.rel .LBB2_4-.Ltmp4, $4  }
0x153: {  	_ =	swait.ge [sflag:s7], $0x500  }
0x154: {  	s19 =	sadd.s32 $0x168, s19;
	[sflag:s7] =	ssyncset.done $0x0  }
0x155: {  	s31 =	simm.s32 $0x0;
	s18 =	simm.s32 $0xA0;
	[sflag:s7] =	ssyncadd.s32 $0xFFFFFB00  }
0x156: {  	[tilespmem:s17], [sflag:$0x2] =	stream.indirect.gather [hbm4b:s1+s14], $0x80, s18, s14, $0xb8;
	[tilespmem:$0x1E7D0] =	vst v63  }
.LBB2_7:
0x157: {  	_ =	sfence.sel $0x180000  }
0x158: {  	[bflag:$0x0] =	sbarrier.arrive $0xFFFF  }
0x159: {  	_ =	strace $0x90000047  }
0x15a: {  	s0 =	stileid.u32;
	[bflag:$0x2] =	sbarrier.arrive $0xFFFF  }
0x15b: {  	p0 =	sne.s32 s0, $0x0;
	s0 =	rddreg [dreg:$0x5]  }
0x15c: {  	s0 =	sadd.s32 @!p0 $0x100000, s0  }
0x15d: {  	[sflag:s0] =	ssyncadd.tile.s32 @!p0 $0x1;
	_ =	shalt  }
.Lfunc_end2:
_tile_overlayer_lowered:
.L_overlay_start_2:
0x15e: {  	(tag) =	ssettag $0x2  }
0x15f: {  	s0 =	rddreg [dreg:$0x0];
	s2 =	stileid.u32  }
0x160: {  	s1 =	rddreg [dreg:$0x1];
	p0 =	sne.s32 s2, $0x0  }
0x161: {  	s3 =	rddreg [dreg:$0x2];
	[bflag:$0x3] =	sbarrier.arrive $0xFFFF;
	s2 =	simm.s32 @!p0 $0x1C0C  }
0x162: {  	[timem:s3], [sflag:s2] =	dma.local @!p0 [hbm:s0], s1  }
0x163: {  	s0 =	simm.s32 @!p0 $0xC  }
0x164: {  	_ =	swait.ge @!p0 [sflag:s0], s1  }
0x165: {  	s1 =	ssub.s32 @!p0 $0x0, s1;
	[sflag:s0] =	ssyncset.done @!p0 $0x0  }
0x166: {  	[sflag:s0] =	ssyncadd.s32 @!p0 s1  }
0x167: {  	[bflag:$0x3] =	sbarrier.arrive $0xFFFF  }
0x168: {  	_ =	shalt  }

// kernel: kernel.9.cloned.1.call-start
scs
__scs_entry_jumppad:
0x0: {  	(pc) =	sbr.rel $0x88, $3  }
0x1: {  	(tag) =	ssettag $0x0;
	lr =	simm.s32 $0x1  }
0x2: {  	[smem:$0x3F99] =	sst lr;
	_ =	strace $0xD0000000  }
0x3: {  	_ = 	snop  }
0x4: {  	_ = 	snop  }
0x5: {  	_ = 	snop  }
0x6: {  	_ = 	snop  }
0x7: {  	_ = 	snop  }
__scs_overlays_trampoline_lowered:
0x8: {  	[smem:$0x3FA8] =	sst s0  }
0x9: {  	[smem:$0x3FA9] =	sst s1  }
0xa: {  	[smem:$0x3FAA] =	sst s2  }
0xb: {  	[smem:$0x3FAB] =	sst s3  }
0xc: {  	[smem:$0x3FAC] =	sst s4  }
0xd: {  	[smem:$0x3FAD] =	sst s5  }
0xe: {  	[smem:$0x3FAE] =	sst s6  }
0xf: {  	[smem:$0x3FAF] =	sst s7  }
0x10: {  	[smem:$0x3FB0] =	sst s8  }
0x11: {  	[smem:$0x3FB1] =	sst s9;
	s0 =	simm.s32 @!p0 $0x0  }
0x12: {  	s1 =	sld [smem:$0x3F97];
	s0 =	simm.s32 @p0 $0x1  }
0x13: {  	[smem:$0x3FB2] =	sst s0;
	s0 =	simm.s32 @!p1 $0x0  }
0x14: {  	s2 =	sld [smem:$0x3F96];
	s0 =	simm.s32 @p1 $0x1  }
0x15: {  	[smem:$0x3FB3] =	sst s0;
	s0 =	simm.s32 @!p2 $0x0  }
0x16: {  	s3 =	sld [smem:$0x3FDB];
	s0 =	simm.s32 @p2 $0x1  }
0x17: {  	s4 =	simm.s32 $0x1BF5;
	[smem:$0x3FB5] =	sst s0  }
0x18: {  	s0 =	sld [smem:$0x3F98];
	_ =	swait.ge [sflag:s4], $0x0  }
0x19: {  	s7 =	sld [smem:$0x3F99]  }
0x1a: {  	s8 =	sadd.s32 $0xFFFFE003, lr  }
0x1b: {  	s9 =	sadd.s32 $0xFFFFFEF7, lr;
	s5 =	simm.s32 $0xFFFFFFFF;
	p2 =	slt.u32 s8, $0xFFFFF086  }
0x1c: {  	p1 =	slt.u32 s9, $0xF7A;
	s5 =	simm.s32 @!p2 $0x0  }
0x1d: {  	s5 =	simm.s32 @p1 $0x1;
	p0 =	seq.s32 s7, s2  }
0x1e: {  	s7 =	smul.u32 @!p0 $0xF7A, s2;
	p2 =	seq.s32 @!p0 s5, $0x0  }
0x1f: {  	s9 =	smul.u32 $0xF7A, s1;
	s8 =	simm.s32 @!p0 $0x1BF5;
	p2 =	por !p2, p0  }
0x20: {  	[sflag:s8] =	ssyncset.s32 @!p0 $0xFFFFF086;
	s6 =	sadd.s32 @!p0 s3, s7;
	s7 =	simm.s32 @!p0 $0x108  }
0x21: {  	s3 =	sadd.s32 s3, s9;
	s6 =	sadd.s32 @!p0 $0x88, s6;
	s7 =	simm.s32 @p2 $0x1082  }
0x22: {  	[simem:s7], [sflag:s8] =	dma.local @!p0 [hbm:s6], $0xF7A  }
0x23: {  	s9 =	sor.u32 $0xD0000000, s2;
	s6 =	simm.s32 $0x108;
	_ =	swait.ge @!p0 [sflag:s8], $0x0  }
0x24: {  	s3 =	sadd.s32 $0x88, s3;
	s6 =	simm.s32 @!p1 $0x1082;
	[sflag:s4] =	ssyncset.s32 $0xFFFFF086  }
0x25: {  	[simem:s6], [sflag:s4] =	dma.local [hbm:s3], $0xF7A  }
0x26: {  	[smem:$0x3F99] =	sst s1;
	(tag) =	ssettag s2;
	_ =	strace s9  }
0x27: {  	s1 =	sld [smem:$0x3FA9]  }
0x28: {  	s2 =	sld [smem:$0x3FAA]  }
0x29: {  	s4 =	sld [smem:$0x3FAC]  }
0x2a: {  	p0 =	seq.s32 s5, $0x0;
	s5 =	sld [smem:$0x3FAD]  }
0x2b: {  	s6 =	sld [smem:$0x3FAE]  }
0x2c: {  	s7 =	sld [smem:$0x3FAF]  }
0x2d: {  	s3 =	simm.s32 $0x108;
	s8 =	sld [smem:$0x3FB0]  }
0x2e: {  	s3 =	simm.s32 @!p0 $0x1082;
	s9 =	sld [smem:$0x3FB1]  }
0x2f: {  	lr =	sadd.s32 s0, s3;
	s0 =	sld [smem:$0x3FA8]  }
0x30: {  	s3 =	sld [smem:$0x3FAB]  }
0x31: {  	[smem:$0x3FB4] =	sst s10  }
0x32: {  	s10 =	sld [smem:$0x3FB2];
	_ =	sdelay $0x3  }
0x33: {  	p0 =	seq.s32 s10, $0x1;
	s10 =	sld [smem:$0x3FB4];
	_ =	sdelay $0x3  }
0x34: {  	[smem:$0x3FB4] =	sst s10  }
0x35: {  	s10 =	sld [smem:$0x3FB3];
	_ =	sdelay $0x3  }
0x36: {  	p1 =	seq.s32 s10, $0x1;
	s10 =	sld [smem:$0x3FB4];
	_ =	sdelay $0x3  }
0x37: {  	[smem:$0x3FB4] =	sst s10  }
0x38: {  	s10 =	sld [smem:$0x3FB5]  }
0x39: {  	_ = 	snop;
	(pc) =	sbr.ind lr, $3  }
0x3a: {  	_ = 	snop  }
0x3b: {  	_ = 	snop  }
0x3c: {  	p2 =	seq.s32 s10, $0x1;
	s10 =	sld [smem:$0x3FB4]  }
0x3d: {  	_ =	shalt  }
0x3e: {  	_ =	shalt  }
0x3f: {  	_ =	shalt  }
0x40: {  	_ =	shalt  }
0x41: {  	_ =	shalt  }
0x42: {  	_ =	shalt  }
0x43: {  	_ =	shalt  }
0x44: {  	_ =	shalt  }
0x45: {  	_ =	shalt  }
0x46: {  	_ =	shalt  }
0x47: {  	_ =	shalt  }
0x48: {  	_ =	shalt  }
0x49: {  	_ =	shalt  }
0x4a: {  	_ =	shalt  }
0x4b: {  	_ =	shalt  }
0x4c: {  	_ =	shalt  }
0x4d: {  	_ =	shalt  }
0x4e: {  	_ =	shalt  }
0x4f: {  	_ =	shalt  }
0x50: {  	_ =	shalt  }
0x51: {  	_ =	shalt  }
0x52: {  	_ =	shalt  }
0x53: {  	_ =	shalt  }
0x54: {  	_ =	shalt  }
0x55: {  	_ =	shalt  }
0x56: {  	_ =	shalt  }
0x57: {  	_ =	shalt  }
0x58: {  	_ =	shalt  }
0x59: {  	_ =	shalt  }
0x5a: {  	_ =	shalt  }
0x5b: {  	_ =	shalt  }
0x5c: {  	_ =	shalt  }
0x5d: {  	_ =	shalt  }
0x5e: {  	_ =	shalt  }
0x5f: {  	_ =	shalt  }
0x60: {  	_ =	shalt  }
0x61: {  	_ =	shalt  }
0x62: {  	_ =	shalt  }
0x63: {  	_ =	shalt  }
0x64: {  	_ =	shalt  }
0x65: {  	_ =	shalt  }
0x66: {  	_ =	shalt  }
0x67: {  	_ =	shalt  }
0x68: {  	_ =	shalt  }
0x69: {  	_ =	shalt  }
0x6a: {  	_ =	shalt  }
0x6b: {  	_ =	shalt  }
0x6c: {  	_ =	shalt  }
0x6d: {  	_ =	shalt  }
0x6e: {  	_ =	shalt  }
0x6f: {  	_ =	shalt  }
0x70: {  	_ =	shalt  }
0x71: {  	_ =	shalt  }
0x72: {  	_ =	shalt  }
0x73: {  	_ =	shalt  }
0x74: {  	_ =	shalt  }
0x75: {  	_ =	shalt  }
0x76: {  	_ =	shalt  }
0x77: {  	_ =	shalt  }
0x78: {  	_ =	shalt  }
0x79: {  	_ =	shalt  }
0x7a: {  	_ =	shalt  }
0x7b: {  	_ =	shalt  }
0x7c: {  	_ =	shalt  }
0x7d: {  	_ =	shalt  }
0x7e: {  	_ =	shalt  }
0x7f: {  	_ =	shalt  }
0x80: {  	_ =	shalt  }
0x81: {  	_ =	shalt  }
0x82: {  	_ =	shalt  }
0x83: {  	_ =	shalt  }
0x84: {  	_ =	shalt  }
0x85: {  	_ =	shalt  }
0x86: {  	_ =	shalt  }
0x87: {  	_ =	shalt  }
.Lfunc_end0:
.L_simem_size_0:
called_computation.1_lowered:
.L_overlay_start_0:
0x88: {  	s2 =	sld [smem:$0x3FD9]  }
0x89: {  	s3 =	sld [smem:$0x3FFE];
	_ =	sdelay $0x1  }
0x8a: {  	s1 =	srdreg.scid  }
0x8b: {  	s0 =	sand.u32 $0x1, s1  }
0x8c: {  	s16 =	sshll.u32 s0, $0xA;
	s2 =	sadd.s32 s3, s2  }
0x8d: {  	s2 =	sadd.s32 s2, s16  }
0x8e: {  	[smem:$0x3FC0] =	sst s2  }
0x8f: {  	_ = 	snop  }
0x90: {  	(tm) =	ssettm $0x1  }
0x91: {  	s17 =	sld [smem:$0x3FFB];
	_ =	sdelay $0x3  }
0x92: {  	_ =	strace s17  }
0x93: {  	s2 =	sld [smem:$0x3FFC];
	_ =	sdelay $0x3  }
0x94: {  	_ =	strace s2  }
0x95: {  	s2 =	sld [smem:$0x3FFD];
	_ =	sdelay $0x3  }
0x96: {  	_ =	strace s2  }
0x97: {  	_ =	strace $0x8FFFFFFF  }
0x98: {  	s18 =	sld [smem:$0x3FDB];
	_ =	sdelay $0x1  }
0x99: {  	s19 =	simm.s32 $_scs_section_size  }
0x9a: {  	s4 =	simm.s32 $_size__tile_overlayer_lowered;
	s5 =	simm.s32 $_tile_overlayer_lowered  }
0x9b: {  	s22 =	simm.s32 $0x1BFF;
	s21 =	sshll.u32 s5, $0x1;
	s2 =	sadd.s32 s19, s18  }
0x9c: {  	s6 =	simm.s32 $0x0;
	s20 =	sshll.u32 s4, $0x1;
	s4 =	sadd.s32 s21, s2  }
0x9d: {  	[timem:s6], [sflag:s22] =	dma.local [hbm:s4], s20  }
0x9e: {  	_ =	swait.ge [sflag:s22], s20  }
0x9f: {  	s3 =	ssub.s32 $0x0, s20;
	[sflag:s22] =	ssyncset.done $0x0  }
0xa0: {  	[sflag:s22] =	ssyncadd.s32 s3;
	_ =	sdelay $0x1  }
0xa1: {  	s23 =	simm.s32 $0x1B8B  }
0xa2: {  	_ =	swait.ge [sflag:s23], $0x1  }
0xa3: {  	[sflag:s23] =	ssyncset.done $0x0  }
0xa4: {  	s25 =	simm.s32 $0x1B8E;
	s24 =	sld [smem:$0x3FFE];
	[sflag:s23] =	ssyncadd.s32 $0xFFFFFFFF  }
0xa5: {  	s26 =	simm.s32 $execute0_lowered;
	[smem:$0x3FD2] =	sst s25  }
0xa6: {  	s4 =	sshll.u32 s26, $0x1;
	_ =	strace $0x80000049;
	[dreg:$0x1] =	wrdreg $0xFFFFFFFF  }
0xa7: {  	s28 =	simm.s32 $_size_execute0_lowered;
	s2 =	sadd.s32 s2, s4;
	[dreg:$0x0] =	wrdreg $0x0  }
0xa8: {  	s4 =	sshll.u32 s28, $0x1;
	[dreg:$0x2] =	wrdreg s2  }
0xa9: {  	[dreg:$0x3] =	wrdreg s4  }
0xaa: {  	[dreg:$0x4] =	wrdreg $0xC0  }
0xab: {  	_ =	task [dreg:s6], $0x5FFFF  }
0xac: {  	[dreg:$0x1] =	wrdreg $0xFFFFFFFF  }
0xad: {  	[dreg:$0x0] =	wrdreg $0x60  }
0xae: {  	[dreg:$0x2] =	wrdreg s24  }
0xaf: {  	[dreg:$0x3] =	wrdreg $0xAF000  }
0xb0: {  	[dreg:$0x4] =	wrdreg $0x9  }
0xb1: {  	_ =	task.clear_ibuf [dreg:s6], $0x5FFFF;
	_ =	strace $0x90000049  }
0xb2: {  	s29 =	simm.s32 $0x9;
	_ =	strace $0x8000004B  }
0xb3: {  	_ =	swait.ge [sflag:s29], $0x1  }
0xb4: {  	[sflag:s29] =	ssyncadd.s32 $0xFFFFFFFF  }
0xb5: {  	_ =	strace $0x9000004B  }
0xb6: {  	_ =	sfence  }
0xb7: {  	s30 =	sld [smem:$0x0];
	_ =	sdelay $0x2  }
0xb8: {  	s31 =	sshll.u32 s1, $0xD;
	s1 =	sshrl.u32 s1, $0x2  }
0xb9: {  	s3 =	sand.u32 $0x4000, s31;
	s1 =	sadd.s32 s1, s30  }
0xba: {  	s0 =	sor.u32 s3, s0;
	s1 =	sshll.u32 s1, $0x11  }
0xbb: {  	s0 =	sor.u32 s1, s0  }
0xbc: {  	s0 =	sadd.s32 $0x8F2B, s0  }
0xbd: {  	[sflag:s0] =	ssyncadd.remote.s32 $0x1  }
0xbe: {  	_ =	sfence.sel $0xFFFF  }
0xbf: {  	[dreg:$0x0] =	wrdreg $0xFFFFFFFF;
	(pc) =	sbr.abs _section_cstart, $3  }
0xc0: {  	[dreg:$0x1] =	wrdreg $0xFFFFFFFF  }
0xc1: {  	_ =	task.clear_ibuf [dreg:s6], $0x2FFFF;
	_ =	strace $0x9FFFFFFF  }
0xc2: {  	(tm) =	ssettm $0x7FFFFFFF  }
0xc3: {  	_ =	shalt  }
tec
execute0_lowered:
.L_overlay_start_1:
0x0: {  	(tag) =	ssettag $0x1  }
0x1: {  	s0 =	rddreg [dreg:$0x0];
	s15 =	stileid.u32  }
0x2: {  	s3 =	srdreg.scid;
	s2 =	rddreg [dreg:$0x1]  }
0x3: {  	s9 =	simm.s32 $0x2C00;
	s12 =	simm.s32 $0x9;
	s13 =	simm.s32 $0x50  }
0x4: {  	s14 =	simm.s32 $0xF00;
	s16 =	simm.s32 $0x3700;
	s28 =	simm.s32 $0x780  }
0x5: {  	s29 =	simm.s32 $0x3;
	s31 =	simm.s32 $0x5;
	s1 =	smul.u32 $0x13880, s15  }
0x6: {  	s17 =	simm.s32 $0xCD0;
	s30 =	simm.s32 $0xE60;
	s4 =	smul.u32 $0x2710, s15  }
0x7: {  	s5 =	sand.u32 $0x1, s3;
	s3 =	simm.s32 $0x0;
	s10 =	smul.u32 $0x1388, s15  }
0x8: {  	s26 =	sshll.u32 s15, $0x6;
	s6 =	smul.u32 $0x27100, s5;
	[smem:$0x7FF] =	sst s3  }
0x9: {  	s19 =	ssub.s32 $0x2, s5;
	p0 =	seq.s32 s5, $0x0;
	s5 =	smul.u32 $0xFA, s15  }
0xa: {  	s18 =	sor.u32 $0x1C0B, s26;
	s26 =	simm.s32 $0x8700;
	s15 =	simm.s32 $0xD70  }
0xb: {  	_ =	strace $0x8000004A;
	s7 =	sshrl.u32 s1, $0x3;
	s20 =	sshrl.u32 s19, $0x1  }
0xc: {  	s9 =	simm.s32 @!p0 $0x95800;
	s21 =	sadd.s32 s1, s2;
	[dreg:$0x8] =	wrdreg s18  }
0xd: {  	s6 =	sadd.s32 s4, s6;
	s4 =	sadd.s32 $0x3D800, s0;
	s7 =	sadd.s32 s7, s0  }
0xe: {  	s11 =	ssub.s32 s19, s20;
	s21 =	sshrl.u32 s21, $0x3;
	s20 =	simm.s32 $0x1  }
0xf: {  	s19 =	simm.s32 $0x8;
	s8 =	sadd.s32 s6, s0;
	s6 =	sadd.s32 s9, s0  }
0x10: {  	s22 =	sadd.s32 $0x16600, s7;
	s25 =	smax.u32 s11, $0x1;
	s0 =	simm.s32 $0x4  }
0x11: {  	s9 =	simm.s32 $0x6;
	s11 =	simm.s32 $0xE10;
	[dreg:$0x9] =	wrdreg s21  }
0x12: {  	s7 =	simm.s32 $0x0;
	[dreg:$0x3] =	wrdreg s22;
	s23 =	sadd.s32 s6, s10  }
.Ltmp0:
0x13: {  	s24 =	sadd.s32 $0xA9200, s8;
	[dreg:$0x6] =	wrdreg s25;
	(pc) =	sbr.rel .LBB2_1-.Ltmp0, $4  }
0x14: {  	s22 =	simm.s32 $0x5F00;
	s8 =	simm.s32 $0x7;
	[dreg:$0xa] =	wrdreg s7  }
0x15: {  	s10 =	simm.s32 $0xA;
	s25 =	simm.s32 $0xDC0;
	[dreg:$0x5] =	wrdreg s24  }
0x16: {  	[dreg:$0x4] =	wrdreg s23;
	s1 =	sadd.s32 $0x1E0, s23;
	s24 =	simm.s32 $0xB  }
0x17: {  	s23 =	simm.s32 $0x2;
	[dreg:$0x7] =	wrdreg s1;
	s1 =	simm.s32 $0xEB0  }
.LBB2_8:
0x18: {  	_ =	swait.ge [sflag:s23], $0x2800  }
0x19: {  	[sflag:s23] =	ssyncset.done $0x0  }
0x1a: {  	s7 =	simm.s32 $0x5F0;
	[sflag:s23] =	ssyncadd.s32 $0xFFFFD800  }
0x1b: {  	[spmem:s2] =	stream.indirect.scatter.add.f32 [tilespmem:s16], [sflag:$0x6], $0x80, s7, s13, $0xb8;
	[tilespmem:$0x1E780] =	vst v63  }
0x1c: {  	_ =	swait.ge [sflag:s31], $0x2800  }
0x1d: {  	[sflag:s31] =	ssyncset.done $0x0  }
0x1e: {  	[sflag:s31] =	ssyncadd.s32 $0xFFFFD800  }
0x1f: {  	_ =	swait.ge [sflag:s9], $0x2800  }
0x20: {  	[sflag:s9] =	ssyncset.done $0x0  }
0x21: {  	[sflag:s9] =	ssyncadd.s32 $0xFFFFD800  }
0x22: {  	_ =	swait.ge [sflag:s8], $0x2800  }
0x23: {  	[sflag:s8] =	ssyncset.done $0x0  }
0x24: {  	[sflag:s8] =	ssyncadd.s32 $0xFFFFD800  }
0x25: {  	_ =	swait.ge [sflag:s19], $0x2800  }
0x26: {  	[sflag:s19] =	ssyncset.done $0x0  }
0x27: {  	[sflag:s19] =	ssyncadd.s32 $0xFFFFD800  }
0x28: {  	[bflag:$0x0] =	sbarrier.arrive $0xFFFF  }
0x29: {  	s24 =	rddreg [dreg:$0x5]  }
0x2a: {  	s18 =	rddreg [dreg:$0x8]  }
0x2b: {  	s21 =	rddreg [dreg:$0x9]  }
0x2c: {  	[hbm:s24], [sflag:s18] =	dma.local [spmem:s21], $0x2710  }
0x2d: {  	s24 =	simm.s32 $0xB  }
0x2e: {  	_ =	swait.ge [sflag:s24], $0x2710  }
0x2f: {  	s17 =	rddreg [dreg:$0xa]  }
0x30: {  	s7 =	rddreg [dreg:$0x6];
	s17 =	sadd.s32 $0x1, s17  }
0x31: {  	p0 =	sne.s32 s17, s7  }
.Ltmp1:
0x32: {  	_ = 	snop;
	(pc) =	sbr.rel @!p0 .LBB2_9-.Ltmp1, $3  }
0x33: {  	_ =	sdelay $0x1  }
0x34: {  	[sflag:s24] =	ssyncset.done $0x0  }
0x35: {  	[sflag:s24] =	ssyncadd.s32 $0xFFFFD8F0;
	[dreg:$0xa] =	wrdreg s17;
	s17 =	simm.s32 $0xCD0  }
.LBB2_1:
0x36: {  	s7 =	rddreg [dreg:$0x4]  }
0x37: {  	[tilespmem:s3], [sflag:$0x9] =	stream.linear.gather [hbm4b:s7+s3], $0x780, $0x38;
	[tilespmem:$0x1E780] =	vst v63  }
0x38: {  	_ =	swait.ge [sflag:s12], $0x780  }
0x39: {  	[sflag:s12] =	ssyncset.done $0x0  }
0x3a: {  	[sflag:s12] =	ssyncadd.s32 $0xFFFFF880  }
0x3b: {  	[tilespmem:s14], [sflag:$0x1] =	stream.indirect.gather [hbm4b:s4+s13], $0x80, s3, s13, $0xb8;
	[tilespmem:$0x1E780] =	vst v63  }
0x3c: {  	s7 =	simm.s32 $0xA0  }
0x3d: {  	[tilespmem:s16], [sflag:$0x2] =	stream.indirect.gather [hbm4b:s4+s13], $0x80, s7, s13, $0xb8;
	[tilespmem:$0x1E780] =	vst v63  }
0x3e: {  	s7 =	rddreg [dreg:$0x3]  }
0x3f: {  	[spmem:s21], [sflag:s18] =	dma.local [hbm:s7], $0x2710  }
0x40: {  	_ =	swait.ge [sflag:s24], $0x2710  }
0x41: {  	[sflag:s24] =	ssyncset.done $0x0  }
0x42: {  	[sflag:s24] =	ssyncadd.s32 $0xFFFFD8F0  }
0x43: {  	[bflag:$0x0] =	sbarrier.arrive $0xFFFF  }
0x44: {  	s7 =	simm.s32 $0x0;
	s24 =	simm.s32 $0xC;
	s18 =	rddreg [dreg:$0x7]  }
.LBB2_2:
0x45: {  	p0 =	seq.s32 s7, $0x0  }
.Ltmp2:
0x46: {  	_ = 	snop;
	(pc) =	sbr.rel @p0 .LBB2_4-.Ltmp2, $4  }
0x47: {  	_ =	swait.ge [sflag:s20], $0x2800  }
0x48: {  	[sflag:s20] =	ssyncset.done $0x0  }
0x49: {  	[sflag:s20] =	ssyncadd.s32 $0xFFFFD800  }
0x4a: {  	[spmem:s2] =	stream.indirect.scatter.add.f32 [tilespmem:s14], [sflag:$0x5], $0x80, s13, s13, $0xb8;
	[tilespmem:$0x1E780] =	vst v63  }
0x4b: {  	_ =	swait.ge [sflag:s8], $0x2800  }
0x4c: {  	[sflag:s8] =	ssyncset.done $0x0  }
0x4d: {  	s21 =	simm.s32 $0x140;
	[sflag:s8] =	ssyncadd.s32 $0xFFFFD800  }
0x4e: {  	[tilespmem:s22], [sflag:$0x3] =	stream.indirect.gather [hbm4b:s4+s13], $0x80, s21, s13, $0xb8;
	[tilespmem:$0x1E780] =	vst v63  }
0x4f: {  	_ =	swait.ge [sflag:s23], $0x2800  }
0x50: {  	[sflag:s23] =	ssyncset.done $0x0  }
0x51: {  	p1 =	seq.s32 s7, $0xFFFFFFF6;
	s21 =	simm.s32 $0xF0;
	[sflag:s23] =	ssyncadd.s32 $0xFFFFD800  }
0x52: {  	[spmem:s2] =	stream.indirect.scatter.add.f32 [tilespmem:s16], [sflag:$0x6], $0x80, s21, s13, $0xb8;
	[tilespmem:$0x1E780] =	vst v63  }
.Ltmp3:
0x53: {  	_ =	swait.ge [sflag:s19], $0x2800;
	(pc) =	sbr.rel @p1 .LBB2_6-.Ltmp3, $4  }
.Ltmp4:
0x54: {  	[sflag:s19] =	ssyncset.done $0x0;
	(pc) =	sbr.rel @!p1 .LBB2_5-.Ltmp4, $4  }
0x55: {  	s21 =	simm.s32 $0x1E0;
	[sflag:s19] =	ssyncadd.s32 $0xFFFFD800  }
0x56: {  	[tilespmem:s26], [sflag:$0x4] =	stream.indirect.gather [hbm4b:s4+s13], $0x80, s21, s13, $0xb8;
	[tilespmem:$0x1E780] =	vst v63  }
0x57: {  	p0 =	por $0x1, $0x1;
	s21 =	smov.u32 s24  }
0x58: {  	_ = 	snop  }
.LBB2_4:
0x59: {  	s21 =	simm.s32 $0x140  }
0x5a: {  	[tilespmem:s22], [sflag:$0x3] =	stream.indirect.gather [hbm4b:s4+s13], $0x80, s21, s13, $0xb8;
	[tilespmem:$0x1E780] =	vst v63  }
0x5b: {  	_ =	swait.ge [sflag:s23], $0x2800  }
0x5c: {  	[sflag:s23] =	ssyncset.done $0x0  }
0x5d: {  	s21 =	simm.s32 $0xF0;
	[sflag:s23] =	ssyncadd.s32 $0xFFFFD800  }
0x5e: {  	[spmem:s2] =	stream.indirect.scatter.add.f32 [tilespmem:s16], [sflag:$0x6], $0x80, s21, s13, $0xb8;
	[tilespmem:$0x1E780] =	vst v63  }
0x5f: {  	s21 =	simm.s32 $0x1E0  }
0x60: {  	[tilespmem:s26], [sflag:$0x4] =	stream.indirect.gather [hbm4b:s4+s13], $0x80, s21, s13, $0xb8;
	[tilespmem:$0x1E780] =	vst v63  }
0x61: {  	s21 =	simm.s32 $0xC  }
.LBB2_5:
0x62: {  	s21 =	sadd.s32 s5, s21  }
0x63: {  	s21 =	smul.u32 $0x14, s21;
	_ =	sdelay $0x1  }
0x64: {  	p0 =	por $0x0, $0x0;
	s21 =	sadd.s32 s6, s21  }
0x65: {  	[tilespmem:s28], [sflag:$0xA] =	stream.linear.gather [hbm4b:s21+s3], $0x780, $0x38;
	[tilespmem:$0x1E780] =	vst v63  }
.LBB2_6:
0x66: {  	_ =	swait.ge [sflag:s29], $0x2800  }
0x67: {  	[sflag:s29] =	ssyncset.done $0x0  }
0x68: {  	s21 =	simm.s32 $0x190;
	[sflag:s29] =	ssyncadd.s32 $0xFFFFD800  }
0x69: {  	[spmem:s2] =	stream.indirect.scatter.add.f32 [tilespmem:s22], [sflag:$0x7], $0x80, s21, s13, $0xb8;
	[tilespmem:$0x1E780] =	vst v63  }
0x6a: {  	_ =	swait.ge [sflag:s31], $0x2800  }
0x6b: {  	[sflag:s31] =	ssyncset.done $0x0  }
0x6c: {  	s21 =	simm.s32 $0x280;
	[sflag:s31] =	ssyncadd.s32 $0xFFFFD800  }
0x6d: {  	[tilespmem:s14], [sflag:$0x1] =	stream.indirect.gather [hbm4b:s4+s13], $0x80, s21, s13, $0xb8;
	[tilespmem:$0x1E780] =	vst v63  }
0x6e: {  	_ =	swait.ge [sflag:s0], $0x2800  }
0x6f: {  	[sflag:s0] =	ssyncset.done $0x0  }
0x70: {  	s21 =	simm.s32 $0x230;
	[sflag:s0] =	ssyncadd.s32 $0xFFFFD800  }
0x71: {  	[spmem:s2] =	stream.indirect.scatter.add.f32 [tilespmem:s26], [sflag:$0x8], $0x80, s21, s13, $0xb8;
	[tilespmem:$0x1E780] =	vst v63  }
0x72: {  	_ =	swait.ge [sflag:s9], $0x2800  }
0x73: {  	[sflag:s9] =	ssyncset.done $0x0  }
0x74: {  	s21 =	simm.s32 $0x320;
	[sflag:s9] =	ssyncadd.s32 $0xFFFFD800  }
0x75: {  	[tilespmem:s16], [sflag:$0x2] =	stream.indirect.gather [hbm4b:s4+s13], $0x80, s21, s13, $0xb8;
	[tilespmem:$0x1E780] =	vst v63  }
0x76: {  	_ =	swait.ge [sflag:s20], $0x2800  }
0x77: {  	[sflag:s20] =	ssyncset.done $0x0  }
0x78: {  	s21 =	simm.s32 $0x2D0;
	[sflag:s20] =	ssyncadd.s32 $0xFFFFD800  }
0x79: {  	[spmem:s2] =	stream.indirect.scatter.add.f32 [tilespmem:s14], [sflag:$0x5], $0x80, s21, s13, $0xb8;
	[tilespmem:$0x1E780] =	vst v63  }
0x7a: {  	_ =	swait.ge [sflag:s8], $0x2800  }
0x7b: {  	[sflag:s8] =	ssyncset.done $0x0  }
0x7c: {  	s21 =	simm.s32 $0x3C0;
	[sflag:s8] =	ssyncadd.s32 $0xFFFFD800  }
0x7d: {  	[tilespmem:s22], [sflag:$0x3] =	stream.indirect.gather [hbm4b:s4+s13], $0x80, s21, s13, $0xb8;
	[tilespmem:$0x1E780] =	vst v63  }
0x7e: {  	_ =	swait.ge [sflag:s23], $0x2800  }
0x7f: {  	[sflag:s23] =	ssyncset.done $0x0  }
0x80: {  	s21 =	simm.s32 $0x370;
	[sflag:s23] =	ssyncadd.s32 $0xFFFFD800  }
0x81: {  	[spmem:s2] =	stream.indirect.scatter.add.f32 [tilespmem:s16], [sflag:$0x6], $0x80, s21, s13, $0xb8;
	[tilespmem:$0x1E780] =	vst v63  }
0x82: {  	_ =	swait.ge [sflag:s19], $0x2800  }
0x83: {  	[sflag:s19] =	ssyncset.done $0x0  }
0x84: {  	s21 =	simm.s32 $0x460;
	[sflag:s19] =	ssyncadd.s32 $0xFFFFD800  }
0x85: {  	[tilespmem:s26], [sflag:$0x4] =	stream.indirect.gather [hbm4b:s4+s13], $0x80, s21, s13, $0xb8;
	[tilespmem:$0x1E780] =	vst v63  }
0x86: {  	_ =	swait.ge [sflag:s29], $0x2800  }
0x87: {  	[sflag:s29] =	ssyncset.done $0x0  }
0x88: {  	s21 =	simm.s32 $0x410;
	[sflag:s29] =	ssyncadd.s32 $0xFFFFD800  }
0x89: {  	[spmem:s2] =	stream.indirect.scatter.add.f32 [tilespmem:s22], [sflag:$0x7], $0x80, s21, s13, $0xb8;
	[tilespmem:$0x1E780] =	vst v63  }
0x8a: {  	_ =	swait.ge [sflag:s31], $0x2800  }
0x8b: {  	[sflag:s31] =	ssyncset.done $0x0  }
0x8c: {  	s21 =	simm.s32 $0x500;
	[sflag:s31] =	ssyncadd.s32 $0xFFFFD800  }
0x8d: {  	[tilespmem:s14], [sflag:$0x1] =	stream.indirect.gather [hbm4b:s4+s13], $0x80, s21, s13, $0xb8;
	[tilespmem:$0x1E780] =	vst v63  }
0x8e: {  	_ =	swait.ge [sflag:s0], $0x2800  }
0x8f: {  	[sflag:s0] =	ssyncset.done $0x0  }
0x90: {  	s21 =	simm.s32 $0x4B0;
	[sflag:s0] =	ssyncadd.s32 $0xFFFFD800  }
0x91: {  	[spmem:s2] =	stream.indirect.scatter.add.f32 [tilespmem:s26], [sflag:$0x8], $0x80, s21, s13, $0xb8;
	[tilespmem:$0x1E780] =	vst v63  }
0x92: {  	_ =	swait.ge [sflag:s9], $0x2800  }
0x93: {  	[sflag:s9] =	ssyncset.done $0x0  }
0x94: {  	s21 =	simm.s32 $0x5A0;
	[sflag:s9] =	ssyncadd.s32 $0xFFFFD800  }
0x95: {  	[tilespmem:s16], [sflag:$0x2] =	stream.indirect.gather [hbm4b:s4+s13], $0x80, s21, s13, $0xb8;
	[tilespmem:$0x1E780] =	vst v63  }
.Ltmp5:
0x96: {  	_ = 	snop;
	(pc) =	sbr.rel @p0 .LBB2_8-.Ltmp5, $4  }
0x97: {  	_ =	swait.ge [sflag:s20], $0x2800  }
0x98: {  	[sflag:s20] =	ssyncset.done $0x0  }
0x99: {  	s21 =	simm.s32 $0x550;
	[sflag:s20] =	ssyncadd.s32 $0xFFFFD800  }
0x9a: {  	[spmem:s2] =	stream.indirect.scatter.add.f32 [tilespmem:s14], [sflag:$0x5], $0x80, s21, s13, $0xb8;
	[tilespmem:$0x1E780] =	vst v63  }
0x9b: {  	_ =	swait.ge [sflag:s8], $0x2800  }
0x9c: {  	[sflag:s8] =	ssyncset.done $0x0  }
0x9d: {  	s21 =	simm.s32 $0x640;
	[sflag:s8] =	ssyncadd.s32 $0xFFFFD800  }
0x9e: {  	[tilespmem:s22], [sflag:$0x3] =	stream.indirect.gather [hbm4b:s4+s13], $0x80, s21, s13, $0xb8;
	[tilespmem:$0x1E780] =	vst v63  }
0x9f: {  	_ =	swait.ge [sflag:s23], $0x2800  }
0xa0: {  	[sflag:s23] =	ssyncset.done $0x0  }
0xa1: {  	s21 =	simm.s32 $0x5F0;
	[sflag:s23] =	ssyncadd.s32 $0xFFFFD800  }
0xa2: {  	[spmem:s2] =	stream.indirect.scatter.add.f32 [tilespmem:s16], [sflag:$0x6], $0x80, s21, s13, $0xb8;
	[tilespmem:$0x1E780] =	vst v63  }
0xa3: {  	_ =	swait.ge [sflag:s19], $0x2800  }
0xa4: {  	[sflag:s19] =	ssyncset.done $0x0  }
0xa5: {  	s21 =	simm.s32 $0x6E0;
	[sflag:s19] =	ssyncadd.s32 $0xFFFFD800  }
0xa6: {  	[tilespmem:s26], [sflag:$0x4] =	stream.indirect.gather [hbm4b:s4+s13], $0x80, s21, s13, $0xb8;
	[tilespmem:$0x1E780] =	vst v63  }
0xa7: {  	_ =	swait.ge [sflag:s10], $0x780  }
0xa8: {  	[sflag:s10] =	ssyncset.done $0x0  }
0xa9: {  	[sflag:s10] =	ssyncadd.s32 $0xFFFFF880  }
0xaa: {  	_ =	swait.ge [sflag:s29], $0x2800  }
0xab: {  	[sflag:s29] =	ssyncset.done $0x0  }
0xac: {  	s21 =	simm.s32 $0x690;
	[sflag:s29] =	ssyncadd.s32 $0xFFFFD800  }
0xad: {  	[spmem:s2] =	stream.indirect.scatter.add.f32 [tilespmem:s22], [sflag:$0x7], $0x80, s21, s13, $0xb8;
	[tilespmem:$0x1E780] =	vst v63  }
0xae: {  	_ =	swait.ge [sflag:s31], $0x2800  }
0xaf: {  	[sflag:s31] =	ssyncset.done $0x0  }
0xb0: {  	[sflag:s31] =	ssyncadd.s32 $0xFFFFD800  }
0xb1: {  	[tilespmem:s14], [sflag:$0x1] =	stream.indirect.gather [hbm4b:s4+s13], $0x80, s28, s13, $0xb8;
	[tilespmem:$0x1E780] =	vst v63  }
0xb2: {  	_ =	swait.ge [sflag:s0], $0x2800  }
0xb3: {  	[sflag:s0] =	ssyncset.done $0x0  }
0xb4: {  	s21 =	simm.s32 $0x730;
	[sflag:s0] =	ssyncadd.s32 $0xFFFFD800  }
0xb5: {  	[spmem:s2] =	stream.indirect.scatter.add.f32 [tilespmem:s26], [sflag:$0x8], $0x80, s21, s13, $0xb8;
	[tilespmem:$0x1E780] =	vst v63  }
0xb6: {  	_ =	swait.ge [sflag:s9], $0x2800  }
0xb7: {  	[sflag:s9] =	ssyncset.done $0x0  }
0xb8: {  	s21 =	simm.s32 $0x820;
	[sflag:s9] =	ssyncadd.s32 $0xFFFFD800  }
0xb9: {  	[tilespmem:s16], [sflag:$0x2] =	stream.indirect.gather [hbm4b:s4+s13], $0x80, s21, s13, $0xb8;
	[tilespmem:$0x1E780] =	vst v63  }
0xba: {  	_ =	swait.ge [sflag:s20], $0x2800  }
0xbb: {  	[sflag:s20] =	ssyncset.done $0x0  }
0xbc: {  	s21 =	simm.s32 $0x7D0;
	[sflag:s20] =	ssyncadd.s32 $0xFFFFD800  }
0xbd: {  	[spmem:s2] =	stream.indirect.scatter.add.f32 [tilespmem:s14], [sflag:$0x5], $0x80, s21, s13, $0xb8;
	[tilespmem:$0x1E780] =	vst v63  }
0xbe: {  	_ =	swait.ge [sflag:s8], $0x2800  }
0xbf: {  	[sflag:s8] =	ssyncset.done $0x0  }
0xc0: {  	s21 =	simm.s32 $0x8C0;
	[sflag:s8] =	ssyncadd.s32 $0xFFFFD800  }
0xc1: {  	[tilespmem:s22], [sflag:$0x3] =	stream.indirect.gather [hbm4b:s4+s13], $0x80, s21, s13, $0xb8;
	[tilespmem:$0x1E780] =	vst v63  }
0xc2: {  	_ =	swait.ge [sflag:s23], $0x2800  }
0xc3: {  	[sflag:s23] =	ssyncset.done $0x0  }
0xc4: {  	s21 =	simm.s32 $0x870;
	[sflag:s23] =	ssyncadd.s32 $0xFFFFD800  }
0xc5: {  	[spmem:s2] =	stream.indirect.scatter.add.f32 [tilespmem:s16], [sflag:$0x6], $0x80, s21, s13, $0xb8;
	[tilespmem:$0x1E780] =	vst v63  }
0xc6: {  	_ =	swait.ge [sflag:s19], $0x2800  }
0xc7: {  	[sflag:s19] =	ssyncset.done $0x0  }
0xc8: {  	s21 =	simm.s32 $0x960;
	[sflag:s19] =	ssyncadd.s32 $0xFFFFD800  }
0xc9: {  	[tilespmem:s26], [sflag:$0x4] =	stream.indirect.gather [hbm4b:s4+s13], $0x80, s21, s13, $0xb8;
	[tilespmem:$0x1E780] =	vst v63  }
0xca: {  	_ = 	snop  }
0xcb: {  	[tilespmem:s3], [sflag:$0x9] =	stream.linear.gather [hbm4b:s18+s3], $0x780, $0x38;
	[tilespmem:$0x1E780] =	vst v63  }
0xcc: {  	_ =	swait.ge [sflag:s29], $0x2800  }
0xcd: {  	[sflag:s29] =	ssyncset.done $0x0  }
0xce: {  	s21 =	simm.s32 $0x910;
	[sflag:s29] =	ssyncadd.s32 $0xFFFFD800  }
0xcf: {  	[spmem:s2] =	stream.indirect.scatter.add.f32 [tilespmem:s22], [sflag:$0x7], $0x80, s21, s13, $0xb8;
	[tilespmem:$0x1E780] =	vst v63  }
0xd0: {  	_ =	swait.ge [sflag:s31], $0x2800  }
0xd1: {  	[sflag:s31] =	ssyncset.done $0x0  }
0xd2: {  	s21 =	simm.s32 $0xA00;
	[sflag:s31] =	ssyncadd.s32 $0xFFFFD800  }
0xd3: {  	[tilespmem:s14], [sflag:$0x1] =	stream.indirect.gather [hbm4b:s4+s13], $0x80, s21, s13, $0xb8;
	[tilespmem:$0x1E780] =	vst v63  }
0xd4: {  	_ =	swait.ge [sflag:s0], $0x2800  }
0xd5: {  	[sflag:s0] =	ssyncset.done $0x0  }
0xd6: {  	s21 =	simm.s32 $0x9B0;
	[sflag:s0] =	ssyncadd.s32 $0xFFFFD800  }
0xd7: {  	[spmem:s2] =	stream.indirect.scatter.add.f32 [tilespmem:s26], [sflag:$0x8], $0x80, s21, s13, $0xb8;
	[tilespmem:$0x1E780] =	vst v63  }
0xd8: {  	_ =	swait.ge [sflag:s9], $0x2800  }
0xd9: {  	[sflag:s9] =	ssyncset.done $0x0  }
0xda: {  	s21 =	simm.s32 $0xAA0;
	[sflag:s9] =	ssyncadd.s32 $0xFFFFD800  }
0xdb: {  	[tilespmem:s16], [sflag:$0x2] =	stream.indirect.gather [hbm4b:s4+s13], $0x80, s21, s13, $0xb8;
	[tilespmem:$0x1E780] =	vst v63  }
0xdc: {  	_ =	swait.ge [sflag:s20], $0x2800  }
0xdd: {  	[sflag:s20] =	ssyncset.done $0x0  }
0xde: {  	s21 =	simm.s32 $0xA50;
	[sflag:s20] =	ssyncadd.s32 $0xFFFFD800  }
0xdf: {  	[spmem:s2] =	stream.indirect.scatter.add.f32 [tilespmem:s14], [sflag:$0x5], $0x80, s21, s13, $0xb8;
	[tilespmem:$0x1E780] =	vst v63  }
0xe0: {  	_ =	swait.ge [sflag:s8], $0x2800  }
0xe1: {  	[sflag:s8] =	ssyncset.done $0x0  }
0xe2: {  	s21 =	simm.s32 $0xB40;
	[sflag:s8] =	ssyncadd.s32 $0xFFFFD800  }
0xe3: {  	[tilespmem:s22], [sflag:$0x3] =	stream.indirect.gather [hbm4b:s4+s13], $0x80, s21, s13, $0xb8;
	[tilespmem:$0x1E780] =	vst v63  }
0xe4: {  	_ =	swait.ge [sflag:s23], $0x2800  }
0xe5: {  	[sflag:s23] =	ssyncset.done $0x0  }
0xe6: {  	s21 =	simm.s32 $0xAF0;
	[sflag:s23] =	ssyncadd.s32 $0xFFFFD800  }
0xe7: {  	[spmem:s2] =	stream.indirect.scatter.add.f32 [tilespmem:s16], [sflag:$0x6], $0x80, s21, s13, $0xb8;
	[tilespmem:$0x1E780] =	vst v63  }
0xe8: {  	_ =	swait.ge [sflag:s19], $0x2800  }
0xe9: {  	[sflag:s19] =	ssyncset.done $0x0  }
0xea: {  	s21 =	simm.s32 $0xBE0;
	[sflag:s19] =	ssyncadd.s32 $0xFFFFD800  }
0xeb: {  	[tilespmem:s26], [sflag:$0x4] =	stream.indirect.gather [hbm4b:s4+s13], $0x80, s21, s13, $0xb8;
	[tilespmem:$0x1E780] =	vst v63  }
0xec: {  	_ =	swait.ge [sflag:s29], $0x2800  }
0xed: {  	[sflag:s29] =	ssyncset.done $0x0  }
0xee: {  	s21 =	simm.s32 $0xB90;
	[sflag:s29] =	ssyncadd.s32 $0xFFFFD800  }
0xef: {  	[spmem:s2] =	stream.indirect.scatter.add.f32 [tilespmem:s22], [sflag:$0x7], $0x80, s21, s13, $0xb8;
	[tilespmem:$0x1E780] =	vst v63  }
0xf0: {  	_ =	swait.ge [sflag:s31], $0x2800  }
0xf1: {  	[sflag:s31] =	ssyncset.done $0x0  }
0xf2: {  	s21 =	simm.s32 $0xC80;
	[sflag:s31] =	ssyncadd.s32 $0xFFFFD800  }
0xf3: {  	[tilespmem:s14], [sflag:$0x1] =	stream.indirect.gather [hbm4b:s4+s13], $0x80, s21, s13, $0xb8;
	[tilespmem:$0x1E780] =	vst v63  }
0xf4: {  	_ =	swait.ge [sflag:s0], $0x2800  }
0xf5: {  	[sflag:s0] =	ssyncset.done $0x0  }
0xf6: {  	s21 =	simm.s32 $0xC30;
	[sflag:s0] =	ssyncadd.s32 $0xFFFFD800  }
0xf7: {  	[spmem:s2] =	stream.indirect.scatter.add.f32 [tilespmem:s26], [sflag:$0x8], $0x80, s21, s13, $0xb8;
	[tilespmem:$0x1E780] =	vst v63  }
0xf8: {  	_ =	swait.ge [sflag:s9], $0x2800  }
0xf9: {  	[sflag:s9] =	ssyncset.done $0x0  }
0xfa: {  	s21 =	simm.s32 $0xD20;
	[sflag:s9] =	ssyncadd.s32 $0xFFFFD800  }
0xfb: {  	[tilespmem:s16], [sflag:$0x2] =	stream.indirect.gather [hbm4b:s4+s13], $0x80, s21, s13, $0xb8;
	[tilespmem:$0x1E780] =	vst v63  }
0xfc: {  	_ =	swait.ge [sflag:s20], $0x2800  }
0xfd: {  	[sflag:s20] =	ssyncset.done $0x0  }
0xfe: {  	[sflag:s20] =	ssyncadd.s32 $0xFFFFD800  }
0xff: {  	[spmem:s2] =	stream.indirect.scatter.add.f32 [tilespmem:s14], [sflag:$0x5], $0x80, s17, s13, $0xb8;
	[tilespmem:$0x1E780] =	vst v63  }
0x100: {  	_ =	swait.ge [sflag:s8], $0x2800  }
0x101: {  	[sflag:s8] =	ssyncset.done $0x0  }
0x102: {  	[sflag:s8] =	ssyncadd.s32 $0xFFFFD800  }
0x103: {  	[tilespmem:s22], [sflag:$0x3] =	stream.indirect.gather [hbm4b:s4+s13], $0x80, s25, s13, $0xb8;
	[tilespmem:$0x1E780] =	vst v63  }
0x104: {  	_ =	swait.ge [sflag:s23], $0x2800  }
0x105: {  	[sflag:s23] =	ssyncset.done $0x0  }
0x106: {  	[sflag:s23] =	ssyncadd.s32 $0xFFFFD800  }
0x107: {  	[spmem:s2] =	stream.indirect.scatter.add.f32 [tilespmem:s16], [sflag:$0x6], $0x80, s15, s13, $0xb8;
	[tilespmem:$0x1E780] =	vst v63  }
0x108: {  	_ =	swait.ge [sflag:s19], $0x2800  }
0x109: {  	[sflag:s19] =	ssyncset.done $0x0  }
0x10a: {  	[sflag:s19] =	ssyncadd.s32 $0xFFFFD800  }
0x10b: {  	[tilespmem:s26], [sflag:$0x4] =	stream.indirect.gather [hbm4b:s4+s13], $0x80, s30, s13, $0xb8;
	[tilespmem:$0x1E780] =	vst v63  }
0x10c: {  	_ =	swait.ge [sflag:s12], $0x780  }
0x10d: {  	[sflag:s12] =	ssyncset.done $0x0  }
0x10e: {  	[sflag:s12] =	ssyncadd.s32 $0xFFFFF880  }
0x10f: {  	_ =	swait.ge [sflag:s29], $0x2800  }
0x110: {  	[sflag:s29] =	ssyncset.done $0x0  }
0x111: {  	[sflag:s29] =	ssyncadd.s32 $0xFFFFD800  }
0x112: {  	[spmem:s2] =	stream.indirect.scatter.add.f32 [tilespmem:s22], [sflag:$0x7], $0x80, s11, s13, $0xb8;
	[tilespmem:$0x1E780] =	vst v63  }
0x113: {  	_ =	swait.ge [sflag:s31], $0x2800  }
0x114: {  	[sflag:s31] =	ssyncset.done $0x0  }
0x115: {  	[sflag:s31] =	ssyncadd.s32 $0xFFFFD800  }
0x116: {  	[tilespmem:s14], [sflag:$0x1] =	stream.indirect.gather [hbm4b:s4+s13], $0x80, s3, s13, $0xb8;
	[tilespmem:$0x1E780] =	vst v63  }
0x117: {  	_ =	swait.ge [sflag:s0], $0x2800  }
0x118: {  	[sflag:s0] =	ssyncset.done $0x0  }
0x119: {  	[sflag:s0] =	ssyncadd.s32 $0xFFFFD800  }
0x11a: {  	[spmem:s2] =	stream.indirect.scatter.add.f32 [tilespmem:s26], [sflag:$0x8], $0x80, s1, s13, $0xb8;
	[tilespmem:$0x1E780] =	vst v63  }
.Ltmp6:
0x11b: {  	_ = 	snop;
	(pc) =	sbr.rel .LBB2_2-.Ltmp6, $4  }
0x11c: {  	_ =	swait.ge [sflag:s9], $0x2800  }
0x11d: {  	s24 =	sadd.s32 $0x18, s24;
	s7 =	sadd.s32 $0xFFFFFFFF, s7;
	[sflag:s9] =	ssyncset.done $0x0  }
0x11e: {  	s18 =	sadd.s32 $0x1E0, s18;
	s21 =	simm.s32 $0xA0;
	[sflag:s9] =	ssyncadd.s32 $0xFFFFD800  }
0x11f: {  	[tilespmem:s16], [sflag:$0x2] =	stream.indirect.gather [hbm4b:s4+s13], $0x80, s21, s13, $0xb8;
	[tilespmem:$0x1E780] =	vst v63  }
.LBB2_9:
0x120: {  	_ =	sfence.sel $0x180000  }
0x121: {  	[bflag:$0x0] =	sbarrier.arrive $0xFFFF  }
0x122: {  	_ =	strace $0x9000004A  }
0x123: {  	s0 =	stileid.u32;
	[bflag:$0x2] =	sbarrier.arrive $0xFFFF  }
0x124: {  	p0 =	sne.s32 s0, $0x0;
	s0 =	rddreg [dreg:$0x2]  }
0x125: {  	s0 =	sadd.s32 @!p0 $0x100000, s0  }
0x126: {  	[sflag:s0] =	ssyncadd.tile.s32 @!p0 $0x1;
	_ =	shalt  }
.Lfunc_end2:
_tile_overlayer_lowered:
.L_overlay_start_2:
0x127: {  	(tag) =	ssettag $0x2  }
0x128: {  	s0 =	rddreg [dreg:$0x0];
	s2 =	stileid.u32  }
0x129: {  	s1 =	rddreg [dreg:$0x1];
	p0 =	sne.s32 s2, $0x0  }
0x12a: {  	s3 =	rddreg [dreg:$0x2];
	[bflag:$0x3] =	sbarrier.arrive $0xFFFF;
	s2 =	simm.s32 @!p0 $0x1C0B  }
0x12b: {  	[timem:s3], [sflag:s2] =	dma.local @!p0 [hbm:s0], s1  }
0x12c: {  	s0 =	simm.s32 @!p0 $0xB  }
0x12d: {  	_ =	swait.ge @!p0 [sflag:s0], s1  }
0x12e: {  	s1 =	ssub.s32 @!p0 $0x0, s1;
	[sflag:s0] =	ssyncset.done @!p0 $0x0  }
0x12f: {  	[sflag:s0] =	ssyncadd.s32 @!p0 s1  }
0x130: {  	[bflag:$0x3] =	sbarrier.arrive $0xFFFF  }
0x131: {  	_ =	shalt  }

</sc_bundles>
